<compile_context>
chip_gen: v7x
topology: tpu7x:2x2x1
jax: 0.10.2.dev20260603
libtpu: 0.0.44.dev20260713+nightly
codegen_flags: <defaults>
</compile_context>

<pallas_src>
import jax
import jax.numpy as jnp
from jax import lax
from jax.experimental import pallas as pl
from jax.experimental.pallas import tpu as pltpu
from jax.experimental.pallas import tpu_sc as plsc

_NC = 2
_NS = 16
_L = 16
_NW = _NC * _NS
_B = 16384
_E = 1000000
_D = 32
_BPW = _B // _NW
_CH = 128
_NCH = _BPW // _CH
_G = _CH // _L


def _trig_body(r_ref, c_ref, s_ref):
    c_ref[...] = jnp.cos(r_ref[...])
    s_ref[...] = jnp.sin(r_ref[...])


def _trig_tables(rel):
    cos_t, sin_t = pl.pallas_call(
        _trig_body,
        out_shape=(
            jax.ShapeDtypeStruct(rel.shape, rel.dtype),
            jax.ShapeDtypeStruct(rel.shape, rel.dtype),
        ),
    )(rel)
    return jnp.concatenate([cos_t, sin_t], axis=1).reshape(500, 128)


def _score_body(hidx_hbm, ridx_hbm, tidx_hbm, ent_hbm, cs_hbm, out_hbm,
                hidx_v, tidx_v, ridx_v, rsh_v,
                hrows, trows, csrows, out_v, sem, rsem):
    wid = lax.axis_index("s") * _NC + lax.axis_index("c")
    row0 = wid * _NCH
    pltpu.sync_copy(hidx_hbm.at[pl.ds(row0, _NCH)], hidx_v)
    pltpu.sync_copy(tidx_hbm.at[pl.ds(row0, _NCH)], tidx_v)
    pltpu.sync_copy(ridx_hbm.at[pl.ds(row0, _NCH)], ridx_v)
    for k in range(_NCH):
        for g in range(_G):
            sl = pl.ds(g * _L, _L)
            rsh_v[k, sl] = lax.shift_right_logical(ridx_v[k, sl], 1)

    lane = lax.iota(jnp.int32, _L)
    for k in range(_NCH):
        copies = [
            pltpu.async_copy(ent_hbm.at[hidx_v.at[k]], hrows, sem),
            pltpu.async_copy(ent_hbm.at[tidx_v.at[k]], trows, sem),
            pltpu.async_copy(cs_hbm.at[rsh_v.at[k]], csrows, rsem),
        ]
        for cp in copies:
            cp.wait()

        for g in range(_G):
            sl = pl.ds(g * _L, _L)
            rows = g * _L + lane
            pr = (ridx_v[k, sl] & 1) * 64

            def dbody(d, acc, rows=rows, pr=pr):
                dd = jnp.zeros((_L,), jnp.int32) + d
                re = plsc.load_gather(hrows, [rows, dd])
                im = plsc.load_gather(hrows, [rows, dd + _D])
                tre = plsc.load_gather(trows, [rows, dd])
                tim = plsc.load_gather(trows, [rows, dd + _D])
                c = plsc.load_gather(csrows, [rows, pr + d])
                s = plsc.load_gather(csrows, [rows, pr + d + _D])
                return (acc + jnp.abs(re * c - im * s - tre)
                        + jnp.abs(re * s + im * c - tim))

            acc = lax.fori_loop(0, _D, dbody, jnp.zeros((_L,), jnp.float32))
            out_v[pl.ds(k * _CH + g * _L, _L)] = -acc
    pltpu.sync_copy(out_v, out_hbm.at[pl.ds(wid * _BPW, _BPW)])


def _score(hidx2d, ridx2d, tidx2d, ent_pad, cs):
    mesh = plsc.VectorSubcoreMesh(
        core_axis_name="c", subcore_axis_name="s",
        num_cores=_NC, num_subcores=_NS,
    )
    return pl.kernel(
        _score_body,
        out_type=jax.ShapeDtypeStruct((_B,), jnp.float32),
        mesh=mesh,
        compiler_params=pltpu.CompilerParams(
            needs_layout_passes=False, use_tc_tiling_on_sc=False),
        scratch_types=[
            pltpu.VMEM((_NCH, _CH), jnp.int32),
            pltpu.VMEM((_NCH, _CH), jnp.int32),
            pltpu.VMEM((_NCH, _CH), jnp.int32),
            pltpu.VMEM((_NCH, _CH), jnp.int32),
            pltpu.VMEM((_CH, 128), jnp.float32),
            pltpu.VMEM((_CH, 128), jnp.float32),
            pltpu.VMEM((_CH, 128), jnp.float32),
            pltpu.VMEM((_BPW,), jnp.float32),
            pltpu.SemaphoreType.DMA,
            pltpu.SemaphoreType.DMA,
        ],
    )(hidx2d, ridx2d, tidx2d, ent_pad, cs)


def kernel(head_idx, relation_idx, tail_idx, entity_embeddings, relation_embeddings):
    cs = _trig_tables(relation_embeddings)
    ent_pad = jnp.concatenate(
        [entity_embeddings, jnp.zeros_like(entity_embeddings)], axis=1)
    h2 = head_idx.reshape(_NW * _NCH, _CH)
    r2 = relation_idx.reshape(_NW * _NCH, _CH)
    t2 = tail_idx.reshape(_NW * _NCH, _CH)
    return _score(h2, r2, t2, ent_pad, cs)

# --- scband reference (transcript-rebuilt; emitter-appended) ---
"""Pipeline reference for scband-rotat-emodel-40518721470833 (READ-ONLY COPY).

The authoritative reference and input builder live on the scoring server;
editing this copy changes nothing except your own understanding.
"""

import jax, jax.numpy as jnp
import numpy as np

NUM_ENTITIES = 1000000
NUM_RELATIONS = 1000
EMBED_DIM = 32
BATCH = 16384

def setup_inputs(seed: int = 0) -> dict:
    key = jax.random.key(seed)
    k1, k2, k3, k4, k5 = jax.random.split(key, 5)
    ent = jax.random.normal(k1, (NUM_ENTITIES, 2 * EMBED_DIM), dtype=jnp.float32)
    ent = ent / (jnp.linalg.norm(ent, axis=-1, keepdims=True) + 1e-12)
    rel = jax.random.uniform(k2, (NUM_RELATIONS, EMBED_DIM), minval=-np.pi, maxval=np.pi, dtype=jnp.float32)
    head_idx = jax.random.randint(k3, (BATCH,), 0, NUM_ENTITIES, dtype=jnp.int64 if jax.config.jax_enable_x64 else jnp.int32).astype(jnp.int32)
    relation_idx = jax.random.randint(k4, (BATCH,), 0, NUM_RELATIONS).astype(jnp.int32)
    tail_idx = jax.random.randint(k5, (BATCH,), 0, NUM_ENTITIES).astype(jnp.int32)
    return {
        "head_idx": head_idx,
        "relation_idx": relation_idx,
        "tail_idx": tail_idx,
        "entity_embeddings": ent,
        "relation_embeddings": rel,
    }

def reference(head_idx, relation_idx, tail_idx, entity_embeddings, relation_embeddings):
    # Embedding lookups (gather)
    head_emb = jnp.take(entity_embeddings, head_idx, axis=0)
    rel_emb = jnp.take(relation_embeddings, relation_idx, axis=0)
    tail_emb = jnp.take(entity_embeddings, tail_idx, axis=0)
    # complex_multiply: rotate head by relation phase
    dim = rel_emb.shape[-1]
    real = head_emb[..., :dim]
    imag = head_emb[..., dim:]
    cos_phase = jnp.cos(rel_emb)
    sin_phase = jnp.sin(rel_emb)
    real_rotated = real * cos_phase - imag * sin_phase
    imag_rotated = real * sin_phase + imag * cos_phase
    head_rotated = jnp.concatenate([real_rotated, imag_rotated], axis=-1)
    # L1 distance, return negative distance (score)
    dist = jnp.sum(jnp.abs(head_rotated - tail_emb), axis=-1)
    return -dist

if __name__ == "__main__":
    import jax
    _d = setup_inputs()
    print(jax.jit(kernel)(*tuple(_d.values())))

</pallas_src>

<mosaic_0001>
#map = affine_map<(d0, d1) -> (0, 0)>
#map1 = affine_map<(d0, d1) -> (0)>
module attributes {stable_mosaic.version = 14 : i64} {
  func.func @_score_body(%arg0: i32, %arg1: i32, %arg2: memref<128x128xi32, #tpu.memory_space<hbm>>, %arg3: memref<128x128xi32, #tpu.memory_space<hbm>>, %arg4: memref<128x128xi32, #tpu.memory_space<hbm>>, %arg5: memref<1000000x128xf32, #tpu.memory_space<hbm>>, %arg6: memref<500x128xf32, #tpu.memory_space<hbm>>, %arg7: memref<16384xf32, #tpu.memory_space<hbm>>, %arg8: memref<4x128xi32, #tpu.memory_space<vmem>>, %arg9: memref<4x128xi32, #tpu.memory_space<vmem>>, %arg10: memref<4x128xi32, #tpu.memory_space<vmem>>, %arg11: memref<4x128xi32, #tpu.memory_space<vmem>>, %arg12: memref<128x128xf32, #tpu.memory_space<vmem>>, %arg13: memref<128x128xf32, #tpu.memory_space<vmem>>, %arg14: memref<128x128xf32, #tpu.memory_space<vmem>>, %arg15: memref<512xf32, #tpu.memory_space<vmem>>, %arg16: memref<!tpu.dma_semaphore, #tpu.memory_space<semaphore_mem>>, %arg17: memref<!tpu.dma_semaphore, #tpu.memory_space<semaphore_mem>>) attributes {dimension_semantics = [#tpu.dimension_semantics<core_parallel>, #tpu.dimension_semantics<subcore_parallel>], iteration_bounds = array<i64: 2, 16>, scalar_prefetch = 0 : i64, scratch_operands = 10 : i64, tpu.core_type = #tpu.core_type<sc_vector_subcore>, window_params = [{transform_indices = #map}, {transform_indices = #map}, {transform_indices = #map}, {transform_indices = #map}, {transform_indices = #map}, {transform_indices = #map1}]} {
    %mul3A = arith.constant 2 : i32
    %mul3A_0 = arith.muli %arg1, %mul3A : i32
    %add3A = arith.addi %mul3A_0, %arg0 : i32
    %mul3A_1 = arith.constant 4 : i32
    %mul3A_2 = arith.muli %add3A, %mul3A_1 : i32
    "tpu.region"() ({
      %run_scoped3A = tpu.sem_alloc : memref<!tpu.dma_semaphore, #tpu.memory_space<semaphore_mem>>
      %dma_start3A_1348 = arith.constant 0 : i32
      %dma_start3A_1349 = tpu.memref_slice %arg2[%mul3A_2, %dma_start3A_1348] : memref<128x128xi32, #tpu.memory_space<hbm>> -> memref<4x128xi32, #tpu.memory_space<hbm>>
      %dma_start3A_1350 = arith.constant 0 : i32
      %dma_start3A_1351 = tpu.memref_slice %arg2[%mul3A_2, %dma_start3A_1350] : memref<128x128xi32, #tpu.memory_space<hbm>> -> memref<4x128xi32, #tpu.memory_space<hbm>>
      tpu.enqueue_dma source(%dma_start3A_1351 : memref<4x128xi32, #tpu.memory_space<hbm>>) target(%arg8 : memref<4x128xi32, #tpu.memory_space<vmem>>) target_semaphore(%run_scoped3A : memref<!tpu.dma_semaphore, #tpu.memory_space<semaphore_mem>>)
      %dma_wait3A_1352 = arith.constant 0 : i32
      %dma_wait3A_1353 = tpu.memref_slice %arg2[%mul3A_2, %dma_wait3A_1352] : memref<128x128xi32, #tpu.memory_space<hbm>> -> memref<4x128xi32, #tpu.memory_space<hbm>>
      %dma_wait3A_1354 = arith.constant 0 : i32
      %dma_wait3A_1355 = tpu.memref_slice %arg2[%mul3A_2, %dma_wait3A_1354] : memref<128x128xi32, #tpu.memory_space<hbm>> -> memref<4x128xi32, #tpu.memory_space<hbm>>
      tpu.wait_dma2 semaphore(%run_scoped3A : memref<!tpu.dma_semaphore, #tpu.memory_space<semaphore_mem>>) src(%dma_wait3A_1355 : memref<4x128xi32, #tpu.memory_space<hbm>>) dst(%arg8 : memref<4x128xi32, #tpu.memory_space<vmem>>)
      tpu.yield
    }) : () -> ()
    "tpu.region"() ({
      %run_scoped3A = tpu.sem_alloc : memref<!tpu.dma_semaphore, #tpu.memory_space<semaphore_mem>>
      %dma_start3A_1348 = arith.constant 0 : i32
      %dma_start3A_1349 = tpu.memref_slice %arg4[%mul3A_2, %dma_start3A_1348] : memref<128x128xi32, #tpu.memory_space<hbm>> -> memref<4x128xi32, #tpu.memory_space<hbm>>
      %dma_start3A_1350 = arith.constant 0 : i32
      %dma_start3A_1351 = tpu.memref_slice %arg4[%mul3A_2, %dma_start3A_1350] : memref<128x128xi32, #tpu.memory_space<hbm>> -> memref<4x128xi32, #tpu.memory_space<hbm>>
      tpu.enqueue_dma source(%dma_start3A_1351 : memref<4x128xi32, #tpu.memory_space<hbm>>) target(%arg9 : memref<4x128xi32, #tpu.memory_space<vmem>>) target_semaphore(%run_scoped3A : memref<!tpu.dma_semaphore, #tpu.memory_space<semaphore_mem>>)
      %dma_wait3A_1352 = arith.constant 0 : i32
      %dma_wait3A_1353 = tpu.memref_slice %arg4[%mul3A_2, %dma_wait3A_1352] : memref<128x128xi32, #tpu.memory_space<hbm>> -> memref<4x128xi32, #tpu.memory_space<hbm>>
      %dma_wait3A_1354 = arith.constant 0 : i32
      %dma_wait3A_1355 = tpu.memref_slice %arg4[%mul3A_2, %dma_wait3A_1354] : memref<128x128xi32, #tpu.memory_space<hbm>> -> memref<4x128xi32, #tpu.memory_space<hbm>>
      tpu.wait_dma2 semaphore(%run_scoped3A : memref<!tpu.dma_semaphore, #tpu.memory_space<semaphore_mem>>) src(%dma_wait3A_1355 : memref<4x128xi32, #tpu.memory_space<hbm>>) dst(%arg9 : memref<4x128xi32, #tpu.memory_space<vmem>>)
      tpu.yield
    }) : () -> ()
    "tpu.region"() ({
      %run_scoped3A = tpu.sem_alloc : memref<!tpu.dma_semaphore, #tpu.memory_space<semaphore_mem>>
      %dma_start3A_1348 = arith.constant 0 : i32
      %dma_start3A_1349 = tpu.memref_slice %arg3[%mul3A_2, %dma_start3A_1348] : memref<128x128xi32, #tpu.memory_space<hbm>> -> memref<4x128xi32, #tpu.memory_space<hbm>>
      %dma_start3A_1350 = arith.constant 0 : i32
      %dma_start3A_1351 = tpu.memref_slice %arg3[%mul3A_2, %dma_start3A_1350] : memref<128x128xi32, #tpu.memory_space<hbm>> -> memref<4x128xi32, #tpu.memory_space<hbm>>
      tpu.enqueue_dma source(%dma_start3A_1351 : memref<4x128xi32, #tpu.memory_space<hbm>>) target(%arg10 : memref<4x128xi32, #tpu.memory_space<vmem>>) target_semaphore(%run_scoped3A : memref<!tpu.dma_semaphore, #tpu.memory_space<semaphore_mem>>)
      %dma_wait3A_1352 = arith.constant 0 : i32
      %dma_wait3A_1353 = tpu.memref_slice %arg3[%mul3A_2, %dma_wait3A_1352] : memref<128x128xi32, #tpu.memory_space<hbm>> -> memref<4x128xi32, #tpu.memory_space<hbm>>
      %dma_wait3A_1354 = arith.constant 0 : i32
      %dma_wait3A_1355 = tpu.memref_slice %arg3[%mul3A_2, %dma_wait3A_1354] : memref<128x128xi32, #tpu.memory_space<hbm>> -> memref<4x128xi32, #tpu.memory_space<hbm>>
      tpu.wait_dma2 semaphore(%run_scoped3A : memref<!tpu.dma_semaphore, #tpu.memory_space<semaphore_mem>>) src(%dma_wait3A_1355 : memref<4x128xi32, #tpu.memory_space<hbm>>) dst(%arg10 : memref<4x128xi32, #tpu.memory_space<vmem>>)
      tpu.yield
    }) : () -> ()
    %get3A = arith.constant 0 : i32
    %get3A_3 = arith.index_cast %get3A : i32 to index
    %get3A_4 = arith.constant 0 : index
    %get3A_5 = tpu.vector_load %arg10[%get3A_3, %get3A_4] {strides = array<i32>} : memref<4x128xi32, #tpu.memory_space<vmem>>, vector<16xi32>,
    %shift_right_logical3A = arith.constant 1 : i32
    %shift_right_logical3A_6 = vector.broadcast %shift_right_logical3A : i32 to vector<16xi32>
    %shift_right_logical3A_7 = arith.shrui %get3A_5, %shift_right_logical3A_6 : vector<16xi32>
    %swap3A = arith.constant 0 : i32
    %swap3A_8 = arith.index_cast %swap3A : i32 to index
    %swap3A_9 = arith.constant 0 : index
    %swap3A_10 = tpu.vector_load %arg11[%swap3A_8, %swap3A_9] {strides = array<i32>} : memref<4x128xi32, #tpu.memory_space<vmem>>, vector<16xi32>,
    tpu.vector_store %arg11[%swap3A_8, %swap3A_9], %shift_right_logical3A_7 {strides = array<i32>} : memref<4x128xi32, #tpu.memory_space<vmem>>, vector<16xi32>,
    %get3A_11 = arith.constant 0 : i32
    %get3A_12 = arith.index_cast %get3A_11 : i32 to index
    %get3A_13 = arith.constant 16 : index
    %get3A_14 = tpu.vector_load %arg10[%get3A_12, %get3A_13] {strides = array<i32>} : memref<4x128xi32, #tpu.memory_space<vmem>>, vector<16xi32>,
    %shift_right_logical3A_15 = arith.constant 1 : i32
    %shift_right_logical3A_16 = vector.broadcast %shift_right_logical3A_15 : i32 to vector<16xi32>
    %shift_right_logical3A_17 = arith.shrui %get3A_14, %shift_right_logical3A_16 : vector<16xi32>
    %swap3A_18 = arith.constant 0 : i32
    %swap3A_19 = arith.index_cast %swap3A_18 : i32 to index
    %swap3A_20 = arith.constant 16 : index
    %swap3A_21 = tpu.vector_load %arg11[%swap3A_19, %swap3A_20] {strides = array<i32>} : memref<4x128xi32, #tpu.memory_space<vmem>>, vector<16xi32>,
    tpu.vector_store %arg11[%swap3A_19, %swap3A_20], %shift_right_logical3A_17 {strides = array<i32>} : memref<4x128xi32, #tpu.memory_space<vmem>>, vector<16xi32>,
    %get3A_22 = arith.constant 0 : i32
    %get3A_23 = arith.index_cast %get3A_22 : i32 to index
    %get3A_24 = arith.constant 32 : index
    %get3A_25 = tpu.vector_load %arg10[%get3A_23, %get3A_24] {strides = array<i32>} : memref<4x128xi32, #tpu.memory_space<vmem>>, vector<16xi32>,
    %shift_right_logical3A_26 = arith.constant 1 : i32
    %shift_right_logical3A_27 = vector.broadcast %shift_right_logical3A_26 : i32 to vector<16xi32>
    %shift_right_logical3A_28 = arith.shrui %get3A_25, %shift_right_logical3A_27 : vector<16xi32>
    %swap3A_29 = arith.constant 0 : i32
    %swap3A_30 = arith.index_cast %swap3A_29 : i32 to index
    %swap3A_31 = arith.constant 32 : index
    %swap3A_32 = tpu.vector_load %arg11[%swap3A_30, %swap3A_31] {strides = array<i32>} : memref<4x128xi32, #tpu.memory_space<vmem>>, vector<16xi32>,
    tpu.vector_store %arg11[%swap3A_30, %swap3A_31], %shift_right_logical3A_28 {strides = array<i32>} : memref<4x128xi32, #tpu.memory_space<vmem>>, vector<16xi32>,
    %get3A_33 = arith.constant 0 : i32
    %get3A_34 = arith.index_cast %get3A_33 : i32 to index
    %get3A_35 = arith.constant 48 : index
    %get3A_36 = tpu.vector_load %arg10[%get3A_34, %get3A_35] {strides = array<i32>} : memref<4x128xi32, #tpu.memory_space<vmem>>, vector<16xi32>,
    %shift_right_logical3A_37 = arith.constant 1 : i32
    %shift_right_logical3A_38 = vector.broadcast %shift_right_logical3A_37 : i32 to vector<16xi32>
    %shift_right_logical3A_39 = arith.shrui %get3A_36, %shift_right_logical3A_38 : vector<16xi32>
    %swap3A_40 = arith.constant 0 : i32
    %swap3A_41 = arith.index_cast %swap3A_40 : i32 to index
    %swap3A_42 = arith.constant 48 : index
    %swap3A_43 = tpu.vector_load %arg11[%swap3A_41, %swap3A_42] {strides = array<i32>} : memref<4x128xi32, #tpu.memory_space<vmem>>, vector<16xi32>,
    tpu.vector_store %arg11[%swap3A_41, %swap3A_42], %shift_right_logical3A_39 {strides = array<i32>} : memref<4x128xi32, #tpu.memory_space<vmem>>, vector<16xi32>,
    %get3A_44 = arith.constant 0 : i32
    %get3A_45 = arith.index_cast %get3A_44 : i32 to index
    %get3A_46 = arith.constant 64 : index
    %get3A_47 = tpu.vector_load %arg10[%get3A_45, %get3A_46] {strides = array<i32>} : memref<4x128xi32, #tpu.memory_space<vmem>>, vector<16xi32>,
    %shift_right_logical3A_48 = arith.constant 1 : i32
    %shift_right_logical3A_49 = vector.broadcast %shift_right_logical3A_48 : i32 to vector<16xi32>
    %shift_right_logical3A_50 = arith.shrui %get3A_47, %shift_right_logical3A_49 : vector<16xi32>
    %swap3A_51 = arith.constant 0 : i32
    %swap3A_52 = arith.index_cast %swap3A_51 : i32 to index
    %swap3A_53 = arith.constant 64 : index
    %swap3A_54 = tpu.vector_load %arg11[%swap3A_52, %swap3A_53] {strides = array<i32>} : memref<4x128xi32, #tpu.memory_space<vmem>>, vector<16xi32>,
    tpu.vector_store %arg11[%swap3A_52, %swap3A_53], %shift_right_logical3A_50 {strides = array<i32>} : memref<4x128xi32, #tpu.memory_space<vmem>>, vector<16xi32>,
    %get3A_55 = arith.constant 0 : i32
    %get3A_56 = arith.index_cast %get3A_55 : i32 to index
    %get3A_57 = arith.constant 80 : index
    %get3A_58 = tpu.vector_load %arg10[%get3A_56, %get3A_57] {strides = array<i32>} : memref<4x128xi32, #tpu.memory_space<vmem>>, vector<16xi32>,
    %shift_right_logical3A_59 = arith.constant 1 : i32
    %shift_right_logical3A_60 = vector.broadcast %shift_right_logical3A_59 : i32 to vector<16xi32>
    %shift_right_logical3A_61 = arith.shrui %get3A_58, %shift_right_logical3A_60 : vector<16xi32>
    %swap3A_62 = arith.constant 0 : i32
    %swap3A_63 = arith.index_cast %swap3A_62 : i32 to index
    %swap3A_64 = arith.constant 80 : index
    %swap3A_65 = tpu.vector_load %arg11[%swap3A_63, %swap3A_64] {strides = array<i32>} : memref<4x128xi32, #tpu.memory_space<vmem>>, vector<16xi32>,
    tpu.vector_store %arg11[%swap3A_63, %swap3A_64], %shift_right_logical3A_61 {strides = array<i32>} : memref<4x128xi32, #tpu.memory_space<vmem>>, vector<16xi32>,
    %get3A_66 = arith.constant 0 : i32
    %get3A_67 = arith.index_cast %get3A_66 : i32 to index
    %get3A_68 = arith.constant 96 : index
    %get3A_69 = tpu.vector_load %arg10[%get3A_67, %get3A_68] {strides = array<i32>} : memref<4x128xi32, #tpu.memory_space<vmem>>, vector<16xi32>,
    %shift_right_logical3A_70 = arith.constant 1 : i32
    %shift_right_logical3A_71 = vector.broadcast %shift_right_logical3A_70 : i32 to vector<16xi32>
    %shift_right_logical3A_72 = arith.shrui %get3A_69, %shift_right_logical3A_71 : vector<16xi32>
    %swap3A_73 = arith.constant 0 : i32
    %swap3A_74 = arith.index_cast %swap3A_73 : i32 to index
    %swap3A_75 = arith.constant 96 : index
    %swap3A_76 = tpu.vector_load %arg11[%swap3A_74, %swap3A_75] {strides = array<i32>} : memref<4x128xi32, #tpu.memory_space<vmem>>, vector<16xi32>,
    tpu.vector_store %arg11[%swap3A_74, %swap3A_75], %shift_right_logical3A_72 {strides = array<i32>} : memref<4x128xi32, #tpu.memory_space<vmem>>, vector<16xi32>,
    %get3A_77 = arith.constant 0 : i32
    %get3A_78 = arith.index_cast %get3A_77 : i32 to index
    %get3A_79 = arith.constant 112 : index
    %get3A_80 = tpu.vector_load %arg10[%get3A_78, %get3A_79] {strides = array<i32>} : memref<4x128xi32, #tpu.memory_space<vmem>>, vector<16xi32>,
    %shift_right_logical3A_81 = arith.constant 1 : i32
    %shift_right_logical3A_82 = vector.broadcast %shift_right_logical3A_81 : i32 to vector<16xi32>
    %shift_right_logical3A_83 = arith.shrui %get3A_80, %shift_right_logical3A_82 : vector<16xi32>
    %swap3A_84 = arith.constant 0 : i32
    %swap3A_85 = arith.index_cast %swap3A_84 : i32 to index
    %swap3A_86 = arith.constant 112 : index
    %swap3A_87 = tpu.vector_load %arg11[%swap3A_85, %swap3A_86] {strides = array<i32>} : memref<4x128xi32, #tpu.memory_space<vmem>>, vector<16xi32>,
    tpu.vector_store %arg11[%swap3A_85, %swap3A_86], %shift_right_logical3A_83 {strides = array<i32>} : memref<4x128xi32, #tpu.memory_space<vmem>>, vector<16xi32>,
    %get3A_88 = arith.constant 1 : i32
    %get3A_89 = arith.index_cast %get3A_88 : i32 to index
    %get3A_90 = arith.constant 0 : index
    %get3A_91 = tpu.vector_load %arg10[%get3A_89, %get3A_90] {strides = array<i32>} : memref<4x128xi32, #tpu.memory_space<vmem>>, vector<16xi32>,
    %shift_right_logical3A_92 = arith.constant 1 : i32
    %shift_right_logical3A_93 = vector.broadcast %shift_right_logical3A_92 : i32 to vector<16xi32>
    %shift_right_logical3A_94 = arith.shrui %get3A_91, %shift_right_logical3A_93 : vector<16xi32>
    %swap3A_95 = arith.constant 1 : i32
    %swap3A_96 = arith.index_cast %swap3A_95 : i32 to index
    %swap3A_97 = arith.constant 0 : index
    %swap3A_98 = tpu.vector_load %arg11[%swap3A_96, %swap3A_97] {strides = array<i32>} : memref<4x128xi32, #tpu.memory_space<vmem>>, vector<16xi32>,
    tpu.vector_store %arg11[%swap3A_96, %swap3A_97], %shift_right_logical3A_94 {strides = array<i32>} : memref<4x128xi32, #tpu.memory_space<vmem>>, vector<16xi32>,
    %get3A_99 = arith.constant 1 : i32
    %get3A_100 = arith.index_cast %get3A_99 : i32 to index
    %get3A_101 = arith.constant 16 : index
    %get3A_102 = tpu.vector_load %arg10[%get3A_100, %get3A_101] {strides = array<i32>} : memref<4x128xi32, #tpu.memory_space<vmem>>, vector<16xi32>,
    %shift_right_logical3A_103 = arith.constant 1 : i32
    %shift_right_logical3A_104 = vector.broadcast %shift_right_logical3A_103 : i32 to vector<16xi32>
    %shift_right_logical3A_105 = arith.shrui %get3A_102, %shift_right_logical3A_104 : vector<16xi32>
    %swap3A_106 = arith.constant 1 : i32
    %swap3A_107 = arith.index_cast %swap3A_106 : i32 to index
    %swap3A_108 = arith.constant 16 : index
    %swap3A_109 = tpu.vector_load %arg11[%swap3A_107, %swap3A_108] {strides = array<i32>} : memref<4x128xi32, #tpu.memory_space<vmem>>, vector<16xi32>,
    tpu.vector_store %arg11[%swap3A_107, %swap3A_108], %shift_right_logical3A_105 {strides = array<i32>} : memref<4x128xi32, #tpu.memory_space<vmem>>, vector<16xi32>,
    %get3A_110 = arith.constant 1 : i32
    %get3A_111 = arith.index_cast %get3A_110 : i32 to index
    %get3A_112 = arith.constant 32 : index
    %get3A_113 = tpu.vector_load %arg10[%get3A_111, %get3A_112] {strides = array<i32>} : memref<4x128xi32, #tpu.memory_space<vmem>>, vector<16xi32>,
    %shift_right_logical3A_114 = arith.constant 1 : i32
    %shift_right_logical3A_115 = vector.broadcast %shift_right_logical3A_114 : i32 to vector<16xi32>
    %shift_right_logical3A_116 = arith.shrui %get3A_113, %shift_right_logical3A_115 : vector<16xi32>
    %swap3A_117 = arith.constant 1 : i32
    %swap3A_118 = arith.index_cast %swap3A_117 : i32 to index
    %swap3A_119 = arith.constant 32 : index
    %swap3A_120 = tpu.vector_load %arg11[%swap3A_118, %swap3A_119] {strides = array<i32>} : memref<4x128xi32, #tpu.memory_space<vmem>>, vector<16xi32>,
    tpu.vector_store %arg11[%swap3A_118, %swap3A_119], %shift_right_logical3A_116 {strides = array<i32>} : memref<4x128xi32, #tpu.memory_space<vmem>>, vector<16xi32>,
    %get3A_121 = arith.constant 1 : i32
    %get3A_122 = arith.index_cast %get3A_121 : i32 to index
    %get3A_123 = arith.constant 48 : index
    %get3A_124 = tpu.vector_load %arg10[%get3A_122, %get3A_123] {strides = array<i32>} : memref<4x128xi32, #tpu.memory_space<vmem>>, vector<16xi32>,
    %shift_right_logical3A_125 = arith.constant 1 : i32
    %shift_right_logical3A_126 = vector.broadcast %shift_right_logical3A_125 : i32 to vector<16xi32>
    %shift_right_logical3A_127 = arith.shrui %get3A_124, %shift_right_logical3A_126 : vector<16xi32>
    %swap3A_128 = arith.constant 1 : i32
    %swap3A_129 = arith.index_cast %swap3A_128 : i32 to index
    %swap3A_130 = arith.constant 48 : index
    %swap3A_131 = tpu.vector_load %arg11[%swap3A_129, %swap3A_130] {strides = array<i32>} : memref<4x128xi32, #tpu.memory_space<vmem>>, vector<16xi32>,
    tpu.vector_store %arg11[%swap3A_129, %swap3A_130], %shift_right_logical3A_127 {strides = array<i32>} : memref<4x128xi32, #tpu.memory_space<vmem>>, vector<16xi32>,
    %get3A_132 = arith.constant 1 : i32
    %get3A_133 = arith.index_cast %get3A_132 : i32 to index
    %get3A_134 = arith.constant 64 : index
    %get3A_135 = tpu.vector_load %arg10[%get3A_133, %get3A_134] {strides = array<i32>} : memref<4x128xi32, #tpu.memory_space<vmem>>, vector<16xi32>,
    %shift_right_logical3A_136 = arith.constant 1 : i32
    %shift_right_logical3A_137 = vector.broadcast %shift_right_logical3A_136 : i32 to vector<16xi32>
    %shift_right_logical3A_138 = arith.shrui %get3A_135, %shift_right_logical3A_137 : vector<16xi32>
    %swap3A_139 = arith.constant 1 : i32
    %swap3A_140 = arith.index_cast %swap3A_139 : i32 to index
    %swap3A_141 = arith.constant 64 : index
    %swap3A_142 = tpu.vector_load %arg11[%swap3A_140, %swap3A_141] {strides = array<i32>} : memref<4x128xi32, #tpu.memory_space<vmem>>, vector<16xi32>,
    tpu.vector_store %arg11[%swap3A_140, %swap3A_141], %shift_right_logical3A_138 {strides = array<i32>} : memref<4x128xi32, #tpu.memory_space<vmem>>, vector<16xi32>,
    %get3A_143 = arith.constant 1 : i32
    %get3A_144 = arith.index_cast %get3A_143 : i32 to index
    %get3A_145 = arith.constant 80 : index
    %get3A_146 = tpu.vector_load %arg10[%get3A_144, %get3A_145] {strides = array<i32>} : memref<4x128xi32, #tpu.memory_space<vmem>>, vector<16xi32>,
    %shift_right_logical3A_147 = arith.constant 1 : i32
    %shift_right_logical3A_148 = vector.broadcast %shift_right_logical3A_147 : i32 to vector<16xi32>
    %shift_right_logical3A_149 = arith.shrui %get3A_146, %shift_right_logical3A_148 : vector<16xi32>
    %swap3A_150 = arith.constant 1 : i32
    %swap3A_151 = arith.index_cast %swap3A_150 : i32 to index
    %swap3A_152 = arith.constant 80 : index
    %swap3A_153 = tpu.vector_load %arg11[%swap3A_151, %swap3A_152] {strides = array<i32>} : memref<4x128xi32, #tpu.memory_space<vmem>>, vector<16xi32>,
    tpu.vector_store %arg11[%swap3A_151, %swap3A_152], %shift_right_logical3A_149 {strides = array<i32>} : memref<4x128xi32, #tpu.memory_space<vmem>>, vector<16xi32>,
    %get3A_154 = arith.constant 1 : i32
    %get3A_155 = arith.index_cast %get3A_154 : i32 to index
    %get3A_156 = arith.constant 96 : index
    %get3A_157 = tpu.vector_load %arg10[%get3A_155, %get3A_156] {strides = array<i32>} : memref<4x128xi32, #tpu.memory_space<vmem>>, vector<16xi32>,
    %shift_right_logical3A_158 = arith.constant 1 : i32
    %shift_right_logical3A_159 = vector.broadcast %shift_right_logical3A_158 : i32 to vector<16xi32>
    %shift_right_logical3A_160 = arith.shrui %get3A_157, %shift_right_logical3A_159 : vector<16xi32>
    %swap3A_161 = arith.constant 1 : i32
    %swap3A_162 = arith.index_cast %swap3A_161 : i32 to index
    %swap3A_163 = arith.constant 96 : index
    %swap3A_164 = tpu.vector_load %arg11[%swap3A_162, %swap3A_163] {strides = array<i32>} : memref<4x128xi32, #tpu.memory_space<vmem>>, vector<16xi32>,
    tpu.vector_store %arg11[%swap3A_162, %swap3A_163], %shift_right_logical3A_160 {strides = array<i32>} : memref<4x128xi32, #tpu.memory_space<vmem>>, vector<16xi32>,
    %get3A_165 = arith.constant 1 : i32
    %get3A_166 = arith.index_cast %get3A_165 : i32 to index
    %get3A_167 = arith.constant 112 : index
    %get3A_168 = tpu.vector_load %arg10[%get3A_166, %get3A_167] {strides = array<i32>} : memref<4x128xi32, #tpu.memory_space<vmem>>, vector<16xi32>,
    %shift_right_logical3A_169 = arith.constant 1 : i32
    %shift_right_logical3A_170 = vector.broadcast %shift_right_logical3A_169 : i32 to vector<16xi32>
    %shift_right_logical3A_171 = arith.shrui %get3A_168, %shift_right_logical3A_170 : vector<16xi32>
    %swap3A_172 = arith.constant 1 : i32
    %swap3A_173 = arith.index_cast %swap3A_172 : i32 to index
    %swap3A_174 = arith.constant 112 : index
    %swap3A_175 = tpu.vector_load %arg11[%swap3A_173, %swap3A_174] {strides = array<i32>} : memref<4x128xi32, #tpu.memory_space<vmem>>, vector<16xi32>,
    tpu.vector_store %arg11[%swap3A_173, %swap3A_174], %shift_right_logical3A_171 {strides = array<i32>} : memref<4x128xi32, #tpu.memory_space<vmem>>, vector<16xi32>,
    %get3A_176 = arith.constant 2 : i32
    %get3A_177 = arith.index_cast %get3A_176 : i32 to index
    %get3A_178 = arith.constant 0 : index
    %get3A_179 = tpu.vector_load %arg10[%get3A_177, %get3A_178] {strides = array<i32>} : memref<4x128xi32, #tpu.memory_space<vmem>>, vector<16xi32>,
    %shift_right_logical3A_180 = arith.constant 1 : i32
    %shift_right_logical3A_181 = vector.broadcast %shift_right_logical3A_180 : i32 to vector<16xi32>
    %shift_right_logical3A_182 = arith.shrui %get3A_179, %shift_right_logical3A_181 : vector<16xi32>
    %swap3A_183 = arith.constant 2 : i32
    %swap3A_184 = arith.index_cast %swap3A_183 : i32 to index
    %swap3A_185 = arith.constant 0 : index
    %swap3A_186 = tpu.vector_load %arg11[%swap3A_184, %swap3A_185] {strides = array<i32>} : memref<4x128xi32, #tpu.memory_space<vmem>>, vector<16xi32>,
    tpu.vector_store %arg11[%swap3A_184, %swap3A_185], %shift_right_logical3A_182 {strides = array<i32>} : memref<4x128xi32, #tpu.memory_space<vmem>>, vector<16xi32>,
    %get3A_187 = arith.constant 2 : i32
    %get3A_188 = arith.index_cast %get3A_187 : i32 to index
    %get3A_189 = arith.constant 16 : index
    %get3A_190 = tpu.vector_load %arg10[%get3A_188, %get3A_189] {strides = array<i32>} : memref<4x128xi32, #tpu.memory_space<vmem>>, vector<16xi32>,
    %shift_right_logical3A_191 = arith.constant 1 : i32
    %shift_right_logical3A_192 = vector.broadcast %shift_right_logical3A_191 : i32 to vector<16xi32>
    %shift_right_logical3A_193 = arith.shrui %get3A_190, %shift_right_logical3A_192 : vector<16xi32>
    %swap3A_194 = arith.constant 2 : i32
    %swap3A_195 = arith.index_cast %swap3A_194 : i32 to index
    %swap3A_196 = arith.constant 16 : index
    %swap3A_197 = tpu.vector_load %arg11[%swap3A_195, %swap3A_196] {strides = array<i32>} : memref<4x128xi32, #tpu.memory_space<vmem>>, vector<16xi32>,
    tpu.vector_store %arg11[%swap3A_195, %swap3A_196], %shift_right_logical3A_193 {strides = array<i32>} : memref<4x128xi32, #tpu.memory_space<vmem>>, vector<16xi32>,
    %get3A_198 = arith.constant 2 : i32
    %get3A_199 = arith.index_cast %get3A_198 : i32 to index
    %get3A_200 = arith.constant 32 : index
    %get3A_201 = tpu.vector_load %arg10[%get3A_199, %get3A_200] {strides = array<i32>} : memref<4x128xi32, #tpu.memory_space<vmem>>, vector<16xi32>,
    %shift_right_logical3A_202 = arith.constant 1 : i32
    %shift_right_logical3A_203 = vector.broadcast %shift_right_logical3A_202 : i32 to vector<16xi32>
    %shift_right_logical3A_204 = arith.shrui %get3A_201, %shift_right_logical3A_203 : vector<16xi32>
    %swap3A_205 = arith.constant 2 : i32
    %swap3A_206 = arith.index_cast %swap3A_205 : i32 to index
    %swap3A_207 = arith.constant 32 : index
    %swap3A_208 = tpu.vector_load %arg11[%swap3A_206, %swap3A_207] {strides = array<i32>} : memref<4x128xi32, #tpu.memory_space<vmem>>, vector<16xi32>,
    tpu.vector_store %arg11[%swap3A_206, %swap3A_207], %shift_right_logical3A_204 {strides = array<i32>} : memref<4x128xi32, #tpu.memory_space<vmem>>, vector<16xi32>,
    %get3A_209 = arith.constant 2 : i32
    %get3A_210 = arith.index_cast %get3A_209 : i32 to index
    %get3A_211 = arith.constant 48 : index
    %get3A_212 = tpu.vector_load %arg10[%get3A_210, %get3A_211] {strides = array<i32>} : memref<4x128xi32, #tpu.memory_space<vmem>>, vector<16xi32>,
    %shift_right_logical3A_213 = arith.constant 1 : i32
    %shift_right_logical3A_214 = vector.broadcast %shift_right_logical3A_213 : i32 to vector<16xi32>
    %shift_right_logical3A_215 = arith.shrui %get3A_212, %shift_right_logical3A_214 : vector<16xi32>
    %swap3A_216 = arith.constant 2 : i32
    %swap3A_217 = arith.index_cast %swap3A_216 : i32 to index
    %swap3A_218 = arith.constant 48 : index
    %swap3A_219 = tpu.vector_load %arg11[%swap3A_217, %swap3A_218] {strides = array<i32>} : memref<4x128xi32, #tpu.memory_space<vmem>>, vector<16xi32>,
    tpu.vector_store %arg11[%swap3A_217, %swap3A_218], %shift_right_logical3A_215 {strides = array<i32>} : memref<4x128xi32, #tpu.memory_space<vmem>>, vector<16xi32>,
    %get3A_220 = arith.constant 2 : i32
    %get3A_221 = arith.index_cast %get3A_220 : i32 to index
    %get3A_222 = arith.constant 64 : index
    %get3A_223 = tpu.vector_load %arg10[%get3A_221, %get3A_222] {strides = array<i32>} : memref<4x128xi32, #tpu.memory_space<vmem>>, vector<16xi32>,
    %shift_right_logical3A_224 = arith.constant 1 : i32
    %shift_right_logical3A_225 = vector.broadcast %shift_right_logical3A_224 : i32 to vector<16xi32>
    %shift_right_logical3A_226 = arith.shrui %get3A_223, %shift_right_logical3A_225 : vector<16xi32>
    %swap3A_227 = arith.constant 2 : i32
    %swap3A_228 = arith.index_cast %swap3A_227 : i32 to index
    %swap3A_229 = arith.constant 64 : index
    %swap3A_230 = tpu.vector_load %arg11[%swap3A_228, %swap3A_229] {strides = array<i32>} : memref<4x128xi32, #tpu.memory_space<vmem>>, vector<16xi32>,
    tpu.vector_store %arg11[%swap3A_228, %swap3A_229], %shift_right_logical3A_226 {strides = array<i32>} : memref<4x128xi32, #tpu.memory_space<vmem>>, vector<16xi32>,
    %get3A_231 = arith.constant 2 : i32
    %get3A_232 = arith.index_cast %get3A_231 : i32 to index
    %get3A_233 = arith.constant 80 : index
    %get3A_234 = tpu.vector_load %arg10[%get3A_232, %get3A_233] {strides = array<i32>} : memref<4x128xi32, #tpu.memory_space<vmem>>, vector<16xi32>,
    %shift_right_logical3A_235 = arith.constant 1 : i32
    %shift_right_logical3A_236 = vector.broadcast %shift_right_logical3A_235 : i32 to vector<16xi32>
    %shift_right_logical3A_237 = arith.shrui %get3A_234, %shift_right_logical3A_236 : vector<16xi32>
    %swap3A_238 = arith.constant 2 : i32
    %swap3A_239 = arith.index_cast %swap3A_238 : i32 to index
    %swap3A_240 = arith.constant 80 : index
    %swap3A_241 = tpu.vector_load %arg11[%swap3A_239, %swap3A_240] {strides = array<i32>} : memref<4x128xi32, #tpu.memory_space<vmem>>, vector<16xi32>,
    tpu.vector_store %arg11[%swap3A_239, %swap3A_240], %shift_right_logical3A_237 {strides = array<i32>} : memref<4x128xi32, #tpu.memory_space<vmem>>, vector<16xi32>,
    %get3A_242 = arith.constant 2 : i32
    %get3A_243 = arith.index_cast %get3A_242 : i32 to index
    %get3A_244 = arith.constant 96 : index
    %get3A_245 = tpu.vector_load %arg10[%get3A_243, %get3A_244] {strides = array<i32>} : memref<4x128xi32, #tpu.memory_space<vmem>>, vector<16xi32>,
    %shift_right_logical3A_246 = arith.constant 1 : i32
    %shift_right_logical3A_247 = vector.broadcast %shift_right_logical3A_246 : i32 to vector<16xi32>
    %shift_right_logical3A_248 = arith.shrui %get3A_245, %shift_right_logical3A_247 : vector<16xi32>
    %swap3A_249 = arith.constant 2 : i32
    %swap3A_250 = arith.index_cast %swap3A_249 : i32 to index
    %swap3A_251 = arith.constant 96 : index
    %swap3A_252 = tpu.vector_load %arg11[%swap3A_250, %swap3A_251] {strides = array<i32>} : memref<4x128xi32, #tpu.memory_space<vmem>>, vector<16xi32>,
    tpu.vector_store %arg11[%swap3A_250, %swap3A_251], %shift_right_logical3A_248 {strides = array<i32>} : memref<4x128xi32, #tpu.memory_space<vmem>>, vector<16xi32>,
    %get3A_253 = arith.constant 2 : i32
    %get3A_254 = arith.index_cast %get3A_253 : i32 to index
    %get3A_255 = arith.constant 112 : index
    %get3A_256 = tpu.vector_load %arg10[%get3A_254, %get3A_255] {strides = array<i32>} : memref<4x128xi32, #tpu.memory_space<vmem>>, vector<16xi32>,
    %shift_right_logical3A_257 = arith.constant 1 : i32
    %shift_right_logical3A_258 = vector.broadcast %shift_right_logical3A_257 : i32 to vector<16xi32>
    %shift_right_logical3A_259 = arith.shrui %get3A_256, %shift_right_logical3A_258 : vector<16xi32>
    %swap3A_260 = arith.constant 2 : i32
    %swap3A_261 = arith.index_cast %swap3A_260 : i32 to index
    %swap3A_262 = arith.constant 112 : index
    %swap3A_263 = tpu.vector_load %arg11[%swap3A_261, %swap3A_262] {strides = array<i32>} : memref<4x128xi32, #tpu.memory_space<vmem>>, vector<16xi32>,
    tpu.vector_store %arg11[%swap3A_261, %swap3A_262], %shift_right_logical3A_259 {strides = array<i32>} : memref<4x128xi32, #tpu.memory_space<vmem>>, vector<16xi32>,
    %get3A_264 = arith.constant 3 : i32
    %get3A_265 = arith.index_cast %get3A_264 : i32 to index
    %get3A_266 = arith.constant 0 : index
    %get3A_267 = tpu.vector_load %arg10[%get3A_265, %get3A_266] {strides = array<i32>} : memref<4x128xi32, #tpu.memory_space<vmem>>, vector<16xi32>,
    %shift_right_logical3A_268 = arith.constant 1 : i32
    %shift_right_logical3A_269 = vector.broadcast %shift_right_logical3A_268 : i32 to vector<16xi32>
    %shift_right_logical3A_270 = arith.shrui %get3A_267, %shift_right_logical3A_269 : vector<16xi32>
    %swap3A_271 = arith.constant 3 : i32
    %swap3A_272 = arith.index_cast %swap3A_271 : i32 to index
    %swap3A_273 = arith.constant 0 : index
    %swap3A_274 = tpu.vector_load %arg11[%swap3A_272, %swap3A_273] {strides = array<i32>} : memref<4x128xi32, #tpu.memory_space<vmem>>, vector<16xi32>,
    tpu.vector_store %arg11[%swap3A_272, %swap3A_273], %shift_right_logical3A_270 {strides = array<i32>} : memref<4x128xi32, #tpu.memory_space<vmem>>, vector<16xi32>,
    %get3A_275 = arith.constant 3 : i32
    %get3A_276 = arith.index_cast %get3A_275 : i32 to index
    %get3A_277 = arith.constant 16 : index
    %get3A_278 = tpu.vector_load %arg10[%get3A_276, %get3A_277] {strides = array<i32>} : memref<4x128xi32, #tpu.memory_space<vmem>>, vector<16xi32>,
    %shift_right_logical3A_279 = arith.constant 1 : i32
    %shift_right_logical3A_280 = vector.broadcast %shift_right_logical3A_279 : i32 to vector<16xi32>
    %shift_right_logical3A_281 = arith.shrui %get3A_278, %shift_right_logical3A_280 : vector<16xi32>
    %swap3A_282 = arith.constant 3 : i32
    %swap3A_283 = arith.index_cast %swap3A_282 : i32 to index
    %swap3A_284 = arith.constant 16 : index
    %swap3A_285 = tpu.vector_load %arg11[%swap3A_283, %swap3A_284] {strides = array<i32>} : memref<4x128xi32, #tpu.memory_space<vmem>>, vector<16xi32>,
    tpu.vector_store %arg11[%swap3A_283, %swap3A_284], %shift_right_logical3A_281 {strides = array<i32>} : memref<4x128xi32, #tpu.memory_space<vmem>>, vector<16xi32>,
    %get3A_286 = arith.constant 3 : i32
    %get3A_287 = arith.index_cast %get3A_286 : i32 to index
    %get3A_288 = arith.constant 32 : index
    %get3A_289 = tpu.vector_load %arg10[%get3A_287, %get3A_288] {strides = array<i32>} : memref<4x128xi32, #tpu.memory_space<vmem>>, vector<16xi32>,
    %shift_right_logical3A_290 = arith.constant 1 : i32
    %shift_right_logical3A_291 = vector.broadcast %shift_right_logical3A_290 : i32 to vector<16xi32>
    %shift_right_logical3A_292 = arith.shrui %get3A_289, %shift_right_logical3A_291 : vector<16xi32>
    %swap3A_293 = arith.constant 3 : i32
    %swap3A_294 = arith.index_cast %swap3A_293 : i32 to index
    %swap3A_295 = arith.constant 32 : index
    %swap3A_296 = tpu.vector_load %arg11[%swap3A_294, %swap3A_295] {strides = array<i32>} : memref<4x128xi32, #tpu.memory_space<vmem>>, vector<16xi32>,
    tpu.vector_store %arg11[%swap3A_294, %swap3A_295], %shift_right_logical3A_292 {strides = array<i32>} : memref<4x128xi32, #tpu.memory_space<vmem>>, vector<16xi32>,
    %get3A_297 = arith.constant 3 : i32
    %get3A_298 = arith.index_cast %get3A_297 : i32 to index
    %get3A_299 = arith.constant 48 : index
    %get3A_300 = tpu.vector_load %arg10[%get3A_298, %get3A_299] {strides = array<i32>} : memref<4x128xi32, #tpu.memory_space<vmem>>, vector<16xi32>,
    %shift_right_logical3A_301 = arith.constant 1 : i32
    %shift_right_logical3A_302 = vector.broadcast %shift_right_logical3A_301 : i32 to vector<16xi32>
    %shift_right_logical3A_303 = arith.shrui %get3A_300, %shift_right_logical3A_302 : vector<16xi32>
    %swap3A_304 = arith.constant 3 : i32
    %swap3A_305 = arith.index_cast %swap3A_304 : i32 to index
    %swap3A_306 = arith.constant 48 : index
    %swap3A_307 = tpu.vector_load %arg11[%swap3A_305, %swap3A_306] {strides = array<i32>} : memref<4x128xi32, #tpu.memory_space<vmem>>, vector<16xi32>,
    tpu.vector_store %arg11[%swap3A_305, %swap3A_306], %shift_right_logical3A_303 {strides = array<i32>} : memref<4x128xi32, #tpu.memory_space<vmem>>, vector<16xi32>,
    %get3A_308 = arith.constant 3 : i32
    %get3A_309 = arith.index_cast %get3A_308 : i32 to index
    %get3A_310 = arith.constant 64 : index
    %get3A_311 = tpu.vector_load %arg10[%get3A_309, %get3A_310] {strides = array<i32>} : memref<4x128xi32, #tpu.memory_space<vmem>>, vector<16xi32>,
    %shift_right_logical3A_312 = arith.constant 1 : i32
    %shift_right_logical3A_313 = vector.broadcast %shift_right_logical3A_312 : i32 to vector<16xi32>
    %shift_right_logical3A_314 = arith.shrui %get3A_311, %shift_right_logical3A_313 : vector<16xi32>
    %swap3A_315 = arith.constant 3 : i32
    %swap3A_316 = arith.index_cast %swap3A_315 : i32 to index
    %swap3A_317 = arith.constant 64 : index
    %swap3A_318 = tpu.vector_load %arg11[%swap3A_316, %swap3A_317] {strides = array<i32>} : memref<4x128xi32, #tpu.memory_space<vmem>>, vector<16xi32>,
    tpu.vector_store %arg11[%swap3A_316, %swap3A_317], %shift_right_logical3A_314 {strides = array<i32>} : memref<4x128xi32, #tpu.memory_space<vmem>>, vector<16xi32>,
    %get3A_319 = arith.constant 3 : i32
    %get3A_320 = arith.index_cast %get3A_319 : i32 to index
    %get3A_321 = arith.constant 80 : index
    %get3A_322 = tpu.vector_load %arg10[%get3A_320, %get3A_321] {strides = array<i32>} : memref<4x128xi32, #tpu.memory_space<vmem>>, vector<16xi32>,
    %shift_right_logical3A_323 = arith.constant 1 : i32
    %shift_right_logical3A_324 = vector.broadcast %shift_right_logical3A_323 : i32 to vector<16xi32>
    %shift_right_logical3A_325 = arith.shrui %get3A_322, %shift_right_logical3A_324 : vector<16xi32>
    %swap3A_326 = arith.constant 3 : i32
    %swap3A_327 = arith.index_cast %swap3A_326 : i32 to index
    %swap3A_328 = arith.constant 80 : index
    %swap3A_329 = tpu.vector_load %arg11[%swap3A_327, %swap3A_328] {strides = array<i32>} : memref<4x128xi32, #tpu.memory_space<vmem>>, vector<16xi32>,
    tpu.vector_store %arg11[%swap3A_327, %swap3A_328], %shift_right_logical3A_325 {strides = array<i32>} : memref<4x128xi32, #tpu.memory_space<vmem>>, vector<16xi32>,
    %get3A_330 = arith.constant 3 : i32
    %get3A_331 = arith.index_cast %get3A_330 : i32 to index
    %get3A_332 = arith.constant 96 : index
    %get3A_333 = tpu.vector_load %arg10[%get3A_331, %get3A_332] {strides = array<i32>} : memref<4x128xi32, #tpu.memory_space<vmem>>, vector<16xi32>,
    %shift_right_logical3A_334 = arith.constant 1 : i32
    %shift_right_logical3A_335 = vector.broadcast %shift_right_logical3A_334 : i32 to vector<16xi32>
    %shift_right_logical3A_336 = arith.shrui %get3A_333, %shift_right_logical3A_335 : vector<16xi32>
    %swap3A_337 = arith.constant 3 : i32
    %swap3A_338 = arith.index_cast %swap3A_337 : i32 to index
    %swap3A_339 = arith.constant 96 : index
    %swap3A_340 = tpu.vector_load %arg11[%swap3A_338, %swap3A_339] {strides = array<i32>} : memref<4x128xi32, #tpu.memory_space<vmem>>, vector<16xi32>,
    tpu.vector_store %arg11[%swap3A_338, %swap3A_339], %shift_right_logical3A_336 {strides = array<i32>} : memref<4x128xi32, #tpu.memory_space<vmem>>, vector<16xi32>,
    %get3A_341 = arith.constant 3 : i32
    %get3A_342 = arith.index_cast %get3A_341 : i32 to index
    %get3A_343 = arith.constant 112 : index
    %get3A_344 = tpu.vector_load %arg10[%get3A_342, %get3A_343] {strides = array<i32>} : memref<4x128xi32, #tpu.memory_space<vmem>>, vector<16xi32>,
    %shift_right_logical3A_345 = arith.constant 1 : i32
    %shift_right_logical3A_346 = vector.broadcast %shift_right_logical3A_345 : i32 to vector<16xi32>
    %shift_right_logical3A_347 = arith.shrui %get3A_344, %shift_right_logical3A_346 : vector<16xi32>
    %swap3A_348 = arith.constant 3 : i32
    %swap3A_349 = arith.index_cast %swap3A_348 : i32 to index
    %swap3A_350 = arith.constant 112 : index
    %swap3A_351 = tpu.vector_load %arg11[%swap3A_349, %swap3A_350] {strides = array<i32>} : memref<4x128xi32, #tpu.memory_space<vmem>>, vector<16xi32>,
    tpu.vector_store %arg11[%swap3A_349, %swap3A_350], %shift_right_logical3A_347 {strides = array<i32>} : memref<4x128xi32, #tpu.memory_space<vmem>>, vector<16xi32>,
    %iota3A = tpu.iota {dimensions = array<i32: 0>} : vector<16xi32>
    %dma_start3A = arith.constant 0 : i32
    %dma_start3A_352 = arith.constant 0 : i32
    %dma_start3A_353 = tpu.memref_slice %arg8[%dma_start3A, %dma_start3A_352] : memref<4x128xi32, #tpu.memory_space<vmem>> -> memref<1x128xi32, #tpu.memory_space<vmem>>
    %dma_start3A_354 = tpu.memref_squeeze %dma_start3A_353 : memref<1x128xi32, #tpu.memory_space<vmem>> -> memref<128xi32, #tpu.memory_space<vmem>>
    %dma_start3A_355 = arith.constant 0 : i32
    %dma_start3A_356 = arith.constant 0 : i32
    %dma_start3A_357 = tpu.memref_slice %arg5[%dma_start3A_355, %dma_start3A_356] : memref<1000000x128xf32, #tpu.memory_space<hbm>> -> memref<1000000x128xf32, #tpu.memory_space<hbm>>
    tpu.enqueue_indirect_dma source(%dma_start3A_357 : memref<1000000x128xf32, #tpu.memory_space<hbm>>) target(%arg12 : memref<128x128xf32, #tpu.memory_space<vmem>>) offsets(%dma_start3A_354 : memref<128xi32, #tpu.memory_space<vmem>>) semaphore(%arg16 : memref<!tpu.dma_semaphore, #tpu.memory_space<semaphore_mem>>)
    %dma_start3A_358 = arith.constant 0 : i32
    %dma_start3A_359 = arith.constant 0 : i32
    %dma_start3A_360 = tpu.memref_slice %arg9[%dma_start3A_358, %dma_start3A_359] : memref<4x128xi32, #tpu.memory_space<vmem>> -> memref<1x128xi32, #tpu.memory_space<vmem>>
    %dma_start3A_361 = tpu.memref_squeeze %dma_start3A_360 : memref<1x128xi32, #tpu.memory_space<vmem>> -> memref<128xi32, #tpu.memory_space<vmem>>
    %dma_start3A_362 = arith.constant 0 : i32
    %dma_start3A_363 = arith.constant 0 : i32
    %dma_start3A_364 = tpu.memref_slice %arg5[%dma_start3A_362, %dma_start3A_363] : memref<1000000x128xf32, #tpu.memory_space<hbm>> -> memref<1000000x128xf32, #tpu.memory_space<hbm>>
    tpu.enqueue_indirect_dma source(%dma_start3A_364 : memref<1000000x128xf32, #tpu.memory_space<hbm>>) target(%arg13 : memref<128x128xf32, #tpu.memory_space<vmem>>) offsets(%dma_start3A_361 : memref<128xi32, #tpu.memory_space<vmem>>) semaphore(%arg16 : memref<!tpu.dma_semaphore, #tpu.memory_space<semaphore_mem>>)
    %dma_start3A_365 = arith.constant 0 : i32
    %dma_start3A_366 = arith.constant 0 : i32
    %dma_start3A_367 = tpu.memref_slice %arg11[%dma_start3A_365, %dma_start3A_366] : memref<4x128xi32, #tpu.memory_space<vmem>> -> memref<1x128xi32, #tpu.memory_space<vmem>>
    %dma_start3A_368 = tpu.memref_squeeze %dma_start3A_367 : memref<1x128xi32, #tpu.memory_space<vmem>> -> memref<128xi32, #tpu.memory_space<vmem>>
    %dma_start3A_369 = arith.constant 0 : i32
    %dma_start3A_370 = arith.constant 0 : i32
    %dma_start3A_371 = tpu.memref_slice %arg6[%dma_start3A_369, %dma_start3A_370] : memref<500x128xf32, #tpu.memory_space<hbm>> -> memref<500x128xf32, #tpu.memory_space<hbm>>
    tpu.enqueue_indirect_dma source(%dma_start3A_371 : memref<500x128xf32, #tpu.memory_space<hbm>>) target(%arg14 : memref<128x128xf32, #tpu.memory_space<vmem>>) offsets(%dma_start3A_368 : memref<128xi32, #tpu.memory_space<vmem>>) semaphore(%arg17 : memref<!tpu.dma_semaphore, #tpu.memory_space<semaphore_mem>>)
    %dma_wait3A = arith.constant 0 : i32
    %dma_wait3A_372 = arith.constant 0 : i32
    %dma_wait3A_373 = tpu.memref_slice %arg8[%dma_wait3A, %dma_wait3A_372] : memref<4x128xi32, #tpu.memory_space<vmem>> -> memref<1x128xi32, #tpu.memory_space<vmem>>
    %dma_wait3A_374 = tpu.memref_squeeze %dma_wait3A_373 : memref<1x128xi32, #tpu.memory_space<vmem>> -> memref<128xi32, #tpu.memory_space<vmem>>
    %dma_wait3A_375 = arith.constant 0 : i32
    %dma_wait3A_376 = arith.constant 0 : i32
    %dma_wait3A_377 = tpu.memref_slice %arg5[%dma_wait3A_375, %dma_wait3A_376] : memref<1000000x128xf32, #tpu.memory_space<hbm>> -> memref<1000000x128xf32, #tpu.memory_space<hbm>>
    tpu.wait_indirect_dma semaphore(%arg16 : memref<!tpu.dma_semaphore, #tpu.memory_space<semaphore_mem>>) src(%dma_wait3A_377 : memref<1000000x128xf32, #tpu.memory_space<hbm>>) dst(%arg12 : memref<128x128xf32, #tpu.memory_space<vmem>>)
    %dma_wait3A_378 = arith.constant 0 : i32
    %dma_wait3A_379 = arith.constant 0 : i32
    %dma_wait3A_380 = tpu.memref_slice %arg9[%dma_wait3A_378, %dma_wait3A_379] : memref<4x128xi32, #tpu.memory_space<vmem>> -> memref<1x128xi32, #tpu.memory_space<vmem>>
    %dma_wait3A_381 = tpu.memref_squeeze %dma_wait3A_380 : memref<1x128xi32, #tpu.memory_space<vmem>> -> memref<128xi32, #tpu.memory_space<vmem>>
    %dma_wait3A_382 = arith.constant 0 : i32
    %dma_wait3A_383 = arith.constant 0 : i32
    %dma_wait3A_384 = tpu.memref_slice %arg5[%dma_wait3A_382, %dma_wait3A_383] : memref<1000000x128xf32, #tpu.memory_space<hbm>> -> memref<1000000x128xf32, #tpu.memory_space<hbm>>
    tpu.wait_indirect_dma semaphore(%arg16 : memref<!tpu.dma_semaphore, #tpu.memory_space<semaphore_mem>>) src(%dma_wait3A_384 : memref<1000000x128xf32, #tpu.memory_space<hbm>>) dst(%arg13 : memref<128x128xf32, #tpu.memory_space<vmem>>)
    %dma_wait3A_385 = arith.constant 0 : i32
    %dma_wait3A_386 = arith.constant 0 : i32
    %dma_wait3A_387 = tpu.memref_slice %arg11[%dma_wait3A_385, %dma_wait3A_386] : memref<4x128xi32, #tpu.memory_space<vmem>> -> memref<1x128xi32, #tpu.memory_space<vmem>>
    %dma_wait3A_388 = tpu.memref_squeeze %dma_wait3A_387 : memref<1x128xi32, #tpu.memory_space<vmem>> -> memref<128xi32, #tpu.memory_space<vmem>>
    %dma_wait3A_389 = arith.constant 0 : i32
    %dma_wait3A_390 = arith.constant 0 : i32
    %dma_wait3A_391 = tpu.memref_slice %arg6[%dma_wait3A_389, %dma_wait3A_390] : memref<500x128xf32, #tpu.memory_space<hbm>> -> memref<500x128xf32, #tpu.memory_space<hbm>>
    tpu.wait_indirect_dma semaphore(%arg17 : memref<!tpu.dma_semaphore, #tpu.memory_space<semaphore_mem>>) src(%dma_wait3A_391 : memref<500x128xf32, #tpu.memory_space<hbm>>) dst(%arg14 : memref<128x128xf32, #tpu.memory_space<vmem>>)
    %add3A_392 = arith.constant 0 : i32
    %add3A_393 = vector.broadcast %add3A_392 : i32 to vector<16xi32>
    %add3A_394 = arith.addi %add3A_393, %iota3A : vector<16xi32>
    %get3A_395 = arith.constant 0 : i32
    %get3A_396 = arith.index_cast %get3A_395 : i32 to index
    %get3A_397 = arith.constant 0 : index
    %get3A_398 = tpu.vector_load %arg10[%get3A_396, %get3A_397] {strides = array<i32>} : memref<4x128xi32, #tpu.memory_space<vmem>>, vector<16xi32>,
    %and3A = arith.constant 1 : i32
    %and3A_399 = vector.broadcast %and3A : i32 to vector<16xi32>
    %and3A_400 = arith.andi %get3A_398, %and3A_399 : vector<16xi32>
    %mul3A_401 = arith.constant 64 : i32
    %mul3A_402 = vector.broadcast %mul3A_401 : i32 to vector<16xi32>
    %mul3A_403 = arith.muli %and3A_400, %mul3A_402 : vector<16xi32>
    %broadcast_in_dim3A = arith.constant 0.000000e+00 : f32
    %broadcast_in_dim3A_404 = vector.broadcast %broadcast_in_dim3A : f32 to vector<16xf32>
    %scan3A = arith.constant 0 : i32
    %scan3A_405 = arith.constant 32 : i32
    %scan3A_406 = arith.addi %scan3A, %scan3A_405 : i32
    %scan3A_407 = arith.constant 1 : i32
    %scan3A_408 = scf.for %scan3A_1348 = %scan3A to %scan3A_406 step %scan3A_407 iter_args(%scan3A_1349 = %broadcast_in_dim3A_404) -> (vector<16xf32>)  : i32 {
      %broadcast_in_dim3A_1350 = arith.constant 0 : i32
      %broadcast_in_dim3A_1351 = vector.broadcast %broadcast_in_dim3A_1350 : i32 to vector<16xi32>
      %add3A_1352 = vector.broadcast %scan3A_1348 : i32 to vector<16xi32>
      %add3A_1353 = arith.addi %broadcast_in_dim3A_1351, %add3A_1352 : vector<16xi32>
      %gather3A = tpu.vector_load_idx %arg12[%add3A_394, %add3A_1353] : memref<128x128xf32, #tpu.memory_space<vmem>>[vector<16xi32>, vector<16xi32>], vector<16xf32>,
      %add3A_1354 = arith.constant 32 : i32
      %add3A_1355 = vector.broadcast %add3A_1354 : i32 to vector<16xi32>
      %add3A_1356 = arith.addi %add3A_1353, %add3A_1355 : vector<16xi32>
      %gather3A_1357 = tpu.vector_load_idx %arg12[%add3A_394, %add3A_1356] : memref<128x128xf32, #tpu.memory_space<vmem>>[vector<16xi32>, vector<16xi32>], vector<16xf32>,
      %gather3A_1358 = tpu.vector_load_idx %arg13[%add3A_394, %add3A_1353] : memref<128x128xf32, #tpu.memory_space<vmem>>[vector<16xi32>, vector<16xi32>], vector<16xf32>,
      %add3A_1359 = arith.constant 32 : i32
      %add3A_1360 = vector.broadcast %add3A_1359 : i32 to vector<16xi32>
      %add3A_1361 = arith.addi %add3A_1353, %add3A_1360 : vector<16xi32>
      %gather3A_1362 = tpu.vector_load_idx %arg13[%add3A_394, %add3A_1361] : memref<128x128xf32, #tpu.memory_space<vmem>>[vector<16xi32>, vector<16xi32>], vector<16xf32>,
      %add3A_1363 = vector.broadcast %scan3A_1348 : i32 to vector<16xi32>
      %add3A_1364 = arith.addi %mul3A_403, %add3A_1363 : vector<16xi32>
      %gather3A_1365 = tpu.vector_load_idx %arg14[%add3A_394, %add3A_1364] : memref<128x128xf32, #tpu.memory_space<vmem>>[vector<16xi32>, vector<16xi32>], vector<16xf32>,
      %add3A_1366 = vector.broadcast %scan3A_1348 : i32 to vector<16xi32>
      %add3A_1367 = arith.addi %mul3A_403, %add3A_1366 : vector<16xi32>
      %add3A_1368 = arith.constant 32 : i32
      %add3A_1369 = vector.broadcast %add3A_1368 : i32 to vector<16xi32>
      %add3A_1370 = arith.addi %add3A_1367, %add3A_1369 : vector<16xi32>
      %gather3A_1371 = tpu.vector_load_idx %arg14[%add3A_394, %add3A_1370] : memref<128x128xf32, #tpu.memory_space<vmem>>[vector<16xi32>, vector<16xi32>], vector<16xf32>,
      %mul3A_1372 = arith.mulf %gather3A, %gather3A_1365 : vector<16xf32>
      %mul3A_1373 = arith.mulf %gather3A_1357, %gather3A_1371 : vector<16xf32>
      %sub3A = arith.subf %mul3A_1372, %mul3A_1373 : vector<16xf32>
      %sub3A_1374 = arith.subf %sub3A, %gather3A_1358 : vector<16xf32>
      %abs3A = math.absf %sub3A_1374 : vector<16xf32>
      %add3A_1375 = arith.addf %scan3A_1349, %abs3A : vector<16xf32>
      %mul3A_1376 = arith.mulf %gather3A, %gather3A_1371 : vector<16xf32>
      %mul3A_1377 = arith.mulf %gather3A_1357, %gather3A_1365 : vector<16xf32>
      %add3A_1378 = arith.addf %mul3A_1376, %mul3A_1377 : vector<16xf32>
      %sub3A_1379 = arith.subf %add3A_1378, %gather3A_1362 : vector<16xf32>
      %abs3A_1380 = math.absf %sub3A_1379 : vector<16xf32>
      %add3A_1381 = arith.addf %add3A_1375, %abs3A_1380 : vector<16xf32>
      scf.yield %add3A_1381 : vector<16xf32>
    }
    %scan3A_409 = arith.constant 32 : i32
    %neg3A = arith.constant 0.000000e+00 : f32
    %neg3A_410 = vector.broadcast %neg3A : f32 to vector<16xf32>
    %neg3A_411 = arith.subf %neg3A_410, %scan3A_408 : vector<16xf32>
    %swap3A_412 = arith.constant 0 : index
    %swap3A_413 = tpu.vector_load %arg15[%swap3A_412] {strides = array<i32>} : memref<512xf32, #tpu.memory_space<vmem>>, vector<16xf32>,
    tpu.vector_store %arg15[%swap3A_412], %neg3A_411 {strides = array<i32>} : memref<512xf32, #tpu.memory_space<vmem>>, vector<16xf32>,
    %add3A_414 = arith.constant 16 : i32
    %add3A_415 = vector.broadcast %add3A_414 : i32 to vector<16xi32>
    %add3A_416 = arith.addi %add3A_415, %iota3A : vector<16xi32>
    %get3A_417 = arith.constant 0 : i32
    %get3A_418 = arith.index_cast %get3A_417 : i32 to index
    %get3A_419 = arith.constant 16 : index
    %get3A_420 = tpu.vector_load %arg10[%get3A_418, %get3A_419] {strides = array<i32>} : memref<4x128xi32, #tpu.memory_space<vmem>>, vector<16xi32>,
    %and3A_421 = arith.constant 1 : i32
    %and3A_422 = vector.broadcast %and3A_421 : i32 to vector<16xi32>
    %and3A_423 = arith.andi %get3A_420, %and3A_422 : vector<16xi32>
    %mul3A_424 = arith.constant 64 : i32
    %mul3A_425 = vector.broadcast %mul3A_424 : i32 to vector<16xi32>
    %mul3A_426 = arith.muli %and3A_423, %mul3A_425 : vector<16xi32>
    %broadcast_in_dim3A_427 = arith.constant 0.000000e+00 : f32
    %broadcast_in_dim3A_428 = vector.broadcast %broadcast_in_dim3A_427 : f32 to vector<16xf32>
    %scan3A_429 = arith.constant 0 : i32
    %scan3A_430 = arith.constant 32 : i32
    %scan3A_431 = arith.addi %scan3A_429, %scan3A_430 : i32
    %scan3A_432 = arith.constant 1 : i32
    %scan3A_433 = scf.for %scan3A_1348 = %scan3A_429 to %scan3A_431 step %scan3A_432 iter_args(%scan3A_1349 = %broadcast_in_dim3A_428) -> (vector<16xf32>)  : i32 {
      %broadcast_in_dim3A_1350 = arith.constant 0 : i32
      %broadcast_in_dim3A_1351 = vector.broadcast %broadcast_in_dim3A_1350 : i32 to vector<16xi32>
      %add3A_1352 = vector.broadcast %scan3A_1348 : i32 to vector<16xi32>
      %add3A_1353 = arith.addi %broadcast_in_dim3A_1351, %add3A_1352 : vector<16xi32>
      %gather3A = tpu.vector_load_idx %arg12[%add3A_416, %add3A_1353] : memref<128x128xf32, #tpu.memory_space<vmem>>[vector<16xi32>, vector<16xi32>], vector<16xf32>,
      %add3A_1354 = arith.constant 32 : i32
      %add3A_1355 = vector.broadcast %add3A_1354 : i32 to vector<16xi32>
      %add3A_1356 = arith.addi %add3A_1353, %add3A_1355 : vector<16xi32>
      %gather3A_1357 = tpu.vector_load_idx %arg12[%add3A_416, %add3A_1356] : memref<128x128xf32, #tpu.memory_space<vmem>>[vector<16xi32>, vector<16xi32>], vector<16xf32>,
      %gather3A_1358 = tpu.vector_load_idx %arg13[%add3A_416, %add3A_1353] : memref<128x128xf32, #tpu.memory_space<vmem>>[vector<16xi32>, vector<16xi32>], vector<16xf32>,
      %add3A_1359 = arith.constant 32 : i32
      %add3A_1360 = vector.broadcast %add3A_1359 : i32 to vector<16xi32>
      %add3A_1361 = arith.addi %add3A_1353, %add3A_1360 : vector<16xi32>
      %gather3A_1362 = tpu.vector_load_idx %arg13[%add3A_416, %add3A_1361] : memref<128x128xf32, #tpu.memory_space<vmem>>[vector<16xi32>, vector<16xi32>], vector<16xf32>,
      %add3A_1363 = vector.broadcast %scan3A_1348 : i32 to vector<16xi32>
      %add3A_1364 = arith.addi %mul3A_426, %add3A_1363 : vector<16xi32>
      %gather3A_1365 = tpu.vector_load_idx %arg14[%add3A_416, %add3A_1364] : memref<128x128xf32, #tpu.memory_space<vmem>>[vector<16xi32>, vector<16xi32>], vector<16xf32>,
      %add3A_1366 = vector.broadcast %scan3A_1348 : i32 to vector<16xi32>
      %add3A_1367 = arith.addi %mul3A_426, %add3A_1366 : vector<16xi32>
      %add3A_1368 = arith.constant 32 : i32
      %add3A_1369 = vector.broadcast %add3A_1368 : i32 to vector<16xi32>
      %add3A_1370 = arith.addi %add3A_1367, %add3A_1369 : vector<16xi32>
      %gather3A_1371 = tpu.vector_load_idx %arg14[%add3A_416, %add3A_1370] : memref<128x128xf32, #tpu.memory_space<vmem>>[vector<16xi32>, vector<16xi32>], vector<16xf32>,
      %mul3A_1372 = arith.mulf %gather3A, %gather3A_1365 : vector<16xf32>
      %mul3A_1373 = arith.mulf %gather3A_1357, %gather3A_1371 : vector<16xf32>
      %sub3A = arith.subf %mul3A_1372, %mul3A_1373 : vector<16xf32>
      %sub3A_1374 = arith.subf %sub3A, %gather3A_1358 : vector<16xf32>
      %abs3A = math.absf %sub3A_1374 : vector<16xf32>
      %add3A_1375 = arith.addf %scan3A_1349, %abs3A : vector<16xf32>
      %mul3A_1376 = arith.mulf %gather3A, %gather3A_1371 : vector<16xf32>
      %mul3A_1377 = arith.mulf %gather3A_1357, %gather3A_1365 : vector<16xf32>
      %add3A_1378 = arith.addf %mul3A_1376, %mul3A_1377 : vector<16xf32>
      %sub3A_1379 = arith.subf %add3A_1378, %gather3A_1362 : vector<16xf32>
      %abs3A_1380 = math.absf %sub3A_1379 : vector<16xf32>
      %add3A_1381 = arith.addf %add3A_1375, %abs3A_1380 : vector<16xf32>
      scf.yield %add3A_1381 : vector<16xf32>
    }
    %scan3A_434 = arith.constant 32 : i32
    %neg3A_435 = arith.constant 0.000000e+00 : f32
    %neg3A_436 = vector.broadcast %neg3A_435 : f32 to vector<16xf32>
    %neg3A_437 = arith.subf %neg3A_436, %scan3A_433 : vector<16xf32>
    %swap3A_438 = arith.constant 16 : index
    %swap3A_439 = tpu.vector_load %arg15[%swap3A_438] {strides = array<i32>} : memref<512xf32, #tpu.memory_space<vmem>>, vector<16xf32>,
    tpu.vector_store %arg15[%swap3A_438], %neg3A_437 {strides = array<i32>} : memref<512xf32, #tpu.memory_space<vmem>>, vector<16xf32>,
    %add3A_440 = arith.constant 32 : i32
    %add3A_441 = vector.broadcast %add3A_440 : i32 to vector<16xi32>
    %add3A_442 = arith.addi %add3A_441, %iota3A : vector<16xi32>
    %get3A_443 = arith.constant 0 : i32
    %get3A_444 = arith.index_cast %get3A_443 : i32 to index
    %get3A_445 = arith.constant 32 : index
    %get3A_446 = tpu.vector_load %arg10[%get3A_444, %get3A_445] {strides = array<i32>} : memref<4x128xi32, #tpu.memory_space<vmem>>, vector<16xi32>,
    %and3A_447 = arith.constant 1 : i32
    %and3A_448 = vector.broadcast %and3A_447 : i32 to vector<16xi32>
    %and3A_449 = arith.andi %get3A_446, %and3A_448 : vector<16xi32>
    %mul3A_450 = arith.constant 64 : i32
    %mul3A_451 = vector.broadcast %mul3A_450 : i32 to vector<16xi32>
    %mul3A_452 = arith.muli %and3A_449, %mul3A_451 : vector<16xi32>
    %broadcast_in_dim3A_453 = arith.constant 0.000000e+00 : f32
    %broadcast_in_dim3A_454 = vector.broadcast %broadcast_in_dim3A_453 : f32 to vector<16xf32>
    %scan3A_455 = arith.constant 0 : i32
    %scan3A_456 = arith.constant 32 : i32
    %scan3A_457 = arith.addi %scan3A_455, %scan3A_456 : i32
    %scan3A_458 = arith.constant 1 : i32
    %scan3A_459 = scf.for %scan3A_1348 = %scan3A_455 to %scan3A_457 step %scan3A_458 iter_args(%scan3A_1349 = %broadcast_in_dim3A_454) -> (vector<16xf32>)  : i32 {
      %broadcast_in_dim3A_1350 = arith.constant 0 : i32
      %broadcast_in_dim3A_1351 = vector.broadcast %broadcast_in_dim3A_1350 : i32 to vector<16xi32>
      %add3A_1352 = vector.broadcast %scan3A_1348 : i32 to vector<16xi32>
      %add3A_1353 = arith.addi %broadcast_in_dim3A_1351, %add3A_1352 : vector<16xi32>
      %gather3A = tpu.vector_load_idx %arg12[%add3A_442, %add3A_1353] : memref<128x128xf32, #tpu.memory_space<vmem>>[vector<16xi32>, vector<16xi32>], vector<16xf32>,
      %add3A_1354 = arith.constant 32 : i32
      %add3A_1355 = vector.broadcast %add3A_1354 : i32 to vector<16xi32>
      %add3A_1356 = arith.addi %add3A_1353, %add3A_1355 : vector<16xi32>
      %gather3A_1357 = tpu.vector_load_idx %arg12[%add3A_442, %add3A_1356] : memref<128x128xf32, #tpu.memory_space<vmem>>[vector<16xi32>, vector<16xi32>], vector<16xf32>,
      %gather3A_1358 = tpu.vector_load_idx %arg13[%add3A_442, %add3A_1353] : memref<128x128xf32, #tpu.memory_space<vmem>>[vector<16xi32>, vector<16xi32>], vector<16xf32>,
      %add3A_1359 = arith.constant 32 : i32
      %add3A_1360 = vector.broadcast %add3A_1359 : i32 to vector<16xi32>
      %add3A_1361 = arith.addi %add3A_1353, %add3A_1360 : vector<16xi32>
      %gather3A_1362 = tpu.vector_load_idx %arg13[%add3A_442, %add3A_1361] : memref<128x128xf32, #tpu.memory_space<vmem>>[vector<16xi32>, vector<16xi32>], vector<16xf32>,
      %add3A_1363 = vector.broadcast %scan3A_1348 : i32 to vector<16xi32>
      %add3A_1364 = arith.addi %mul3A_452, %add3A_1363 : vector<16xi32>
      %gather3A_1365 = tpu.vector_load_idx %arg14[%add3A_442, %add3A_1364] : memref<128x128xf32, #tpu.memory_space<vmem>>[vector<16xi32>, vector<16xi32>], vector<16xf32>,
      %add3A_1366 = vector.broadcast %scan3A_1348 : i32 to vector<16xi32>
      %add3A_1367 = arith.addi %mul3A_452, %add3A_1366 : vector<16xi32>
      %add3A_1368 = arith.constant 32 : i32
      %add3A_1369 = vector.broadcast %add3A_1368 : i32 to vector<16xi32>
      %add3A_1370 = arith.addi %add3A_1367, %add3A_1369 : vector<16xi32>
      %gather3A_1371 = tpu.vector_load_idx %arg14[%add3A_442, %add3A_1370] : memref<128x128xf32, #tpu.memory_space<vmem>>[vector<16xi32>, vector<16xi32>], vector<16xf32>,
      %mul3A_1372 = arith.mulf %gather3A, %gather3A_1365 : vector<16xf32>
      %mul3A_1373 = arith.mulf %gather3A_1357, %gather3A_1371 : vector<16xf32>
      %sub3A = arith.subf %mul3A_1372, %mul3A_1373 : vector<16xf32>
      %sub3A_1374 = arith.subf %sub3A, %gather3A_1358 : vector<16xf32>
      %abs3A = math.absf %sub3A_1374 : vector<16xf32>
      %add3A_1375 = arith.addf %scan3A_1349, %abs3A : vector<16xf32>
      %mul3A_1376 = arith.mulf %gather3A, %gather3A_1371 : vector<16xf32>
      %mul3A_1377 = arith.mulf %gather3A_1357, %gather3A_1365 : vector<16xf32>
      %add3A_1378 = arith.addf %mul3A_1376, %mul3A_1377 : vector<16xf32>
      %sub3A_1379 = arith.subf %add3A_1378, %gather3A_1362 : vector<16xf32>
      %abs3A_1380 = math.absf %sub3A_1379 : vector<16xf32>
      %add3A_1381 = arith.addf %add3A_1375, %abs3A_1380 : vector<16xf32>
      scf.yield %add3A_1381 : vector<16xf32>
    }
    %scan3A_460 = arith.constant 32 : i32
    %neg3A_461 = arith.constant 0.000000e+00 : f32
    %neg3A_462 = vector.broadcast %neg3A_461 : f32 to vector<16xf32>
    %neg3A_463 = arith.subf %neg3A_462, %scan3A_459 : vector<16xf32>
    %swap3A_464 = arith.constant 32 : index
    %swap3A_465 = tpu.vector_load %arg15[%swap3A_464] {strides = array<i32>} : memref<512xf32, #tpu.memory_space<vmem>>, vector<16xf32>,
    tpu.vector_store %arg15[%swap3A_464], %neg3A_463 {strides = array<i32>} : memref<512xf32, #tpu.memory_space<vmem>>, vector<16xf32>,
    %add3A_466 = arith.constant 48 : i32
    %add3A_467 = vector.broadcast %add3A_466 : i32 to vector<16xi32>
    %add3A_468 = arith.addi %add3A_467, %iota3A : vector<16xi32>
    %get3A_469 = arith.constant 0 : i32
    %get3A_470 = arith.index_cast %get3A_469 : i32 to index
    %get3A_471 = arith.constant 48 : index
    %get3A_472 = tpu.vector_load %arg10[%get3A_470, %get3A_471] {strides = array<i32>} : memref<4x128xi32, #tpu.memory_space<vmem>>, vector<16xi32>,
    %and3A_473 = arith.constant 1 : i32
    %and3A_474 = vector.broadcast %and3A_473 : i32 to vector<16xi32>
    %and3A_475 = arith.andi %get3A_472, %and3A_474 : vector<16xi32>
    %mul3A_476 = arith.constant 64 : i32
    %mul3A_477 = vector.broadcast %mul3A_476 : i32 to vector<16xi32>
    %mul3A_478 = arith.muli %and3A_475, %mul3A_477 : vector<16xi32>
    %broadcast_in_dim3A_479 = arith.constant 0.000000e+00 : f32
    %broadcast_in_dim3A_480 = vector.broadcast %broadcast_in_dim3A_479 : f32 to vector<16xf32>
    %scan3A_481 = arith.constant 0 : i32
    %scan3A_482 = arith.constant 32 : i32
    %scan3A_483 = arith.addi %scan3A_481, %scan3A_482 : i32
    %scan3A_484 = arith.constant 1 : i32
    %scan3A_485 = scf.for %scan3A_1348 = %scan3A_481 to %scan3A_483 step %scan3A_484 iter_args(%scan3A_1349 = %broadcast_in_dim3A_480) -> (vector<16xf32>)  : i32 {
      %broadcast_in_dim3A_1350 = arith.constant 0 : i32
      %broadcast_in_dim3A_1351 = vector.broadcast %broadcast_in_dim3A_1350 : i32 to vector<16xi32>
      %add3A_1352 = vector.broadcast %scan3A_1348 : i32 to vector<16xi32>
      %add3A_1353 = arith.addi %broadcast_in_dim3A_1351, %add3A_1352 : vector<16xi32>
      %gather3A = tpu.vector_load_idx %arg12[%add3A_468, %add3A_1353] : memref<128x128xf32, #tpu.memory_space<vmem>>[vector<16xi32>, vector<16xi32>], vector<16xf32>,
      %add3A_1354 = arith.constant 32 : i32
      %add3A_1355 = vector.broadcast %add3A_1354 : i32 to vector<16xi32>
      %add3A_1356 = arith.addi %add3A_1353, %add3A_1355 : vector<16xi32>
      %gather3A_1357 = tpu.vector_load_idx %arg12[%add3A_468, %add3A_1356] : memref<128x128xf32, #tpu.memory_space<vmem>>[vector<16xi32>, vector<16xi32>], vector<16xf32>,
      %gather3A_1358 = tpu.vector_load_idx %arg13[%add3A_468, %add3A_1353] : memref<128x128xf32, #tpu.memory_space<vmem>>[vector<16xi32>, vector<16xi32>], vector<16xf32>,
      %add3A_1359 = arith.constant 32 : i32
      %add3A_1360 = vector.broadcast %add3A_1359 : i32 to vector<16xi32>
      %add3A_1361 = arith.addi %add3A_1353, %add3A_1360 : vector<16xi32>
      %gather3A_1362 = tpu.vector_load_idx %arg13[%add3A_468, %add3A_1361] : memref<128x128xf32, #tpu.memory_space<vmem>>[vector<16xi32>, vector<16xi32>], vector<16xf32>,
      %add3A_1363 = vector.broadcast %scan3A_1348 : i32 to vector<16xi32>
      %add3A_1364 = arith.addi %mul3A_478, %add3A_1363 : vector<16xi32>
      %gather3A_1365 = tpu.vector_load_idx %arg14[%add3A_468, %add3A_1364] : memref<128x128xf32, #tpu.memory_space<vmem>>[vector<16xi32>, vector<16xi32>], vector<16xf32>,
      %add3A_1366 = vector.broadcast %scan3A_1348 : i32 to vector<16xi32>
      %add3A_1367 = arith.addi %mul3A_478, %add3A_1366 : vector<16xi32>
      %add3A_1368 = arith.constant 32 : i32
      %add3A_1369 = vector.broadcast %add3A_1368 : i32 to vector<16xi32>
      %add3A_1370 = arith.addi %add3A_1367, %add3A_1369 : vector<16xi32>
      %gather3A_1371 = tpu.vector_load_idx %arg14[%add3A_468, %add3A_1370] : memref<128x128xf32, #tpu.memory_space<vmem>>[vector<16xi32>, vector<16xi32>], vector<16xf32>,
      %mul3A_1372 = arith.mulf %gather3A, %gather3A_1365 : vector<16xf32>
      %mul3A_1373 = arith.mulf %gather3A_1357, %gather3A_1371 : vector<16xf32>
      %sub3A = arith.subf %mul3A_1372, %mul3A_1373 : vector<16xf32>
      %sub3A_1374 = arith.subf %sub3A, %gather3A_1358 : vector<16xf32>
      %abs3A = math.absf %sub3A_1374 : vector<16xf32>
      %add3A_1375 = arith.addf %scan3A_1349, %abs3A : vector<16xf32>
      %mul3A_1376 = arith.mulf %gather3A, %gather3A_1371 : vector<16xf32>
      %mul3A_1377 = arith.mulf %gather3A_1357, %gather3A_1365 : vector<16xf32>
      %add3A_1378 = arith.addf %mul3A_1376, %mul3A_1377 : vector<16xf32>
      %sub3A_1379 = arith.subf %add3A_1378, %gather3A_1362 : vector<16xf32>
      %abs3A_1380 = math.absf %sub3A_1379 : vector<16xf32>
      %add3A_1381 = arith.addf %add3A_1375, %abs3A_1380 : vector<16xf32>
      scf.yield %add3A_1381 : vector<16xf32>
    }
    %scan3A_486 = arith.constant 32 : i32
    %neg3A_487 = arith.constant 0.000000e+00 : f32
    %neg3A_488 = vector.broadcast %neg3A_487 : f32 to vector<16xf32>
    %neg3A_489 = arith.subf %neg3A_488, %scan3A_485 : vector<16xf32>
    %swap3A_490 = arith.constant 48 : index
    %swap3A_491 = tpu.vector_load %arg15[%swap3A_490] {strides = array<i32>} : memref<512xf32, #tpu.memory_space<vmem>>, vector<16xf32>,
    tpu.vector_store %arg15[%swap3A_490], %neg3A_489 {strides = array<i32>} : memref<512xf32, #tpu.memory_space<vmem>>, vector<16xf32>,
    %add3A_492 = arith.constant 64 : i32
    %add3A_493 = vector.broadcast %add3A_492 : i32 to vector<16xi32>
    %add3A_494 = arith.addi %add3A_493, %iota3A : vector<16xi32>
    %get3A_495 = arith.constant 0 : i32
    %get3A_496 = arith.index_cast %get3A_495 : i32 to index
    %get3A_497 = arith.constant 64 : index
    %get3A_498 = tpu.vector_load %arg10[%get3A_496, %get3A_497] {strides = array<i32>} : memref<4x128xi32, #tpu.memory_space<vmem>>, vector<16xi32>,
    %and3A_499 = arith.constant 1 : i32
    %and3A_500 = vector.broadcast %and3A_499 : i32 to vector<16xi32>
    %and3A_501 = arith.andi %get3A_498, %and3A_500 : vector<16xi32>
    %mul3A_502 = arith.constant 64 : i32
    %mul3A_503 = vector.broadcast %mul3A_502 : i32 to vector<16xi32>
    %mul3A_504 = arith.muli %and3A_501, %mul3A_503 : vector<16xi32>
    %broadcast_in_dim3A_505 = arith.constant 0.000000e+00 : f32
    %broadcast_in_dim3A_506 = vector.broadcast %broadcast_in_dim3A_505 : f32 to vector<16xf32>
    %scan3A_507 = arith.constant 0 : i32
    %scan3A_508 = arith.constant 32 : i32
    %scan3A_509 = arith.addi %scan3A_507, %scan3A_508 : i32
    %scan3A_510 = arith.constant 1 : i32
    %scan3A_511 = scf.for %scan3A_1348 = %scan3A_507 to %scan3A_509 step %scan3A_510 iter_args(%scan3A_1349 = %broadcast_in_dim3A_506) -> (vector<16xf32>)  : i32 {
      %broadcast_in_dim3A_1350 = arith.constant 0 : i32
      %broadcast_in_dim3A_1351 = vector.broadcast %broadcast_in_dim3A_1350 : i32 to vector<16xi32>
      %add3A_1352 = vector.broadcast %scan3A_1348 : i32 to vector<16xi32>
      %add3A_1353 = arith.addi %broadcast_in_dim3A_1351, %add3A_1352 : vector<16xi32>
      %gather3A = tpu.vector_load_idx %arg12[%add3A_494, %add3A_1353] : memref<128x128xf32, #tpu.memory_space<vmem>>[vector<16xi32>, vector<16xi32>], vector<16xf32>,
      %add3A_1354 = arith.constant 32 : i32
      %add3A_1355 = vector.broadcast %add3A_1354 : i32 to vector<16xi32>
      %add3A_1356 = arith.addi %add3A_1353, %add3A_1355 : vector<16xi32>
      %gather3A_1357 = tpu.vector_load_idx %arg12[%add3A_494, %add3A_1356] : memref<128x128xf32, #tpu.memory_space<vmem>>[vector<16xi32>, vector<16xi32>], vector<16xf32>,
      %gather3A_1358 = tpu.vector_load_idx %arg13[%add3A_494, %add3A_1353] : memref<128x128xf32, #tpu.memory_space<vmem>>[vector<16xi32>, vector<16xi32>], vector<16xf32>,
      %add3A_1359 = arith.constant 32 : i32
      %add3A_1360 = vector.broadcast %add3A_1359 : i32 to vector<16xi32>
      %add3A_1361 = arith.addi %add3A_1353, %add3A_1360 : vector<16xi32>
      %gather3A_1362 = tpu.vector_load_idx %arg13[%add3A_494, %add3A_1361] : memref<128x128xf32, #tpu.memory_space<vmem>>[vector<16xi32>, vector<16xi32>], vector<16xf32>,
      %add3A_1363 = vector.broadcast %scan3A_1348 : i32 to vector<16xi32>
      %add3A_1364 = arith.addi %mul3A_504, %add3A_1363 : vector<16xi32>
      %gather3A_1365 = tpu.vector_load_idx %arg14[%add3A_494, %add3A_1364] : memref<128x128xf32, #tpu.memory_space<vmem>>[vector<16xi32>, vector<16xi32>], vector<16xf32>,
      %add3A_1366 = vector.broadcast %scan3A_1348 : i32 to vector<16xi32>
      %add3A_1367 = arith.addi %mul3A_504, %add3A_1366 : vector<16xi32>
      %add3A_1368 = arith.constant 32 : i32
      %add3A_1369 = vector.broadcast %add3A_1368 : i32 to vector<16xi32>
      %add3A_1370 = arith.addi %add3A_1367, %add3A_1369 : vector<16xi32>
      %gather3A_1371 = tpu.vector_load_idx %arg14[%add3A_494, %add3A_1370] : memref<128x128xf32, #tpu.memory_space<vmem>>[vector<16xi32>, vector<16xi32>], vector<16xf32>,
      %mul3A_1372 = arith.mulf %gather3A, %gather3A_1365 : vector<16xf32>
      %mul3A_1373 = arith.mulf %gather3A_1357, %gather3A_1371 : vector<16xf32>
      %sub3A = arith.subf %mul3A_1372, %mul3A_1373 : vector<16xf32>
      %sub3A_1374 = arith.subf %sub3A, %gather3A_1358 : vector<16xf32>
      %abs3A = math.absf %sub3A_1374 : vector<16xf32>
      %add3A_1375 = arith.addf %scan3A_1349, %abs3A : vector<16xf32>
      %mul3A_1376 = arith.mulf %gather3A, %gather3A_1371 : vector<16xf32>
      %mul3A_1377 = arith.mulf %gather3A_1357, %gather3A_1365 : vector<16xf32>
      %add3A_1378 = arith.addf %mul3A_1376, %mul3A_1377 : vector<16xf32>
      %sub3A_1379 = arith.subf %add3A_1378, %gather3A_1362 : vector<16xf32>
      %abs3A_1380 = math.absf %sub3A_1379 : vector<16xf32>
      %add3A_1381 = arith.addf %add3A_1375, %abs3A_1380 : vector<16xf32>
      scf.yield %add3A_1381 : vector<16xf32>
    }
    %scan3A_512 = arith.constant 32 : i32
    %neg3A_513 = arith.constant 0.000000e+00 : f32
    %neg3A_514 = vector.broadcast %neg3A_513 : f32 to vector<16xf32>
    %neg3A_515 = arith.subf %neg3A_514, %scan3A_511 : vector<16xf32>
    %swap3A_516 = arith.constant 64 : index
    %swap3A_517 = tpu.vector_load %arg15[%swap3A_516] {strides = array<i32>} : memref<512xf32, #tpu.memory_space<vmem>>, vector<16xf32>,
    tpu.vector_store %arg15[%swap3A_516], %neg3A_515 {strides = array<i32>} : memref<512xf32, #tpu.memory_space<vmem>>, vector<16xf32>,
    %add3A_518 = arith.constant 80 : i32
    %add3A_519 = vector.broadcast %add3A_518 : i32 to vector<16xi32>
    %add3A_520 = arith.addi %add3A_519, %iota3A : vector<16xi32>
    %get3A_521 = arith.constant 0 : i32
    %get3A_522 = arith.index_cast %get3A_521 : i32 to index
    %get3A_523 = arith.constant 80 : index
    %get3A_524 = tpu.vector_load %arg10[%get3A_522, %get3A_523] {strides = array<i32>} : memref<4x128xi32, #tpu.memory_space<vmem>>, vector<16xi32>,
    %and3A_525 = arith.constant 1 : i32
    %and3A_526 = vector.broadcast %and3A_525 : i32 to vector<16xi32>
    %and3A_527 = arith.andi %get3A_524, %and3A_526 : vector<16xi32>
    %mul3A_528 = arith.constant 64 : i32
    %mul3A_529 = vector.broadcast %mul3A_528 : i32 to vector<16xi32>
    %mul3A_530 = arith.muli %and3A_527, %mul3A_529 : vector<16xi32>
    %broadcast_in_dim3A_531 = arith.constant 0.000000e+00 : f32
    %broadcast_in_dim3A_532 = vector.broadcast %broadcast_in_dim3A_531 : f32 to vector<16xf32>
    %scan3A_533 = arith.constant 0 : i32
    %scan3A_534 = arith.constant 32 : i32
    %scan3A_535 = arith.addi %scan3A_533, %scan3A_534 : i32
    %scan3A_536 = arith.constant 1 : i32
    %scan3A_537 = scf.for %scan3A_1348 = %scan3A_533 to %scan3A_535 step %scan3A_536 iter_args(%scan3A_1349 = %broadcast_in_dim3A_532) -> (vector<16xf32>)  : i32 {
      %broadcast_in_dim3A_1350 = arith.constant 0 : i32
      %broadcast_in_dim3A_1351 = vector.broadcast %broadcast_in_dim3A_1350 : i32 to vector<16xi32>
      %add3A_1352 = vector.broadcast %scan3A_1348 : i32 to vector<16xi32>
      %add3A_1353 = arith.addi %broadcast_in_dim3A_1351, %add3A_1352 : vector<16xi32>
      %gather3A = tpu.vector_load_idx %arg12[%add3A_520, %add3A_1353] : memref<128x128xf32, #tpu.memory_space<vmem>>[vector<16xi32>, vector<16xi32>], vector<16xf32>,
      %add3A_1354 = arith.constant 32 : i32
      %add3A_1355 = vector.broadcast %add3A_1354 : i32 to vector<16xi32>
      %add3A_1356 = arith.addi %add3A_1353, %add3A_1355 : vector<16xi32>
      %gather3A_1357 = tpu.vector_load_idx %arg12[%add3A_520, %add3A_1356] : memref<128x128xf32, #tpu.memory_space<vmem>>[vector<16xi32>, vector<16xi32>], vector<16xf32>,
      %gather3A_1358 = tpu.vector_load_idx %arg13[%add3A_520, %add3A_1353] : memref<128x128xf32, #tpu.memory_space<vmem>>[vector<16xi32>, vector<16xi32>], vector<16xf32>,
      %add3A_1359 = arith.constant 32 : i32
      %add3A_1360 = vector.broadcast %add3A_1359 : i32 to vector<16xi32>
      %add3A_1361 = arith.addi %add3A_1353, %add3A_1360 : vector<16xi32>
      %gather3A_1362 = tpu.vector_load_idx %arg13[%add3A_520, %add3A_1361] : memref<128x128xf32, #tpu.memory_space<vmem>>[vector<16xi32>, vector<16xi32>], vector<16xf32>,
      %add3A_1363 = vector.broadcast %scan3A_1348 : i32 to vector<16xi32>
      %add3A_1364 = arith.addi %mul3A_530, %add3A_1363 : vector<16xi32>
      %gather3A_1365 = tpu.vector_load_idx %arg14[%add3A_520, %add3A_1364] : memref<128x128xf32, #tpu.memory_space<vmem>>[vector<16xi32>, vector<16xi32>], vector<16xf32>,
      %add3A_1366 = vector.broadcast %scan3A_1348 : i32 to vector<16xi32>
      %add3A_1367 = arith.addi %mul3A_530, %add3A_1366 : vector<16xi32>
      %add3A_1368 = arith.constant 32 : i32
      %add3A_1369 = vector.broadcast %add3A_1368 : i32 to vector<16xi32>
      %add3A_1370 = arith.addi %add3A_1367, %add3A_1369 : vector<16xi32>
      %gather3A_1371 = tpu.vector_load_idx %arg14[%add3A_520, %add3A_1370] : memref<128x128xf32, #tpu.memory_space<vmem>>[vector<16xi32>, vector<16xi32>], vector<16xf32>,
      %mul3A_1372 = arith.mulf %gather3A, %gather3A_1365 : vector<16xf32>
      %mul3A_1373 = arith.mulf %gather3A_1357, %gather3A_1371 : vector<16xf32>
      %sub3A = arith.subf %mul3A_1372, %mul3A_1373 : vector<16xf32>
      %sub3A_1374 = arith.subf %sub3A, %gather3A_1358 : vector<16xf32>
      %abs3A = math.absf %sub3A_1374 : vector<16xf32>
      %add3A_1375 = arith.addf %scan3A_1349, %abs3A : vector<16xf32>
      %mul3A_1376 = arith.mulf %gather3A, %gather3A_1371 : vector<16xf32>
      %mul3A_1377 = arith.mulf %gather3A_1357, %gather3A_1365 : vector<16xf32>
      %add3A_1378 = arith.addf %mul3A_1376, %mul3A_1377 : vector<16xf32>
      %sub3A_1379 = arith.subf %add3A_1378, %gather3A_1362 : vector<16xf32>
      %abs3A_1380 = math.absf %sub3A_1379 : vector<16xf32>
      %add3A_1381 = arith.addf %add3A_1375, %abs3A_1380 : vector<16xf32>
      scf.yield %add3A_1381 : vector<16xf32>
    }
    %scan3A_538 = arith.constant 32 : i32
    %neg3A_539 = arith.constant 0.000000e+00 : f32
    %neg3A_540 = vector.broadcast %neg3A_539 : f32 to vector<16xf32>
    %neg3A_541 = arith.subf %neg3A_540, %scan3A_537 : vector<16xf32>
    %swap3A_542 = arith.constant 80 : index
    %swap3A_543 = tpu.vector_load %arg15[%swap3A_542] {strides = array<i32>} : memref<512xf32, #tpu.memory_space<vmem>>, vector<16xf32>,
    tpu.vector_store %arg15[%swap3A_542], %neg3A_541 {strides = array<i32>} : memref<512xf32, #tpu.memory_space<vmem>>, vector<16xf32>,
    %add3A_544 = arith.constant 96 : i32
    %add3A_545 = vector.broadcast %add3A_544 : i32 to vector<16xi32>
    %add3A_546 = arith.addi %add3A_545, %iota3A : vector<16xi32>
    %get3A_547 = arith.constant 0 : i32
    %get3A_548 = arith.index_cast %get3A_547 : i32 to index
    %get3A_549 = arith.constant 96 : index
    %get3A_550 = tpu.vector_load %arg10[%get3A_548, %get3A_549] {strides = array<i32>} : memref<4x128xi32, #tpu.memory_space<vmem>>, vector<16xi32>,
    %and3A_551 = arith.constant 1 : i32
    %and3A_552 = vector.broadcast %and3A_551 : i32 to vector<16xi32>
    %and3A_553 = arith.andi %get3A_550, %and3A_552 : vector<16xi32>
    %mul3A_554 = arith.constant 64 : i32
    %mul3A_555 = vector.broadcast %mul3A_554 : i32 to vector<16xi32>
    %mul3A_556 = arith.muli %and3A_553, %mul3A_555 : vector<16xi32>
    %broadcast_in_dim3A_557 = arith.constant 0.000000e+00 : f32
    %broadcast_in_dim3A_558 = vector.broadcast %broadcast_in_dim3A_557 : f32 to vector<16xf32>
    %scan3A_559 = arith.constant 0 : i32
    %scan3A_560 = arith.constant 32 : i32
    %scan3A_561 = arith.addi %scan3A_559, %scan3A_560 : i32
    %scan3A_562 = arith.constant 1 : i32
    %scan3A_563 = scf.for %scan3A_1348 = %scan3A_559 to %scan3A_561 step %scan3A_562 iter_args(%scan3A_1349 = %broadcast_in_dim3A_558) -> (vector<16xf32>)  : i32 {
      %broadcast_in_dim3A_1350 = arith.constant 0 : i32
      %broadcast_in_dim3A_1351 = vector.broadcast %broadcast_in_dim3A_1350 : i32 to vector<16xi32>
      %add3A_1352 = vector.broadcast %scan3A_1348 : i32 to vector<16xi32>
      %add3A_1353 = arith.addi %broadcast_in_dim3A_1351, %add3A_1352 : vector<16xi32>
      %gather3A = tpu.vector_load_idx %arg12[%add3A_546, %add3A_1353] : memref<128x128xf32, #tpu.memory_space<vmem>>[vector<16xi32>, vector<16xi32>], vector<16xf32>,
      %add3A_1354 = arith.constant 32 : i32
      %add3A_1355 = vector.broadcast %add3A_1354 : i32 to vector<16xi32>
      %add3A_1356 = arith.addi %add3A_1353, %add3A_1355 : vector<16xi32>
      %gather3A_1357 = tpu.vector_load_idx %arg12[%add3A_546, %add3A_1356] : memref<128x128xf32, #tpu.memory_space<vmem>>[vector<16xi32>, vector<16xi32>], vector<16xf32>,
      %gather3A_1358 = tpu.vector_load_idx %arg13[%add3A_546, %add3A_1353] : memref<128x128xf32, #tpu.memory_space<vmem>>[vector<16xi32>, vector<16xi32>], vector<16xf32>,
      %add3A_1359 = arith.constant 32 : i32
      %add3A_1360 = vector.broadcast %add3A_1359 : i32 to vector<16xi32>
      %add3A_1361 = arith.addi %add3A_1353, %add3A_1360 : vector<16xi32>
      %gather3A_1362 = tpu.vector_load_idx %arg13[%add3A_546, %add3A_1361] : memref<128x128xf32, #tpu.memory_space<vmem>>[vector<16xi32>, vector<16xi32>], vector<16xf32>,
      %add3A_1363 = vector.broadcast %scan3A_1348 : i32 to vector<16xi32>
      %add3A_1364 = arith.addi %mul3A_556, %add3A_1363 : vector<16xi32>
      %gather3A_1365 = tpu.vector_load_idx %arg14[%add3A_546, %add3A_1364] : memref<128x128xf32, #tpu.memory_space<vmem>>[vector<16xi32>, vector<16xi32>], vector<16xf32>,
      %add3A_1366 = vector.broadcast %scan3A_1348 : i32 to vector<16xi32>
      %add3A_1367 = arith.addi %mul3A_556, %add3A_1366 : vector<16xi32>
      %add3A_1368 = arith.constant 32 : i32
      %add3A_1369 = vector.broadcast %add3A_1368 : i32 to vector<16xi32>
      %add3A_1370 = arith.addi %add3A_1367, %add3A_1369 : vector<16xi32>
      %gather3A_1371 = tpu.vector_load_idx %arg14[%add3A_546, %add3A_1370] : memref<128x128xf32, #tpu.memory_space<vmem>>[vector<16xi32>, vector<16xi32>], vector<16xf32>,
      %mul3A_1372 = arith.mulf %gather3A, %gather3A_1365 : vector<16xf32>
      %mul3A_1373 = arith.mulf %gather3A_1357, %gather3A_1371 : vector<16xf32>
      %sub3A = arith.subf %mul3A_1372, %mul3A_1373 : vector<16xf32>
      %sub3A_1374 = arith.subf %sub3A, %gather3A_1358 : vector<16xf32>
      %abs3A = math.absf %sub3A_1374 : vector<16xf32>
      %add3A_1375 = arith.addf %scan3A_1349, %abs3A : vector<16xf32>
      %mul3A_1376 = arith.mulf %gather3A, %gather3A_1371 : vector<16xf32>
      %mul3A_1377 = arith.mulf %gather3A_1357, %gather3A_1365 : vector<16xf32>
      %add3A_1378 = arith.addf %mul3A_1376, %mul3A_1377 : vector<16xf32>
      %sub3A_1379 = arith.subf %add3A_1378, %gather3A_1362 : vector<16xf32>
      %abs3A_1380 = math.absf %sub3A_1379 : vector<16xf32>
      %add3A_1381 = arith.addf %add3A_1375, %abs3A_1380 : vector<16xf32>
      scf.yield %add3A_1381 : vector<16xf32>
    }
    %scan3A_564 = arith.constant 32 : i32
    %neg3A_565 = arith.constant 0.000000e+00 : f32
    %neg3A_566 = vector.broadcast %neg3A_565 : f32 to vector<16xf32>
    %neg3A_567 = arith.subf %neg3A_566, %scan3A_563 : vector<16xf32>
    %swap3A_568 = arith.constant 96 : index
    %swap3A_569 = tpu.vector_load %arg15[%swap3A_568] {strides = array<i32>} : memref<512xf32, #tpu.memory_space<vmem>>, vector<16xf32>,
    tpu.vector_store %arg15[%swap3A_568], %neg3A_567 {strides = array<i32>} : memref<512xf32, #tpu.memory_space<vmem>>, vector<16xf32>,
    %add3A_570 = arith.constant 112 : i32
    %add3A_571 = vector.broadcast %add3A_570 : i32 to vector<16xi32>
    %add3A_572 = arith.addi %add3A_571, %iota3A : vector<16xi32>
    %get3A_573 = arith.constant 0 : i32
    %get3A_574 = arith.index_cast %get3A_573 : i32 to index
    %get3A_575 = arith.constant 112 : index
    %get3A_576 = tpu.vector_load %arg10[%get3A_574, %get3A_575] {strides = array<i32>} : memref<4x128xi32, #tpu.memory_space<vmem>>, vector<16xi32>,
    %and3A_577 = arith.constant 1 : i32
    %and3A_578 = vector.broadcast %and3A_577 : i32 to vector<16xi32>
    %and3A_579 = arith.andi %get3A_576, %and3A_578 : vector<16xi32>
    %mul3A_580 = arith.constant 64 : i32
    %mul3A_581 = vector.broadcast %mul3A_580 : i32 to vector<16xi32>
    %mul3A_582 = arith.muli %and3A_579, %mul3A_581 : vector<16xi32>
    %broadcast_in_dim3A_583 = arith.constant 0.000000e+00 : f32
    %broadcast_in_dim3A_584 = vector.broadcast %broadcast_in_dim3A_583 : f32 to vector<16xf32>
    %scan3A_585 = arith.constant 0 : i32
    %scan3A_586 = arith.constant 32 : i32
    %scan3A_587 = arith.addi %scan3A_585, %scan3A_586 : i32
    %scan3A_588 = arith.constant 1 : i32
    %scan3A_589 = scf.for %scan3A_1348 = %scan3A_585 to %scan3A_587 step %scan3A_588 iter_args(%scan3A_1349 = %broadcast_in_dim3A_584) -> (vector<16xf32>)  : i32 {
      %broadcast_in_dim3A_1350 = arith.constant 0 : i32
      %broadcast_in_dim3A_1351 = vector.broadcast %broadcast_in_dim3A_1350 : i32 to vector<16xi32>
      %add3A_1352 = vector.broadcast %scan3A_1348 : i32 to vector<16xi32>
      %add3A_1353 = arith.addi %broadcast_in_dim3A_1351, %add3A_1352 : vector<16xi32>
      %gather3A = tpu.vector_load_idx %arg12[%add3A_572, %add3A_1353] : memref<128x128xf32, #tpu.memory_space<vmem>>[vector<16xi32>, vector<16xi32>], vector<16xf32>,
      %add3A_1354 = arith.constant 32 : i32
      %add3A_1355 = vector.broadcast %add3A_1354 : i32 to vector<16xi32>
      %add3A_1356 = arith.addi %add3A_1353, %add3A_1355 : vector<16xi32>
      %gather3A_1357 = tpu.vector_load_idx %arg12[%add3A_572, %add3A_1356] : memref<128x128xf32, #tpu.memory_space<vmem>>[vector<16xi32>, vector<16xi32>], vector<16xf32>,
      %gather3A_1358 = tpu.vector_load_idx %arg13[%add3A_572, %add3A_1353] : memref<128x128xf32, #tpu.memory_space<vmem>>[vector<16xi32>, vector<16xi32>], vector<16xf32>,
      %add3A_1359 = arith.constant 32 : i32
      %add3A_1360 = vector.broadcast %add3A_1359 : i32 to vector<16xi32>
      %add3A_1361 = arith.addi %add3A_1353, %add3A_1360 : vector<16xi32>
      %gather3A_1362 = tpu.vector_load_idx %arg13[%add3A_572, %add3A_1361] : memref<128x128xf32, #tpu.memory_space<vmem>>[vector<16xi32>, vector<16xi32>], vector<16xf32>,
      %add3A_1363 = vector.broadcast %scan3A_1348 : i32 to vector<16xi32>
      %add3A_1364 = arith.addi %mul3A_582, %add3A_1363 : vector<16xi32>
      %gather3A_1365 = tpu.vector_load_idx %arg14[%add3A_572, %add3A_1364] : memref<128x128xf32, #tpu.memory_space<vmem>>[vector<16xi32>, vector<16xi32>], vector<16xf32>,
      %add3A_1366 = vector.broadcast %scan3A_1348 : i32 to vector<16xi32>
      %add3A_1367 = arith.addi %mul3A_582, %add3A_1366 : vector<16xi32>
      %add3A_1368 = arith.constant 32 : i32
      %add3A_1369 = vector.broadcast %add3A_1368 : i32 to vector<16xi32>
      %add3A_1370 = arith.addi %add3A_1367, %add3A_1369 : vector<16xi32>
      %gather3A_1371 = tpu.vector_load_idx %arg14[%add3A_572, %add3A_1370] : memref<128x128xf32, #tpu.memory_space<vmem>>[vector<16xi32>, vector<16xi32>], vector<16xf32>,
      %mul3A_1372 = arith.mulf %gather3A, %gather3A_1365 : vector<16xf32>
      %mul3A_1373 = arith.mulf %gather3A_1357, %gather3A_1371 : vector<16xf32>
      %sub3A = arith.subf %mul3A_1372, %mul3A_1373 : vector<16xf32>
      %sub3A_1374 = arith.subf %sub3A, %gather3A_1358 : vector<16xf32>
      %abs3A = math.absf %sub3A_1374 : vector<16xf32>
      %add3A_1375 = arith.addf %scan3A_1349, %abs3A : vector<16xf32>
      %mul3A_1376 = arith.mulf %gather3A, %gather3A_1371 : vector<16xf32>
      %mul3A_1377 = arith.mulf %gather3A_1357, %gather3A_1365 : vector<16xf32>
      %add3A_1378 = arith.addf %mul3A_1376, %mul3A_1377 : vector<16xf32>
      %sub3A_1379 = arith.subf %add3A_1378, %gather3A_1362 : vector<16xf32>
      %abs3A_1380 = math.absf %sub3A_1379 : vector<16xf32>
      %add3A_1381 = arith.addf %add3A_1375, %abs3A_1380 : vector<16xf32>
      scf.yield %add3A_1381 : vector<16xf32>
    }
    %scan3A_590 = arith.constant 32 : i32
    %neg3A_591 = arith.constant 0.000000e+00 : f32
    %neg3A_592 = vector.broadcast %neg3A_591 : f32 to vector<16xf32>
    %neg3A_593 = arith.subf %neg3A_592, %scan3A_589 : vector<16xf32>
    %swap3A_594 = arith.constant 112 : index
    %swap3A_595 = tpu.vector_load %arg15[%swap3A_594] {strides = array<i32>} : memref<512xf32, #tpu.memory_space<vmem>>, vector<16xf32>,
    tpu.vector_store %arg15[%swap3A_594], %neg3A_593 {strides = array<i32>} : memref<512xf32, #tpu.memory_space<vmem>>, vector<16xf32>,
    %dma_start3A_596 = arith.constant 1 : i32
    %dma_start3A_597 = arith.constant 0 : i32
    %dma_start3A_598 = tpu.memref_slice %arg8[%dma_start3A_596, %dma_start3A_597] : memref<4x128xi32, #tpu.memory_space<vmem>> -> memref<1x128xi32, #tpu.memory_space<vmem>>
    %dma_start3A_599 = tpu.memref_squeeze %dma_start3A_598 : memref<1x128xi32, #tpu.memory_space<vmem>> -> memref<128xi32, #tpu.memory_space<vmem>>
    %dma_start3A_600 = arith.constant 0 : i32
    %dma_start3A_601 = arith.constant 0 : i32
    %dma_start3A_602 = tpu.memref_slice %arg5[%dma_start3A_600, %dma_start3A_601] : memref<1000000x128xf32, #tpu.memory_space<hbm>> -> memref<1000000x128xf32, #tpu.memory_space<hbm>>
    tpu.enqueue_indirect_dma source(%dma_start3A_602 : memref<1000000x128xf32, #tpu.memory_space<hbm>>) target(%arg12 : memref<128x128xf32, #tpu.memory_space<vmem>>) offsets(%dma_start3A_599 : memref<128xi32, #tpu.memory_space<vmem>>) semaphore(%arg16 : memref<!tpu.dma_semaphore, #tpu.memory_space<semaphore_mem>>)
    %dma_start3A_603 = arith.constant 1 : i32
    %dma_start3A_604 = arith.constant 0 : i32
    %dma_start3A_605 = tpu.memref_slice %arg9[%dma_start3A_603, %dma_start3A_604] : memref<4x128xi32, #tpu.memory_space<vmem>> -> memref<1x128xi32, #tpu.memory_space<vmem>>
    %dma_start3A_606 = tpu.memref_squeeze %dma_start3A_605 : memref<1x128xi32, #tpu.memory_space<vmem>> -> memref<128xi32, #tpu.memory_space<vmem>>
    %dma_start3A_607 = arith.constant 0 : i32
    %dma_start3A_608 = arith.constant 0 : i32
    %dma_start3A_609 = tpu.memref_slice %arg5[%dma_start3A_607, %dma_start3A_608] : memref<1000000x128xf32, #tpu.memory_space<hbm>> -> memref<1000000x128xf32, #tpu.memory_space<hbm>>
    tpu.enqueue_indirect_dma source(%dma_start3A_609 : memref<1000000x128xf32, #tpu.memory_space<hbm>>) target(%arg13 : memref<128x128xf32, #tpu.memory_space<vmem>>) offsets(%dma_start3A_606 : memref<128xi32, #tpu.memory_space<vmem>>) semaphore(%arg16 : memref<!tpu.dma_semaphore, #tpu.memory_space<semaphore_mem>>)
    %dma_start3A_610 = arith.constant 1 : i32
    %dma_start3A_611 = arith.constant 0 : i32
    %dma_start3A_612 = tpu.memref_slice %arg11[%dma_start3A_610, %dma_start3A_611] : memref<4x128xi32, #tpu.memory_space<vmem>> -> memref<1x128xi32, #tpu.memory_space<vmem>>
    %dma_start3A_613 = tpu.memref_squeeze %dma_start3A_612 : memref<1x128xi32, #tpu.memory_space<vmem>> -> memref<128xi32, #tpu.memory_space<vmem>>
    %dma_start3A_614 = arith.constant 0 : i32
    %dma_start3A_615 = arith.constant 0 : i32
    %dma_start3A_616 = tpu.memref_slice %arg6[%dma_start3A_614, %dma_start3A_615] : memref<500x128xf32, #tpu.memory_space<hbm>> -> memref<500x128xf32, #tpu.memory_space<hbm>>
    tpu.enqueue_indirect_dma source(%dma_start3A_616 : memref<500x128xf32, #tpu.memory_space<hbm>>) target(%arg14 : memref<128x128xf32, #tpu.memory_space<vmem>>) offsets(%dma_start3A_613 : memref<128xi32, #tpu.memory_space<vmem>>) semaphore(%arg17 : memref<!tpu.dma_semaphore, #tpu.memory_space<semaphore_mem>>)
    %dma_wait3A_617 = arith.constant 1 : i32
    %dma_wait3A_618 = arith.constant 0 : i32
    %dma_wait3A_619 = tpu.memref_slice %arg8[%dma_wait3A_617, %dma_wait3A_618] : memref<4x128xi32, #tpu.memory_space<vmem>> -> memref<1x128xi32, #tpu.memory_space<vmem>>
    %dma_wait3A_620 = tpu.memref_squeeze %dma_wait3A_619 : memref<1x128xi32, #tpu.memory_space<vmem>> -> memref<128xi32, #tpu.memory_space<vmem>>
    %dma_wait3A_621 = arith.constant 0 : i32
    %dma_wait3A_622 = arith.constant 0 : i32
    %dma_wait3A_623 = tpu.memref_slice %arg5[%dma_wait3A_621, %dma_wait3A_622] : memref<1000000x128xf32, #tpu.memory_space<hbm>> -> memref<1000000x128xf32, #tpu.memory_space<hbm>>
    tpu.wait_indirect_dma semaphore(%arg16 : memref<!tpu.dma_semaphore, #tpu.memory_space<semaphore_mem>>) src(%dma_wait3A_623 : memref<1000000x128xf32, #tpu.memory_space<hbm>>) dst(%arg12 : memref<128x128xf32, #tpu.memory_space<vmem>>)
    %dma_wait3A_624 = arith.constant 1 : i32
    %dma_wait3A_625 = arith.constant 0 : i32
    %dma_wait3A_626 = tpu.memref_slice %arg9[%dma_wait3A_624, %dma_wait3A_625] : memref<4x128xi32, #tpu.memory_space<vmem>> -> memref<1x128xi32, #tpu.memory_space<vmem>>
    %dma_wait3A_627 = tpu.memref_squeeze %dma_wait3A_626 : memref<1x128xi32, #tpu.memory_space<vmem>> -> memref<128xi32, #tpu.memory_space<vmem>>
    %dma_wait3A_628 = arith.constant 0 : i32
    %dma_wait3A_629 = arith.constant 0 : i32
    %dma_wait3A_630 = tpu.memref_slice %arg5[%dma_wait3A_628, %dma_wait3A_629] : memref<1000000x128xf32, #tpu.memory_space<hbm>> -> memref<1000000x128xf32, #tpu.memory_space<hbm>>
    tpu.wait_indirect_dma semaphore(%arg16 : memref<!tpu.dma_semaphore, #tpu.memory_space<semaphore_mem>>) src(%dma_wait3A_630 : memref<1000000x128xf32, #tpu.memory_space<hbm>>) dst(%arg13 : memref<128x128xf32, #tpu.memory_space<vmem>>)
    %dma_wait3A_631 = arith.constant 1 : i32
    %dma_wait3A_632 = arith.constant 0 : i32
    %dma_wait3A_633 = tpu.memref_slice %arg11[%dma_wait3A_631, %dma_wait3A_632] : memref<4x128xi32, #tpu.memory_space<vmem>> -> memref<1x128xi32, #tpu.memory_space<vmem>>
    %dma_wait3A_634 = tpu.memref_squeeze %dma_wait3A_633 : memref<1x128xi32, #tpu.memory_space<vmem>> -> memref<128xi32, #tpu.memory_space<vmem>>
    %dma_wait3A_635 = arith.constant 0 : i32
    %dma_wait3A_636 = arith.constant 0 : i32
    %dma_wait3A_637 = tpu.memref_slice %arg6[%dma_wait3A_635, %dma_wait3A_636] : memref<500x128xf32, #tpu.memory_space<hbm>> -> memref<500x128xf32, #tpu.memory_space<hbm>>
    tpu.wait_indirect_dma semaphore(%arg17 : memref<!tpu.dma_semaphore, #tpu.memory_space<semaphore_mem>>) src(%dma_wait3A_637 : memref<500x128xf32, #tpu.memory_space<hbm>>) dst(%arg14 : memref<128x128xf32, #tpu.memory_space<vmem>>)
    %add3A_638 = arith.constant 0 : i32
    %add3A_639 = vector.broadcast %add3A_638 : i32 to vector<16xi32>
    %add3A_640 = arith.addi %add3A_639, %iota3A : vector<16xi32>
    %get3A_641 = arith.constant 1 : i32
    %get3A_642 = arith.index_cast %get3A_641 : i32 to index
    %get3A_643 = arith.constant 0 : index
    %get3A_644 = tpu.vector_load %arg10[%get3A_642, %get3A_643] {strides = array<i32>} : memref<4x128xi32, #tpu.memory_space<vmem>>, vector<16xi32>,
    %and3A_645 = arith.constant 1 : i32
    %and3A_646 = vector.broadcast %and3A_645 : i32 to vector<16xi32>
    %and3A_647 = arith.andi %get3A_644, %and3A_646 : vector<16xi32>
    %mul3A_648 = arith.constant 64 : i32
    %mul3A_649 = vector.broadcast %mul3A_648 : i32 to vector<16xi32>
    %mul3A_650 = arith.muli %and3A_647, %mul3A_649 : vector<16xi32>
    %broadcast_in_dim3A_651 = arith.constant 0.000000e+00 : f32
    %broadcast_in_dim3A_652 = vector.broadcast %broadcast_in_dim3A_651 : f32 to vector<16xf32>
    %scan3A_653 = arith.constant 0 : i32
    %scan3A_654 = arith.constant 32 : i32
    %scan3A_655 = arith.addi %scan3A_653, %scan3A_654 : i32
    %scan3A_656 = arith.constant 1 : i32
    %scan3A_657 = scf.for %scan3A_1348 = %scan3A_653 to %scan3A_655 step %scan3A_656 iter_args(%scan3A_1349 = %broadcast_in_dim3A_652) -> (vector<16xf32>)  : i32 {
      %broadcast_in_dim3A_1350 = arith.constant 0 : i32
      %broadcast_in_dim3A_1351 = vector.broadcast %broadcast_in_dim3A_1350 : i32 to vector<16xi32>
      %add3A_1352 = vector.broadcast %scan3A_1348 : i32 to vector<16xi32>
      %add3A_1353 = arith.addi %broadcast_in_dim3A_1351, %add3A_1352 : vector<16xi32>
      %gather3A = tpu.vector_load_idx %arg12[%add3A_640, %add3A_1353] : memref<128x128xf32, #tpu.memory_space<vmem>>[vector<16xi32>, vector<16xi32>], vector<16xf32>,
      %add3A_1354 = arith.constant 32 : i32
      %add3A_1355 = vector.broadcast %add3A_1354 : i32 to vector<16xi32>
      %add3A_1356 = arith.addi %add3A_1353, %add3A_1355 : vector<16xi32>
      %gather3A_1357 = tpu.vector_load_idx %arg12[%add3A_640, %add3A_1356] : memref<128x128xf32, #tpu.memory_space<vmem>>[vector<16xi32>, vector<16xi32>], vector<16xf32>,
      %gather3A_1358 = tpu.vector_load_idx %arg13[%add3A_640, %add3A_1353] : memref<128x128xf32, #tpu.memory_space<vmem>>[vector<16xi32>, vector<16xi32>], vector<16xf32>,
      %add3A_1359 = arith.constant 32 : i32
      %add3A_1360 = vector.broadcast %add3A_1359 : i32 to vector<16xi32>
      %add3A_1361 = arith.addi %add3A_1353, %add3A_1360 : vector<16xi32>
      %gather3A_1362 = tpu.vector_load_idx %arg13[%add3A_640, %add3A_1361] : memref<128x128xf32, #tpu.memory_space<vmem>>[vector<16xi32>, vector<16xi32>], vector<16xf32>,
      %add3A_1363 = vector.broadcast %scan3A_1348 : i32 to vector<16xi32>
      %add3A_1364 = arith.addi %mul3A_650, %add3A_1363 : vector<16xi32>
      %gather3A_1365 = tpu.vector_load_idx %arg14[%add3A_640, %add3A_1364] : memref<128x128xf32, #tpu.memory_space<vmem>>[vector<16xi32>, vector<16xi32>], vector<16xf32>,
      %add3A_1366 = vector.broadcast %scan3A_1348 : i32 to vector<16xi32>
      %add3A_1367 = arith.addi %mul3A_650, %add3A_1366 : vector<16xi32>
      %add3A_1368 = arith.constant 32 : i32
      %add3A_1369 = vector.broadcast %add3A_1368 : i32 to vector<16xi32>
      %add3A_1370 = arith.addi %add3A_1367, %add3A_1369 : vector<16xi32>
      %gather3A_1371 = tpu.vector_load_idx %arg14[%add3A_640, %add3A_1370] : memref<128x128xf32, #tpu.memory_space<vmem>>[vector<16xi32>, vector<16xi32>], vector<16xf32>,
      %mul3A_1372 = arith.mulf %gather3A, %gather3A_1365 : vector<16xf32>
      %mul3A_1373 = arith.mulf %gather3A_1357, %gather3A_1371 : vector<16xf32>
      %sub3A = arith.subf %mul3A_1372, %mul3A_1373 : vector<16xf32>
      %sub3A_1374 = arith.subf %sub3A, %gather3A_1358 : vector<16xf32>
      %abs3A = math.absf %sub3A_1374 : vector<16xf32>
      %add3A_1375 = arith.addf %scan3A_1349, %abs3A : vector<16xf32>
      %mul3A_1376 = arith.mulf %gather3A, %gather3A_1371 : vector<16xf32>
      %mul3A_1377 = arith.mulf %gather3A_1357, %gather3A_1365 : vector<16xf32>
      %add3A_1378 = arith.addf %mul3A_1376, %mul3A_1377 : vector<16xf32>
      %sub3A_1379 = arith.subf %add3A_1378, %gather3A_1362 : vector<16xf32>
      %abs3A_1380 = math.absf %sub3A_1379 : vector<16xf32>
      %add3A_1381 = arith.addf %add3A_1375, %abs3A_1380 : vector<16xf32>
      scf.yield %add3A_1381 : vector<16xf32>
    }
    %scan3A_658 = arith.constant 32 : i32
    %neg3A_659 = arith.constant 0.000000e+00 : f32
    %neg3A_660 = vector.broadcast %neg3A_659 : f32 to vector<16xf32>
    %neg3A_661 = arith.subf %neg3A_660, %scan3A_657 : vector<16xf32>
    %swap3A_662 = arith.constant 128 : index
    %swap3A_663 = tpu.vector_load %arg15[%swap3A_662] {strides = array<i32>} : memref<512xf32, #tpu.memory_space<vmem>>, vector<16xf32>,
    tpu.vector_store %arg15[%swap3A_662], %neg3A_661 {strides = array<i32>} : memref<512xf32, #tpu.memory_space<vmem>>, vector<16xf32>,
    %add3A_664 = arith.constant 16 : i32
    %add3A_665 = vector.broadcast %add3A_664 : i32 to vector<16xi32>
    %add3A_666 = arith.addi %add3A_665, %iota3A : vector<16xi32>
    %get3A_667 = arith.constant 1 : i32
    %get3A_668 = arith.index_cast %get3A_667 : i32 to index
    %get3A_669 = arith.constant 16 : index
    %get3A_670 = tpu.vector_load %arg10[%get3A_668, %get3A_669] {strides = array<i32>} : memref<4x128xi32, #tpu.memory_space<vmem>>, vector<16xi32>,
    %and3A_671 = arith.constant 1 : i32
    %and3A_672 = vector.broadcast %and3A_671 : i32 to vector<16xi32>
    %and3A_673 = arith.andi %get3A_670, %and3A_672 : vector<16xi32>
    %mul3A_674 = arith.constant 64 : i32
    %mul3A_675 = vector.broadcast %mul3A_674 : i32 to vector<16xi32>
    %mul3A_676 = arith.muli %and3A_673, %mul3A_675 : vector<16xi32>
    %broadcast_in_dim3A_677 = arith.constant 0.000000e+00 : f32
    %broadcast_in_dim3A_678 = vector.broadcast %broadcast_in_dim3A_677 : f32 to vector<16xf32>
    %scan3A_679 = arith.constant 0 : i32
    %scan3A_680 = arith.constant 32 : i32
    %scan3A_681 = arith.addi %scan3A_679, %scan3A_680 : i32
    %scan3A_682 = arith.constant 1 : i32
    %scan3A_683 = scf.for %scan3A_1348 = %scan3A_679 to %scan3A_681 step %scan3A_682 iter_args(%scan3A_1349 = %broadcast_in_dim3A_678) -> (vector<16xf32>)  : i32 {
      %broadcast_in_dim3A_1350 = arith.constant 0 : i32
      %broadcast_in_dim3A_1351 = vector.broadcast %broadcast_in_dim3A_1350 : i32 to vector<16xi32>
      %add3A_1352 = vector.broadcast %scan3A_1348 : i32 to vector<16xi32>
      %add3A_1353 = arith.addi %broadcast_in_dim3A_1351, %add3A_1352 : vector<16xi32>
      %gather3A = tpu.vector_load_idx %arg12[%add3A_666, %add3A_1353] : memref<128x128xf32, #tpu.memory_space<vmem>>[vector<16xi32>, vector<16xi32>], vector<16xf32>,
      %add3A_1354 = arith.constant 32 : i32
      %add3A_1355 = vector.broadcast %add3A_1354 : i32 to vector<16xi32>
      %add3A_1356 = arith.addi %add3A_1353, %add3A_1355 : vector<16xi32>
      %gather3A_1357 = tpu.vector_load_idx %arg12[%add3A_666, %add3A_1356] : memref<128x128xf32, #tpu.memory_space<vmem>>[vector<16xi32>, vector<16xi32>], vector<16xf32>,
      %gather3A_1358 = tpu.vector_load_idx %arg13[%add3A_666, %add3A_1353] : memref<128x128xf32, #tpu.memory_space<vmem>>[vector<16xi32>, vector<16xi32>], vector<16xf32>,
      %add3A_1359 = arith.constant 32 : i32
      %add3A_1360 = vector.broadcast %add3A_1359 : i32 to vector<16xi32>
      %add3A_1361 = arith.addi %add3A_1353, %add3A_1360 : vector<16xi32>
      %gather3A_1362 = tpu.vector_load_idx %arg13[%add3A_666, %add3A_1361] : memref<128x128xf32, #tpu.memory_space<vmem>>[vector<16xi32>, vector<16xi32>], vector<16xf32>,
      %add3A_1363 = vector.broadcast %scan3A_1348 : i32 to vector<16xi32>
      %add3A_1364 = arith.addi %mul3A_676, %add3A_1363 : vector<16xi32>
      %gather3A_1365 = tpu.vector_load_idx %arg14[%add3A_666, %add3A_1364] : memref<128x128xf32, #tpu.memory_space<vmem>>[vector<16xi32>, vector<16xi32>], vector<16xf32>,
      %add3A_1366 = vector.broadcast %scan3A_1348 : i32 to vector<16xi32>
      %add3A_1367 = arith.addi %mul3A_676, %add3A_1366 : vector<16xi32>
      %add3A_1368 = arith.constant 32 : i32
      %add3A_1369 = vector.broadcast %add3A_1368 : i32 to vector<16xi32>
      %add3A_1370 = arith.addi %add3A_1367, %add3A_1369 : vector<16xi32>
      %gather3A_1371 = tpu.vector_load_idx %arg14[%add3A_666, %add3A_1370] : memref<128x128xf32, #tpu.memory_space<vmem>>[vector<16xi32>, vector<16xi32>], vector<16xf32>,
      %mul3A_1372 = arith.mulf %gather3A, %gather3A_1365 : vector<16xf32>
      %mul3A_1373 = arith.mulf %gather3A_1357, %gather3A_1371 : vector<16xf32>
      %sub3A = arith.subf %mul3A_1372, %mul3A_1373 : vector<16xf32>
      %sub3A_1374 = arith.subf %sub3A, %gather3A_1358 : vector<16xf32>
      %abs3A = math.absf %sub3A_1374 : vector<16xf32>
      %add3A_1375 = arith.addf %scan3A_1349, %abs3A : vector<16xf32>
      %mul3A_1376 = arith.mulf %gather3A, %gather3A_1371 : vector<16xf32>
      %mul3A_1377 = arith.mulf %gather3A_1357, %gather3A_1365 : vector<16xf32>
      %add3A_1378 = arith.addf %mul3A_1376, %mul3A_1377 : vector<16xf32>
      %sub3A_1379 = arith.subf %add3A_1378, %gather3A_1362 : vector<16xf32>
      %abs3A_1380 = math.absf %sub3A_1379 : vector<16xf32>
      %add3A_1381 = arith.addf %add3A_1375, %abs3A_1380 : vector<16xf32>
      scf.yield %add3A_1381 : vector<16xf32>
    }
    %scan3A_684 = arith.constant 32 : i32
    %neg3A_685 = arith.constant 0.000000e+00 : f32
    %neg3A_686 = vector.broadcast %neg3A_685 : f32 to vector<16xf32>
    %neg3A_687 = arith.subf %neg3A_686, %scan3A_683 : vector<16xf32>
    %swap3A_688 = arith.constant 144 : index
    %swap3A_689 = tpu.vector_load %arg15[%swap3A_688] {strides = array<i32>} : memref<512xf32, #tpu.memory_space<vmem>>, vector<16xf32>,
    tpu.vector_store %arg15[%swap3A_688], %neg3A_687 {strides = array<i32>} : memref<512xf32, #tpu.memory_space<vmem>>, vector<16xf32>,
    %add3A_690 = arith.constant 32 : i32
    %add3A_691 = vector.broadcast %add3A_690 : i32 to vector<16xi32>
    %add3A_692 = arith.addi %add3A_691, %iota3A : vector<16xi32>
    %get3A_693 = arith.constant 1 : i32
    %get3A_694 = arith.index_cast %get3A_693 : i32 to index
    %get3A_695 = arith.constant 32 : index
    %get3A_696 = tpu.vector_load %arg10[%get3A_694, %get3A_695] {strides = array<i32>} : memref<4x128xi32, #tpu.memory_space<vmem>>, vector<16xi32>,
    %and3A_697 = arith.constant 1 : i32
    %and3A_698 = vector.broadcast %and3A_697 : i32 to vector<16xi32>
    %and3A_699 = arith.andi %get3A_696, %and3A_698 : vector<16xi32>
    %mul3A_700 = arith.constant 64 : i32
    %mul3A_701 = vector.broadcast %mul3A_700 : i32 to vector<16xi32>
    %mul3A_702 = arith.muli %and3A_699, %mul3A_701 : vector<16xi32>
    %broadcast_in_dim3A_703 = arith.constant 0.000000e+00 : f32
    %broadcast_in_dim3A_704 = vector.broadcast %broadcast_in_dim3A_703 : f32 to vector<16xf32>
    %scan3A_705 = arith.constant 0 : i32
    %scan3A_706 = arith.constant 32 : i32
    %scan3A_707 = arith.addi %scan3A_705, %scan3A_706 : i32
    %scan3A_708 = arith.constant 1 : i32
    %scan3A_709 = scf.for %scan3A_1348 = %scan3A_705 to %scan3A_707 step %scan3A_708 iter_args(%scan3A_1349 = %broadcast_in_dim3A_704) -> (vector<16xf32>)  : i32 {
      %broadcast_in_dim3A_1350 = arith.constant 0 : i32
      %broadcast_in_dim3A_1351 = vector.broadcast %broadcast_in_dim3A_1350 : i32 to vector<16xi32>
      %add3A_1352 = vector.broadcast %scan3A_1348 : i32 to vector<16xi32>
      %add3A_1353 = arith.addi %broadcast_in_dim3A_1351, %add3A_1352 : vector<16xi32>
      %gather3A = tpu.vector_load_idx %arg12[%add3A_692, %add3A_1353] : memref<128x128xf32, #tpu.memory_space<vmem>>[vector<16xi32>, vector<16xi32>], vector<16xf32>,
      %add3A_1354 = arith.constant 32 : i32
      %add3A_1355 = vector.broadcast %add3A_1354 : i32 to vector<16xi32>
      %add3A_1356 = arith.addi %add3A_1353, %add3A_1355 : vector<16xi32>
      %gather3A_1357 = tpu.vector_load_idx %arg12[%add3A_692, %add3A_1356] : memref<128x128xf32, #tpu.memory_space<vmem>>[vector<16xi32>, vector<16xi32>], vector<16xf32>,
      %gather3A_1358 = tpu.vector_load_idx %arg13[%add3A_692, %add3A_1353] : memref<128x128xf32, #tpu.memory_space<vmem>>[vector<16xi32>, vector<16xi32>], vector<16xf32>,
      %add3A_1359 = arith.constant 32 : i32
      %add3A_1360 = vector.broadcast %add3A_1359 : i32 to vector<16xi32>
      %add3A_1361 = arith.addi %add3A_1353, %add3A_1360 : vector<16xi32>
      %gather3A_1362 = tpu.vector_load_idx %arg13[%add3A_692, %add3A_1361] : memref<128x128xf32, #tpu.memory_space<vmem>>[vector<16xi32>, vector<16xi32>], vector<16xf32>,
      %add3A_1363 = vector.broadcast %scan3A_1348 : i32 to vector<16xi32>
      %add3A_1364 = arith.addi %mul3A_702, %add3A_1363 : vector<16xi32>
      %gather3A_1365 = tpu.vector_load_idx %arg14[%add3A_692, %add3A_1364] : memref<128x128xf32, #tpu.memory_space<vmem>>[vector<16xi32>, vector<16xi32>], vector<16xf32>,
      %add3A_1366 = vector.broadcast %scan3A_1348 : i32 to vector<16xi32>
      %add3A_1367 = arith.addi %mul3A_702, %add3A_1366 : vector<16xi32>
      %add3A_1368 = arith.constant 32 : i32
      %add3A_1369 = vector.broadcast %add3A_1368 : i32 to vector<16xi32>
      %add3A_1370 = arith.addi %add3A_1367, %add3A_1369 : vector<16xi32>
      %gather3A_1371 = tpu.vector_load_idx %arg14[%add3A_692, %add3A_1370] : memref<128x128xf32, #tpu.memory_space<vmem>>[vector<16xi32>, vector<16xi32>], vector<16xf32>,
      %mul3A_1372 = arith.mulf %gather3A, %gather3A_1365 : vector<16xf32>
      %mul3A_1373 = arith.mulf %gather3A_1357, %gather3A_1371 : vector<16xf32>
      %sub3A = arith.subf %mul3A_1372, %mul3A_1373 : vector<16xf32>
      %sub3A_1374 = arith.subf %sub3A, %gather3A_1358 : vector<16xf32>
      %abs3A = math.absf %sub3A_1374 : vector<16xf32>
      %add3A_1375 = arith.addf %scan3A_1349, %abs3A : vector<16xf32>
      %mul3A_1376 = arith.mulf %gather3A, %gather3A_1371 : vector<16xf32>
      %mul3A_1377 = arith.mulf %gather3A_1357, %gather3A_1365 : vector<16xf32>
      %add3A_1378 = arith.addf %mul3A_1376, %mul3A_1377 : vector<16xf32>
      %sub3A_1379 = arith.subf %add3A_1378, %gather3A_1362 : vector<16xf32>
      %abs3A_1380 = math.absf %sub3A_1379 : vector<16xf32>
      %add3A_1381 = arith.addf %add3A_1375, %abs3A_1380 : vector<16xf32>
      scf.yield %add3A_1381 : vector<16xf32>
    }
    %scan3A_710 = arith.constant 32 : i32
    %neg3A_711 = arith.constant 0.000000e+00 : f32
    %neg3A_712 = vector.broadcast %neg3A_711 : f32 to vector<16xf32>
    %neg3A_713 = arith.subf %neg3A_712, %scan3A_709 : vector<16xf32>
    %swap3A_714 = arith.constant 160 : index
    %swap3A_715 = tpu.vector_load %arg15[%swap3A_714] {strides = array<i32>} : memref<512xf32, #tpu.memory_space<vmem>>, vector<16xf32>,
    tpu.vector_store %arg15[%swap3A_714], %neg3A_713 {strides = array<i32>} : memref<512xf32, #tpu.memory_space<vmem>>, vector<16xf32>,
    %add3A_716 = arith.constant 48 : i32
    %add3A_717 = vector.broadcast %add3A_716 : i32 to vector<16xi32>
    %add3A_718 = arith.addi %add3A_717, %iota3A : vector<16xi32>
    %get3A_719 = arith.constant 1 : i32
    %get3A_720 = arith.index_cast %get3A_719 : i32 to index
    %get3A_721 = arith.constant 48 : index
    %get3A_722 = tpu.vector_load %arg10[%get3A_720, %get3A_721] {strides = array<i32>} : memref<4x128xi32, #tpu.memory_space<vmem>>, vector<16xi32>,
    %and3A_723 = arith.constant 1 : i32
    %and3A_724 = vector.broadcast %and3A_723 : i32 to vector<16xi32>
    %and3A_725 = arith.andi %get3A_722, %and3A_724 : vector<16xi32>
    %mul3A_726 = arith.constant 64 : i32
    %mul3A_727 = vector.broadcast %mul3A_726 : i32 to vector<16xi32>
    %mul3A_728 = arith.muli %and3A_725, %mul3A_727 : vector<16xi32>
    %broadcast_in_dim3A_729 = arith.constant 0.000000e+00 : f32
    %broadcast_in_dim3A_730 = vector.broadcast %broadcast_in_dim3A_729 : f32 to vector<16xf32>
    %scan3A_731 = arith.constant 0 : i32
    %scan3A_732 = arith.constant 32 : i32
    %scan3A_733 = arith.addi %scan3A_731, %scan3A_732 : i32
    %scan3A_734 = arith.constant 1 : i32
    %scan3A_735 = scf.for %scan3A_1348 = %scan3A_731 to %scan3A_733 step %scan3A_734 iter_args(%scan3A_1349 = %broadcast_in_dim3A_730) -> (vector<16xf32>)  : i32 {
      %broadcast_in_dim3A_1350 = arith.constant 0 : i32
      %broadcast_in_dim3A_1351 = vector.broadcast %broadcast_in_dim3A_1350 : i32 to vector<16xi32>
      %add3A_1352 = vector.broadcast %scan3A_1348 : i32 to vector<16xi32>
      %add3A_1353 = arith.addi %broadcast_in_dim3A_1351, %add3A_1352 : vector<16xi32>
      %gather3A = tpu.vector_load_idx %arg12[%add3A_718, %add3A_1353] : memref<128x128xf32, #tpu.memory_space<vmem>>[vector<16xi32>, vector<16xi32>], vector<16xf32>,
      %add3A_1354 = arith.constant 32 : i32
      %add3A_1355 = vector.broadcast %add3A_1354 : i32 to vector<16xi32>
      %add3A_1356 = arith.addi %add3A_1353, %add3A_1355 : vector<16xi32>
      %gather3A_1357 = tpu.vector_load_idx %arg12[%add3A_718, %add3A_1356] : memref<128x128xf32, #tpu.memory_space<vmem>>[vector<16xi32>, vector<16xi32>], vector<16xf32>,
      %gather3A_1358 = tpu.vector_load_idx %arg13[%add3A_718, %add3A_1353] : memref<128x128xf32, #tpu.memory_space<vmem>>[vector<16xi32>, vector<16xi32>], vector<16xf32>,
      %add3A_1359 = arith.constant 32 : i32
      %add3A_1360 = vector.broadcast %add3A_1359 : i32 to vector<16xi32>
      %add3A_1361 = arith.addi %add3A_1353, %add3A_1360 : vector<16xi32>
      %gather3A_1362 = tpu.vector_load_idx %arg13[%add3A_718, %add3A_1361] : memref<128x128xf32, #tpu.memory_space<vmem>>[vector<16xi32>, vector<16xi32>], vector<16xf32>,
      %add3A_1363 = vector.broadcast %scan3A_1348 : i32 to vector<16xi32>
      %add3A_1364 = arith.addi %mul3A_728, %add3A_1363 : vector<16xi32>
      %gather3A_1365 = tpu.vector_load_idx %arg14[%add3A_718, %add3A_1364] : memref<128x128xf32, #tpu.memory_space<vmem>>[vector<16xi32>, vector<16xi32>], vector<16xf32>,
      %add3A_1366 = vector.broadcast %scan3A_1348 : i32 to vector<16xi32>
      %add3A_1367 = arith.addi %mul3A_728, %add3A_1366 : vector<16xi32>
      %add3A_1368 = arith.constant 32 : i32
      %add3A_1369 = vector.broadcast %add3A_1368 : i32 to vector<16xi32>
      %add3A_1370 = arith.addi %add3A_1367, %add3A_1369 : vector<16xi32>
      %gather3A_1371 = tpu.vector_load_idx %arg14[%add3A_718, %add3A_1370] : memref<128x128xf32, #tpu.memory_space<vmem>>[vector<16xi32>, vector<16xi32>], vector<16xf32>,
      %mul3A_1372 = arith.mulf %gather3A, %gather3A_1365 : vector<16xf32>
      %mul3A_1373 = arith.mulf %gather3A_1357, %gather3A_1371 : vector<16xf32>
      %sub3A = arith.subf %mul3A_1372, %mul3A_1373 : vector<16xf32>
      %sub3A_1374 = arith.subf %sub3A, %gather3A_1358 : vector<16xf32>
      %abs3A = math.absf %sub3A_1374 : vector<16xf32>
      %add3A_1375 = arith.addf %scan3A_1349, %abs3A : vector<16xf32>
      %mul3A_1376 = arith.mulf %gather3A, %gather3A_1371 : vector<16xf32>
      %mul3A_1377 = arith.mulf %gather3A_1357, %gather3A_1365 : vector<16xf32>
      %add3A_1378 = arith.addf %mul3A_1376, %mul3A_1377 : vector<16xf32>
      %sub3A_1379 = arith.subf %add3A_1378, %gather3A_1362 : vector<16xf32>
      %abs3A_1380 = math.absf %sub3A_1379 : vector<16xf32>
      %add3A_1381 = arith.addf %add3A_1375, %abs3A_1380 : vector<16xf32>
      scf.yield %add3A_1381 : vector<16xf32>
    }
    %scan3A_736 = arith.constant 32 : i32
    %neg3A_737 = arith.constant 0.000000e+00 : f32
    %neg3A_738 = vector.broadcast %neg3A_737 : f32 to vector<16xf32>
    %neg3A_739 = arith.subf %neg3A_738, %scan3A_735 : vector<16xf32>
    %swap3A_740 = arith.constant 176 : index
    %swap3A_741 = tpu.vector_load %arg15[%swap3A_740] {strides = array<i32>} : memref<512xf32, #tpu.memory_space<vmem>>, vector<16xf32>,
    tpu.vector_store %arg15[%swap3A_740], %neg3A_739 {strides = array<i32>} : memref<512xf32, #tpu.memory_space<vmem>>, vector<16xf32>,
    %add3A_742 = arith.constant 64 : i32
    %add3A_743 = vector.broadcast %add3A_742 : i32 to vector<16xi32>
    %add3A_744 = arith.addi %add3A_743, %iota3A : vector<16xi32>
    %get3A_745 = arith.constant 1 : i32
    %get3A_746 = arith.index_cast %get3A_745 : i32 to index
    %get3A_747 = arith.constant 64 : index
    %get3A_748 = tpu.vector_load %arg10[%get3A_746, %get3A_747] {strides = array<i32>} : memref<4x128xi32, #tpu.memory_space<vmem>>, vector<16xi32>,
    %and3A_749 = arith.constant 1 : i32
    %and3A_750 = vector.broadcast %and3A_749 : i32 to vector<16xi32>
    %and3A_751 = arith.andi %get3A_748, %and3A_750 : vector<16xi32>
    %mul3A_752 = arith.constant 64 : i32
    %mul3A_753 = vector.broadcast %mul3A_752 : i32 to vector<16xi32>
    %mul3A_754 = arith.muli %and3A_751, %mul3A_753 : vector<16xi32>
    %broadcast_in_dim3A_755 = arith.constant 0.000000e+00 : f32
    %broadcast_in_dim3A_756 = vector.broadcast %broadcast_in_dim3A_755 : f32 to vector<16xf32>
    %scan3A_757 = arith.constant 0 : i32
    %scan3A_758 = arith.constant 32 : i32
    %scan3A_759 = arith.addi %scan3A_757, %scan3A_758 : i32
    %scan3A_760 = arith.constant 1 : i32
    %scan3A_761 = scf.for %scan3A_1348 = %scan3A_757 to %scan3A_759 step %scan3A_760 iter_args(%scan3A_1349 = %broadcast_in_dim3A_756) -> (vector<16xf32>)  : i32 {
      %broadcast_in_dim3A_1350 = arith.constant 0 : i32
      %broadcast_in_dim3A_1351 = vector.broadcast %broadcast_in_dim3A_1350 : i32 to vector<16xi32>
      %add3A_1352 = vector.broadcast %scan3A_1348 : i32 to vector<16xi32>
      %add3A_1353 = arith.addi %broadcast_in_dim3A_1351, %add3A_1352 : vector<16xi32>
      %gather3A = tpu.vector_load_idx %arg12[%add3A_744, %add3A_1353] : memref<128x128xf32, #tpu.memory_space<vmem>>[vector<16xi32>, vector<16xi32>], vector<16xf32>,
      %add3A_1354 = arith.constant 32 : i32
      %add3A_1355 = vector.broadcast %add3A_1354 : i32 to vector<16xi32>
      %add3A_1356 = arith.addi %add3A_1353, %add3A_1355 : vector<16xi32>
      %gather3A_1357 = tpu.vector_load_idx %arg12[%add3A_744, %add3A_1356] : memref<128x128xf32, #tpu.memory_space<vmem>>[vector<16xi32>, vector<16xi32>], vector<16xf32>,
      %gather3A_1358 = tpu.vector_load_idx %arg13[%add3A_744, %add3A_1353] : memref<128x128xf32, #tpu.memory_space<vmem>>[vector<16xi32>, vector<16xi32>], vector<16xf32>,
      %add3A_1359 = arith.constant 32 : i32
      %add3A_1360 = vector.broadcast %add3A_1359 : i32 to vector<16xi32>
      %add3A_1361 = arith.addi %add3A_1353, %add3A_1360 : vector<16xi32>
      %gather3A_1362 = tpu.vector_load_idx %arg13[%add3A_744, %add3A_1361] : memref<128x128xf32, #tpu.memory_space<vmem>>[vector<16xi32>, vector<16xi32>], vector<16xf32>,
      %add3A_1363 = vector.broadcast %scan3A_1348 : i32 to vector<16xi32>
      %add3A_1364 = arith.addi %mul3A_754, %add3A_1363 : vector<16xi32>
      %gather3A_1365 = tpu.vector_load_idx %arg14[%add3A_744, %add3A_1364] : memref<128x128xf32, #tpu.memory_space<vmem>>[vector<16xi32>, vector<16xi32>], vector<16xf32>,
      %add3A_1366 = vector.broadcast %scan3A_1348 : i32 to vector<16xi32>
      %add3A_1367 = arith.addi %mul3A_754, %add3A_1366 : vector<16xi32>
      %add3A_1368 = arith.constant 32 : i32
      %add3A_1369 = vector.broadcast %add3A_1368 : i32 to vector<16xi32>
      %add3A_1370 = arith.addi %add3A_1367, %add3A_1369 : vector<16xi32>
      %gather3A_1371 = tpu.vector_load_idx %arg14[%add3A_744, %add3A_1370] : memref<128x128xf32, #tpu.memory_space<vmem>>[vector<16xi32>, vector<16xi32>], vector<16xf32>,
      %mul3A_1372 = arith.mulf %gather3A, %gather3A_1365 : vector<16xf32>
      %mul3A_1373 = arith.mulf %gather3A_1357, %gather3A_1371 : vector<16xf32>
      %sub3A = arith.subf %mul3A_1372, %mul3A_1373 : vector<16xf32>
      %sub3A_1374 = arith.subf %sub3A, %gather3A_1358 : vector<16xf32>
      %abs3A = math.absf %sub3A_1374 : vector<16xf32>
      %add3A_1375 = arith.addf %scan3A_1349, %abs3A : vector<16xf32>
      %mul3A_1376 = arith.mulf %gather3A, %gather3A_1371 : vector<16xf32>
      %mul3A_1377 = arith.mulf %gather3A_1357, %gather3A_1365 : vector<16xf32>
      %add3A_1378 = arith.addf %mul3A_1376, %mul3A_1377 : vector<16xf32>
      %sub3A_1379 = arith.subf %add3A_1378, %gather3A_1362 : vector<16xf32>
      %abs3A_1380 = math.absf %sub3A_1379 : vector<16xf32>
      %add3A_1381 = arith.addf %add3A_1375, %abs3A_1380 : vector<16xf32>
      scf.yield %add3A_1381 : vector<16xf32>
    }
    %scan3A_762 = arith.constant 32 : i32
    %neg3A_763 = arith.constant 0.000000e+00 : f32
    %neg3A_764 = vector.broadcast %neg3A_763 : f32 to vector<16xf32>
    %neg3A_765 = arith.subf %neg3A_764, %scan3A_761 : vector<16xf32>
    %swap3A_766 = arith.constant 192 : index
    %swap3A_767 = tpu.vector_load %arg15[%swap3A_766] {strides = array<i32>} : memref<512xf32, #tpu.memory_space<vmem>>, vector<16xf32>,
    tpu.vector_store %arg15[%swap3A_766], %neg3A_765 {strides = array<i32>} : memref<512xf32, #tpu.memory_space<vmem>>, vector<16xf32>,
    %add3A_768 = arith.constant 80 : i32
    %add3A_769 = vector.broadcast %add3A_768 : i32 to vector<16xi32>
    %add3A_770 = arith.addi %add3A_769, %iota3A : vector<16xi32>
    %get3A_771 = arith.constant 1 : i32
    %get3A_772 = arith.index_cast %get3A_771 : i32 to index
    %get3A_773 = arith.constant 80 : index
    %get3A_774 = tpu.vector_load %arg10[%get3A_772, %get3A_773] {strides = array<i32>} : memref<4x128xi32, #tpu.memory_space<vmem>>, vector<16xi32>,
    %and3A_775 = arith.constant 1 : i32
    %and3A_776 = vector.broadcast %and3A_775 : i32 to vector<16xi32>
    %and3A_777 = arith.andi %get3A_774, %and3A_776 : vector<16xi32>
    %mul3A_778 = arith.constant 64 : i32
    %mul3A_779 = vector.broadcast %mul3A_778 : i32 to vector<16xi32>
    %mul3A_780 = arith.muli %and3A_777, %mul3A_779 : vector<16xi32>
    %broadcast_in_dim3A_781 = arith.constant 0.000000e+00 : f32
    %broadcast_in_dim3A_782 = vector.broadcast %broadcast_in_dim3A_781 : f32 to vector<16xf32>
    %scan3A_783 = arith.constant 0 : i32
    %scan3A_784 = arith.constant 32 : i32
    %scan3A_785 = arith.addi %scan3A_783, %scan3A_784 : i32
    %scan3A_786 = arith.constant 1 : i32
    %scan3A_787 = scf.for %scan3A_1348 = %scan3A_783 to %scan3A_785 step %scan3A_786 iter_args(%scan3A_1349 = %broadcast_in_dim3A_782) -> (vector<16xf32>)  : i32 {
      %broadcast_in_dim3A_1350 = arith.constant 0 : i32
      %broadcast_in_dim3A_1351 = vector.broadcast %broadcast_in_dim3A_1350 : i32 to vector<16xi32>
      %add3A_1352 = vector.broadcast %scan3A_1348 : i32 to vector<16xi32>
      %add3A_1353 = arith.addi %broadcast_in_dim3A_1351, %add3A_1352 : vector<16xi32>
      %gather3A = tpu.vector_load_idx %arg12[%add3A_770, %add3A_1353] : memref<128x128xf32, #tpu.memory_space<vmem>>[vector<16xi32>, vector<16xi32>], vector<16xf32>,
      %add3A_1354 = arith.constant 32 : i32
      %add3A_1355 = vector.broadcast %add3A_1354 : i32 to vector<16xi32>
      %add3A_1356 = arith.addi %add3A_1353, %add3A_1355 : vector<16xi32>
      %gather3A_1357 = tpu.vector_load_idx %arg12[%add3A_770, %add3A_1356] : memref<128x128xf32, #tpu.memory_space<vmem>>[vector<16xi32>, vector<16xi32>], vector<16xf32>,
      %gather3A_1358 = tpu.vector_load_idx %arg13[%add3A_770, %add3A_1353] : memref<128x128xf32, #tpu.memory_space<vmem>>[vector<16xi32>, vector<16xi32>], vector<16xf32>,
      %add3A_1359 = arith.constant 32 : i32
      %add3A_1360 = vector.broadcast %add3A_1359 : i32 to vector<16xi32>
      %add3A_1361 = arith.addi %add3A_1353, %add3A_1360 : vector<16xi32>
      %gather3A_1362 = tpu.vector_load_idx %arg13[%add3A_770, %add3A_1361] : memref<128x128xf32, #tpu.memory_space<vmem>>[vector<16xi32>, vector<16xi32>], vector<16xf32>,
      %add3A_1363 = vector.broadcast %scan3A_1348 : i32 to vector<16xi32>
      %add3A_1364 = arith.addi %mul3A_780, %add3A_1363 : vector<16xi32>
      %gather3A_1365 = tpu.vector_load_idx %arg14[%add3A_770, %add3A_1364] : memref<128x128xf32, #tpu.memory_space<vmem>>[vector<16xi32>, vector<16xi32>], vector<16xf32>,
      %add3A_1366 = vector.broadcast %scan3A_1348 : i32 to vector<16xi32>
      %add3A_1367 = arith.addi %mul3A_780, %add3A_1366 : vector<16xi32>
      %add3A_1368 = arith.constant 32 : i32
      %add3A_1369 = vector.broadcast %add3A_1368 : i32 to vector<16xi32>
      %add3A_1370 = arith.addi %add3A_1367, %add3A_1369 : vector<16xi32>
      %gather3A_1371 = tpu.vector_load_idx %arg14[%add3A_770, %add3A_1370] : memref<128x128xf32, #tpu.memory_space<vmem>>[vector<16xi32>, vector<16xi32>], vector<16xf32>,
      %mul3A_1372 = arith.mulf %gather3A, %gather3A_1365 : vector<16xf32>
      %mul3A_1373 = arith.mulf %gather3A_1357, %gather3A_1371 : vector<16xf32>
      %sub3A = arith.subf %mul3A_1372, %mul3A_1373 : vector<16xf32>
      %sub3A_1374 = arith.subf %sub3A, %gather3A_1358 : vector<16xf32>
      %abs3A = math.absf %sub3A_1374 : vector<16xf32>
      %add3A_1375 = arith.addf %scan3A_1349, %abs3A : vector<16xf32>
      %mul3A_1376 = arith.mulf %gather3A, %gather3A_1371 : vector<16xf32>
      %mul3A_1377 = arith.mulf %gather3A_1357, %gather3A_1365 : vector<16xf32>
      %add3A_1378 = arith.addf %mul3A_1376, %mul3A_1377 : vector<16xf32>
      %sub3A_1379 = arith.subf %add3A_1378, %gather3A_1362 : vector<16xf32>
      %abs3A_1380 = math.absf %sub3A_1379 : vector<16xf32>
      %add3A_1381 = arith.addf %add3A_1375, %abs3A_1380 : vector<16xf32>
      scf.yield %add3A_1381 : vector<16xf32>
    }
    %scan3A_788 = arith.constant 32 : i32
    %neg3A_789 = arith.constant 0.000000e+00 : f32
    %neg3A_790 = vector.broadcast %neg3A_789 : f32 to vector<16xf32>
    %neg3A_791 = arith.subf %neg3A_790, %scan3A_787 : vector<16xf32>
    %swap3A_792 = arith.constant 208 : index
    %swap3A_793 = tpu.vector_load %arg15[%swap3A_792] {strides = array<i32>} : memref<512xf32, #tpu.memory_space<vmem>>, vector<16xf32>,
    tpu.vector_store %arg15[%swap3A_792], %neg3A_791 {strides = array<i32>} : memref<512xf32, #tpu.memory_space<vmem>>, vector<16xf32>,
    %add3A_794 = arith.constant 96 : i32
    %add3A_795 = vector.broadcast %add3A_794 : i32 to vector<16xi32>
    %add3A_796 = arith.addi %add3A_795, %iota3A : vector<16xi32>
    %get3A_797 = arith.constant 1 : i32
    %get3A_798 = arith.index_cast %get3A_797 : i32 to index
    %get3A_799 = arith.constant 96 : index
    %get3A_800 = tpu.vector_load %arg10[%get3A_798, %get3A_799] {strides = array<i32>} : memref<4x128xi32, #tpu.memory_space<vmem>>, vector<16xi32>,
    %and3A_801 = arith.constant 1 : i32
    %and3A_802 = vector.broadcast %and3A_801 : i32 to vector<16xi32>
    %and3A_803 = arith.andi %get3A_800, %and3A_802 : vector<16xi32>
    %mul3A_804 = arith.constant 64 : i32
    %mul3A_805 = vector.broadcast %mul3A_804 : i32 to vector<16xi32>
    %mul3A_806 = arith.muli %and3A_803, %mul3A_805 : vector<16xi32>
    %broadcast_in_dim3A_807 = arith.constant 0.000000e+00 : f32
    %broadcast_in_dim3A_808 = vector.broadcast %broadcast_in_dim3A_807 : f32 to vector<16xf32>
    %scan3A_809 = arith.constant 0 : i32
    %scan3A_810 = arith.constant 32 : i32
    %scan3A_811 = arith.addi %scan3A_809, %scan3A_810 : i32
    %scan3A_812 = arith.constant 1 : i32
    %scan3A_813 = scf.for %scan3A_1348 = %scan3A_809 to %scan3A_811 step %scan3A_812 iter_args(%scan3A_1349 = %broadcast_in_dim3A_808) -> (vector<16xf32>)  : i32 {
      %broadcast_in_dim3A_1350 = arith.constant 0 : i32
      %broadcast_in_dim3A_1351 = vector.broadcast %broadcast_in_dim3A_1350 : i32 to vector<16xi32>
      %add3A_1352 = vector.broadcast %scan3A_1348 : i32 to vector<16xi32>
      %add3A_1353 = arith.addi %broadcast_in_dim3A_1351, %add3A_1352 : vector<16xi32>
      %gather3A = tpu.vector_load_idx %arg12[%add3A_796, %add3A_1353] : memref<128x128xf32, #tpu.memory_space<vmem>>[vector<16xi32>, vector<16xi32>], vector<16xf32>,
      %add3A_1354 = arith.constant 32 : i32
      %add3A_1355 = vector.broadcast %add3A_1354 : i32 to vector<16xi32>
      %add3A_1356 = arith.addi %add3A_1353, %add3A_1355 : vector<16xi32>
      %gather3A_1357 = tpu.vector_load_idx %arg12[%add3A_796, %add3A_1356] : memref<128x128xf32, #tpu.memory_space<vmem>>[vector<16xi32>, vector<16xi32>], vector<16xf32>,
      %gather3A_1358 = tpu.vector_load_idx %arg13[%add3A_796, %add3A_1353] : memref<128x128xf32, #tpu.memory_space<vmem>>[vector<16xi32>, vector<16xi32>], vector<16xf32>,
      %add3A_1359 = arith.constant 32 : i32
      %add3A_1360 = vector.broadcast %add3A_1359 : i32 to vector<16xi32>
      %add3A_1361 = arith.addi %add3A_1353, %add3A_1360 : vector<16xi32>
      %gather3A_1362 = tpu.vector_load_idx %arg13[%add3A_796, %add3A_1361] : memref<128x128xf32, #tpu.memory_space<vmem>>[vector<16xi32>, vector<16xi32>], vector<16xf32>,
      %add3A_1363 = vector.broadcast %scan3A_1348 : i32 to vector<16xi32>
      %add3A_1364 = arith.addi %mul3A_806, %add3A_1363 : vector<16xi32>
      %gather3A_1365 = tpu.vector_load_idx %arg14[%add3A_796, %add3A_1364] : memref<128x128xf32, #tpu.memory_space<vmem>>[vector<16xi32>, vector<16xi32>], vector<16xf32>,
      %add3A_1366 = vector.broadcast %scan3A_1348 : i32 to vector<16xi32>
      %add3A_1367 = arith.addi %mul3A_806, %add3A_1366 : vector<16xi32>
      %add3A_1368 = arith.constant 32 : i32
      %add3A_1369 = vector.broadcast %add3A_1368 : i32 to vector<16xi32>
      %add3A_1370 = arith.addi %add3A_1367, %add3A_1369 : vector<16xi32>
      %gather3A_1371 = tpu.vector_load_idx %arg14[%add3A_796, %add3A_1370] : memref<128x128xf32, #tpu.memory_space<vmem>>[vector<16xi32>, vector<16xi32>], vector<16xf32>,
      %mul3A_1372 = arith.mulf %gather3A, %gather3A_1365 : vector<16xf32>
      %mul3A_1373 = arith.mulf %gather3A_1357, %gather3A_1371 : vector<16xf32>
      %sub3A = arith.subf %mul3A_1372, %mul3A_1373 : vector<16xf32>
      %sub3A_1374 = arith.subf %sub3A, %gather3A_1358 : vector<16xf32>
      %abs3A = math.absf %sub3A_1374 : vector<16xf32>
      %add3A_1375 = arith.addf %scan3A_1349, %abs3A : vector<16xf32>
      %mul3A_1376 = arith.mulf %gather3A, %gather3A_1371 : vector<16xf32>
      %mul3A_1377 = arith.mulf %gather3A_1357, %gather3A_1365 : vector<16xf32>
      %add3A_1378 = arith.addf %mul3A_1376, %mul3A_1377 : vector<16xf32>
      %sub3A_1379 = arith.subf %add3A_1378, %gather3A_1362 : vector<16xf32>
      %abs3A_1380 = math.absf %sub3A_1379 : vector<16xf32>
      %add3A_1381 = arith.addf %add3A_1375, %abs3A_1380 : vector<16xf32>
      scf.yield %add3A_1381 : vector<16xf32>
    }
    %scan3A_814 = arith.constant 32 : i32
    %neg3A_815 = arith.constant 0.000000e+00 : f32
    %neg3A_816 = vector.broadcast %neg3A_815 : f32 to vector<16xf32>
    %neg3A_817 = arith.subf %neg3A_816, %scan3A_813 : vector<16xf32>
    %swap3A_818 = arith.constant 224 : index
    %swap3A_819 = tpu.vector_load %arg15[%swap3A_818] {strides = array<i32>} : memref<512xf32, #tpu.memory_space<vmem>>, vector<16xf32>,
    tpu.vector_store %arg15[%swap3A_818], %neg3A_817 {strides = array<i32>} : memref<512xf32, #tpu.memory_space<vmem>>, vector<16xf32>,
    %add3A_820 = arith.constant 112 : i32
    %add3A_821 = vector.broadcast %add3A_820 : i32 to vector<16xi32>
    %add3A_822 = arith.addi %add3A_821, %iota3A : vector<16xi32>
    %get3A_823 = arith.constant 1 : i32
    %get3A_824 = arith.index_cast %get3A_823 : i32 to index
    %get3A_825 = arith.constant 112 : index
    %get3A_826 = tpu.vector_load %arg10[%get3A_824, %get3A_825] {strides = array<i32>} : memref<4x128xi32, #tpu.memory_space<vmem>>, vector<16xi32>,
    %and3A_827 = arith.constant 1 : i32
    %and3A_828 = vector.broadcast %and3A_827 : i32 to vector<16xi32>
    %and3A_829 = arith.andi %get3A_826, %and3A_828 : vector<16xi32>
    %mul3A_830 = arith.constant 64 : i32
    %mul3A_831 = vector.broadcast %mul3A_830 : i32 to vector<16xi32>
    %mul3A_832 = arith.muli %and3A_829, %mul3A_831 : vector<16xi32>
    %broadcast_in_dim3A_833 = arith.constant 0.000000e+00 : f32
    %broadcast_in_dim3A_834 = vector.broadcast %broadcast_in_dim3A_833 : f32 to vector<16xf32>
    %scan3A_835 = arith.constant 0 : i32
    %scan3A_836 = arith.constant 32 : i32
    %scan3A_837 = arith.addi %scan3A_835, %scan3A_836 : i32
    %scan3A_838 = arith.constant 1 : i32
    %scan3A_839 = scf.for %scan3A_1348 = %scan3A_835 to %scan3A_837 step %scan3A_838 iter_args(%scan3A_1349 = %broadcast_in_dim3A_834) -> (vector<16xf32>)  : i32 {
      %broadcast_in_dim3A_1350 = arith.constant 0 : i32
      %broadcast_in_dim3A_1351 = vector.broadcast %broadcast_in_dim3A_1350 : i32 to vector<16xi32>
      %add3A_1352 = vector.broadcast %scan3A_1348 : i32 to vector<16xi32>
      %add3A_1353 = arith.addi %broadcast_in_dim3A_1351, %add3A_1352 : vector<16xi32>
      %gather3A = tpu.vector_load_idx %arg12[%add3A_822, %add3A_1353] : memref<128x128xf32, #tpu.memory_space<vmem>>[vector<16xi32>, vector<16xi32>], vector<16xf32>,
      %add3A_1354 = arith.constant 32 : i32
      %add3A_1355 = vector.broadcast %add3A_1354 : i32 to vector<16xi32>
      %add3A_1356 = arith.addi %add3A_1353, %add3A_1355 : vector<16xi32>
      %gather3A_1357 = tpu.vector_load_idx %arg12[%add3A_822, %add3A_1356] : memref<128x128xf32, #tpu.memory_space<vmem>>[vector<16xi32>, vector<16xi32>], vector<16xf32>,
      %gather3A_1358 = tpu.vector_load_idx %arg13[%add3A_822, %add3A_1353] : memref<128x128xf32, #tpu.memory_space<vmem>>[vector<16xi32>, vector<16xi32>], vector<16xf32>,
      %add3A_1359 = arith.constant 32 : i32
      %add3A_1360 = vector.broadcast %add3A_1359 : i32 to vector<16xi32>
      %add3A_1361 = arith.addi %add3A_1353, %add3A_1360 : vector<16xi32>
      %gather3A_1362 = tpu.vector_load_idx %arg13[%add3A_822, %add3A_1361] : memref<128x128xf32, #tpu.memory_space<vmem>>[vector<16xi32>, vector<16xi32>], vector<16xf32>,
      %add3A_1363 = vector.broadcast %scan3A_1348 : i32 to vector<16xi32>
      %add3A_1364 = arith.addi %mul3A_832, %add3A_1363 : vector<16xi32>
      %gather3A_1365 = tpu.vector_load_idx %arg14[%add3A_822, %add3A_1364] : memref<128x128xf32, #tpu.memory_space<vmem>>[vector<16xi32>, vector<16xi32>], vector<16xf32>,
      %add3A_1366 = vector.broadcast %scan3A_1348 : i32 to vector<16xi32>
      %add3A_1367 = arith.addi %mul3A_832, %add3A_1366 : vector<16xi32>
      %add3A_1368 = arith.constant 32 : i32
      %add3A_1369 = vector.broadcast %add3A_1368 : i32 to vector<16xi32>
      %add3A_1370 = arith.addi %add3A_1367, %add3A_1369 : vector<16xi32>
      %gather3A_1371 = tpu.vector_load_idx %arg14[%add3A_822, %add3A_1370] : memref<128x128xf32, #tpu.memory_space<vmem>>[vector<16xi32>, vector<16xi32>], vector<16xf32>,
      %mul3A_1372 = arith.mulf %gather3A, %gather3A_1365 : vector<16xf32>
      %mul3A_1373 = arith.mulf %gather3A_1357, %gather3A_1371 : vector<16xf32>
      %sub3A = arith.subf %mul3A_1372, %mul3A_1373 : vector<16xf32>
      %sub3A_1374 = arith.subf %sub3A, %gather3A_1358 : vector<16xf32>
      %abs3A = math.absf %sub3A_1374 : vector<16xf32>
      %add3A_1375 = arith.addf %scan3A_1349, %abs3A : vector<16xf32>
      %mul3A_1376 = arith.mulf %gather3A, %gather3A_1371 : vector<16xf32>
      %mul3A_1377 = arith.mulf %gather3A_1357, %gather3A_1365 : vector<16xf32>
      %add3A_1378 = arith.addf %mul3A_1376, %mul3A_1377 : vector<16xf32>
      %sub3A_1379 = arith.subf %add3A_1378, %gather3A_1362 : vector<16xf32>
      %abs3A_1380 = math.absf %sub3A_1379 : vector<16xf32>
      %add3A_1381 = arith.addf %add3A_1375, %abs3A_1380 : vector<16xf32>
      scf.yield %add3A_1381 : vector<16xf32>
    }
    %scan3A_840 = arith.constant 32 : i32
    %neg3A_841 = arith.constant 0.000000e+00 : f32
    %neg3A_842 = vector.broadcast %neg3A_841 : f32 to vector<16xf32>
    %neg3A_843 = arith.subf %neg3A_842, %scan3A_839 : vector<16xf32>
    %swap3A_844 = arith.constant 240 : index
    %swap3A_845 = tpu.vector_load %arg15[%swap3A_844] {strides = array<i32>} : memref<512xf32, #tpu.memory_space<vmem>>, vector<16xf32>,
    tpu.vector_store %arg15[%swap3A_844], %neg3A_843 {strides = array<i32>} : memref<512xf32, #tpu.memory_space<vmem>>, vector<16xf32>,
    %dma_start3A_846 = arith.constant 2 : i32
    %dma_start3A_847 = arith.constant 0 : i32
    %dma_start3A_848 = tpu.memref_slice %arg8[%dma_start3A_846, %dma_start3A_847] : memref<4x128xi32, #tpu.memory_space<vmem>> -> memref<1x128xi32, #tpu.memory_space<vmem>>
    %dma_start3A_849 = tpu.memref_squeeze %dma_start3A_848 : memref<1x128xi32, #tpu.memory_space<vmem>> -> memref<128xi32, #tpu.memory_space<vmem>>
    %dma_start3A_850 = arith.constant 0 : i32
    %dma_start3A_851 = arith.constant 0 : i32
    %dma_start3A_852 = tpu.memref_slice %arg5[%dma_start3A_850, %dma_start3A_851] : memref<1000000x128xf32, #tpu.memory_space<hbm>> -> memref<1000000x128xf32, #tpu.memory_space<hbm>>
    tpu.enqueue_indirect_dma source(%dma_start3A_852 : memref<1000000x128xf32, #tpu.memory_space<hbm>>) target(%arg12 : memref<128x128xf32, #tpu.memory_space<vmem>>) offsets(%dma_start3A_849 : memref<128xi32, #tpu.memory_space<vmem>>) semaphore(%arg16 : memref<!tpu.dma_semaphore, #tpu.memory_space<semaphore_mem>>)
    %dma_start3A_853 = arith.constant 2 : i32
    %dma_start3A_854 = arith.constant 0 : i32
    %dma_start3A_855 = tpu.memref_slice %arg9[%dma_start3A_853, %dma_start3A_854] : memref<4x128xi32, #tpu.memory_space<vmem>> -> memref<1x128xi32, #tpu.memory_space<vmem>>
    %dma_start3A_856 = tpu.memref_squeeze %dma_start3A_855 : memref<1x128xi32, #tpu.memory_space<vmem>> -> memref<128xi32, #tpu.memory_space<vmem>>
    %dma_start3A_857 = arith.constant 0 : i32
    %dma_start3A_858 = arith.constant 0 : i32
    %dma_start3A_859 = tpu.memref_slice %arg5[%dma_start3A_857, %dma_start3A_858] : memref<1000000x128xf32, #tpu.memory_space<hbm>> -> memref<1000000x128xf32, #tpu.memory_space<hbm>>
    tpu.enqueue_indirect_dma source(%dma_start3A_859 : memref<1000000x128xf32, #tpu.memory_space<hbm>>) target(%arg13 : memref<128x128xf32, #tpu.memory_space<vmem>>) offsets(%dma_start3A_856 : memref<128xi32, #tpu.memory_space<vmem>>) semaphore(%arg16 : memref<!tpu.dma_semaphore, #tpu.memory_space<semaphore_mem>>)
    %dma_start3A_860 = arith.constant 2 : i32
    %dma_start3A_861 = arith.constant 0 : i32
    %dma_start3A_862 = tpu.memref_slice %arg11[%dma_start3A_860, %dma_start3A_861] : memref<4x128xi32, #tpu.memory_space<vmem>> -> memref<1x128xi32, #tpu.memory_space<vmem>>
    %dma_start3A_863 = tpu.memref_squeeze %dma_start3A_862 : memref<1x128xi32, #tpu.memory_space<vmem>> -> memref<128xi32, #tpu.memory_space<vmem>>
    %dma_start3A_864 = arith.constant 0 : i32
    %dma_start3A_865 = arith.constant 0 : i32
    %dma_start3A_866 = tpu.memref_slice %arg6[%dma_start3A_864, %dma_start3A_865] : memref<500x128xf32, #tpu.memory_space<hbm>> -> memref<500x128xf32, #tpu.memory_space<hbm>>
    tpu.enqueue_indirect_dma source(%dma_start3A_866 : memref<500x128xf32, #tpu.memory_space<hbm>>) target(%arg14 : memref<128x128xf32, #tpu.memory_space<vmem>>) offsets(%dma_start3A_863 : memref<128xi32, #tpu.memory_space<vmem>>) semaphore(%arg17 : memref<!tpu.dma_semaphore, #tpu.memory_space<semaphore_mem>>)
    %dma_wait3A_867 = arith.constant 2 : i32
    %dma_wait3A_868 = arith.constant 0 : i32
    %dma_wait3A_869 = tpu.memref_slice %arg8[%dma_wait3A_867, %dma_wait3A_868] : memref<4x128xi32, #tpu.memory_space<vmem>> -> memref<1x128xi32, #tpu.memory_space<vmem>>
    %dma_wait3A_870 = tpu.memref_squeeze %dma_wait3A_869 : memref<1x128xi32, #tpu.memory_space<vmem>> -> memref<128xi32, #tpu.memory_space<vmem>>
    %dma_wait3A_871 = arith.constant 0 : i32
    %dma_wait3A_872 = arith.constant 0 : i32
    %dma_wait3A_873 = tpu.memref_slice %arg5[%dma_wait3A_871, %dma_wait3A_872] : memref<1000000x128xf32, #tpu.memory_space<hbm>> -> memref<1000000x128xf32, #tpu.memory_space<hbm>>
    tpu.wait_indirect_dma semaphore(%arg16 : memref<!tpu.dma_semaphore, #tpu.memory_space<semaphore_mem>>) src(%dma_wait3A_873 : memref<1000000x128xf32, #tpu.memory_space<hbm>>) dst(%arg12 : memref<128x128xf32, #tpu.memory_space<vmem>>)
    %dma_wait3A_874 = arith.constant 2 : i32
    %dma_wait3A_875 = arith.constant 0 : i32
    %dma_wait3A_876 = tpu.memref_slice %arg9[%dma_wait3A_874, %dma_wait3A_875] : memref<4x128xi32, #tpu.memory_space<vmem>> -> memref<1x128xi32, #tpu.memory_space<vmem>>
    %dma_wait3A_877 = tpu.memref_squeeze %dma_wait3A_876 : memref<1x128xi32, #tpu.memory_space<vmem>> -> memref<128xi32, #tpu.memory_space<vmem>>
    %dma_wait3A_878 = arith.constant 0 : i32
    %dma_wait3A_879 = arith.constant 0 : i32
    %dma_wait3A_880 = tpu.memref_slice %arg5[%dma_wait3A_878, %dma_wait3A_879] : memref<1000000x128xf32, #tpu.memory_space<hbm>> -> memref<1000000x128xf32, #tpu.memory_space<hbm>>
    tpu.wait_indirect_dma semaphore(%arg16 : memref<!tpu.dma_semaphore, #tpu.memory_space<semaphore_mem>>) src(%dma_wait3A_880 : memref<1000000x128xf32, #tpu.memory_space<hbm>>) dst(%arg13 : memref<128x128xf32, #tpu.memory_space<vmem>>)
    %dma_wait3A_881 = arith.constant 2 : i32
    %dma_wait3A_882 = arith.constant 0 : i32
    %dma_wait3A_883 = tpu.memref_slice %arg11[%dma_wait3A_881, %dma_wait3A_882] : memref<4x128xi32, #tpu.memory_space<vmem>> -> memref<1x128xi32, #tpu.memory_space<vmem>>
    %dma_wait3A_884 = tpu.memref_squeeze %dma_wait3A_883 : memref<1x128xi32, #tpu.memory_space<vmem>> -> memref<128xi32, #tpu.memory_space<vmem>>
    %dma_wait3A_885 = arith.constant 0 : i32
    %dma_wait3A_886 = arith.constant 0 : i32
    %dma_wait3A_887 = tpu.memref_slice %arg6[%dma_wait3A_885, %dma_wait3A_886] : memref<500x128xf32, #tpu.memory_space<hbm>> -> memref<500x128xf32, #tpu.memory_space<hbm>>
    tpu.wait_indirect_dma semaphore(%arg17 : memref<!tpu.dma_semaphore, #tpu.memory_space<semaphore_mem>>) src(%dma_wait3A_887 : memref<500x128xf32, #tpu.memory_space<hbm>>) dst(%arg14 : memref<128x128xf32, #tpu.memory_space<vmem>>)
    %add3A_888 = arith.constant 0 : i32
    %add3A_889 = vector.broadcast %add3A_888 : i32 to vector<16xi32>
    %add3A_890 = arith.addi %add3A_889, %iota3A : vector<16xi32>
    %get3A_891 = arith.constant 2 : i32
    %get3A_892 = arith.index_cast %get3A_891 : i32 to index
    %get3A_893 = arith.constant 0 : index
    %get3A_894 = tpu.vector_load %arg10[%get3A_892, %get3A_893] {strides = array<i32>} : memref<4x128xi32, #tpu.memory_space<vmem>>, vector<16xi32>,
    %and3A_895 = arith.constant 1 : i32
    %and3A_896 = vector.broadcast %and3A_895 : i32 to vector<16xi32>
    %and3A_897 = arith.andi %get3A_894, %and3A_896 : vector<16xi32>
    %mul3A_898 = arith.constant 64 : i32
    %mul3A_899 = vector.broadcast %mul3A_898 : i32 to vector<16xi32>
    %mul3A_900 = arith.muli %and3A_897, %mul3A_899 : vector<16xi32>
    %broadcast_in_dim3A_901 = arith.constant 0.000000e+00 : f32
    %broadcast_in_dim3A_902 = vector.broadcast %broadcast_in_dim3A_901 : f32 to vector<16xf32>
    %scan3A_903 = arith.constant 0 : i32
    %scan3A_904 = arith.constant 32 : i32
    %scan3A_905 = arith.addi %scan3A_903, %scan3A_904 : i32
    %scan3A_906 = arith.constant 1 : i32
    %scan3A_907 = scf.for %scan3A_1348 = %scan3A_903 to %scan3A_905 step %scan3A_906 iter_args(%scan3A_1349 = %broadcast_in_dim3A_902) -> (vector<16xf32>)  : i32 {
      %broadcast_in_dim3A_1350 = arith.constant 0 : i32
      %broadcast_in_dim3A_1351 = vector.broadcast %broadcast_in_dim3A_1350 : i32 to vector<16xi32>
      %add3A_1352 = vector.broadcast %scan3A_1348 : i32 to vector<16xi32>
      %add3A_1353 = arith.addi %broadcast_in_dim3A_1351, %add3A_1352 : vector<16xi32>
      %gather3A = tpu.vector_load_idx %arg12[%add3A_890, %add3A_1353] : memref<128x128xf32, #tpu.memory_space<vmem>>[vector<16xi32>, vector<16xi32>], vector<16xf32>,
      %add3A_1354 = arith.constant 32 : i32
      %add3A_1355 = vector.broadcast %add3A_1354 : i32 to vector<16xi32>
      %add3A_1356 = arith.addi %add3A_1353, %add3A_1355 : vector<16xi32>
      %gather3A_1357 = tpu.vector_load_idx %arg12[%add3A_890, %add3A_1356] : memref<128x128xf32, #tpu.memory_space<vmem>>[vector<16xi32>, vector<16xi32>], vector<16xf32>,
      %gather3A_1358 = tpu.vector_load_idx %arg13[%add3A_890, %add3A_1353] : memref<128x128xf32, #tpu.memory_space<vmem>>[vector<16xi32>, vector<16xi32>], vector<16xf32>,
      %add3A_1359 = arith.constant 32 : i32
      %add3A_1360 = vector.broadcast %add3A_1359 : i32 to vector<16xi32>
      %add3A_1361 = arith.addi %add3A_1353, %add3A_1360 : vector<16xi32>
      %gather3A_1362 = tpu.vector_load_idx %arg13[%add3A_890, %add3A_1361] : memref<128x128xf32, #tpu.memory_space<vmem>>[vector<16xi32>, vector<16xi32>], vector<16xf32>,
      %add3A_1363 = vector.broadcast %scan3A_1348 : i32 to vector<16xi32>
      %add3A_1364 = arith.addi %mul3A_900, %add3A_1363 : vector<16xi32>
      %gather3A_1365 = tpu.vector_load_idx %arg14[%add3A_890, %add3A_1364] : memref<128x128xf32, #tpu.memory_space<vmem>>[vector<16xi32>, vector<16xi32>], vector<16xf32>,
      %add3A_1366 = vector.broadcast %scan3A_1348 : i32 to vector<16xi32>
      %add3A_1367 = arith.addi %mul3A_900, %add3A_1366 : vector<16xi32>
      %add3A_1368 = arith.constant 32 : i32
      %add3A_1369 = vector.broadcast %add3A_1368 : i32 to vector<16xi32>
      %add3A_1370 = arith.addi %add3A_1367, %add3A_1369 : vector<16xi32>
      %gather3A_1371 = tpu.vector_load_idx %arg14[%add3A_890, %add3A_1370] : memref<128x128xf32, #tpu.memory_space<vmem>>[vector<16xi32>, vector<16xi32>], vector<16xf32>,
      %mul3A_1372 = arith.mulf %gather3A, %gather3A_1365 : vector<16xf32>
      %mul3A_1373 = arith.mulf %gather3A_1357, %gather3A_1371 : vector<16xf32>
      %sub3A = arith.subf %mul3A_1372, %mul3A_1373 : vector<16xf32>
      %sub3A_1374 = arith.subf %sub3A, %gather3A_1358 : vector<16xf32>
      %abs3A = math.absf %sub3A_1374 : vector<16xf32>
      %add3A_1375 = arith.addf %scan3A_1349, %abs3A : vector<16xf32>
      %mul3A_1376 = arith.mulf %gather3A, %gather3A_1371 : vector<16xf32>
      %mul3A_1377 = arith.mulf %gather3A_1357, %gather3A_1365 : vector<16xf32>
      %add3A_1378 = arith.addf %mul3A_1376, %mul3A_1377 : vector<16xf32>
      %sub3A_1379 = arith.subf %add3A_1378, %gather3A_1362 : vector<16xf32>
      %abs3A_1380 = math.absf %sub3A_1379 : vector<16xf32>
      %add3A_1381 = arith.addf %add3A_1375, %abs3A_1380 : vector<16xf32>
      scf.yield %add3A_1381 : vector<16xf32>
    }
    %scan3A_908 = arith.constant 32 : i32
    %neg3A_909 = arith.constant 0.000000e+00 : f32
    %neg3A_910 = vector.broadcast %neg3A_909 : f32 to vector<16xf32>
    %neg3A_911 = arith.subf %neg3A_910, %scan3A_907 : vector<16xf32>
    %swap3A_912 = arith.constant 256 : index
    %swap3A_913 = tpu.vector_load %arg15[%swap3A_912] {strides = array<i32>} : memref<512xf32, #tpu.memory_space<vmem>>, vector<16xf32>,
    tpu.vector_store %arg15[%swap3A_912], %neg3A_911 {strides = array<i32>} : memref<512xf32, #tpu.memory_space<vmem>>, vector<16xf32>,
    %add3A_914 = arith.constant 16 : i32
    %add3A_915 = vector.broadcast %add3A_914 : i32 to vector<16xi32>
    %add3A_916 = arith.addi %add3A_915, %iota3A : vector<16xi32>
    %get3A_917 = arith.constant 2 : i32
    %get3A_918 = arith.index_cast %get3A_917 : i32 to index
    %get3A_919 = arith.constant 16 : index
    %get3A_920 = tpu.vector_load %arg10[%get3A_918, %get3A_919] {strides = array<i32>} : memref<4x128xi32, #tpu.memory_space<vmem>>, vector<16xi32>,
    %and3A_921 = arith.constant 1 : i32
    %and3A_922 = vector.broadcast %and3A_921 : i32 to vector<16xi32>
    %and3A_923 = arith.andi %get3A_920, %and3A_922 : vector<16xi32>
    %mul3A_924 = arith.constant 64 : i32
    %mul3A_925 = vector.broadcast %mul3A_924 : i32 to vector<16xi32>
    %mul3A_926 = arith.muli %and3A_923, %mul3A_925 : vector<16xi32>
    %broadcast_in_dim3A_927 = arith.constant 0.000000e+00 : f32
    %broadcast_in_dim3A_928 = vector.broadcast %broadcast_in_dim3A_927 : f32 to vector<16xf32>
    %scan3A_929 = arith.constant 0 : i32
    %scan3A_930 = arith.constant 32 : i32
    %scan3A_931 = arith.addi %scan3A_929, %scan3A_930 : i32
    %scan3A_932 = arith.constant 1 : i32
    %scan3A_933 = scf.for %scan3A_1348 = %scan3A_929 to %scan3A_931 step %scan3A_932 iter_args(%scan3A_1349 = %broadcast_in_dim3A_928) -> (vector<16xf32>)  : i32 {
      %broadcast_in_dim3A_1350 = arith.constant 0 : i32
      %broadcast_in_dim3A_1351 = vector.broadcast %broadcast_in_dim3A_1350 : i32 to vector<16xi32>
      %add3A_1352 = vector.broadcast %scan3A_1348 : i32 to vector<16xi32>
      %add3A_1353 = arith.addi %broadcast_in_dim3A_1351, %add3A_1352 : vector<16xi32>
      %gather3A = tpu.vector_load_idx %arg12[%add3A_916, %add3A_1353] : memref<128x128xf32, #tpu.memory_space<vmem>>[vector<16xi32>, vector<16xi32>], vector<16xf32>,
      %add3A_1354 = arith.constant 32 : i32
      %add3A_1355 = vector.broadcast %add3A_1354 : i32 to vector<16xi32>
      %add3A_1356 = arith.addi %add3A_1353, %add3A_1355 : vector<16xi32>
      %gather3A_1357 = tpu.vector_load_idx %arg12[%add3A_916, %add3A_1356] : memref<128x128xf32, #tpu.memory_space<vmem>>[vector<16xi32>, vector<16xi32>], vector<16xf32>,
      %gather3A_1358 = tpu.vector_load_idx %arg13[%add3A_916, %add3A_1353] : memref<128x128xf32, #tpu.memory_space<vmem>>[vector<16xi32>, vector<16xi32>], vector<16xf32>,
      %add3A_1359 = arith.constant 32 : i32
      %add3A_1360 = vector.broadcast %add3A_1359 : i32 to vector<16xi32>
      %add3A_1361 = arith.addi %add3A_1353, %add3A_1360 : vector<16xi32>
      %gather3A_1362 = tpu.vector_load_idx %arg13[%add3A_916, %add3A_1361] : memref<128x128xf32, #tpu.memory_space<vmem>>[vector<16xi32>, vector<16xi32>], vector<16xf32>,
      %add3A_1363 = vector.broadcast %scan3A_1348 : i32 to vector<16xi32>
      %add3A_1364 = arith.addi %mul3A_926, %add3A_1363 : vector<16xi32>
      %gather3A_1365 = tpu.vector_load_idx %arg14[%add3A_916, %add3A_1364] : memref<128x128xf32, #tpu.memory_space<vmem>>[vector<16xi32>, vector<16xi32>], vector<16xf32>,
      %add3A_1366 = vector.broadcast %scan3A_1348 : i32 to vector<16xi32>
      %add3A_1367 = arith.addi %mul3A_926, %add3A_1366 : vector<16xi32>
      %add3A_1368 = arith.constant 32 : i32
      %add3A_1369 = vector.broadcast %add3A_1368 : i32 to vector<16xi32>
      %add3A_1370 = arith.addi %add3A_1367, %add3A_1369 : vector<16xi32>
      %gather3A_1371 = tpu.vector_load_idx %arg14[%add3A_916, %add3A_1370] : memref<128x128xf32, #tpu.memory_space<vmem>>[vector<16xi32>, vector<16xi32>], vector<16xf32>,
      %mul3A_1372 = arith.mulf %gather3A, %gather3A_1365 : vector<16xf32>
      %mul3A_1373 = arith.mulf %gather3A_1357, %gather3A_1371 : vector<16xf32>
      %sub3A = arith.subf %mul3A_1372, %mul3A_1373 : vector<16xf32>
      %sub3A_1374 = arith.subf %sub3A, %gather3A_1358 : vector<16xf32>
      %abs3A = math.absf %sub3A_1374 : vector<16xf32>
      %add3A_1375 = arith.addf %scan3A_1349, %abs3A : vector<16xf32>
      %mul3A_1376 = arith.mulf %gather3A, %gather3A_1371 : vector<16xf32>
      %mul3A_1377 = arith.mulf %gather3A_1357, %gather3A_1365 : vector<16xf32>
      %add3A_1378 = arith.addf %mul3A_1376, %mul3A_1377 : vector<16xf32>
      %sub3A_1379 = arith.subf %add3A_1378, %gather3A_1362 : vector<16xf32>
      %abs3A_1380 = math.absf %sub3A_1379 : vector<16xf32>
      %add3A_1381 = arith.addf %add3A_1375, %abs3A_1380 : vector<16xf32>
      scf.yield %add3A_1381 : vector<16xf32>
    }
    %scan3A_934 = arith.constant 32 : i32
    %neg3A_935 = arith.constant 0.000000e+00 : f32
    %neg3A_936 = vector.broadcast %neg3A_935 : f32 to vector<16xf32>
    %neg3A_937 = arith.subf %neg3A_936, %scan3A_933 : vector<16xf32>
    %swap3A_938 = arith.constant 272 : index
    %swap3A_939 = tpu.vector_load %arg15[%swap3A_938] {strides = array<i32>} : memref<512xf32, #tpu.memory_space<vmem>>, vector<16xf32>,
    tpu.vector_store %arg15[%swap3A_938], %neg3A_937 {strides = array<i32>} : memref<512xf32, #tpu.memory_space<vmem>>, vector<16xf32>,
    %add3A_940 = arith.constant 32 : i32
    %add3A_941 = vector.broadcast %add3A_940 : i32 to vector<16xi32>
    %add3A_942 = arith.addi %add3A_941, %iota3A : vector<16xi32>
    %get3A_943 = arith.constant 2 : i32
    %get3A_944 = arith.index_cast %get3A_943 : i32 to index
    %get3A_945 = arith.constant 32 : index
    %get3A_946 = tpu.vector_load %arg10[%get3A_944, %get3A_945] {strides = array<i32>} : memref<4x128xi32, #tpu.memory_space<vmem>>, vector<16xi32>,
    %and3A_947 = arith.constant 1 : i32
    %and3A_948 = vector.broadcast %and3A_947 : i32 to vector<16xi32>
    %and3A_949 = arith.andi %get3A_946, %and3A_948 : vector<16xi32>
    %mul3A_950 = arith.constant 64 : i32
    %mul3A_951 = vector.broadcast %mul3A_950 : i32 to vector<16xi32>
    %mul3A_952 = arith.muli %and3A_949, %mul3A_951 : vector<16xi32>
    %broadcast_in_dim3A_953 = arith.constant 0.000000e+00 : f32
    %broadcast_in_dim3A_954 = vector.broadcast %broadcast_in_dim3A_953 : f32 to vector<16xf32>
    %scan3A_955 = arith.constant 0 : i32
    %scan3A_956 = arith.constant 32 : i32
    %scan3A_957 = arith.addi %scan3A_955, %scan3A_956 : i32
    %scan3A_958 = arith.constant 1 : i32
    %scan3A_959 = scf.for %scan3A_1348 = %scan3A_955 to %scan3A_957 step %scan3A_958 iter_args(%scan3A_1349 = %broadcast_in_dim3A_954) -> (vector<16xf32>)  : i32 {
      %broadcast_in_dim3A_1350 = arith.constant 0 : i32
      %broadcast_in_dim3A_1351 = vector.broadcast %broadcast_in_dim3A_1350 : i32 to vector<16xi32>
      %add3A_1352 = vector.broadcast %scan3A_1348 : i32 to vector<16xi32>
      %add3A_1353 = arith.addi %broadcast_in_dim3A_1351, %add3A_1352 : vector<16xi32>
      %gather3A = tpu.vector_load_idx %arg12[%add3A_942, %add3A_1353] : memref<128x128xf32, #tpu.memory_space<vmem>>[vector<16xi32>, vector<16xi32>], vector<16xf32>,
      %add3A_1354 = arith.constant 32 : i32
      %add3A_1355 = vector.broadcast %add3A_1354 : i32 to vector<16xi32>
      %add3A_1356 = arith.addi %add3A_1353, %add3A_1355 : vector<16xi32>
      %gather3A_1357 = tpu.vector_load_idx %arg12[%add3A_942, %add3A_1356] : memref<128x128xf32, #tpu.memory_space<vmem>>[vector<16xi32>, vector<16xi32>], vector<16xf32>,
      %gather3A_1358 = tpu.vector_load_idx %arg13[%add3A_942, %add3A_1353] : memref<128x128xf32, #tpu.memory_space<vmem>>[vector<16xi32>, vector<16xi32>], vector<16xf32>,
      %add3A_1359 = arith.constant 32 : i32
      %add3A_1360 = vector.broadcast %add3A_1359 : i32 to vector<16xi32>
      %add3A_1361 = arith.addi %add3A_1353, %add3A_1360 : vector<16xi32>
      %gather3A_1362 = tpu.vector_load_idx %arg13[%add3A_942, %add3A_1361] : memref<128x128xf32, #tpu.memory_space<vmem>>[vector<16xi32>, vector<16xi32>], vector<16xf32>,
      %add3A_1363 = vector.broadcast %scan3A_1348 : i32 to vector<16xi32>
      %add3A_1364 = arith.addi %mul3A_952, %add3A_1363 : vector<16xi32>
      %gather3A_1365 = tpu.vector_load_idx %arg14[%add3A_942, %add3A_1364] : memref<128x128xf32, #tpu.memory_space<vmem>>[vector<16xi32>, vector<16xi32>], vector<16xf32>,
      %add3A_1366 = vector.broadcast %scan3A_1348 : i32 to vector<16xi32>
      %add3A_1367 = arith.addi %mul3A_952, %add3A_1366 : vector<16xi32>
      %add3A_1368 = arith.constant 32 : i32
      %add3A_1369 = vector.broadcast %add3A_1368 : i32 to vector<16xi32>
      %add3A_1370 = arith.addi %add3A_1367, %add3A_1369 : vector<16xi32>
      %gather3A_1371 = tpu.vector_load_idx %arg14[%add3A_942, %add3A_1370] : memref<128x128xf32, #tpu.memory_space<vmem>>[vector<16xi32>, vector<16xi32>], vector<16xf32>,
      %mul3A_1372 = arith.mulf %gather3A, %gather3A_1365 : vector<16xf32>
      %mul3A_1373 = arith.mulf %gather3A_1357, %gather3A_1371 : vector<16xf32>
      %sub3A = arith.subf %mul3A_1372, %mul3A_1373 : vector<16xf32>
      %sub3A_1374 = arith.subf %sub3A, %gather3A_1358 : vector<16xf32>
      %abs3A = math.absf %sub3A_1374 : vector<16xf32>
      %add3A_1375 = arith.addf %scan3A_1349, %abs3A : vector<16xf32>
      %mul3A_1376 = arith.mulf %gather3A, %gather3A_1371 : vector<16xf32>
      %mul3A_1377 = arith.mulf %gather3A_1357, %gather3A_1365 : vector<16xf32>
      %add3A_1378 = arith.addf %mul3A_1376, %mul3A_1377 : vector<16xf32>
      %sub3A_1379 = arith.subf %add3A_1378, %gather3A_1362 : vector<16xf32>
      %abs3A_1380 = math.absf %sub3A_1379 : vector<16xf32>
      %add3A_1381 = arith.addf %add3A_1375, %abs3A_1380 : vector<16xf32>
      scf.yield %add3A_1381 : vector<16xf32>
    }
    %scan3A_960 = arith.constant 32 : i32
    %neg3A_961 = arith.constant 0.000000e+00 : f32
    %neg3A_962 = vector.broadcast %neg3A_961 : f32 to vector<16xf32>
    %neg3A_963 = arith.subf %neg3A_962, %scan3A_959 : vector<16xf32>
    %swap3A_964 = arith.constant 288 : index
    %swap3A_965 = tpu.vector_load %arg15[%swap3A_964] {strides = array<i32>} : memref<512xf32, #tpu.memory_space<vmem>>, vector<16xf32>,
    tpu.vector_store %arg15[%swap3A_964], %neg3A_963 {strides = array<i32>} : memref<512xf32, #tpu.memory_space<vmem>>, vector<16xf32>,
    %add3A_966 = arith.constant 48 : i32
    %add3A_967 = vector.broadcast %add3A_966 : i32 to vector<16xi32>
    %add3A_968 = arith.addi %add3A_967, %iota3A : vector<16xi32>
    %get3A_969 = arith.constant 2 : i32
    %get3A_970 = arith.index_cast %get3A_969 : i32 to index
    %get3A_971 = arith.constant 48 : index
    %get3A_972 = tpu.vector_load %arg10[%get3A_970, %get3A_971] {strides = array<i32>} : memref<4x128xi32, #tpu.memory_space<vmem>>, vector<16xi32>,
    %and3A_973 = arith.constant 1 : i32
    %and3A_974 = vector.broadcast %and3A_973 : i32 to vector<16xi32>
    %and3A_975 = arith.andi %get3A_972, %and3A_974 : vector<16xi32>
    %mul3A_976 = arith.constant 64 : i32
    %mul3A_977 = vector.broadcast %mul3A_976 : i32 to vector<16xi32>
    %mul3A_978 = arith.muli %and3A_975, %mul3A_977 : vector<16xi32>
    %broadcast_in_dim3A_979 = arith.constant 0.000000e+00 : f32
    %broadcast_in_dim3A_980 = vector.broadcast %broadcast_in_dim3A_979 : f32 to vector<16xf32>
    %scan3A_981 = arith.constant 0 : i32
    %scan3A_982 = arith.constant 32 : i32
    %scan3A_983 = arith.addi %scan3A_981, %scan3A_982 : i32
    %scan3A_984 = arith.constant 1 : i32
    %scan3A_985 = scf.for %scan3A_1348 = %scan3A_981 to %scan3A_983 step %scan3A_984 iter_args(%scan3A_1349 = %broadcast_in_dim3A_980) -> (vector<16xf32>)  : i32 {
      %broadcast_in_dim3A_1350 = arith.constant 0 : i32
      %broadcast_in_dim3A_1351 = vector.broadcast %broadcast_in_dim3A_1350 : i32 to vector<16xi32>
      %add3A_1352 = vector.broadcast %scan3A_1348 : i32 to vector<16xi32>
      %add3A_1353 = arith.addi %broadcast_in_dim3A_1351, %add3A_1352 : vector<16xi32>
      %gather3A = tpu.vector_load_idx %arg12[%add3A_968, %add3A_1353] : memref<128x128xf32, #tpu.memory_space<vmem>>[vector<16xi32>, vector<16xi32>], vector<16xf32>,
      %add3A_1354 = arith.constant 32 : i32
      %add3A_1355 = vector.broadcast %add3A_1354 : i32 to vector<16xi32>
      %add3A_1356 = arith.addi %add3A_1353, %add3A_1355 : vector<16xi32>
      %gather3A_1357 = tpu.vector_load_idx %arg12[%add3A_968, %add3A_1356] : memref<128x128xf32, #tpu.memory_space<vmem>>[vector<16xi32>, vector<16xi32>], vector<16xf32>,
      %gather3A_1358 = tpu.vector_load_idx %arg13[%add3A_968, %add3A_1353] : memref<128x128xf32, #tpu.memory_space<vmem>>[vector<16xi32>, vector<16xi32>], vector<16xf32>,
      %add3A_1359 = arith.constant 32 : i32
      %add3A_1360 = vector.broadcast %add3A_1359 : i32 to vector<16xi32>
      %add3A_1361 = arith.addi %add3A_1353, %add3A_1360 : vector<16xi32>
      %gather3A_1362 = tpu.vector_load_idx %arg13[%add3A_968, %add3A_1361] : memref<128x128xf32, #tpu.memory_space<vmem>>[vector<16xi32>, vector<16xi32>], vector<16xf32>,
      %add3A_1363 = vector.broadcast %scan3A_1348 : i32 to vector<16xi32>
      %add3A_1364 = arith.addi %mul3A_978, %add3A_1363 : vector<16xi32>
      %gather3A_1365 = tpu.vector_load_idx %arg14[%add3A_968, %add3A_1364] : memref<128x128xf32, #tpu.memory_space<vmem>>[vector<16xi32>, vector<16xi32>], vector<16xf32>,
      %add3A_1366 = vector.broadcast %scan3A_1348 : i32 to vector<16xi32>
      %add3A_1367 = arith.addi %mul3A_978, %add3A_1366 : vector<16xi32>
      %add3A_1368 = arith.constant 32 : i32
      %add3A_1369 = vector.broadcast %add3A_1368 : i32 to vector<16xi32>
      %add3A_1370 = arith.addi %add3A_1367, %add3A_1369 : vector<16xi32>
      %gather3A_1371 = tpu.vector_load_idx %arg14[%add3A_968, %add3A_1370] : memref<128x128xf32, #tpu.memory_space<vmem>>[vector<16xi32>, vector<16xi32>], vector<16xf32>,
      %mul3A_1372 = arith.mulf %gather3A, %gather3A_1365 : vector<16xf32>
      %mul3A_1373 = arith.mulf %gather3A_1357, %gather3A_1371 : vector<16xf32>
      %sub3A = arith.subf %mul3A_1372, %mul3A_1373 : vector<16xf32>
      %sub3A_1374 = arith.subf %sub3A, %gather3A_1358 : vector<16xf32>
      %abs3A = math.absf %sub3A_1374 : vector<16xf32>
      %add3A_1375 = arith.addf %scan3A_1349, %abs3A : vector<16xf32>
      %mul3A_1376 = arith.mulf %gather3A, %gather3A_1371 : vector<16xf32>
      %mul3A_1377 = arith.mulf %gather3A_1357, %gather3A_1365 : vector<16xf32>
      %add3A_1378 = arith.addf %mul3A_1376, %mul3A_1377 : vector<16xf32>
      %sub3A_1379 = arith.subf %add3A_1378, %gather3A_1362 : vector<16xf32>
      %abs3A_1380 = math.absf %sub3A_1379 : vector<16xf32>
      %add3A_1381 = arith.addf %add3A_1375, %abs3A_1380 : vector<16xf32>
      scf.yield %add3A_1381 : vector<16xf32>
    }
    %scan3A_986 = arith.constant 32 : i32
    %neg3A_987 = arith.constant 0.000000e+00 : f32
    %neg3A_988 = vector.broadcast %neg3A_987 : f32 to vector<16xf32>
    %neg3A_989 = arith.subf %neg3A_988, %scan3A_985 : vector<16xf32>
    %swap3A_990 = arith.constant 304 : index
    %swap3A_991 = tpu.vector_load %arg15[%swap3A_990] {strides = array<i32>} : memref<512xf32, #tpu.memory_space<vmem>>, vector<16xf32>,
    tpu.vector_store %arg15[%swap3A_990], %neg3A_989 {strides = array<i32>} : memref<512xf32, #tpu.memory_space<vmem>>, vector<16xf32>,
    %add3A_992 = arith.constant 64 : i32
    %add3A_993 = vector.broadcast %add3A_992 : i32 to vector<16xi32>
    %add3A_994 = arith.addi %add3A_993, %iota3A : vector<16xi32>
    %get3A_995 = arith.constant 2 : i32
    %get3A_996 = arith.index_cast %get3A_995 : i32 to index
    %get3A_997 = arith.constant 64 : index
    %get3A_998 = tpu.vector_load %arg10[%get3A_996, %get3A_997] {strides = array<i32>} : memref<4x128xi32, #tpu.memory_space<vmem>>, vector<16xi32>,
    %and3A_999 = arith.constant 1 : i32
    %and3A_1000 = vector.broadcast %and3A_999 : i32 to vector<16xi32>
    %and3A_1001 = arith.andi %get3A_998, %and3A_1000 : vector<16xi32>
    %mul3A_1002 = arith.constant 64 : i32
    %mul3A_1003 = vector.broadcast %mul3A_1002 : i32 to vector<16xi32>
    %mul3A_1004 = arith.muli %and3A_1001, %mul3A_1003 : vector<16xi32>
    %broadcast_in_dim3A_1005 = arith.constant 0.000000e+00 : f32
    %broadcast_in_dim3A_1006 = vector.broadcast %broadcast_in_dim3A_1005 : f32 to vector<16xf32>
    %scan3A_1007 = arith.constant 0 : i32
    %scan3A_1008 = arith.constant 32 : i32
    %scan3A_1009 = arith.addi %scan3A_1007, %scan3A_1008 : i32
    %scan3A_1010 = arith.constant 1 : i32
    %scan3A_1011 = scf.for %scan3A_1348 = %scan3A_1007 to %scan3A_1009 step %scan3A_1010 iter_args(%scan3A_1349 = %broadcast_in_dim3A_1006) -> (vector<16xf32>)  : i32 {
      %broadcast_in_dim3A_1350 = arith.constant 0 : i32
      %broadcast_in_dim3A_1351 = vector.broadcast %broadcast_in_dim3A_1350 : i32 to vector<16xi32>
      %add3A_1352 = vector.broadcast %scan3A_1348 : i32 to vector<16xi32>
      %add3A_1353 = arith.addi %broadcast_in_dim3A_1351, %add3A_1352 : vector<16xi32>
      %gather3A = tpu.vector_load_idx %arg12[%add3A_994, %add3A_1353] : memref<128x128xf32, #tpu.memory_space<vmem>>[vector<16xi32>, vector<16xi32>], vector<16xf32>,
      %add3A_1354 = arith.constant 32 : i32
      %add3A_1355 = vector.broadcast %add3A_1354 : i32 to vector<16xi32>
      %add3A_1356 = arith.addi %add3A_1353, %add3A_1355 : vector<16xi32>
      %gather3A_1357 = tpu.vector_load_idx %arg12[%add3A_994, %add3A_1356] : memref<128x128xf32, #tpu.memory_space<vmem>>[vector<16xi32>, vector<16xi32>], vector<16xf32>,
      %gather3A_1358 = tpu.vector_load_idx %arg13[%add3A_994, %add3A_1353] : memref<128x128xf32, #tpu.memory_space<vmem>>[vector<16xi32>, vector<16xi32>], vector<16xf32>,
      %add3A_1359 = arith.constant 32 : i32
      %add3A_1360 = vector.broadcast %add3A_1359 : i32 to vector<16xi32>
      %add3A_1361 = arith.addi %add3A_1353, %add3A_1360 : vector<16xi32>
      %gather3A_1362 = tpu.vector_load_idx %arg13[%add3A_994, %add3A_1361] : memref<128x128xf32, #tpu.memory_space<vmem>>[vector<16xi32>, vector<16xi32>], vector<16xf32>,
      %add3A_1363 = vector.broadcast %scan3A_1348 : i32 to vector<16xi32>
      %add3A_1364 = arith.addi %mul3A_1004, %add3A_1363 : vector<16xi32>
      %gather3A_1365 = tpu.vector_load_idx %arg14[%add3A_994, %add3A_1364] : memref<128x128xf32, #tpu.memory_space<vmem>>[vector<16xi32>, vector<16xi32>], vector<16xf32>,
      %add3A_1366 = vector.broadcast %scan3A_1348 : i32 to vector<16xi32>
      %add3A_1367 = arith.addi %mul3A_1004, %add3A_1366 : vector<16xi32>
      %add3A_1368 = arith.constant 32 : i32
      %add3A_1369 = vector.broadcast %add3A_1368 : i32 to vector<16xi32>
      %add3A_1370 = arith.addi %add3A_1367, %add3A_1369 : vector<16xi32>
      %gather3A_1371 = tpu.vector_load_idx %arg14[%add3A_994, %add3A_1370] : memref<128x128xf32, #tpu.memory_space<vmem>>[vector<16xi32>, vector<16xi32>], vector<16xf32>,
      %mul3A_1372 = arith.mulf %gather3A, %gather3A_1365 : vector<16xf32>
      %mul3A_1373 = arith.mulf %gather3A_1357, %gather3A_1371 : vector<16xf32>
      %sub3A = arith.subf %mul3A_1372, %mul3A_1373 : vector<16xf32>
      %sub3A_1374 = arith.subf %sub3A, %gather3A_1358 : vector<16xf32>
      %abs3A = math.absf %sub3A_1374 : vector<16xf32>
      %add3A_1375 = arith.addf %scan3A_1349, %abs3A : vector<16xf32>
      %mul3A_1376 = arith.mulf %gather3A, %gather3A_1371 : vector<16xf32>
      %mul3A_1377 = arith.mulf %gather3A_1357, %gather3A_1365 : vector<16xf32>
      %add3A_1378 = arith.addf %mul3A_1376, %mul3A_1377 : vector<16xf32>
      %sub3A_1379 = arith.subf %add3A_1378, %gather3A_1362 : vector<16xf32>
      %abs3A_1380 = math.absf %sub3A_1379 : vector<16xf32>
      %add3A_1381 = arith.addf %add3A_1375, %abs3A_1380 : vector<16xf32>
      scf.yield %add3A_1381 : vector<16xf32>
    }
    %scan3A_1012 = arith.constant 32 : i32
    %neg3A_1013 = arith.constant 0.000000e+00 : f32
    %neg3A_1014 = vector.broadcast %neg3A_1013 : f32 to vector<16xf32>
    %neg3A_1015 = arith.subf %neg3A_1014, %scan3A_1011 : vector<16xf32>
    %swap3A_1016 = arith.constant 320 : index
    %swap3A_1017 = tpu.vector_load %arg15[%swap3A_1016] {strides = array<i32>} : memref<512xf32, #tpu.memory_space<vmem>>, vector<16xf32>,
    tpu.vector_store %arg15[%swap3A_1016], %neg3A_1015 {strides = array<i32>} : memref<512xf32, #tpu.memory_space<vmem>>, vector<16xf32>,
    %add3A_1018 = arith.constant 80 : i32
    %add3A_1019 = vector.broadcast %add3A_1018 : i32 to vector<16xi32>
    %add3A_1020 = arith.addi %add3A_1019, %iota3A : vector<16xi32>
    %get3A_1021 = arith.constant 2 : i32
    %get3A_1022 = arith.index_cast %get3A_1021 : i32 to index
    %get3A_1023 = arith.constant 80 : index
    %get3A_1024 = tpu.vector_load %arg10[%get3A_1022, %get3A_1023] {strides = array<i32>} : memref<4x128xi32, #tpu.memory_space<vmem>>, vector<16xi32>,
    %and3A_1025 = arith.constant 1 : i32
    %and3A_1026 = vector.broadcast %and3A_1025 : i32 to vector<16xi32>
    %and3A_1027 = arith.andi %get3A_1024, %and3A_1026 : vector<16xi32>
    %mul3A_1028 = arith.constant 64 : i32
    %mul3A_1029 = vector.broadcast %mul3A_1028 : i32 to vector<16xi32>
    %mul3A_1030 = arith.muli %and3A_1027, %mul3A_1029 : vector<16xi32>
    %broadcast_in_dim3A_1031 = arith.constant 0.000000e+00 : f32
    %broadcast_in_dim3A_1032 = vector.broadcast %broadcast_in_dim3A_1031 : f32 to vector<16xf32>
    %scan3A_1033 = arith.constant 0 : i32
    %scan3A_1034 = arith.constant 32 : i32
    %scan3A_1035 = arith.addi %scan3A_1033, %scan3A_1034 : i32
    %scan3A_1036 = arith.constant 1 : i32
    %scan3A_1037 = scf.for %scan3A_1348 = %scan3A_1033 to %scan3A_1035 step %scan3A_1036 iter_args(%scan3A_1349 = %broadcast_in_dim3A_1032) -> (vector<16xf32>)  : i32 {
      %broadcast_in_dim3A_1350 = arith.constant 0 : i32
      %broadcast_in_dim3A_1351 = vector.broadcast %broadcast_in_dim3A_1350 : i32 to vector<16xi32>
      %add3A_1352 = vector.broadcast %scan3A_1348 : i32 to vector<16xi32>
      %add3A_1353 = arith.addi %broadcast_in_dim3A_1351, %add3A_1352 : vector<16xi32>
      %gather3A = tpu.vector_load_idx %arg12[%add3A_1020, %add3A_1353] : memref<128x128xf32, #tpu.memory_space<vmem>>[vector<16xi32>, vector<16xi32>], vector<16xf32>,
      %add3A_1354 = arith.constant 32 : i32
      %add3A_1355 = vector.broadcast %add3A_1354 : i32 to vector<16xi32>
      %add3A_1356 = arith.addi %add3A_1353, %add3A_1355 : vector<16xi32>
      %gather3A_1357 = tpu.vector_load_idx %arg12[%add3A_1020, %add3A_1356] : memref<128x128xf32, #tpu.memory_space<vmem>>[vector<16xi32>, vector<16xi32>], vector<16xf32>,
      %gather3A_1358 = tpu.vector_load_idx %arg13[%add3A_1020, %add3A_1353] : memref<128x128xf32, #tpu.memory_space<vmem>>[vector<16xi32>, vector<16xi32>], vector<16xf32>,
      %add3A_1359 = arith.constant 32 : i32
      %add3A_1360 = vector.broadcast %add3A_1359 : i32 to vector<16xi32>
      %add3A_1361 = arith.addi %add3A_1353, %add3A_1360 : vector<16xi32>
      %gather3A_1362 = tpu.vector_load_idx %arg13[%add3A_1020, %add3A_1361] : memref<128x128xf32, #tpu.memory_space<vmem>>[vector<16xi32>, vector<16xi32>], vector<16xf32>,
      %add3A_1363 = vector.broadcast %scan3A_1348 : i32 to vector<16xi32>
      %add3A_1364 = arith.addi %mul3A_1030, %add3A_1363 : vector<16xi32>
      %gather3A_1365 = tpu.vector_load_idx %arg14[%add3A_1020, %add3A_1364] : memref<128x128xf32, #tpu.memory_space<vmem>>[vector<16xi32>, vector<16xi32>], vector<16xf32>,
      %add3A_1366 = vector.broadcast %scan3A_1348 : i32 to vector<16xi32>
      %add3A_1367 = arith.addi %mul3A_1030, %add3A_1366 : vector<16xi32>
      %add3A_1368 = arith.constant 32 : i32
      %add3A_1369 = vector.broadcast %add3A_1368 : i32 to vector<16xi32>
      %add3A_1370 = arith.addi %add3A_1367, %add3A_1369 : vector<16xi32>
      %gather3A_1371 = tpu.vector_load_idx %arg14[%add3A_1020, %add3A_1370] : memref<128x128xf32, #tpu.memory_space<vmem>>[vector<16xi32>, vector<16xi32>], vector<16xf32>,
      %mul3A_1372 = arith.mulf %gather3A, %gather3A_1365 : vector<16xf32>
      %mul3A_1373 = arith.mulf %gather3A_1357, %gather3A_1371 : vector<16xf32>
      %sub3A = arith.subf %mul3A_1372, %mul3A_1373 : vector<16xf32>
      %sub3A_1374 = arith.subf %sub3A, %gather3A_1358 : vector<16xf32>
      %abs3A = math.absf %sub3A_1374 : vector<16xf32>
      %add3A_1375 = arith.addf %scan3A_1349, %abs3A : vector<16xf32>
      %mul3A_1376 = arith.mulf %gather3A, %gather3A_1371 : vector<16xf32>
      %mul3A_1377 = arith.mulf %gather3A_1357, %gather3A_1365 : vector<16xf32>
      %add3A_1378 = arith.addf %mul3A_1376, %mul3A_1377 : vector<16xf32>
      %sub3A_1379 = arith.subf %add3A_1378, %gather3A_1362 : vector<16xf32>
      %abs3A_1380 = math.absf %sub3A_1379 : vector<16xf32>
      %add3A_1381 = arith.addf %add3A_1375, %abs3A_1380 : vector<16xf32>
      scf.yield %add3A_1381 : vector<16xf32>
    }
    %scan3A_1038 = arith.constant 32 : i32
    %neg3A_1039 = arith.constant 0.000000e+00 : f32
    %neg3A_1040 = vector.broadcast %neg3A_1039 : f32 to vector<16xf32>
    %neg3A_1041 = arith.subf %neg3A_1040, %scan3A_1037 : vector<16xf32>
    %swap3A_1042 = arith.constant 336 : index
    %swap3A_1043 = tpu.vector_load %arg15[%swap3A_1042] {strides = array<i32>} : memref<512xf32, #tpu.memory_space<vmem>>, vector<16xf32>,
    tpu.vector_store %arg15[%swap3A_1042], %neg3A_1041 {strides = array<i32>} : memref<512xf32, #tpu.memory_space<vmem>>, vector<16xf32>,
    %add3A_1044 = arith.constant 96 : i32
    %add3A_1045 = vector.broadcast %add3A_1044 : i32 to vector<16xi32>
    %add3A_1046 = arith.addi %add3A_1045, %iota3A : vector<16xi32>
    %get3A_1047 = arith.constant 2 : i32
    %get3A_1048 = arith.index_cast %get3A_1047 : i32 to index
    %get3A_1049 = arith.constant 96 : index
    %get3A_1050 = tpu.vector_load %arg10[%get3A_1048, %get3A_1049] {strides = array<i32>} : memref<4x128xi32, #tpu.memory_space<vmem>>, vector<16xi32>,
    %and3A_1051 = arith.constant 1 : i32
    %and3A_1052 = vector.broadcast %and3A_1051 : i32 to vector<16xi32>
    %and3A_1053 = arith.andi %get3A_1050, %and3A_1052 : vector<16xi32>
    %mul3A_1054 = arith.constant 64 : i32
    %mul3A_1055 = vector.broadcast %mul3A_1054 : i32 to vector<16xi32>
    %mul3A_1056 = arith.muli %and3A_1053, %mul3A_1055 : vector<16xi32>
    %broadcast_in_dim3A_1057 = arith.constant 0.000000e+00 : f32
    %broadcast_in_dim3A_1058 = vector.broadcast %broadcast_in_dim3A_1057 : f32 to vector<16xf32>
    %scan3A_1059 = arith.constant 0 : i32
    %scan3A_1060 = arith.constant 32 : i32
    %scan3A_1061 = arith.addi %scan3A_1059, %scan3A_1060 : i32
    %scan3A_1062 = arith.constant 1 : i32
    %scan3A_1063 = scf.for %scan3A_1348 = %scan3A_1059 to %scan3A_1061 step %scan3A_1062 iter_args(%scan3A_1349 = %broadcast_in_dim3A_1058) -> (vector<16xf32>)  : i32 {
      %broadcast_in_dim3A_1350 = arith.constant 0 : i32
      %broadcast_in_dim3A_1351 = vector.broadcast %broadcast_in_dim3A_1350 : i32 to vector<16xi32>
      %add3A_1352 = vector.broadcast %scan3A_1348 : i32 to vector<16xi32>
      %add3A_1353 = arith.addi %broadcast_in_dim3A_1351, %add3A_1352 : vector<16xi32>
      %gather3A = tpu.vector_load_idx %arg12[%add3A_1046, %add3A_1353] : memref<128x128xf32, #tpu.memory_space<vmem>>[vector<16xi32>, vector<16xi32>], vector<16xf32>,
      %add3A_1354 = arith.constant 32 : i32
      %add3A_1355 = vector.broadcast %add3A_1354 : i32 to vector<16xi32>
      %add3A_1356 = arith.addi %add3A_1353, %add3A_1355 : vector<16xi32>
      %gather3A_1357 = tpu.vector_load_idx %arg12[%add3A_1046, %add3A_1356] : memref<128x128xf32, #tpu.memory_space<vmem>>[vector<16xi32>, vector<16xi32>], vector<16xf32>,
      %gather3A_1358 = tpu.vector_load_idx %arg13[%add3A_1046, %add3A_1353] : memref<128x128xf32, #tpu.memory_space<vmem>>[vector<16xi32>, vector<16xi32>], vector<16xf32>,
      %add3A_1359 = arith.constant 32 : i32
      %add3A_1360 = vector.broadcast %add3A_1359 : i32 to vector<16xi32>
      %add3A_1361 = arith.addi %add3A_1353, %add3A_1360 : vector<16xi32>
      %gather3A_1362 = tpu.vector_load_idx %arg13[%add3A_1046, %add3A_1361] : memref<128x128xf32, #tpu.memory_space<vmem>>[vector<16xi32>, vector<16xi32>], vector<16xf32>,
      %add3A_1363 = vector.broadcast %scan3A_1348 : i32 to vector<16xi32>
      %add3A_1364 = arith.addi %mul3A_1056, %add3A_1363 : vector<16xi32>
      %gather3A_1365 = tpu.vector_load_idx %arg14[%add3A_1046, %add3A_1364] : memref<128x128xf32, #tpu.memory_space<vmem>>[vector<16xi32>, vector<16xi32>], vector<16xf32>,
      %add3A_1366 = vector.broadcast %scan3A_1348 : i32 to vector<16xi32>
      %add3A_1367 = arith.addi %mul3A_1056, %add3A_1366 : vector<16xi32>
      %add3A_1368 = arith.constant 32 : i32
      %add3A_1369 = vector.broadcast %add3A_1368 : i32 to vector<16xi32>
      %add3A_1370 = arith.addi %add3A_1367, %add3A_1369 : vector<16xi32>
      %gather3A_1371 = tpu.vector_load_idx %arg14[%add3A_1046, %add3A_1370] : memref<128x128xf32, #tpu.memory_space<vmem>>[vector<16xi32>, vector<16xi32>], vector<16xf32>,
      %mul3A_1372 = arith.mulf %gather3A, %gather3A_1365 : vector<16xf32>
      %mul3A_1373 = arith.mulf %gather3A_1357, %gather3A_1371 : vector<16xf32>
      %sub3A = arith.subf %mul3A_1372, %mul3A_1373 : vector<16xf32>
      %sub3A_1374 = arith.subf %sub3A, %gather3A_1358 : vector<16xf32>
      %abs3A = math.absf %sub3A_1374 : vector<16xf32>
      %add3A_1375 = arith.addf %scan3A_1349, %abs3A : vector<16xf32>
      %mul3A_1376 = arith.mulf %gather3A, %gather3A_1371 : vector<16xf32>
      %mul3A_1377 = arith.mulf %gather3A_1357, %gather3A_1365 : vector<16xf32>
      %add3A_1378 = arith.addf %mul3A_1376, %mul3A_1377 : vector<16xf32>
      %sub3A_1379 = arith.subf %add3A_1378, %gather3A_1362 : vector<16xf32>
      %abs3A_1380 = math.absf %sub3A_1379 : vector<16xf32>
      %add3A_1381 = arith.addf %add3A_1375, %abs3A_1380 : vector<16xf32>
      scf.yield %add3A_1381 : vector<16xf32>
    }
    %scan3A_1064 = arith.constant 32 : i32
    %neg3A_1065 = arith.constant 0.000000e+00 : f32
    %neg3A_1066 = vector.broadcast %neg3A_1065 : f32 to vector<16xf32>
    %neg3A_1067 = arith.subf %neg3A_1066, %scan3A_1063 : vector<16xf32>
    %swap3A_1068 = arith.constant 352 : index
    %swap3A_1069 = tpu.vector_load %arg15[%swap3A_1068] {strides = array<i32>} : memref<512xf32, #tpu.memory_space<vmem>>, vector<16xf32>,
    tpu.vector_store %arg15[%swap3A_1068], %neg3A_1067 {strides = array<i32>} : memref<512xf32, #tpu.memory_space<vmem>>, vector<16xf32>,
    %add3A_1070 = arith.constant 112 : i32
    %add3A_1071 = vector.broadcast %add3A_1070 : i32 to vector<16xi32>
    %add3A_1072 = arith.addi %add3A_1071, %iota3A : vector<16xi32>
    %get3A_1073 = arith.constant 2 : i32
    %get3A_1074 = arith.index_cast %get3A_1073 : i32 to index
    %get3A_1075 = arith.constant 112 : index
    %get3A_1076 = tpu.vector_load %arg10[%get3A_1074, %get3A_1075] {strides = array<i32>} : memref<4x128xi32, #tpu.memory_space<vmem>>, vector<16xi32>,
    %and3A_1077 = arith.constant 1 : i32
    %and3A_1078 = vector.broadcast %and3A_1077 : i32 to vector<16xi32>
    %and3A_1079 = arith.andi %get3A_1076, %and3A_1078 : vector<16xi32>
    %mul3A_1080 = arith.constant 64 : i32
    %mul3A_1081 = vector.broadcast %mul3A_1080 : i32 to vector<16xi32>
    %mul3A_1082 = arith.muli %and3A_1079, %mul3A_1081 : vector<16xi32>
    %broadcast_in_dim3A_1083 = arith.constant 0.000000e+00 : f32
    %broadcast_in_dim3A_1084 = vector.broadcast %broadcast_in_dim3A_1083 : f32 to vector<16xf32>
    %scan3A_1085 = arith.constant 0 : i32
    %scan3A_1086 = arith.constant 32 : i32
    %scan3A_1087 = arith.addi %scan3A_1085, %scan3A_1086 : i32
    %scan3A_1088 = arith.constant 1 : i32
    %scan3A_1089 = scf.for %scan3A_1348 = %scan3A_1085 to %scan3A_1087 step %scan3A_1088 iter_args(%scan3A_1349 = %broadcast_in_dim3A_1084) -> (vector<16xf32>)  : i32 {
      %broadcast_in_dim3A_1350 = arith.constant 0 : i32
      %broadcast_in_dim3A_1351 = vector.broadcast %broadcast_in_dim3A_1350 : i32 to vector<16xi32>
      %add3A_1352 = vector.broadcast %scan3A_1348 : i32 to vector<16xi32>
      %add3A_1353 = arith.addi %broadcast_in_dim3A_1351, %add3A_1352 : vector<16xi32>
      %gather3A = tpu.vector_load_idx %arg12[%add3A_1072, %add3A_1353] : memref<128x128xf32, #tpu.memory_space<vmem>>[vector<16xi32>, vector<16xi32>], vector<16xf32>,
      %add3A_1354 = arith.constant 32 : i32
      %add3A_1355 = vector.broadcast %add3A_1354 : i32 to vector<16xi32>
      %add3A_1356 = arith.addi %add3A_1353, %add3A_1355 : vector<16xi32>
      %gather3A_1357 = tpu.vector_load_idx %arg12[%add3A_1072, %add3A_1356] : memref<128x128xf32, #tpu.memory_space<vmem>>[vector<16xi32>, vector<16xi32>], vector<16xf32>,
      %gather3A_1358 = tpu.vector_load_idx %arg13[%add3A_1072, %add3A_1353] : memref<128x128xf32, #tpu.memory_space<vmem>>[vector<16xi32>, vector<16xi32>], vector<16xf32>,
      %add3A_1359 = arith.constant 32 : i32
      %add3A_1360 = vector.broadcast %add3A_1359 : i32 to vector<16xi32>
      %add3A_1361 = arith.addi %add3A_1353, %add3A_1360 : vector<16xi32>
      %gather3A_1362 = tpu.vector_load_idx %arg13[%add3A_1072, %add3A_1361] : memref<128x128xf32, #tpu.memory_space<vmem>>[vector<16xi32>, vector<16xi32>], vector<16xf32>,
      %add3A_1363 = vector.broadcast %scan3A_1348 : i32 to vector<16xi32>
      %add3A_1364 = arith.addi %mul3A_1082, %add3A_1363 : vector<16xi32>
      %gather3A_1365 = tpu.vector_load_idx %arg14[%add3A_1072, %add3A_1364] : memref<128x128xf32, #tpu.memory_space<vmem>>[vector<16xi32>, vector<16xi32>], vector<16xf32>,
      %add3A_1366 = vector.broadcast %scan3A_1348 : i32 to vector<16xi32>
      %add3A_1367 = arith.addi %mul3A_1082, %add3A_1366 : vector<16xi32>
      %add3A_1368 = arith.constant 32 : i32
      %add3A_1369 = vector.broadcast %add3A_1368 : i32 to vector<16xi32>
      %add3A_1370 = arith.addi %add3A_1367, %add3A_1369 : vector<16xi32>
      %gather3A_1371 = tpu.vector_load_idx %arg14[%add3A_1072, %add3A_1370] : memref<128x128xf32, #tpu.memory_space<vmem>>[vector<16xi32>, vector<16xi32>], vector<16xf32>,
      %mul3A_1372 = arith.mulf %gather3A, %gather3A_1365 : vector<16xf32>
      %mul3A_1373 = arith.mulf %gather3A_1357, %gather3A_1371 : vector<16xf32>
      %sub3A = arith.subf %mul3A_1372, %mul3A_1373 : vector<16xf32>
      %sub3A_1374 = arith.subf %sub3A, %gather3A_1358 : vector<16xf32>
      %abs3A = math.absf %sub3A_1374 : vector<16xf32>
      %add3A_1375 = arith.addf %scan3A_1349, %abs3A : vector<16xf32>
      %mul3A_1376 = arith.mulf %gather3A, %gather3A_1371 : vector<16xf32>
      %mul3A_1377 = arith.mulf %gather3A_1357, %gather3A_1365 : vector<16xf32>
      %add3A_1378 = arith.addf %mul3A_1376, %mul3A_1377 : vector<16xf32>
      %sub3A_1379 = arith.subf %add3A_1378, %gather3A_1362 : vector<16xf32>
      %abs3A_1380 = math.absf %sub3A_1379 : vector<16xf32>
      %add3A_1381 = arith.addf %add3A_1375, %abs3A_1380 : vector<16xf32>
      scf.yield %add3A_1381 : vector<16xf32>
    }
    %scan3A_1090 = arith.constant 32 : i32
    %neg3A_1091 = arith.constant 0.000000e+00 : f32
    %neg3A_1092 = vector.broadcast %neg3A_1091 : f32 to vector<16xf32>
    %neg3A_1093 = arith.subf %neg3A_1092, %scan3A_1089 : vector<16xf32>
    %swap3A_1094 = arith.constant 368 : index
    %swap3A_1095 = tpu.vector_load %arg15[%swap3A_1094] {strides = array<i32>} : memref<512xf32, #tpu.memory_space<vmem>>, vector<16xf32>,
    tpu.vector_store %arg15[%swap3A_1094], %neg3A_1093 {strides = array<i32>} : memref<512xf32, #tpu.memory_space<vmem>>, vector<16xf32>,
    %dma_start3A_1096 = arith.constant 3 : i32
    %dma_start3A_1097 = arith.constant 0 : i32
    %dma_start3A_1098 = tpu.memref_slice %arg8[%dma_start3A_1096, %dma_start3A_1097] : memref<4x128xi32, #tpu.memory_space<vmem>> -> memref<1x128xi32, #tpu.memory_space<vmem>>
    %dma_start3A_1099 = tpu.memref_squeeze %dma_start3A_1098 : memref<1x128xi32, #tpu.memory_space<vmem>> -> memref<128xi32, #tpu.memory_space<vmem>>
    %dma_start3A_1100 = arith.constant 0 : i32
    %dma_start3A_1101 = arith.constant 0 : i32
    %dma_start3A_1102 = tpu.memref_slice %arg5[%dma_start3A_1100, %dma_start3A_1101] : memref<1000000x128xf32, #tpu.memory_space<hbm>> -> memref<1000000x128xf32, #tpu.memory_space<hbm>>
    tpu.enqueue_indirect_dma source(%dma_start3A_1102 : memref<1000000x128xf32, #tpu.memory_space<hbm>>) target(%arg12 : memref<128x128xf32, #tpu.memory_space<vmem>>) offsets(%dma_start3A_1099 : memref<128xi32, #tpu.memory_space<vmem>>) semaphore(%arg16 : memref<!tpu.dma_semaphore, #tpu.memory_space<semaphore_mem>>)
    %dma_start3A_1103 = arith.constant 3 : i32
    %dma_start3A_1104 = arith.constant 0 : i32
    %dma_start3A_1105 = tpu.memref_slice %arg9[%dma_start3A_1103, %dma_start3A_1104] : memref<4x128xi32, #tpu.memory_space<vmem>> -> memref<1x128xi32, #tpu.memory_space<vmem>>
    %dma_start3A_1106 = tpu.memref_squeeze %dma_start3A_1105 : memref<1x128xi32, #tpu.memory_space<vmem>> -> memref<128xi32, #tpu.memory_space<vmem>>
    %dma_start3A_1107 = arith.constant 0 : i32
    %dma_start3A_1108 = arith.constant 0 : i32
    %dma_start3A_1109 = tpu.memref_slice %arg5[%dma_start3A_1107, %dma_start3A_1108] : memref<1000000x128xf32, #tpu.memory_space<hbm>> -> memref<1000000x128xf32, #tpu.memory_space<hbm>>
    tpu.enqueue_indirect_dma source(%dma_start3A_1109 : memref<1000000x128xf32, #tpu.memory_space<hbm>>) target(%arg13 : memref<128x128xf32, #tpu.memory_space<vmem>>) offsets(%dma_start3A_1106 : memref<128xi32, #tpu.memory_space<vmem>>) semaphore(%arg16 : memref<!tpu.dma_semaphore, #tpu.memory_space<semaphore_mem>>)
    %dma_start3A_1110 = arith.constant 3 : i32
    %dma_start3A_1111 = arith.constant 0 : i32
    %dma_start3A_1112 = tpu.memref_slice %arg11[%dma_start3A_1110, %dma_start3A_1111] : memref<4x128xi32, #tpu.memory_space<vmem>> -> memref<1x128xi32, #tpu.memory_space<vmem>>
    %dma_start3A_1113 = tpu.memref_squeeze %dma_start3A_1112 : memref<1x128xi32, #tpu.memory_space<vmem>> -> memref<128xi32, #tpu.memory_space<vmem>>
    %dma_start3A_1114 = arith.constant 0 : i32
    %dma_start3A_1115 = arith.constant 0 : i32
    %dma_start3A_1116 = tpu.memref_slice %arg6[%dma_start3A_1114, %dma_start3A_1115] : memref<500x128xf32, #tpu.memory_space<hbm>> -> memref<500x128xf32, #tpu.memory_space<hbm>>
    tpu.enqueue_indirect_dma source(%dma_start3A_1116 : memref<500x128xf32, #tpu.memory_space<hbm>>) target(%arg14 : memref<128x128xf32, #tpu.memory_space<vmem>>) offsets(%dma_start3A_1113 : memref<128xi32, #tpu.memory_space<vmem>>) semaphore(%arg17 : memref<!tpu.dma_semaphore, #tpu.memory_space<semaphore_mem>>)
    %dma_wait3A_1117 = arith.constant 3 : i32
    %dma_wait3A_1118 = arith.constant 0 : i32
    %dma_wait3A_1119 = tpu.memref_slice %arg8[%dma_wait3A_1117, %dma_wait3A_1118] : memref<4x128xi32, #tpu.memory_space<vmem>> -> memref<1x128xi32, #tpu.memory_space<vmem>>
    %dma_wait3A_1120 = tpu.memref_squeeze %dma_wait3A_1119 : memref<1x128xi32, #tpu.memory_space<vmem>> -> memref<128xi32, #tpu.memory_space<vmem>>
    %dma_wait3A_1121 = arith.constant 0 : i32
    %dma_wait3A_1122 = arith.constant 0 : i32
    %dma_wait3A_1123 = tpu.memref_slice %arg5[%dma_wait3A_1121, %dma_wait3A_1122] : memref<1000000x128xf32, #tpu.memory_space<hbm>> -> memref<1000000x128xf32, #tpu.memory_space<hbm>>
    tpu.wait_indirect_dma semaphore(%arg16 : memref<!tpu.dma_semaphore, #tpu.memory_space<semaphore_mem>>) src(%dma_wait3A_1123 : memref<1000000x128xf32, #tpu.memory_space<hbm>>) dst(%arg12 : memref<128x128xf32, #tpu.memory_space<vmem>>)
    %dma_wait3A_1124 = arith.constant 3 : i32
    %dma_wait3A_1125 = arith.constant 0 : i32
    %dma_wait3A_1126 = tpu.memref_slice %arg9[%dma_wait3A_1124, %dma_wait3A_1125] : memref<4x128xi32, #tpu.memory_space<vmem>> -> memref<1x128xi32, #tpu.memory_space<vmem>>
    %dma_wait3A_1127 = tpu.memref_squeeze %dma_wait3A_1126 : memref<1x128xi32, #tpu.memory_space<vmem>> -> memref<128xi32, #tpu.memory_space<vmem>>
    %dma_wait3A_1128 = arith.constant 0 : i32
    %dma_wait3A_1129 = arith.constant 0 : i32
    %dma_wait3A_1130 = tpu.memref_slice %arg5[%dma_wait3A_1128, %dma_wait3A_1129] : memref<1000000x128xf32, #tpu.memory_space<hbm>> -> memref<1000000x128xf32, #tpu.memory_space<hbm>>
    tpu.wait_indirect_dma semaphore(%arg16 : memref<!tpu.dma_semaphore, #tpu.memory_space<semaphore_mem>>) src(%dma_wait3A_1130 : memref<1000000x128xf32, #tpu.memory_space<hbm>>) dst(%arg13 : memref<128x128xf32, #tpu.memory_space<vmem>>)
    %dma_wait3A_1131 = arith.constant 3 : i32
    %dma_wait3A_1132 = arith.constant 0 : i32
    %dma_wait3A_1133 = tpu.memref_slice %arg11[%dma_wait3A_1131, %dma_wait3A_1132] : memref<4x128xi32, #tpu.memory_space<vmem>> -> memref<1x128xi32, #tpu.memory_space<vmem>>
    %dma_wait3A_1134 = tpu.memref_squeeze %dma_wait3A_1133 : memref<1x128xi32, #tpu.memory_space<vmem>> -> memref<128xi32, #tpu.memory_space<vmem>>
    %dma_wait3A_1135 = arith.constant 0 : i32
    %dma_wait3A_1136 = arith.constant 0 : i32
    %dma_wait3A_1137 = tpu.memref_slice %arg6[%dma_wait3A_1135, %dma_wait3A_1136] : memref<500x128xf32, #tpu.memory_space<hbm>> -> memref<500x128xf32, #tpu.memory_space<hbm>>
    tpu.wait_indirect_dma semaphore(%arg17 : memref<!tpu.dma_semaphore, #tpu.memory_space<semaphore_mem>>) src(%dma_wait3A_1137 : memref<500x128xf32, #tpu.memory_space<hbm>>) dst(%arg14 : memref<128x128xf32, #tpu.memory_space<vmem>>)
    %add3A_1138 = arith.constant 0 : i32
    %add3A_1139 = vector.broadcast %add3A_1138 : i32 to vector<16xi32>
    %add3A_1140 = arith.addi %add3A_1139, %iota3A : vector<16xi32>
    %get3A_1141 = arith.constant 3 : i32
    %get3A_1142 = arith.index_cast %get3A_1141 : i32 to index
    %get3A_1143 = arith.constant 0 : index
    %get3A_1144 = tpu.vector_load %arg10[%get3A_1142, %get3A_1143] {strides = array<i32>} : memref<4x128xi32, #tpu.memory_space<vmem>>, vector<16xi32>,
    %and3A_1145 = arith.constant 1 : i32
    %and3A_1146 = vector.broadcast %and3A_1145 : i32 to vector<16xi32>
    %and3A_1147 = arith.andi %get3A_1144, %and3A_1146 : vector<16xi32>
    %mul3A_1148 = arith.constant 64 : i32
    %mul3A_1149 = vector.broadcast %mul3A_1148 : i32 to vector<16xi32>
    %mul3A_1150 = arith.muli %and3A_1147, %mul3A_1149 : vector<16xi32>
    %broadcast_in_dim3A_1151 = arith.constant 0.000000e+00 : f32
    %broadcast_in_dim3A_1152 = vector.broadcast %broadcast_in_dim3A_1151 : f32 to vector<16xf32>
    %scan3A_1153 = arith.constant 0 : i32
    %scan3A_1154 = arith.constant 32 : i32
    %scan3A_1155 = arith.addi %scan3A_1153, %scan3A_1154 : i32
    %scan3A_1156 = arith.constant 1 : i32
    %scan3A_1157 = scf.for %scan3A_1348 = %scan3A_1153 to %scan3A_1155 step %scan3A_1156 iter_args(%scan3A_1349 = %broadcast_in_dim3A_1152) -> (vector<16xf32>)  : i32 {
      %broadcast_in_dim3A_1350 = arith.constant 0 : i32
      %broadcast_in_dim3A_1351 = vector.broadcast %broadcast_in_dim3A_1350 : i32 to vector<16xi32>
      %add3A_1352 = vector.broadcast %scan3A_1348 : i32 to vector<16xi32>
      %add3A_1353 = arith.addi %broadcast_in_dim3A_1351, %add3A_1352 : vector<16xi32>
      %gather3A = tpu.vector_load_idx %arg12[%add3A_1140, %add3A_1353] : memref<128x128xf32, #tpu.memory_space<vmem>>[vector<16xi32>, vector<16xi32>], vector<16xf32>,
      %add3A_1354 = arith.constant 32 : i32
      %add3A_1355 = vector.broadcast %add3A_1354 : i32 to vector<16xi32>
      %add3A_1356 = arith.addi %add3A_1353, %add3A_1355 : vector<16xi32>
      %gather3A_1357 = tpu.vector_load_idx %arg12[%add3A_1140, %add3A_1356] : memref<128x128xf32, #tpu.memory_space<vmem>>[vector<16xi32>, vector<16xi32>], vector<16xf32>,
      %gather3A_1358 = tpu.vector_load_idx %arg13[%add3A_1140, %add3A_1353] : memref<128x128xf32, #tpu.memory_space<vmem>>[vector<16xi32>, vector<16xi32>], vector<16xf32>,
      %add3A_1359 = arith.constant 32 : i32
      %add3A_1360 = vector.broadcast %add3A_1359 : i32 to vector<16xi32>
      %add3A_1361 = arith.addi %add3A_1353, %add3A_1360 : vector<16xi32>
      %gather3A_1362 = tpu.vector_load_idx %arg13[%add3A_1140, %add3A_1361] : memref<128x128xf32, #tpu.memory_space<vmem>>[vector<16xi32>, vector<16xi32>], vector<16xf32>,
      %add3A_1363 = vector.broadcast %scan3A_1348 : i32 to vector<16xi32>
      %add3A_1364 = arith.addi %mul3A_1150, %add3A_1363 : vector<16xi32>
      %gather3A_1365 = tpu.vector_load_idx %arg14[%add3A_1140, %add3A_1364] : memref<128x128xf32, #tpu.memory_space<vmem>>[vector<16xi32>, vector<16xi32>], vector<16xf32>,
      %add3A_1366 = vector.broadcast %scan3A_1348 : i32 to vector<16xi32>
      %add3A_1367 = arith.addi %mul3A_1150, %add3A_1366 : vector<16xi32>
      %add3A_1368 = arith.constant 32 : i32
      %add3A_1369 = vector.broadcast %add3A_1368 : i32 to vector<16xi32>
      %add3A_1370 = arith.addi %add3A_1367, %add3A_1369 : vector<16xi32>
      %gather3A_1371 = tpu.vector_load_idx %arg14[%add3A_1140, %add3A_1370] : memref<128x128xf32, #tpu.memory_space<vmem>>[vector<16xi32>, vector<16xi32>], vector<16xf32>,
      %mul3A_1372 = arith.mulf %gather3A, %gather3A_1365 : vector<16xf32>
      %mul3A_1373 = arith.mulf %gather3A_1357, %gather3A_1371 : vector<16xf32>
      %sub3A = arith.subf %mul3A_1372, %mul3A_1373 : vector<16xf32>
      %sub3A_1374 = arith.subf %sub3A, %gather3A_1358 : vector<16xf32>
      %abs3A = math.absf %sub3A_1374 : vector<16xf32>
      %add3A_1375 = arith.addf %scan3A_1349, %abs3A : vector<16xf32>
      %mul3A_1376 = arith.mulf %gather3A, %gather3A_1371 : vector<16xf32>
      %mul3A_1377 = arith.mulf %gather3A_1357, %gather3A_1365 : vector<16xf32>
      %add3A_1378 = arith.addf %mul3A_1376, %mul3A_1377 : vector<16xf32>
      %sub3A_1379 = arith.subf %add3A_1378, %gather3A_1362 : vector<16xf32>
      %abs3A_1380 = math.absf %sub3A_1379 : vector<16xf32>
      %add3A_1381 = arith.addf %add3A_1375, %abs3A_1380 : vector<16xf32>
      scf.yield %add3A_1381 : vector<16xf32>
    }
    %scan3A_1158 = arith.constant 32 : i32
    %neg3A_1159 = arith.constant 0.000000e+00 : f32
    %neg3A_1160 = vector.broadcast %neg3A_1159 : f32 to vector<16xf32>
    %neg3A_1161 = arith.subf %neg3A_1160, %scan3A_1157 : vector<16xf32>
    %swap3A_1162 = arith.constant 384 : index
    %swap3A_1163 = tpu.vector_load %arg15[%swap3A_1162] {strides = array<i32>} : memref<512xf32, #tpu.memory_space<vmem>>, vector<16xf32>,
    tpu.vector_store %arg15[%swap3A_1162], %neg3A_1161 {strides = array<i32>} : memref<512xf32, #tpu.memory_space<vmem>>, vector<16xf32>,
    %add3A_1164 = arith.constant 16 : i32
    %add3A_1165 = vector.broadcast %add3A_1164 : i32 to vector<16xi32>
    %add3A_1166 = arith.addi %add3A_1165, %iota3A : vector<16xi32>
    %get3A_1167 = arith.constant 3 : i32
    %get3A_1168 = arith.index_cast %get3A_1167 : i32 to index
    %get3A_1169 = arith.constant 16 : index
    %get3A_1170 = tpu.vector_load %arg10[%get3A_1168, %get3A_1169] {strides = array<i32>} : memref<4x128xi32, #tpu.memory_space<vmem>>, vector<16xi32>,
    %and3A_1171 = arith.constant 1 : i32
    %and3A_1172 = vector.broadcast %and3A_1171 : i32 to vector<16xi32>
    %and3A_1173 = arith.andi %get3A_1170, %and3A_1172 : vector<16xi32>
    %mul3A_1174 = arith.constant 64 : i32
    %mul3A_1175 = vector.broadcast %mul3A_1174 : i32 to vector<16xi32>
    %mul3A_1176 = arith.muli %and3A_1173, %mul3A_1175 : vector<16xi32>
    %broadcast_in_dim3A_1177 = arith.constant 0.000000e+00 : f32
    %broadcast_in_dim3A_1178 = vector.broadcast %broadcast_in_dim3A_1177 : f32 to vector<16xf32>
    %scan3A_1179 = arith.constant 0 : i32
    %scan3A_1180 = arith.constant 32 : i32
    %scan3A_1181 = arith.addi %scan3A_1179, %scan3A_1180 : i32
    %scan3A_1182 = arith.constant 1 : i32
    %scan3A_1183 = scf.for %scan3A_1348 = %scan3A_1179 to %scan3A_1181 step %scan3A_1182 iter_args(%scan3A_1349 = %broadcast_in_dim3A_1178) -> (vector<16xf32>)  : i32 {
      %broadcast_in_dim3A_1350 = arith.constant 0 : i32
      %broadcast_in_dim3A_1351 = vector.broadcast %broadcast_in_dim3A_1350 : i32 to vector<16xi32>
      %add3A_1352 = vector.broadcast %scan3A_1348 : i32 to vector<16xi32>
      %add3A_1353 = arith.addi %broadcast_in_dim3A_1351, %add3A_1352 : vector<16xi32>
      %gather3A = tpu.vector_load_idx %arg12[%add3A_1166, %add3A_1353] : memref<128x128xf32, #tpu.memory_space<vmem>>[vector<16xi32>, vector<16xi32>], vector<16xf32>,
      %add3A_1354 = arith.constant 32 : i32
      %add3A_1355 = vector.broadcast %add3A_1354 : i32 to vector<16xi32>
      %add3A_1356 = arith.addi %add3A_1353, %add3A_1355 : vector<16xi32>
      %gather3A_1357 = tpu.vector_load_idx %arg12[%add3A_1166, %add3A_1356] : memref<128x128xf32, #tpu.memory_space<vmem>>[vector<16xi32>, vector<16xi32>], vector<16xf32>,
      %gather3A_1358 = tpu.vector_load_idx %arg13[%add3A_1166, %add3A_1353] : memref<128x128xf32, #tpu.memory_space<vmem>>[vector<16xi32>, vector<16xi32>], vector<16xf32>,
      %add3A_1359 = arith.constant 32 : i32
      %add3A_1360 = vector.broadcast %add3A_1359 : i32 to vector<16xi32>
      %add3A_1361 = arith.addi %add3A_1353, %add3A_1360 : vector<16xi32>
      %gather3A_1362 = tpu.vector_load_idx %arg13[%add3A_1166, %add3A_1361] : memref<128x128xf32, #tpu.memory_space<vmem>>[vector<16xi32>, vector<16xi32>], vector<16xf32>,
      %add3A_1363 = vector.broadcast %scan3A_1348 : i32 to vector<16xi32>
      %add3A_1364 = arith.addi %mul3A_1176, %add3A_1363 : vector<16xi32>
      %gather3A_1365 = tpu.vector_load_idx %arg14[%add3A_1166, %add3A_1364] : memref<128x128xf32, #tpu.memory_space<vmem>>[vector<16xi32>, vector<16xi32>], vector<16xf32>,
      %add3A_1366 = vector.broadcast %scan3A_1348 : i32 to vector<16xi32>
      %add3A_1367 = arith.addi %mul3A_1176, %add3A_1366 : vector<16xi32>
      %add3A_1368 = arith.constant 32 : i32
      %add3A_1369 = vector.broadcast %add3A_1368 : i32 to vector<16xi32>
      %add3A_1370 = arith.addi %add3A_1367, %add3A_1369 : vector<16xi32>
      %gather3A_1371 = tpu.vector_load_idx %arg14[%add3A_1166, %add3A_1370] : memref<128x128xf32, #tpu.memory_space<vmem>>[vector<16xi32>, vector<16xi32>], vector<16xf32>,
      %mul3A_1372 = arith.mulf %gather3A, %gather3A_1365 : vector<16xf32>
      %mul3A_1373 = arith.mulf %gather3A_1357, %gather3A_1371 : vector<16xf32>
      %sub3A = arith.subf %mul3A_1372, %mul3A_1373 : vector<16xf32>
      %sub3A_1374 = arith.subf %sub3A, %gather3A_1358 : vector<16xf32>
      %abs3A = math.absf %sub3A_1374 : vector<16xf32>
      %add3A_1375 = arith.addf %scan3A_1349, %abs3A : vector<16xf32>
      %mul3A_1376 = arith.mulf %gather3A, %gather3A_1371 : vector<16xf32>
      %mul3A_1377 = arith.mulf %gather3A_1357, %gather3A_1365 : vector<16xf32>
      %add3A_1378 = arith.addf %mul3A_1376, %mul3A_1377 : vector<16xf32>
      %sub3A_1379 = arith.subf %add3A_1378, %gather3A_1362 : vector<16xf32>
      %abs3A_1380 = math.absf %sub3A_1379 : vector<16xf32>
      %add3A_1381 = arith.addf %add3A_1375, %abs3A_1380 : vector<16xf32>
      scf.yield %add3A_1381 : vector<16xf32>
    }
    %scan3A_1184 = arith.constant 32 : i32
    %neg3A_1185 = arith.constant 0.000000e+00 : f32
    %neg3A_1186 = vector.broadcast %neg3A_1185 : f32 to vector<16xf32>
    %neg3A_1187 = arith.subf %neg3A_1186, %scan3A_1183 : vector<16xf32>
    %swap3A_1188 = arith.constant 400 : index
    %swap3A_1189 = tpu.vector_load %arg15[%swap3A_1188] {strides = array<i32>} : memref<512xf32, #tpu.memory_space<vmem>>, vector<16xf32>,
    tpu.vector_store %arg15[%swap3A_1188], %neg3A_1187 {strides = array<i32>} : memref<512xf32, #tpu.memory_space<vmem>>, vector<16xf32>,
    %add3A_1190 = arith.constant 32 : i32
    %add3A_1191 = vector.broadcast %add3A_1190 : i32 to vector<16xi32>
    %add3A_1192 = arith.addi %add3A_1191, %iota3A : vector<16xi32>
    %get3A_1193 = arith.constant 3 : i32
    %get3A_1194 = arith.index_cast %get3A_1193 : i32 to index
    %get3A_1195 = arith.constant 32 : index
    %get3A_1196 = tpu.vector_load %arg10[%get3A_1194, %get3A_1195] {strides = array<i32>} : memref<4x128xi32, #tpu.memory_space<vmem>>, vector<16xi32>,
    %and3A_1197 = arith.constant 1 : i32
    %and3A_1198 = vector.broadcast %and3A_1197 : i32 to vector<16xi32>
    %and3A_1199 = arith.andi %get3A_1196, %and3A_1198 : vector<16xi32>
    %mul3A_1200 = arith.constant 64 : i32
    %mul3A_1201 = vector.broadcast %mul3A_1200 : i32 to vector<16xi32>
    %mul3A_1202 = arith.muli %and3A_1199, %mul3A_1201 : vector<16xi32>
    %broadcast_in_dim3A_1203 = arith.constant 0.000000e+00 : f32
    %broadcast_in_dim3A_1204 = vector.broadcast %broadcast_in_dim3A_1203 : f32 to vector<16xf32>
    %scan3A_1205 = arith.constant 0 : i32
    %scan3A_1206 = arith.constant 32 : i32
    %scan3A_1207 = arith.addi %scan3A_1205, %scan3A_1206 : i32
    %scan3A_1208 = arith.constant 1 : i32
    %scan3A_1209 = scf.for %scan3A_1348 = %scan3A_1205 to %scan3A_1207 step %scan3A_1208 iter_args(%scan3A_1349 = %broadcast_in_dim3A_1204) -> (vector<16xf32>)  : i32 {
      %broadcast_in_dim3A_1350 = arith.constant 0 : i32
      %broadcast_in_dim3A_1351 = vector.broadcast %broadcast_in_dim3A_1350 : i32 to vector<16xi32>
      %add3A_1352 = vector.broadcast %scan3A_1348 : i32 to vector<16xi32>
      %add3A_1353 = arith.addi %broadcast_in_dim3A_1351, %add3A_1352 : vector<16xi32>
      %gather3A = tpu.vector_load_idx %arg12[%add3A_1192, %add3A_1353] : memref<128x128xf32, #tpu.memory_space<vmem>>[vector<16xi32>, vector<16xi32>], vector<16xf32>,
      %add3A_1354 = arith.constant 32 : i32
      %add3A_1355 = vector.broadcast %add3A_1354 : i32 to vector<16xi32>
      %add3A_1356 = arith.addi %add3A_1353, %add3A_1355 : vector<16xi32>
      %gather3A_1357 = tpu.vector_load_idx %arg12[%add3A_1192, %add3A_1356] : memref<128x128xf32, #tpu.memory_space<vmem>>[vector<16xi32>, vector<16xi32>], vector<16xf32>,
      %gather3A_1358 = tpu.vector_load_idx %arg13[%add3A_1192, %add3A_1353] : memref<128x128xf32, #tpu.memory_space<vmem>>[vector<16xi32>, vector<16xi32>], vector<16xf32>,
      %add3A_1359 = arith.constant 32 : i32
      %add3A_1360 = vector.broadcast %add3A_1359 : i32 to vector<16xi32>
      %add3A_1361 = arith.addi %add3A_1353, %add3A_1360 : vector<16xi32>
      %gather3A_1362 = tpu.vector_load_idx %arg13[%add3A_1192, %add3A_1361] : memref<128x128xf32, #tpu.memory_space<vmem>>[vector<16xi32>, vector<16xi32>], vector<16xf32>,
      %add3A_1363 = vector.broadcast %scan3A_1348 : i32 to vector<16xi32>
      %add3A_1364 = arith.addi %mul3A_1202, %add3A_1363 : vector<16xi32>
      %gather3A_1365 = tpu.vector_load_idx %arg14[%add3A_1192, %add3A_1364] : memref<128x128xf32, #tpu.memory_space<vmem>>[vector<16xi32>, vector<16xi32>], vector<16xf32>,
      %add3A_1366 = vector.broadcast %scan3A_1348 : i32 to vector<16xi32>
      %add3A_1367 = arith.addi %mul3A_1202, %add3A_1366 : vector<16xi32>
      %add3A_1368 = arith.constant 32 : i32
      %add3A_1369 = vector.broadcast %add3A_1368 : i32 to vector<16xi32>
      %add3A_1370 = arith.addi %add3A_1367, %add3A_1369 : vector<16xi32>
      %gather3A_1371 = tpu.vector_load_idx %arg14[%add3A_1192, %add3A_1370] : memref<128x128xf32, #tpu.memory_space<vmem>>[vector<16xi32>, vector<16xi32>], vector<16xf32>,
      %mul3A_1372 = arith.mulf %gather3A, %gather3A_1365 : vector<16xf32>
      %mul3A_1373 = arith.mulf %gather3A_1357, %gather3A_1371 : vector<16xf32>
      %sub3A = arith.subf %mul3A_1372, %mul3A_1373 : vector<16xf32>
      %sub3A_1374 = arith.subf %sub3A, %gather3A_1358 : vector<16xf32>
      %abs3A = math.absf %sub3A_1374 : vector<16xf32>
      %add3A_1375 = arith.addf %scan3A_1349, %abs3A : vector<16xf32>
      %mul3A_1376 = arith.mulf %gather3A, %gather3A_1371 : vector<16xf32>
      %mul3A_1377 = arith.mulf %gather3A_1357, %gather3A_1365 : vector<16xf32>
      %add3A_1378 = arith.addf %mul3A_1376, %mul3A_1377 : vector<16xf32>
      %sub3A_1379 = arith.subf %add3A_1378, %gather3A_1362 : vector<16xf32>
      %abs3A_1380 = math.absf %sub3A_1379 : vector<16xf32>
      %add3A_1381 = arith.addf %add3A_1375, %abs3A_1380 : vector<16xf32>
      scf.yield %add3A_1381 : vector<16xf32>
    }
    %scan3A_1210 = arith.constant 32 : i32
    %neg3A_1211 = arith.constant 0.000000e+00 : f32
    %neg3A_1212 = vector.broadcast %neg3A_1211 : f32 to vector<16xf32>
    %neg3A_1213 = arith.subf %neg3A_1212, %scan3A_1209 : vector<16xf32>
    %swap3A_1214 = arith.constant 416 : index
    %swap3A_1215 = tpu.vector_load %arg15[%swap3A_1214] {strides = array<i32>} : memref<512xf32, #tpu.memory_space<vmem>>, vector<16xf32>,
    tpu.vector_store %arg15[%swap3A_1214], %neg3A_1213 {strides = array<i32>} : memref<512xf32, #tpu.memory_space<vmem>>, vector<16xf32>,
    %add3A_1216 = arith.constant 48 : i32
    %add3A_1217 = vector.broadcast %add3A_1216 : i32 to vector<16xi32>
    %add3A_1218 = arith.addi %add3A_1217, %iota3A : vector<16xi32>
    %get3A_1219 = arith.constant 3 : i32
    %get3A_1220 = arith.index_cast %get3A_1219 : i32 to index
    %get3A_1221 = arith.constant 48 : index
    %get3A_1222 = tpu.vector_load %arg10[%get3A_1220, %get3A_1221] {strides = array<i32>} : memref<4x128xi32, #tpu.memory_space<vmem>>, vector<16xi32>,
    %and3A_1223 = arith.constant 1 : i32
    %and3A_1224 = vector.broadcast %and3A_1223 : i32 to vector<16xi32>
    %and3A_1225 = arith.andi %get3A_1222, %and3A_1224 : vector<16xi32>
    %mul3A_1226 = arith.constant 64 : i32
    %mul3A_1227 = vector.broadcast %mul3A_1226 : i32 to vector<16xi32>
    %mul3A_1228 = arith.muli %and3A_1225, %mul3A_1227 : vector<16xi32>
    %broadcast_in_dim3A_1229 = arith.constant 0.000000e+00 : f32
    %broadcast_in_dim3A_1230 = vector.broadcast %broadcast_in_dim3A_1229 : f32 to vector<16xf32>
    %scan3A_1231 = arith.constant 0 : i32
    %scan3A_1232 = arith.constant 32 : i32
    %scan3A_1233 = arith.addi %scan3A_1231, %scan3A_1232 : i32
    %scan3A_1234 = arith.constant 1 : i32
    %scan3A_1235 = scf.for %scan3A_1348 = %scan3A_1231 to %scan3A_1233 step %scan3A_1234 iter_args(%scan3A_1349 = %broadcast_in_dim3A_1230) -> (vector<16xf32>)  : i32 {
      %broadcast_in_dim3A_1350 = arith.constant 0 : i32
      %broadcast_in_dim3A_1351 = vector.broadcast %broadcast_in_dim3A_1350 : i32 to vector<16xi32>
      %add3A_1352 = vector.broadcast %scan3A_1348 : i32 to vector<16xi32>
      %add3A_1353 = arith.addi %broadcast_in_dim3A_1351, %add3A_1352 : vector<16xi32>
      %gather3A = tpu.vector_load_idx %arg12[%add3A_1218, %add3A_1353] : memref<128x128xf32, #tpu.memory_space<vmem>>[vector<16xi32>, vector<16xi32>], vector<16xf32>,
      %add3A_1354 = arith.constant 32 : i32
      %add3A_1355 = vector.broadcast %add3A_1354 : i32 to vector<16xi32>
      %add3A_1356 = arith.addi %add3A_1353, %add3A_1355 : vector<16xi32>
      %gather3A_1357 = tpu.vector_load_idx %arg12[%add3A_1218, %add3A_1356] : memref<128x128xf32, #tpu.memory_space<vmem>>[vector<16xi32>, vector<16xi32>], vector<16xf32>,
      %gather3A_1358 = tpu.vector_load_idx %arg13[%add3A_1218, %add3A_1353] : memref<128x128xf32, #tpu.memory_space<vmem>>[vector<16xi32>, vector<16xi32>], vector<16xf32>,
      %add3A_1359 = arith.constant 32 : i32
      %add3A_1360 = vector.broadcast %add3A_1359 : i32 to vector<16xi32>
      %add3A_1361 = arith.addi %add3A_1353, %add3A_1360 : vector<16xi32>
      %gather3A_1362 = tpu.vector_load_idx %arg13[%add3A_1218, %add3A_1361] : memref<128x128xf32, #tpu.memory_space<vmem>>[vector<16xi32>, vector<16xi32>], vector<16xf32>,
      %add3A_1363 = vector.broadcast %scan3A_1348 : i32 to vector<16xi32>
      %add3A_1364 = arith.addi %mul3A_1228, %add3A_1363 : vector<16xi32>
      %gather3A_1365 = tpu.vector_load_idx %arg14[%add3A_1218, %add3A_1364] : memref<128x128xf32, #tpu.memory_space<vmem>>[vector<16xi32>, vector<16xi32>], vector<16xf32>,
      %add3A_1366 = vector.broadcast %scan3A_1348 : i32 to vector<16xi32>
      %add3A_1367 = arith.addi %mul3A_1228, %add3A_1366 : vector<16xi32>
      %add3A_1368 = arith.constant 32 : i32
      %add3A_1369 = vector.broadcast %add3A_1368 : i32 to vector<16xi32>
      %add3A_1370 = arith.addi %add3A_1367, %add3A_1369 : vector<16xi32>
      %gather3A_1371 = tpu.vector_load_idx %arg14[%add3A_1218, %add3A_1370] : memref<128x128xf32, #tpu.memory_space<vmem>>[vector<16xi32>, vector<16xi32>], vector<16xf32>,
      %mul3A_1372 = arith.mulf %gather3A, %gather3A_1365 : vector<16xf32>
      %mul3A_1373 = arith.mulf %gather3A_1357, %gather3A_1371 : vector<16xf32>
      %sub3A = arith.subf %mul3A_1372, %mul3A_1373 : vector<16xf32>
      %sub3A_1374 = arith.subf %sub3A, %gather3A_1358 : vector<16xf32>
      %abs3A = math.absf %sub3A_1374 : vector<16xf32>
      %add3A_1375 = arith.addf %scan3A_1349, %abs3A : vector<16xf32>
      %mul3A_1376 = arith.mulf %gather3A, %gather3A_1371 : vector<16xf32>
      %mul3A_1377 = arith.mulf %gather3A_1357, %gather3A_1365 : vector<16xf32>
      %add3A_1378 = arith.addf %mul3A_1376, %mul3A_1377 : vector<16xf32>
      %sub3A_1379 = arith.subf %add3A_1378, %gather3A_1362 : vector<16xf32>
      %abs3A_1380 = math.absf %sub3A_1379 : vector<16xf32>
      %add3A_1381 = arith.addf %add3A_1375, %abs3A_1380 : vector<16xf32>
      scf.yield %add3A_1381 : vector<16xf32>
    }
    %scan3A_1236 = arith.constant 32 : i32
    %neg3A_1237 = arith.constant 0.000000e+00 : f32
    %neg3A_1238 = vector.broadcast %neg3A_1237 : f32 to vector<16xf32>
    %neg3A_1239 = arith.subf %neg3A_1238, %scan3A_1235 : vector<16xf32>
    %swap3A_1240 = arith.constant 432 : index
    %swap3A_1241 = tpu.vector_load %arg15[%swap3A_1240] {strides = array<i32>} : memref<512xf32, #tpu.memory_space<vmem>>, vector<16xf32>,
    tpu.vector_store %arg15[%swap3A_1240], %neg3A_1239 {strides = array<i32>} : memref<512xf32, #tpu.memory_space<vmem>>, vector<16xf32>,
    %add3A_1242 = arith.constant 64 : i32
    %add3A_1243 = vector.broadcast %add3A_1242 : i32 to vector<16xi32>
    %add3A_1244 = arith.addi %add3A_1243, %iota3A : vector<16xi32>
    %get3A_1245 = arith.constant 3 : i32
    %get3A_1246 = arith.index_cast %get3A_1245 : i32 to index
    %get3A_1247 = arith.constant 64 : index
    %get3A_1248 = tpu.vector_load %arg10[%get3A_1246, %get3A_1247] {strides = array<i32>} : memref<4x128xi32, #tpu.memory_space<vmem>>, vector<16xi32>,
    %and3A_1249 = arith.constant 1 : i32
    %and3A_1250 = vector.broadcast %and3A_1249 : i32 to vector<16xi32>
    %and3A_1251 = arith.andi %get3A_1248, %and3A_1250 : vector<16xi32>
    %mul3A_1252 = arith.constant 64 : i32
    %mul3A_1253 = vector.broadcast %mul3A_1252 : i32 to vector<16xi32>
    %mul3A_1254 = arith.muli %and3A_1251, %mul3A_1253 : vector<16xi32>
    %broadcast_in_dim3A_1255 = arith.constant 0.000000e+00 : f32
    %broadcast_in_dim3A_1256 = vector.broadcast %broadcast_in_dim3A_1255 : f32 to vector<16xf32>
    %scan3A_1257 = arith.constant 0 : i32
    %scan3A_1258 = arith.constant 32 : i32
    %scan3A_1259 = arith.addi %scan3A_1257, %scan3A_1258 : i32
    %scan3A_1260 = arith.constant 1 : i32
    %scan3A_1261 = scf.for %scan3A_1348 = %scan3A_1257 to %scan3A_1259 step %scan3A_1260 iter_args(%scan3A_1349 = %broadcast_in_dim3A_1256) -> (vector<16xf32>)  : i32 {
      %broadcast_in_dim3A_1350 = arith.constant 0 : i32
      %broadcast_in_dim3A_1351 = vector.broadcast %broadcast_in_dim3A_1350 : i32 to vector<16xi32>
      %add3A_1352 = vector.broadcast %scan3A_1348 : i32 to vector<16xi32>
      %add3A_1353 = arith.addi %broadcast_in_dim3A_1351, %add3A_1352 : vector<16xi32>
      %gather3A = tpu.vector_load_idx %arg12[%add3A_1244, %add3A_1353] : memref<128x128xf32, #tpu.memory_space<vmem>>[vector<16xi32>, vector<16xi32>], vector<16xf32>,
      %add3A_1354 = arith.constant 32 : i32
      %add3A_1355 = vector.broadcast %add3A_1354 : i32 to vector<16xi32>
      %add3A_1356 = arith.addi %add3A_1353, %add3A_1355 : vector<16xi32>
      %gather3A_1357 = tpu.vector_load_idx %arg12[%add3A_1244, %add3A_1356] : memref<128x128xf32, #tpu.memory_space<vmem>>[vector<16xi32>, vector<16xi32>], vector<16xf32>,
      %gather3A_1358 = tpu.vector_load_idx %arg13[%add3A_1244, %add3A_1353] : memref<128x128xf32, #tpu.memory_space<vmem>>[vector<16xi32>, vector<16xi32>], vector<16xf32>,
      %add3A_1359 = arith.constant 32 : i32
      %add3A_1360 = vector.broadcast %add3A_1359 : i32 to vector<16xi32>
      %add3A_1361 = arith.addi %add3A_1353, %add3A_1360 : vector<16xi32>
      %gather3A_1362 = tpu.vector_load_idx %arg13[%add3A_1244, %add3A_1361] : memref<128x128xf32, #tpu.memory_space<vmem>>[vector<16xi32>, vector<16xi32>], vector<16xf32>,
      %add3A_1363 = vector.broadcast %scan3A_1348 : i32 to vector<16xi32>
      %add3A_1364 = arith.addi %mul3A_1254, %add3A_1363 : vector<16xi32>
      %gather3A_1365 = tpu.vector_load_idx %arg14[%add3A_1244, %add3A_1364] : memref<128x128xf32, #tpu.memory_space<vmem>>[vector<16xi32>, vector<16xi32>], vector<16xf32>,
      %add3A_1366 = vector.broadcast %scan3A_1348 : i32 to vector<16xi32>
      %add3A_1367 = arith.addi %mul3A_1254, %add3A_1366 : vector<16xi32>
      %add3A_1368 = arith.constant 32 : i32
      %add3A_1369 = vector.broadcast %add3A_1368 : i32 to vector<16xi32>
      %add3A_1370 = arith.addi %add3A_1367, %add3A_1369 : vector<16xi32>
      %gather3A_1371 = tpu.vector_load_idx %arg14[%add3A_1244, %add3A_1370] : memref<128x128xf32, #tpu.memory_space<vmem>>[vector<16xi32>, vector<16xi32>], vector<16xf32>,
      %mul3A_1372 = arith.mulf %gather3A, %gather3A_1365 : vector<16xf32>
      %mul3A_1373 = arith.mulf %gather3A_1357, %gather3A_1371 : vector<16xf32>
      %sub3A = arith.subf %mul3A_1372, %mul3A_1373 : vector<16xf32>
      %sub3A_1374 = arith.subf %sub3A, %gather3A_1358 : vector<16xf32>
      %abs3A = math.absf %sub3A_1374 : vector<16xf32>
      %add3A_1375 = arith.addf %scan3A_1349, %abs3A : vector<16xf32>
      %mul3A_1376 = arith.mulf %gather3A, %gather3A_1371 : vector<16xf32>
      %mul3A_1377 = arith.mulf %gather3A_1357, %gather3A_1365 : vector<16xf32>
      %add3A_1378 = arith.addf %mul3A_1376, %mul3A_1377 : vector<16xf32>
      %sub3A_1379 = arith.subf %add3A_1378, %gather3A_1362 : vector<16xf32>
      %abs3A_1380 = math.absf %sub3A_1379 : vector<16xf32>
      %add3A_1381 = arith.addf %add3A_1375, %abs3A_1380 : vector<16xf32>
      scf.yield %add3A_1381 : vector<16xf32>
    }
    %scan3A_1262 = arith.constant 32 : i32
    %neg3A_1263 = arith.constant 0.000000e+00 : f32
    %neg3A_1264 = vector.broadcast %neg3A_1263 : f32 to vector<16xf32>
    %neg3A_1265 = arith.subf %neg3A_1264, %scan3A_1261 : vector<16xf32>
    %swap3A_1266 = arith.constant 448 : index
    %swap3A_1267 = tpu.vector_load %arg15[%swap3A_1266] {strides = array<i32>} : memref<512xf32, #tpu.memory_space<vmem>>, vector<16xf32>,
    tpu.vector_store %arg15[%swap3A_1266], %neg3A_1265 {strides = array<i32>} : memref<512xf32, #tpu.memory_space<vmem>>, vector<16xf32>,
    %add3A_1268 = arith.constant 80 : i32
    %add3A_1269 = vector.broadcast %add3A_1268 : i32 to vector<16xi32>
    %add3A_1270 = arith.addi %add3A_1269, %iota3A : vector<16xi32>
    %get3A_1271 = arith.constant 3 : i32
    %get3A_1272 = arith.index_cast %get3A_1271 : i32 to index
    %get3A_1273 = arith.constant 80 : index
    %get3A_1274 = tpu.vector_load %arg10[%get3A_1272, %get3A_1273] {strides = array<i32>} : memref<4x128xi32, #tpu.memory_space<vmem>>, vector<16xi32>,
    %and3A_1275 = arith.constant 1 : i32
    %and3A_1276 = vector.broadcast %and3A_1275 : i32 to vector<16xi32>
    %and3A_1277 = arith.andi %get3A_1274, %and3A_1276 : vector<16xi32>
    %mul3A_1278 = arith.constant 64 : i32
    %mul3A_1279 = vector.broadcast %mul3A_1278 : i32 to vector<16xi32>
    %mul3A_1280 = arith.muli %and3A_1277, %mul3A_1279 : vector<16xi32>
    %broadcast_in_dim3A_1281 = arith.constant 0.000000e+00 : f32
    %broadcast_in_dim3A_1282 = vector.broadcast %broadcast_in_dim3A_1281 : f32 to vector<16xf32>
    %scan3A_1283 = arith.constant 0 : i32
    %scan3A_1284 = arith.constant 32 : i32
    %scan3A_1285 = arith.addi %scan3A_1283, %scan3A_1284 : i32
    %scan3A_1286 = arith.constant 1 : i32
    %scan3A_1287 = scf.for %scan3A_1348 = %scan3A_1283 to %scan3A_1285 step %scan3A_1286 iter_args(%scan3A_1349 = %broadcast_in_dim3A_1282) -> (vector<16xf32>)  : i32 {
      %broadcast_in_dim3A_1350 = arith.constant 0 : i32
      %broadcast_in_dim3A_1351 = vector.broadcast %broadcast_in_dim3A_1350 : i32 to vector<16xi32>
      %add3A_1352 = vector.broadcast %scan3A_1348 : i32 to vector<16xi32>
      %add3A_1353 = arith.addi %broadcast_in_dim3A_1351, %add3A_1352 : vector<16xi32>
      %gather3A = tpu.vector_load_idx %arg12[%add3A_1270, %add3A_1353] : memref<128x128xf32, #tpu.memory_space<vmem>>[vector<16xi32>, vector<16xi32>], vector<16xf32>,
      %add3A_1354 = arith.constant 32 : i32
      %add3A_1355 = vector.broadcast %add3A_1354 : i32 to vector<16xi32>
      %add3A_1356 = arith.addi %add3A_1353, %add3A_1355 : vector<16xi32>
      %gather3A_1357 = tpu.vector_load_idx %arg12[%add3A_1270, %add3A_1356] : memref<128x128xf32, #tpu.memory_space<vmem>>[vector<16xi32>, vector<16xi32>], vector<16xf32>,
      %gather3A_1358 = tpu.vector_load_idx %arg13[%add3A_1270, %add3A_1353] : memref<128x128xf32, #tpu.memory_space<vmem>>[vector<16xi32>, vector<16xi32>], vector<16xf32>,
      %add3A_1359 = arith.constant 32 : i32
      %add3A_1360 = vector.broadcast %add3A_1359 : i32 to vector<16xi32>
      %add3A_1361 = arith.addi %add3A_1353, %add3A_1360 : vector<16xi32>
      %gather3A_1362 = tpu.vector_load_idx %arg13[%add3A_1270, %add3A_1361] : memref<128x128xf32, #tpu.memory_space<vmem>>[vector<16xi32>, vector<16xi32>], vector<16xf32>,
      %add3A_1363 = vector.broadcast %scan3A_1348 : i32 to vector<16xi32>
      %add3A_1364 = arith.addi %mul3A_1280, %add3A_1363 : vector<16xi32>
      %gather3A_1365 = tpu.vector_load_idx %arg14[%add3A_1270, %add3A_1364] : memref<128x128xf32, #tpu.memory_space<vmem>>[vector<16xi32>, vector<16xi32>], vector<16xf32>,
      %add3A_1366 = vector.broadcast %scan3A_1348 : i32 to vector<16xi32>
      %add3A_1367 = arith.addi %mul3A_1280, %add3A_1366 : vector<16xi32>
      %add3A_1368 = arith.constant 32 : i32
      %add3A_1369 = vector.broadcast %add3A_1368 : i32 to vector<16xi32>
      %add3A_1370 = arith.addi %add3A_1367, %add3A_1369 : vector<16xi32>
      %gather3A_1371 = tpu.vector_load_idx %arg14[%add3A_1270, %add3A_1370] : memref<128x128xf32, #tpu.memory_space<vmem>>[vector<16xi32>, vector<16xi32>], vector<16xf32>,
      %mul3A_1372 = arith.mulf %gather3A, %gather3A_1365 : vector<16xf32>
      %mul3A_1373 = arith.mulf %gather3A_1357, %gather3A_1371 : vector<16xf32>
      %sub3A = arith.subf %mul3A_1372, %mul3A_1373 : vector<16xf32>
      %sub3A_1374 = arith.subf %sub3A, %gather3A_1358 : vector<16xf32>
      %abs3A = math.absf %sub3A_1374 : vector<16xf32>
      %add3A_1375 = arith.addf %scan3A_1349, %abs3A : vector<16xf32>
      %mul3A_1376 = arith.mulf %gather3A, %gather3A_1371 : vector<16xf32>
      %mul3A_1377 = arith.mulf %gather3A_1357, %gather3A_1365 : vector<16xf32>
      %add3A_1378 = arith.addf %mul3A_1376, %mul3A_1377 : vector<16xf32>
      %sub3A_1379 = arith.subf %add3A_1378, %gather3A_1362 : vector<16xf32>
      %abs3A_1380 = math.absf %sub3A_1379 : vector<16xf32>
      %add3A_1381 = arith.addf %add3A_1375, %abs3A_1380 : vector<16xf32>
      scf.yield %add3A_1381 : vector<16xf32>
    }
    %scan3A_1288 = arith.constant 32 : i32
    %neg3A_1289 = arith.constant 0.000000e+00 : f32
    %neg3A_1290 = vector.broadcast %neg3A_1289 : f32 to vector<16xf32>
    %neg3A_1291 = arith.subf %neg3A_1290, %scan3A_1287 : vector<16xf32>
    %swap3A_1292 = arith.constant 464 : index
    %swap3A_1293 = tpu.vector_load %arg15[%swap3A_1292] {strides = array<i32>} : memref<512xf32, #tpu.memory_space<vmem>>, vector<16xf32>,
    tpu.vector_store %arg15[%swap3A_1292], %neg3A_1291 {strides = array<i32>} : memref<512xf32, #tpu.memory_space<vmem>>, vector<16xf32>,
    %add3A_1294 = arith.constant 96 : i32
    %add3A_1295 = vector.broadcast %add3A_1294 : i32 to vector<16xi32>
    %add3A_1296 = arith.addi %add3A_1295, %iota3A : vector<16xi32>
    %get3A_1297 = arith.constant 3 : i32
    %get3A_1298 = arith.index_cast %get3A_1297 : i32 to index
    %get3A_1299 = arith.constant 96 : index
    %get3A_1300 = tpu.vector_load %arg10[%get3A_1298, %get3A_1299] {strides = array<i32>} : memref<4x128xi32, #tpu.memory_space<vmem>>, vector<16xi32>,
    %and3A_1301 = arith.constant 1 : i32
    %and3A_1302 = vector.broadcast %and3A_1301 : i32 to vector<16xi32>
    %and3A_1303 = arith.andi %get3A_1300, %and3A_1302 : vector<16xi32>
    %mul3A_1304 = arith.constant 64 : i32
    %mul3A_1305 = vector.broadcast %mul3A_1304 : i32 to vector<16xi32>
    %mul3A_1306 = arith.muli %and3A_1303, %mul3A_1305 : vector<16xi32>
    %broadcast_in_dim3A_1307 = arith.constant 0.000000e+00 : f32
    %broadcast_in_dim3A_1308 = vector.broadcast %broadcast_in_dim3A_1307 : f32 to vector<16xf32>
    %scan3A_1309 = arith.constant 0 : i32
    %scan3A_1310 = arith.constant 32 : i32
    %scan3A_1311 = arith.addi %scan3A_1309, %scan3A_1310 : i32
    %scan3A_1312 = arith.constant 1 : i32
    %scan3A_1313 = scf.for %scan3A_1348 = %scan3A_1309 to %scan3A_1311 step %scan3A_1312 iter_args(%scan3A_1349 = %broadcast_in_dim3A_1308) -> (vector<16xf32>)  : i32 {
      %broadcast_in_dim3A_1350 = arith.constant 0 : i32
      %broadcast_in_dim3A_1351 = vector.broadcast %broadcast_in_dim3A_1350 : i32 to vector<16xi32>
      %add3A_1352 = vector.broadcast %scan3A_1348 : i32 to vector<16xi32>
      %add3A_1353 = arith.addi %broadcast_in_dim3A_1351, %add3A_1352 : vector<16xi32>
      %gather3A = tpu.vector_load_idx %arg12[%add3A_1296, %add3A_1353] : memref<128x128xf32, #tpu.memory_space<vmem>>[vector<16xi32>, vector<16xi32>], vector<16xf32>,
      %add3A_1354 = arith.constant 32 : i32
      %add3A_1355 = vector.broadcast %add3A_1354 : i32 to vector<16xi32>
      %add3A_1356 = arith.addi %add3A_1353, %add3A_1355 : vector<16xi32>
      %gather3A_1357 = tpu.vector_load_idx %arg12[%add3A_1296, %add3A_1356] : memref<128x128xf32, #tpu.memory_space<vmem>>[vector<16xi32>, vector<16xi32>], vector<16xf32>,
      %gather3A_1358 = tpu.vector_load_idx %arg13[%add3A_1296, %add3A_1353] : memref<128x128xf32, #tpu.memory_space<vmem>>[vector<16xi32>, vector<16xi32>], vector<16xf32>,
      %add3A_1359 = arith.constant 32 : i32
      %add3A_1360 = vector.broadcast %add3A_1359 : i32 to vector<16xi32>
      %add3A_1361 = arith.addi %add3A_1353, %add3A_1360 : vector<16xi32>
      %gather3A_1362 = tpu.vector_load_idx %arg13[%add3A_1296, %add3A_1361] : memref<128x128xf32, #tpu.memory_space<vmem>>[vector<16xi32>, vector<16xi32>], vector<16xf32>,
      %add3A_1363 = vector.broadcast %scan3A_1348 : i32 to vector<16xi32>
      %add3A_1364 = arith.addi %mul3A_1306, %add3A_1363 : vector<16xi32>
      %gather3A_1365 = tpu.vector_load_idx %arg14[%add3A_1296, %add3A_1364] : memref<128x128xf32, #tpu.memory_space<vmem>>[vector<16xi32>, vector<16xi32>], vector<16xf32>,
      %add3A_1366 = vector.broadcast %scan3A_1348 : i32 to vector<16xi32>
      %add3A_1367 = arith.addi %mul3A_1306, %add3A_1366 : vector<16xi32>
      %add3A_1368 = arith.constant 32 : i32
      %add3A_1369 = vector.broadcast %add3A_1368 : i32 to vector<16xi32>
      %add3A_1370 = arith.addi %add3A_1367, %add3A_1369 : vector<16xi32>
      %gather3A_1371 = tpu.vector_load_idx %arg14[%add3A_1296, %add3A_1370] : memref<128x128xf32, #tpu.memory_space<vmem>>[vector<16xi32>, vector<16xi32>], vector<16xf32>,
      %mul3A_1372 = arith.mulf %gather3A, %gather3A_1365 : vector<16xf32>
      %mul3A_1373 = arith.mulf %gather3A_1357, %gather3A_1371 : vector<16xf32>
      %sub3A = arith.subf %mul3A_1372, %mul3A_1373 : vector<16xf32>
      %sub3A_1374 = arith.subf %sub3A, %gather3A_1358 : vector<16xf32>
      %abs3A = math.absf %sub3A_1374 : vector<16xf32>
      %add3A_1375 = arith.addf %scan3A_1349, %abs3A : vector<16xf32>
      %mul3A_1376 = arith.mulf %gather3A, %gather3A_1371 : vector<16xf32>
      %mul3A_1377 = arith.mulf %gather3A_1357, %gather3A_1365 : vector<16xf32>
      %add3A_1378 = arith.addf %mul3A_1376, %mul3A_1377 : vector<16xf32>
      %sub3A_1379 = arith.subf %add3A_1378, %gather3A_1362 : vector<16xf32>
      %abs3A_1380 = math.absf %sub3A_1379 : vector<16xf32>
      %add3A_1381 = arith.addf %add3A_1375, %abs3A_1380 : vector<16xf32>
      scf.yield %add3A_1381 : vector<16xf32>
    }
    %scan3A_1314 = arith.constant 32 : i32
    %neg3A_1315 = arith.constant 0.000000e+00 : f32
    %neg3A_1316 = vector.broadcast %neg3A_1315 : f32 to vector<16xf32>
    %neg3A_1317 = arith.subf %neg3A_1316, %scan3A_1313 : vector<16xf32>
    %swap3A_1318 = arith.constant 480 : index
    %swap3A_1319 = tpu.vector_load %arg15[%swap3A_1318] {strides = array<i32>} : memref<512xf32, #tpu.memory_space<vmem>>, vector<16xf32>,
    tpu.vector_store %arg15[%swap3A_1318], %neg3A_1317 {strides = array<i32>} : memref<512xf32, #tpu.memory_space<vmem>>, vector<16xf32>,
    %add3A_1320 = arith.constant 112 : i32
    %add3A_1321 = vector.broadcast %add3A_1320 : i32 to vector<16xi32>
    %add3A_1322 = arith.addi %add3A_1321, %iota3A : vector<16xi32>
    %get3A_1323 = arith.constant 3 : i32
    %get3A_1324 = arith.index_cast %get3A_1323 : i32 to index
    %get3A_1325 = arith.constant 112 : index
    %get3A_1326 = tpu.vector_load %arg10[%get3A_1324, %get3A_1325] {strides = array<i32>} : memref<4x128xi32, #tpu.memory_space<vmem>>, vector<16xi32>,
    %and3A_1327 = arith.constant 1 : i32
    %and3A_1328 = vector.broadcast %and3A_1327 : i32 to vector<16xi32>
    %and3A_1329 = arith.andi %get3A_1326, %and3A_1328 : vector<16xi32>
    %mul3A_1330 = arith.constant 64 : i32
    %mul3A_1331 = vector.broadcast %mul3A_1330 : i32 to vector<16xi32>
    %mul3A_1332 = arith.muli %and3A_1329, %mul3A_1331 : vector<16xi32>
    %broadcast_in_dim3A_1333 = arith.constant 0.000000e+00 : f32
    %broadcast_in_dim3A_1334 = vector.broadcast %broadcast_in_dim3A_1333 : f32 to vector<16xf32>
    %scan3A_1335 = arith.constant 0 : i32
    %scan3A_1336 = arith.constant 32 : i32
    %scan3A_1337 = arith.addi %scan3A_1335, %scan3A_1336 : i32
    %scan3A_1338 = arith.constant 1 : i32
    %scan3A_1339 = scf.for %scan3A_1348 = %scan3A_1335 to %scan3A_1337 step %scan3A_1338 iter_args(%scan3A_1349 = %broadcast_in_dim3A_1334) -> (vector<16xf32>)  : i32 {
      %broadcast_in_dim3A_1350 = arith.constant 0 : i32
      %broadcast_in_dim3A_1351 = vector.broadcast %broadcast_in_dim3A_1350 : i32 to vector<16xi32>
      %add3A_1352 = vector.broadcast %scan3A_1348 : i32 to vector<16xi32>
      %add3A_1353 = arith.addi %broadcast_in_dim3A_1351, %add3A_1352 : vector<16xi32>
      %gather3A = tpu.vector_load_idx %arg12[%add3A_1322, %add3A_1353] : memref<128x128xf32, #tpu.memory_space<vmem>>[vector<16xi32>, vector<16xi32>], vector<16xf32>,
      %add3A_1354 = arith.constant 32 : i32
      %add3A_1355 = vector.broadcast %add3A_1354 : i32 to vector<16xi32>
      %add3A_1356 = arith.addi %add3A_1353, %add3A_1355 : vector<16xi32>
      %gather3A_1357 = tpu.vector_load_idx %arg12[%add3A_1322, %add3A_1356] : memref<128x128xf32, #tpu.memory_space<vmem>>[vector<16xi32>, vector<16xi32>], vector<16xf32>,
      %gather3A_1358 = tpu.vector_load_idx %arg13[%add3A_1322, %add3A_1353] : memref<128x128xf32, #tpu.memory_space<vmem>>[vector<16xi32>, vector<16xi32>], vector<16xf32>,
      %add3A_1359 = arith.constant 32 : i32
      %add3A_1360 = vector.broadcast %add3A_1359 : i32 to vector<16xi32>
      %add3A_1361 = arith.addi %add3A_1353, %add3A_1360 : vector<16xi32>
      %gather3A_1362 = tpu.vector_load_idx %arg13[%add3A_1322, %add3A_1361] : memref<128x128xf32, #tpu.memory_space<vmem>>[vector<16xi32>, vector<16xi32>], vector<16xf32>,
      %add3A_1363 = vector.broadcast %scan3A_1348 : i32 to vector<16xi32>
      %add3A_1364 = arith.addi %mul3A_1332, %add3A_1363 : vector<16xi32>
      %gather3A_1365 = tpu.vector_load_idx %arg14[%add3A_1322, %add3A_1364] : memref<128x128xf32, #tpu.memory_space<vmem>>[vector<16xi32>, vector<16xi32>], vector<16xf32>,
      %add3A_1366 = vector.broadcast %scan3A_1348 : i32 to vector<16xi32>
      %add3A_1367 = arith.addi %mul3A_1332, %add3A_1366 : vector<16xi32>
      %add3A_1368 = arith.constant 32 : i32
      %add3A_1369 = vector.broadcast %add3A_1368 : i32 to vector<16xi32>
      %add3A_1370 = arith.addi %add3A_1367, %add3A_1369 : vector<16xi32>
      %gather3A_1371 = tpu.vector_load_idx %arg14[%add3A_1322, %add3A_1370] : memref<128x128xf32, #tpu.memory_space<vmem>>[vector<16xi32>, vector<16xi32>], vector<16xf32>,
      %mul3A_1372 = arith.mulf %gather3A, %gather3A_1365 : vector<16xf32>
      %mul3A_1373 = arith.mulf %gather3A_1357, %gather3A_1371 : vector<16xf32>
      %sub3A = arith.subf %mul3A_1372, %mul3A_1373 : vector<16xf32>
      %sub3A_1374 = arith.subf %sub3A, %gather3A_1358 : vector<16xf32>
      %abs3A = math.absf %sub3A_1374 : vector<16xf32>
      %add3A_1375 = arith.addf %scan3A_1349, %abs3A : vector<16xf32>
      %mul3A_1376 = arith.mulf %gather3A, %gather3A_1371 : vector<16xf32>
      %mul3A_1377 = arith.mulf %gather3A_1357, %gather3A_1365 : vector<16xf32>
      %add3A_1378 = arith.addf %mul3A_1376, %mul3A_1377 : vector<16xf32>
      %sub3A_1379 = arith.subf %add3A_1378, %gather3A_1362 : vector<16xf32>
      %abs3A_1380 = math.absf %sub3A_1379 : vector<16xf32>
      %add3A_1381 = arith.addf %add3A_1375, %abs3A_1380 : vector<16xf32>
      scf.yield %add3A_1381 : vector<16xf32>
    }
    %scan3A_1340 = arith.constant 32 : i32
    %neg3A_1341 = arith.constant 0.000000e+00 : f32
    %neg3A_1342 = vector.broadcast %neg3A_1341 : f32 to vector<16xf32>
    %neg3A_1343 = arith.subf %neg3A_1342, %scan3A_1339 : vector<16xf32>
    %swap3A_1344 = arith.constant 496 : index
    %swap3A_1345 = tpu.vector_load %arg15[%swap3A_1344] {strides = array<i32>} : memref<512xf32, #tpu.memory_space<vmem>>, vector<16xf32>,
    tpu.vector_store %arg15[%swap3A_1344], %neg3A_1343 {strides = array<i32>} : memref<512xf32, #tpu.memory_space<vmem>>, vector<16xf32>,
    %mul3A_1346 = arith.constant 512 : i32
    %mul3A_1347 = arith.muli %add3A, %mul3A_1346 : i32
    "tpu.region"() ({
      %run_scoped3A = tpu.sem_alloc : memref<!tpu.dma_semaphore, #tpu.memory_space<semaphore_mem>>
      %dma_start3A_1348 = tpu.memref_slice %arg7[%mul3A_1347] : memref<16384xf32, #tpu.memory_space<hbm>> -> memref<512xf32, #tpu.memory_space<hbm>>
      %dma_start3A_1349 = tpu.memref_slice %arg7[%mul3A_1347] : memref<16384xf32, #tpu.memory_space<hbm>> -> memref<512xf32, #tpu.memory_space<hbm>>
      tpu.enqueue_dma source(%arg15 : memref<512xf32, #tpu.memory_space<vmem>>) target(%dma_start3A_1349 : memref<512xf32, #tpu.memory_space<hbm>>) target_semaphore(%run_scoped3A : memref<!tpu.dma_semaphore, #tpu.memory_space<semaphore_mem>>)
      %dma_wait3A_1350 = tpu.memref_slice %arg7[%mul3A_1347] : memref<16384xf32, #tpu.memory_space<hbm>> -> memref<512xf32, #tpu.memory_space<hbm>>
      %dma_wait3A_1351 = tpu.memref_slice %arg7[%mul3A_1347] : memref<16384xf32, #tpu.memory_space<hbm>> -> memref<512xf32, #tpu.memory_space<hbm>>
      tpu.wait_dma2 semaphore(%run_scoped3A : memref<!tpu.dma_semaphore, #tpu.memory_space<semaphore_mem>>) src(%arg15 : memref<512xf32, #tpu.memory_space<vmem>>) dst(%dma_wait3A_1351 : memref<512xf32, #tpu.memory_space<hbm>>)
      tpu.yield
    }) : () -> ()
    return
  }
}

module attributes {stable_mosaic.version = 14 : i64} {
  func.func @_trig_body(%arg0: memref<1000x32xf32, #tpu.memory_space<vmem>>, %arg1: memref<1000x32xf32, #tpu.memory_space<vmem>>, %arg2: memref<1000x32xf32, #tpu.memory_space<vmem>>) attributes {dimension_semantics = [], scalar_prefetch = 0 : i64, scratch_operands = 0 : i64, tpu.core_type = #tpu.core_type<tc>} {
    %get3A = arith.constant 0 : index
    %get3A_0 = arith.constant 0 : index
    %get3A_1 = vector.load %arg0[%get3A, %get3A_0] : memref<1000x32xf32, #tpu.memory_space<vmem>>, vector<1000x32xf32>
    %cos3A = math.cos %get3A_1 : vector<1000x32xf32>
    %swap3A = arith.constant 0 : index
    %swap3A_2 = arith.constant 0 : index
    %swap3A_3 = vector.load %arg1[%swap3A, %swap3A_2] : memref<1000x32xf32, #tpu.memory_space<vmem>>, vector<1000x32xf32>
    tpu.vector_store %arg1[%swap3A, %swap3A_2], %cos3A {strides = array<i32>} : memref<1000x32xf32, #tpu.memory_space<vmem>>, vector<1000x32xf32>,
    %get3A_4 = arith.constant 0 : index
    %get3A_5 = arith.constant 0 : index
    %get3A_6 = vector.load %arg0[%get3A_4, %get3A_5] : memref<1000x32xf32, #tpu.memory_space<vmem>>, vector<1000x32xf32>
    %sin3A = math.sin %get3A_6 : vector<1000x32xf32>
    %swap3A_7 = arith.constant 0 : index
    %swap3A_8 = arith.constant 0 : index
    %swap3A_9 = vector.load %arg2[%swap3A_7, %swap3A_8] : memref<1000x32xf32, #tpu.memory_space<vmem>>, vector<1000x32xf32>
    tpu.vector_store %arg2[%swap3A_7, %swap3A_8], %sin3A {strides = array<i32>} : memref<1000x32xf32, #tpu.memory_space<vmem>>, vector<1000x32xf32>,
    return
  }
}

</mosaic_0001>

<sc_bundles>
// kernel: kernel.4.cloned.1.call-start
scs
__scs_entry_jumppad:
0x0: {  	(pc) =	sbr.rel $0x88, $3  }
0x1: {  	(tag) =	ssettag $0x0;
	lr =	simm.s32 $0x1  }
0x2: {  	[smem:$0x3F9C] =	sst lr;
	_ =	strace $0xD0000000  }
0x3: {  	_ = 	snop  }
0x4: {  	_ = 	snop  }
0x5: {  	_ = 	snop  }
0x6: {  	_ = 	snop  }
0x7: {  	_ = 	snop  }
__scs_overlays_trampoline_lowered:
0x8: {  	[smem:$0x3FAB] =	sst s0  }
0x9: {  	[smem:$0x3FAC] =	sst s1  }
0xa: {  	[smem:$0x3FAD] =	sst s2  }
0xb: {  	[smem:$0x3FAE] =	sst s3  }
0xc: {  	[smem:$0x3FAF] =	sst s4  }
0xd: {  	[smem:$0x3FB0] =	sst s5  }
0xe: {  	[smem:$0x3FB1] =	sst s6  }
0xf: {  	[smem:$0x3FB2] =	sst s7  }
0x10: {  	[smem:$0x3FB3] =	sst s8  }
0x11: {  	[smem:$0x3FB4] =	sst s9;
	s0 =	simm.s32 @!p0 $0x0  }
0x12: {  	s1 =	sld [smem:$0x3F9A];
	s0 =	simm.s32 @p0 $0x1  }
0x13: {  	[smem:$0x3FB5] =	sst s0;
	s0 =	simm.s32 @!p1 $0x0  }
0x14: {  	s2 =	sld [smem:$0x3F99];
	s0 =	simm.s32 @p1 $0x1  }
0x15: {  	[smem:$0x3FB6] =	sst s0;
	s0 =	simm.s32 @!p2 $0x0  }
0x16: {  	s3 =	sld [smem:$0x3FDB];
	s0 =	simm.s32 @p2 $0x1  }
0x17: {  	s4 =	simm.s32 $0x1BF5;
	[smem:$0x3FB8] =	sst s0  }
0x18: {  	s0 =	sld [smem:$0x3F9B];
	_ =	swait.ge [sflag:s4], $0x0  }
0x19: {  	s7 =	sld [smem:$0x3F9C]  }
0x1a: {  	s8 =	sadd.s32 $0xFFFFE003, lr  }
0x1b: {  	s9 =	sadd.s32 $0xFFFFFEF7, lr;
	s5 =	simm.s32 $0xFFFFFFFF;
	p2 =	slt.u32 s8, $0xFFFFF086  }
0x1c: {  	p1 =	slt.u32 s9, $0xF7A;
	s5 =	simm.s32 @!p2 $0x0  }
0x1d: {  	s5 =	simm.s32 @p1 $0x1;
	p0 =	seq.s32 s7, s2  }
0x1e: {  	s7 =	smul.u32 @!p0 $0xF7A, s2;
	p2 =	seq.s32 @!p0 s5, $0x0  }
0x1f: {  	s9 =	smul.u32 $0xF7A, s1;
	s8 =	simm.s32 @!p0 $0x1BF5;
	p2 =	por !p2, p0  }
0x20: {  	[sflag:s8] =	ssyncset.s32 @!p0 $0xFFFFF086;
	s6 =	sadd.s32 @!p0 s3, s7;
	s7 =	simm.s32 @!p0 $0x108  }
0x21: {  	s3 =	sadd.s32 s3, s9;
	s6 =	sadd.s32 @!p0 $0x88, s6;
	s7 =	simm.s32 @p2 $0x1082  }
0x22: {  	[simem:s7], [sflag:s8] =	dma.local @!p0 [hbm:s6], $0xF7A  }
0x23: {  	s9 =	sor.u32 $0xD0000000, s2;
	s6 =	simm.s32 $0x108;
	_ =	swait.ge @!p0 [sflag:s8], $0x0  }
0x24: {  	s3 =	sadd.s32 $0x88, s3;
	s6 =	simm.s32 @!p1 $0x1082;
	[sflag:s4] =	ssyncset.s32 $0xFFFFF086  }
0x25: {  	[simem:s6], [sflag:s4] =	dma.local [hbm:s3], $0xF7A  }
0x26: {  	[smem:$0x3F9C] =	sst s1;
	(tag) =	ssettag s2;
	_ =	strace s9  }
0x27: {  	s1 =	sld [smem:$0x3FAC]  }
0x28: {  	s2 =	sld [smem:$0x3FAD]  }
0x29: {  	s4 =	sld [smem:$0x3FAF]  }
0x2a: {  	p0 =	seq.s32 s5, $0x0;
	s5 =	sld [smem:$0x3FB0]  }
0x2b: {  	s6 =	sld [smem:$0x3FB1]  }
0x2c: {  	s7 =	sld [smem:$0x3FB2]  }
0x2d: {  	s3 =	simm.s32 $0x108;
	s8 =	sld [smem:$0x3FB3]  }
0x2e: {  	s3 =	simm.s32 @!p0 $0x1082;
	s9 =	sld [smem:$0x3FB4]  }
0x2f: {  	lr =	sadd.s32 s0, s3;
	s0 =	sld [smem:$0x3FAB]  }
0x30: {  	s3 =	sld [smem:$0x3FAE]  }
0x31: {  	[smem:$0x3FB7] =	sst s10  }
0x32: {  	s10 =	sld [smem:$0x3FB5];
	_ =	sdelay $0x3  }
0x33: {  	p0 =	seq.s32 s10, $0x1;
	s10 =	sld [smem:$0x3FB7];
	_ =	sdelay $0x3  }
0x34: {  	[smem:$0x3FB7] =	sst s10  }
0x35: {  	s10 =	sld [smem:$0x3FB6];
	_ =	sdelay $0x3  }
0x36: {  	p1 =	seq.s32 s10, $0x1;
	s10 =	sld [smem:$0x3FB7];
	_ =	sdelay $0x3  }
0x37: {  	[smem:$0x3FB7] =	sst s10  }
0x38: {  	s10 =	sld [smem:$0x3FB8]  }
0x39: {  	_ = 	snop;
	(pc) =	sbr.ind lr, $3  }
0x3a: {  	_ = 	snop  }
0x3b: {  	_ = 	snop  }
0x3c: {  	p2 =	seq.s32 s10, $0x1;
	s10 =	sld [smem:$0x3FB7]  }
0x3d: {  	_ =	shalt  }
0x3e: {  	_ =	shalt  }
0x3f: {  	_ =	shalt  }
0x40: {  	_ =	shalt  }
0x41: {  	_ =	shalt  }
0x42: {  	_ =	shalt  }
0x43: {  	_ =	shalt  }
0x44: {  	_ =	shalt  }
0x45: {  	_ =	shalt  }
0x46: {  	_ =	shalt  }
0x47: {  	_ =	shalt  }
0x48: {  	_ =	shalt  }
0x49: {  	_ =	shalt  }
0x4a: {  	_ =	shalt  }
0x4b: {  	_ =	shalt  }
0x4c: {  	_ =	shalt  }
0x4d: {  	_ =	shalt  }
0x4e: {  	_ =	shalt  }
0x4f: {  	_ =	shalt  }
0x50: {  	_ =	shalt  }
0x51: {  	_ =	shalt  }
0x52: {  	_ =	shalt  }
0x53: {  	_ =	shalt  }
0x54: {  	_ =	shalt  }
0x55: {  	_ =	shalt  }
0x56: {  	_ =	shalt  }
0x57: {  	_ =	shalt  }
0x58: {  	_ =	shalt  }
0x59: {  	_ =	shalt  }
0x5a: {  	_ =	shalt  }
0x5b: {  	_ =	shalt  }
0x5c: {  	_ =	shalt  }
0x5d: {  	_ =	shalt  }
0x5e: {  	_ =	shalt  }
0x5f: {  	_ =	shalt  }
0x60: {  	_ =	shalt  }
0x61: {  	_ =	shalt  }
0x62: {  	_ =	shalt  }
0x63: {  	_ =	shalt  }
0x64: {  	_ =	shalt  }
0x65: {  	_ =	shalt  }
0x66: {  	_ =	shalt  }
0x67: {  	_ =	shalt  }
0x68: {  	_ =	shalt  }
0x69: {  	_ =	shalt  }
0x6a: {  	_ =	shalt  }
0x6b: {  	_ =	shalt  }
0x6c: {  	_ =	shalt  }
0x6d: {  	_ =	shalt  }
0x6e: {  	_ =	shalt  }
0x6f: {  	_ =	shalt  }
0x70: {  	_ =	shalt  }
0x71: {  	_ =	shalt  }
0x72: {  	_ =	shalt  }
0x73: {  	_ =	shalt  }
0x74: {  	_ =	shalt  }
0x75: {  	_ =	shalt  }
0x76: {  	_ =	shalt  }
0x77: {  	_ =	shalt  }
0x78: {  	_ =	shalt  }
0x79: {  	_ =	shalt  }
0x7a: {  	_ =	shalt  }
0x7b: {  	_ =	shalt  }
0x7c: {  	_ =	shalt  }
0x7d: {  	_ =	shalt  }
0x7e: {  	_ =	shalt  }
0x7f: {  	_ =	shalt  }
0x80: {  	_ =	shalt  }
0x81: {  	_ =	shalt  }
0x82: {  	_ =	shalt  }
0x83: {  	_ =	shalt  }
0x84: {  	_ =	shalt  }
0x85: {  	_ =	shalt  }
0x86: {  	_ =	shalt  }
0x87: {  	_ =	shalt  }
.Lfunc_end0:
.L_simem_size_0:
called_computation_lowered:
.L_overlay_start_0:
0x88: {  	s2 =	sld [smem:$0x3FD9]  }
0x89: {  	s3 =	sld [smem:$0x3FFE];
	_ =	sdelay $0x1  }
0x8a: {  	s1 =	srdreg.scid  }
0x8b: {  	s0 =	sand.u32 $0x1, s1  }
0x8c: {  	s17 =	sshll.u32 s0, $0xA;
	s2 =	sadd.s32 s3, s2  }
0x8d: {  	s2 =	sadd.s32 s2, s17  }
0x8e: {  	[smem:$0x3FC3] =	sst s2  }
0x8f: {  	_ = 	snop  }
0x90: {  	s2 =	sld [smem:$0x3FC9]  }
0x91: {  	s18 =	sld [smem:$0x3FC8]  }
0x92: {  	s4 =	sld [smem:$0x3FC7]  }
0x93: {  	s5 =	sld [smem:$0x3FD0];
	(tm) =	ssettm $0x1  }
0x94: {  	s6 =	sld [smem:$0x3FFB];
	_ =	sdelay $0x3  }
0x95: {  	_ =	strace s6  }
0x96: {  	s6 =	sld [smem:$0x3FFC];
	_ =	sdelay $0x3  }
0x97: {  	_ =	strace s6  }
0x98: {  	s6 =	sld [smem:$0x3FFD];
	_ =	sdelay $0x3  }
0x99: {  	_ =	strace s6  }
0x9a: {  	_ =	strace $0x8FFFFFFF  }
0x9b: {  	s19 =	sld [smem:$0x3FDB];
	_ =	sdelay $0x1  }
0x9c: {  	s7 =	simm.s32 $_scs_section_size  }
0x9d: {  	s8 =	simm.s32 $_size__tile_overlayer_lowered;
	s9 =	simm.s32 $_tile_overlayer_lowered  }
0x9e: {  	s22 =	simm.s32 $0x1BFF;
	s21 =	sshll.u32 s9, $0x1;
	s6 =	sadd.s32 s7, s19  }
0x9f: {  	s10 =	simm.s32 $0x0;
	s20 =	sshll.u32 s8, $0x1;
	s8 =	sadd.s32 s21, s6  }
0xa0: {  	[timem:s10], [sflag:s22] =	dma.local [hbm:s8], s20  }
0xa1: {  	_ =	swait.ge [sflag:s22], s20  }
0xa2: {  	s7 =	ssub.s32 $0x0, s20;
	[sflag:s22] =	ssyncset.done $0x0  }
0xa3: {  	[sflag:s22] =	ssyncadd.s32 s7;
	_ =	sdelay $0x1  }
0xa4: {  	s23 =	simm.s32 $0x1B8B  }
0xa5: {  	_ =	swait.ge [sflag:s23], $0x1  }
0xa6: {  	[sflag:s23] =	ssyncset.done $0x0  }
0xa7: {  	s25 =	simm.s32 $0x1B8E;
	s24 =	sld [smem:$0x3FFE];
	[sflag:s23] =	ssyncadd.s32 $0xFFFFFFFF  }
0xa8: {  	s26 =	simm.s32 $execute0_lowered;
	[smem:$0x3FD2] =	sst s25  }
0xa9: {  	s8 =	sshll.u32 s26, $0x1;
	_ =	strace $0x80000046;
	[dreg:$0x1] =	wrdreg $0xFFFFFFFF  }
0xaa: {  	s28 =	simm.s32 $_size_execute0_lowered;
	s6 =	sadd.s32 s6, s8;
	[dreg:$0x0] =	wrdreg $0x0  }
0xab: {  	s8 =	sshll.u32 s28, $0x1;
	[dreg:$0x2] =	wrdreg s6  }
0xac: {  	[dreg:$0x3] =	wrdreg s8  }
0xad: {  	[dreg:$0x4] =	wrdreg $0xC0  }
0xae: {  	_ =	task [dreg:s10], $0x5FFFF  }
0xaf: {  	[dreg:$0x1] =	wrdreg $0xFFFFFFFF  }
0xb0: {  	[dreg:$0x0] =	wrdreg $0x60  }
0xb1: {  	[dreg:$0x2] =	wrdreg s2  }
0xb2: {  	[dreg:$0x3] =	wrdreg s18  }
0xb3: {  	[dreg:$0x4] =	wrdreg s4  }
0xb4: {  	[dreg:$0x5] =	wrdreg s24  }
0xb5: {  	[dreg:$0x6] =	wrdreg s5  }
0xb6: {  	[dreg:$0x7] =	wrdreg $0x9  }
0xb7: {  	_ =	task.clear_ibuf [dreg:s10], $0x8FFFF;
	_ =	strace $0x90000046  }
0xb8: {  	s29 =	simm.s32 $0x9;
	_ =	strace $0x80000048  }
0xb9: {  	_ =	swait.ge [sflag:s29], $0x1  }
0xba: {  	[sflag:s29] =	ssyncadd.s32 $0xFFFFFFFF  }
0xbb: {  	_ =	strace $0x90000048  }
0xbc: {  	_ =	sfence  }
0xbd: {  	s30 =	sld [smem:$0x0];
	_ =	sdelay $0x2  }
0xbe: {  	s31 =	sshll.u32 s1, $0xD;
	s1 =	sshrl.u32 s1, $0x2  }
0xbf: {  	s3 =	sand.u32 $0x4000, s31;
	s1 =	sadd.s32 s1, s30  }
0xc0: {  	s0 =	sor.u32 s3, s0;
	s1 =	sshll.u32 s1, $0x11  }
0xc1: {  	s0 =	sor.u32 s1, s0  }
0xc2: {  	s0 =	sadd.s32 $0x8F2B, s0  }
0xc3: {  	[sflag:s0] =	ssyncadd.remote.s32 $0x1  }
0xc4: {  	_ =	sfence.sel $0xFFFF  }
0xc5: {  	[dreg:$0x0] =	wrdreg $0xFFFFFFFF;
	(pc) =	sbr.abs _section_cstart, $3  }
0xc6: {  	[dreg:$0x1] =	wrdreg $0xFFFFFFFF  }
0xc7: {  	_ =	task.clear_ibuf [dreg:s10], $0x2FFFF;
	_ =	strace $0x9FFFFFFF  }
0xc8: {  	(tm) =	ssettm $0x7FFFFFFF  }
0xc9: {  	_ =	shalt  }
tec
execute0_lowered:
.L_overlay_start_1:
0x0: {  	(tag) =	ssettag $0x1  }
0x1: {  	s0 =	rddreg [dreg:$0x0]  }
0x2: {  	s7 =	rddreg [dreg:$0x1]  }
0x3: {  	s6 =	rddreg [dreg:$0x2]  }
0x4: {  	s4 =	rddreg [dreg:$0x3]  }
0x5: {  	s8 =	rddreg [dreg:$0x4]  }
0x6: {  	s2 =	simm.s32 $0x0;
	s3 =	srdreg.scid;
	s1 =	stileid.u32  }
0x7: {  	s12 =	simm.s32 $0x400;
	s13 =	simm.s32 $0x80;
	s14 =	simm.s32 $0x800  }
0x8: {  	s15 =	simm.s32 $0x4800;
	s16 =	simm.s32 $0x600;
	s17 =	simm.s32 $0x8800  }
0x9: {  	s18 =	simm.s32 $0x1;
	s19 =	simm.s32 $0x2;
	s20 =	simm.s32 $0x280  }
0xa: {  	s21 =	simm.s32 $0x680;
	s22 =	simm.s32 $0x100;
	s23 =	simm.s32 $0x300  }
0xb: {  	s24 =	simm.s32 $0x700;
	s25 =	simm.s32 $0x180;
	s26 =	simm.s32 $0x380  }
0xc: {  	v0 =	vlaneseq.u32;
	s28 =	simm.s32 $0x780;
	s29 =	simm.s32 $0xC800;
	s30 =	simm.s32 $0x0  }
0xd: {  	[smem:$0x7FF] =	sst s2;
	s3 =	sand.u32 $0x1, s3;
	s9 =	sshll.u32 s1, $0x7;
	v0 =	vmul.u32 $0x80, v0  }
0xe: {  	_ =	strace $0x80000047;
	s5 =	ssub.s32 $0x2, s3;
	s10 =	sshll.u32 s3, $0x6  }
0xf: {  	s3 =	sadd.s32 $0xF44C00, s4;
	s4 =	sadd.s32 $0xF42C00, s4;
	s11 =	sshrl.u32 s5, $0x1;
	v1 =	vor.u32 $0x20, v0;
	v2 =	vor.u32 $0x800, v0  }
0x10: {  	s9 =	sor.u32 s10, s9;
	s10 =	simm.s32 $0x3;
	v3 =	vor.u32 $0x820, v0;
	v4 =	vor.u32 $0x1000, v0;
	v5 =	vor.u32 $0x1020, v0;
	s31 =	ssub.s32 s5, s11  }
0x11: {  	v6 =	vor.u32 $0x1800, v0;
	v7 =	vor.u32 $0x1820, v0;
	v8 =	vor.u32 $0x2000, v0;
	s5 =	sadd.s32 s0, s9;
	s6 =	sadd.s32 s6, s9;
	s7 =	sadd.s32 s7, s9  }
0x12: {  	v9 =	vor.u32 $0x2020, v0;
	v10 =	vor.u32 $0x2800, v0;
	v11 =	vor.u32 $0x2820, v0;
	s8 =	sadd.s32 s8, s9;
	s11 =	simm.s32 $0x200;
	s9 =	smax.u32 s31, $0x1  }
.LBB2_1:
0x13: {  	[tilespmem:s2], [sflag:$0x3] =	stream.linear.gather [hbm4b:s5+s2], $0x200, $0x38;
	[tilespmem:$0xCA00] =	vst v63  }
0x14: {  	_ =	swait.ge [sflag:s10], $0x200  }
0x15: {  	[sflag:s10] =	ssyncset.done $0x0  }
0x16: {  	[sflag:s10] =	ssyncadd.s32 $0xFFFFFE00  }
0x17: {  	[tilespmem:s11], [sflag:$0x3] =	stream.linear.gather [hbm4b:s6+s2], $0x200, $0x38;
	[tilespmem:$0xCA00] =	vst v63  }
0x18: {  	_ =	swait.ge [sflag:s10], $0x200  }
0x19: {  	[sflag:s10] =	ssyncset.done $0x0  }
0x1a: {  	[sflag:s10] =	ssyncadd.s32 $0xFFFFFE00  }
0x1b: {  	[tilespmem:s12], [sflag:$0x3] =	stream.linear.gather [hbm4b:s7+s2], $0x200, $0x38;
	[tilespmem:$0xCA00] =	vst v63  }
0x1c: {  	_ =	swait.ge [sflag:s10], $0x200  }
0x1d: {  	[sflag:s10] =	ssyncset.done $0x0  }
0x1e: {  	[sflag:s10] =	ssyncadd.s32 $0xFFFFFE00  }
0x1f: {  	v12 =	vld [tilespmem:$0x400]  }
0x20: {  	v13 =	vld [tilespmem:$0x410]  }
0x21: {  	v14 =	vld [tilespmem:$0x420]  }
0x22: {  	v15 =	vld [tilespmem:$0x430]  }
0x23: {  	v16 =	vld [tilespmem:$0x440]  }
0x24: {  	v17 =	vld [tilespmem:$0x450];
	v12 =	vshrl.u32 v12, $0x1  }
0x25: {  	[tilespmem:$0x600] =	vst v12;
	v12 =	vshrl.u32 v13, $0x1;
	v13 =	vld [tilespmem:$0x460]  }
0x26: {  	[tilespmem:$0x610] =	vst v12;
	v12 =	vshrl.u32 v14, $0x1;
	v14 =	vld [tilespmem:$0x470]  }
0x27: {  	[tilespmem:$0x620] =	vst v12;
	v12 =	vshrl.u32 v15, $0x1;
	v15 =	vld [tilespmem:$0x480]  }
0x28: {  	[tilespmem:$0x630] =	vst v12;
	v12 =	vshrl.u32 v16, $0x1;
	v16 =	vld [tilespmem:$0x490]  }
0x29: {  	[tilespmem:$0x640] =	vst v12;
	v12 =	vshrl.u32 v17, $0x1;
	v17 =	vld [tilespmem:$0x4A0]  }
0x2a: {  	[tilespmem:$0x650] =	vst v12;
	v12 =	vshrl.u32 v13, $0x1;
	v13 =	vld [tilespmem:$0x4B0]  }
0x2b: {  	[tilespmem:$0x660] =	vst v12;
	v12 =	vshrl.u32 v14, $0x1;
	v14 =	vld [tilespmem:$0x4C0]  }
0x2c: {  	[tilespmem:$0x670] =	vst v12;
	v12 =	vshrl.u32 v15, $0x1;
	v15 =	vld [tilespmem:$0x4D0]  }
0x2d: {  	[tilespmem:$0x680] =	vst v12;
	v12 =	vshrl.u32 v16, $0x1;
	v16 =	vld [tilespmem:$0x4E0]  }
0x2e: {  	[tilespmem:$0x690] =	vst v12;
	v12 =	vshrl.u32 v17, $0x1;
	v17 =	vld [tilespmem:$0x4F0]  }
0x2f: {  	[tilespmem:$0x6A0] =	vst v12;
	v12 =	vshrl.u32 v13, $0x1;
	v13 =	vld [tilespmem:$0x500]  }
0x30: {  	[tilespmem:$0x6B0] =	vst v12;
	v12 =	vshrl.u32 v14, $0x1;
	v14 =	vld [tilespmem:$0x510]  }
0x31: {  	[tilespmem:$0x6C0] =	vst v12;
	v12 =	vshrl.u32 v15, $0x1;
	v15 =	vld [tilespmem:$0x520]  }
0x32: {  	[tilespmem:$0x6D0] =	vst v12;
	v12 =	vshrl.u32 v16, $0x1;
	v16 =	vld [tilespmem:$0x530]  }
0x33: {  	[tilespmem:$0x6E0] =	vst v12;
	v12 =	vshrl.u32 v17, $0x1;
	v17 =	vld [tilespmem:$0x540]  }
0x34: {  	[tilespmem:$0x6F0] =	vst v12;
	v12 =	vshrl.u32 v13, $0x1;
	v13 =	vld [tilespmem:$0x550]  }
0x35: {  	[tilespmem:$0x700] =	vst v12;
	v12 =	vshrl.u32 v14, $0x1;
	v14 =	vld [tilespmem:$0x560]  }
0x36: {  	[tilespmem:$0x710] =	vst v12;
	v12 =	vshrl.u32 v15, $0x1;
	v15 =	vld [tilespmem:$0x570]  }
0x37: {  	[tilespmem:$0x720] =	vst v12;
	v12 =	vshrl.u32 v16, $0x1;
	v16 =	vld [tilespmem:$0x580]  }
0x38: {  	[tilespmem:$0x730] =	vst v12;
	v12 =	vshrl.u32 v17, $0x1;
	v17 =	vld [tilespmem:$0x590]  }
0x39: {  	[tilespmem:$0x740] =	vst v12;
	v12 =	vshrl.u32 v13, $0x1;
	v13 =	vld [tilespmem:$0x5A0]  }
0x3a: {  	[tilespmem:$0x750] =	vst v12;
	v12 =	vshrl.u32 v14, $0x1;
	v14 =	vld [tilespmem:$0x5B0]  }
0x3b: {  	[tilespmem:$0x760] =	vst v12;
	v12 =	vshrl.u32 v15, $0x1;
	v15 =	vld [tilespmem:$0x5C0]  }
0x3c: {  	[tilespmem:$0x770] =	vst v12;
	v12 =	vshrl.u32 v16, $0x1;
	v16 =	vld [tilespmem:$0x5D0]  }
0x3d: {  	[tilespmem:$0x780] =	vst v12;
	v12 =	vshrl.u32 v17, $0x1;
	v17 =	vld [tilespmem:$0x5E0]  }
0x3e: {  	[tilespmem:$0x790] =	vst v12;
	v12 =	vshrl.u32 v13, $0x1;
	v13 =	vld [tilespmem:$0x5F0]  }
0x3f: {  	[tilespmem:$0x7A0] =	vst v12;
	v12 =	vshrl.u32 v14, $0x1  }
0x40: {  	[tilespmem:$0x7B0] =	vst v12;
	v12 =	vshrl.u32 v15, $0x1  }
0x41: {  	[tilespmem:$0x7C0] =	vst v12;
	v12 =	vshrl.u32 v16, $0x1  }
0x42: {  	[tilespmem:$0x7D0] =	vst v12;
	v12 =	vshrl.u32 v17, $0x1  }
0x43: {  	[tilespmem:$0x7E0] =	vst v12;
	v12 =	vshrl.u32 v13, $0x1  }
0x44: {  	[tilespmem:$0x7F0] =	vst v12  }
0x45: {  	[tilespmem:s14], [sflag:$0x1] =	stream.indirect.gather [hbm4b:s3+s13], $0x80, s2, s13, $0xb8;
	[tilespmem:$0xCA00] =	vst v63  }
0x46: {  	_ = 	snop  }
0x47: {  	[tilespmem:s15], [sflag:$0x1] =	stream.indirect.gather [hbm4b:s3+s13], $0x80, s11, s13, $0xb8;
	[tilespmem:$0xCA00] =	vst v63  }
0x48: {  	_ = 	snop  }
0x49: {  	[tilespmem:s17], [sflag:$0x2] =	stream.indirect.gather [hbm4b:s4+s13], $0x80, s16, s13, $0xb8;
	[tilespmem:$0xCA00] =	vst v63  }
0x4a: {  	_ =	swait.ge [sflag:s18], $0x4000  }
0x4b: {  	[sflag:s18] =	ssyncset.done $0x0  }
0x4c: {  	[sflag:s18] =	ssyncadd.s32 $0xFFFFC000  }
0x4d: {  	_ =	swait.ge [sflag:s18], $0x4000  }
0x4e: {  	[sflag:s18] =	ssyncset.done $0x0  }
0x4f: {  	[sflag:s18] =	ssyncadd.s32 $0xFFFFC000  }
0x50: {  	_ =	swait.ge [sflag:s19], $0x4000  }
0x51: {  	[sflag:s19] =	ssyncset.done $0x0  }
0x52: {  	[sflag:s19] =	ssyncadd.s32 $0xFFFFC000  }
0x53: {  	v12 =	vld [tilespmem:$0x400];
	_ =	sdelay $0x4  }
0x54: {  	v12 =	vshll.u32 v12, $0x6  }
0x55: {  	v13 =	vmov s2;
	v14 =	vadd.s32 s2, v12  }
0x56: {  	v17 =	vor.u32 s2, v0;
	v13 =	vand.u32 $0x7, v13;
	v14 =	vand.u32 $0x58, v14  }
0x57: {  	v16 =	vor.u32 s2, v1;
	v13 =	vor.u32 v13, v14  }
0x58: {  	v14 =	vor.u32 v0, v13  }
0x59: {  	v13 =	vor.u32 v1, v13;
	_ =	sdelay $0x1  }
0x5a: {  	s0 =	simm.s32 $0x1;
	v23 =	vld.idx.msk [tilespmem:v17+s14+$0x0], $0xffff  }
0x5b: {  	v18 =	vmov s0;
	v25 =	vld.idx.msk [tilespmem:v16+s14+$0x0], $0xffff;
	v19 =	vadd.s32 s0, v12  }
0x5c: {  	v18 =	vand.u32 $0x7, v18;
	v15 =	vor.u32 s0, v0;
	v19 =	vand.u32 $0x58, v19;
	v29 =	vld.idx.msk [tilespmem:v14+s17+$0x0], $0xffff  }
0x5d: {  	v24 =	vld.idx.msk [tilespmem:v13+s17+$0x0], $0xffff;
	v13 =	vor.u32 s0, v1;
	v14 =	vor.u32 v18, v19  }
0x5e: {  	v20 =	vor.u32 v0, v14  }
0x5f: {  	s31 =	simm.s32 $0x2;
	v16 =	vld.idx.msk [tilespmem:v16+s15+$0x0], $0xffff;
	v27 =	vor.u32 v1, v14  }
0x60: {  	v22 =	vmov s31;
	v21 =	vld.idx.msk [tilespmem:v17+s15+$0x0], $0xffff  }
0x61: {  	v28 =	vand.u32 $0x7, v22;
	v19 =	vld.idx.msk [tilespmem:v15+s14+$0x0], $0xffff  }
0x62: {  	v17 =	vimm.f32 $0.0e+00;
	v18 =	vld.idx.msk [tilespmem:v13+s14+$0x0], $0xffff;
	v30 =	vmul.f32 v29, v23;
	v31 =	vmul.f32 v24, v25  }
0x63: {  	v26 =	vadd.s32 s31, v12;
	v14 =	vor.u32 s31, v0;
	v24 =	vmul.f32 v24, v23;
	v22 =	vld.idx.msk [tilespmem:v20+s17+$0x0], $0xffff  }
0x64: {  	v26 =	vand.u32 $0x58, v26;
	s0 =	simm.s32 $0x3;
	v25 =	vmul.f32 v29, v25;
	v23 =	vmovc v14;
	v20 =	vld.idx.msk [tilespmem:v27+s17+$0x0], $0xffff;
	v27 =	vsub.f32 v30, v31  }
.LBB2_2:
0x65: {  	p0 =	sne.s32 s0, $0x1F;
	v29 =	vor.u32 s31, v1;
	v26 =	vor.u32 v28, v26;
	v28 =	vmov v16;
	s31 =	smov.u32 s0  }
0x66: {  	v30 =	vor.u32 v0, v26;
	v27 =	vsub.f32 v27, v21;
	v24 =	vadd.f32 v24, v25  }
0x67: {  	v25 =	vor.u32 v1, v26;
	v31 =	vmov v19;
	v16 =	vld.idx.msk [tilespmem:v13+s15+$0x0], $0xffff;
	v13 =	vmov v29  }
.Ltmp0:
0x68: {  	v32 =	vmovc v18;
	v21 =	vld.idx.msk [tilespmem:v15+s15+$0x0], $0xffff;
	v26 =	vand.u32 $0x7FFFFFFF, v27;
	v24 =	vsub.f32 v24, v28;
	v15 =	vmovc v14;
	v14 =	vor.u32 s0, v0;
	(pc) =	sbr.rel @p0 .LBB2_2-.Ltmp0, $4  }
0x69: {  	v27 =	vmov s0;
	v28 =	vadd.s32 s0, v12;
	v33 =	vmovc v22;
	v19 =	vld.idx.msk [tilespmem:v23+s14+$0x0], $0xffff;
	v17 =	vadd.f32 v26, v17;
	v23 =	vmovc v14  }
0x6a: {  	v34 =	vmul.f32 v20, v32;
	v18 =	vld.idx.msk [tilespmem:v29+s14+$0x0], $0xffff;
	v29 =	vmul.f32 v33, v31;
	v24 =	vand.u32 $0x7FFFFFFF, v24  }
0x6b: {  	v26 =	vand.u32 $0x58, v28;
	v28 =	vand.u32 $0x7, v27;
	v22 =	vld.idx.msk [tilespmem:v30+s17+$0x0], $0xffff;
	v17 =	vadd.f32 v17, v24  }
0x6c: {  	s0 =	sadd.s32 $0x1, s0;
	v24 =	vmul.f32 v20, v31;
	v27 =	vsub.f32 v29, v34;
	v20 =	vld.idx.msk [tilespmem:v25+s17+$0x0], $0xffff;
	v25 =	vmul.f32 v33, v32  }
0x6d: {  	_ = 	snop  }
0x6e: {  	v12 =	vor.u32 s31, v1;
	v26 =	vor.u32 v28, v26  }
0x6f: {  	v28 =	vor.u32 v0, v26  }
0x70: {  	v26 =	vor.u32 v1, v26  }
0x71: {  	v15 =	vld.idx.msk [tilespmem:v15+s15+$0x0], $0xffff  }
0x72: {  	v23 =	vld.idx.msk [tilespmem:v23+s14+$0x0], $0xffff  }
0x73: {  	v29 =	vld.idx.msk [tilespmem:v12+s14+$0x0], $0xffff  }
0x74: {  	v21 =	vsub.f32 v27, v21;
	v27 =	vld.idx.msk [tilespmem:v28+s17+$0x0], $0xffff  }
0x75: {  	v24 =	vadd.f32 v24, v25;
	v26 =	vld.idx.msk [tilespmem:v26+s17+$0x0], $0xffff  }
0x76: {  	v13 =	vld.idx.msk [tilespmem:v13+s15+$0x0], $0xffff;
	v30 =	vmul.f32 v20, v18;
	v28 =	vmul.f32 v22, v19  }
0x77: {  	v16 =	vsub.f32 v24, v16;
	v18 =	vmul.f32 v22, v18;
	v19 =	vmul.f32 v20, v19  }
0x78: {  	v21 =	vand.u32 $0x7FFFFFFF, v21;
	v25 =	vsub.f32 v28, v30  }
0x79: {  	v14 =	vld.idx.msk [tilespmem:v14+s15+$0x0], $0xffff;
	v17 =	vadd.f32 v21, v17;
	v16 =	vand.u32 $0x7FFFFFFF, v16;
	v18 =	vadd.f32 v19, v18  }
0x7a: {  	v15 =	vsub.f32 v25, v15;
	v19 =	vmul.f32 v27, v23;
	v20 =	vmul.f32 v26, v29  }
0x7b: {  	v12 =	vld.idx.msk [tilespmem:v12+s15+$0x0], $0xffff;
	v16 =	vadd.f32 v17, v16;
	v13 =	vsub.f32 v18, v13;
	v18 =	vmul.f32 v26, v23  }
0x7c: {  	v15 =	vand.u32 $0x7FFFFFFF, v15;
	v17 =	vsub.f32 v19, v20;
	v19 =	vmul.f32 v27, v29  }
0x7d: {  	v15 =	vadd.f32 v15, v16;
	v16 =	vld [tilespmem:$0x410]  }
0x7e: {  	v13 =	vand.u32 $0x7FFFFFFF, v13;
	v14 =	vsub.f32 v17, v14;
	v17 =	vadd.f32 v18, v19  }
0x7f: {  	v13 =	vadd.f32 v15, v13  }
0x80: {  	v14 =	vand.u32 $0x7FFFFFFF, v14;
	v12 =	vsub.f32 v17, v12  }
0x81: {  	v13 =	vadd.f32 v14, v13  }
0x82: {  	s0 =	simm.s32 $0x0;
	v14 =	vand.u32 $0x7FFFFFFF, v12;
	v12 =	vshll.u32 v16, $0x6  }
0x83: {  	v13 =	vadd.f32 v13, v14;
	v14 =	vmov s0;
	v15 =	vadd.s32 s0, v12  }
0x84: {  	v17 =	vor.u32 s0, v2;
	v15 =	vand.u32 $0x58, v15;
	v14 =	vand.u32 $0x7, v14  }
0x85: {  	v16 =	vor.u32 s0, v3;
	v14 =	vor.u32 v14, v15  }
0x86: {  	v13 =	vsub.f32 $0.0e+00, v13;
	v18 =	vor.u32 v2, v14  }
0x87: {  	v14 =	vor.u32 v3, v14  }
0x88: {  	[tilespmem:$0xC800] =	vst v13  }
0x89: {  	s0 =	simm.s32 $0x1;
	v23 =	vld.idx.msk [tilespmem:v17+s14+$0x0], $0xffff  }
0x8a: {  	v19 =	vadd.s32 s0, v12;
	v13 =	vmov s0;
	v25 =	vld.idx.msk [tilespmem:v16+s14+$0x0], $0xffff  }
0x8b: {  	v15 =	vor.u32 s0, v2;
	v19 =	vand.u32 $0x58, v19;
	v20 =	vand.u32 $0x7, v13;
	v29 =	vld.idx.msk [tilespmem:v18+s17+$0x0], $0xffff  }
0x8c: {  	v13 =	vor.u32 s0, v3;
	v24 =	vld.idx.msk [tilespmem:v14+s17+$0x0], $0xffff;
	v14 =	vor.u32 v20, v19  }
0x8d: {  	v20 =	vor.u32 v2, v14  }
0x8e: {  	s31 =	simm.s32 $0x2;
	v16 =	vld.idx.msk [tilespmem:v16+s15+$0x0], $0xffff;
	v27 =	vor.u32 v3, v14  }
0x8f: {  	v22 =	vmov s31;
	v21 =	vld.idx.msk [tilespmem:v17+s15+$0x0], $0xffff  }
0x90: {  	v28 =	vand.u32 $0x7, v22;
	v19 =	vld.idx.msk [tilespmem:v15+s14+$0x0], $0xffff  }
0x91: {  	v26 =	vadd.s32 s31, v12;
	v18 =	vld.idx.msk [tilespmem:v13+s14+$0x0], $0xffff;
	v30 =	vmul.f32 v29, v23;
	v31 =	vmul.f32 v24, v25  }
0x92: {  	v26 =	vand.u32 $0x58, v26;
	v14 =	vor.u32 s31, v2;
	v24 =	vmul.f32 v24, v23;
	v22 =	vld.idx.msk [tilespmem:v20+s17+$0x0], $0xffff  }
0x93: {  	v17 =	vimm.f32 $0.0e+00;
	s0 =	simm.s32 $0x3;
	v25 =	vmul.f32 v29, v25;
	v23 =	vmovc v14;
	v20 =	vld.idx.msk [tilespmem:v27+s17+$0x0], $0xffff;
	v27 =	vsub.f32 v30, v31  }
.LBB2_4:
0x94: {  	p0 =	sne.s32 s0, $0x1F;
	v29 =	vor.u32 s31, v3;
	v26 =	vor.u32 v28, v26;
	v28 =	vmov v16;
	s31 =	smov.u32 s0  }
0x95: {  	v30 =	vor.u32 v2, v26;
	v27 =	vsub.f32 v27, v21;
	v24 =	vadd.f32 v24, v25  }
0x96: {  	v25 =	vor.u32 v3, v26;
	v31 =	vmov v19;
	v16 =	vld.idx.msk [tilespmem:v13+s15+$0x0], $0xffff;
	v13 =	vmov v29  }
.Ltmp1:
0x97: {  	v32 =	vmovc v18;
	v21 =	vld.idx.msk [tilespmem:v15+s15+$0x0], $0xffff;
	v26 =	vand.u32 $0x7FFFFFFF, v27;
	v24 =	vsub.f32 v24, v28;
	v15 =	vmovc v14;
	v14 =	vor.u32 s0, v2;
	(pc) =	sbr.rel @p0 .LBB2_4-.Ltmp1, $4  }
0x98: {  	v27 =	vmov s0;
	v28 =	vadd.s32 s0, v12;
	v33 =	vmovc v22;
	v19 =	vld.idx.msk [tilespmem:v23+s14+$0x0], $0xffff;
	v17 =	vadd.f32 v26, v17;
	v23 =	vmovc v14  }
0x99: {  	v34 =	vmul.f32 v20, v32;
	v18 =	vld.idx.msk [tilespmem:v29+s14+$0x0], $0xffff;
	v29 =	vmul.f32 v33, v31;
	v24 =	vand.u32 $0x7FFFFFFF, v24  }
0x9a: {  	v26 =	vand.u32 $0x58, v28;
	v28 =	vand.u32 $0x7, v27;
	v22 =	vld.idx.msk [tilespmem:v30+s17+$0x0], $0xffff;
	v17 =	vadd.f32 v17, v24  }
0x9b: {  	s0 =	sadd.s32 $0x1, s0;
	v24 =	vmul.f32 v20, v31;
	v27 =	vsub.f32 v29, v34;
	v20 =	vld.idx.msk [tilespmem:v25+s17+$0x0], $0xffff;
	v25 =	vmul.f32 v33, v32  }
0x9c: {  	_ = 	snop  }
0x9d: {  	v12 =	vor.u32 s31, v3;
	v26 =	vor.u32 v28, v26  }
0x9e: {  	v28 =	vor.u32 v2, v26  }
0x9f: {  	v26 =	vor.u32 v3, v26  }
0xa0: {  	v15 =	vld.idx.msk [tilespmem:v15+s15+$0x0], $0xffff  }
0xa1: {  	v23 =	vld.idx.msk [tilespmem:v23+s14+$0x0], $0xffff  }
0xa2: {  	v29 =	vld.idx.msk [tilespmem:v12+s14+$0x0], $0xffff  }
0xa3: {  	v21 =	vsub.f32 v27, v21;
	v27 =	vld.idx.msk [tilespmem:v28+s17+$0x0], $0xffff  }
0xa4: {  	v24 =	vadd.f32 v24, v25;
	v26 =	vld.idx.msk [tilespmem:v26+s17+$0x0], $0xffff  }
0xa5: {  	v13 =	vld.idx.msk [tilespmem:v13+s15+$0x0], $0xffff;
	v30 =	vmul.f32 v20, v18;
	v28 =	vmul.f32 v22, v19  }
0xa6: {  	v16 =	vsub.f32 v24, v16;
	v18 =	vmul.f32 v22, v18;
	v19 =	vmul.f32 v20, v19  }
0xa7: {  	v21 =	vand.u32 $0x7FFFFFFF, v21;
	v25 =	vsub.f32 v28, v30  }
0xa8: {  	v14 =	vld.idx.msk [tilespmem:v14+s15+$0x0], $0xffff;
	v17 =	vadd.f32 v21, v17;
	v16 =	vand.u32 $0x7FFFFFFF, v16;
	v18 =	vadd.f32 v19, v18  }
0xa9: {  	v15 =	vsub.f32 v25, v15;
	v19 =	vmul.f32 v27, v23;
	v20 =	vmul.f32 v26, v29  }
0xaa: {  	v12 =	vld.idx.msk [tilespmem:v12+s15+$0x0], $0xffff;
	v16 =	vadd.f32 v17, v16;
	v13 =	vsub.f32 v18, v13;
	v18 =	vmul.f32 v26, v23  }
0xab: {  	v15 =	vand.u32 $0x7FFFFFFF, v15;
	v17 =	vsub.f32 v19, v20;
	v19 =	vmul.f32 v27, v29  }
0xac: {  	v15 =	vadd.f32 v15, v16;
	v16 =	vld [tilespmem:$0x420]  }
0xad: {  	v13 =	vand.u32 $0x7FFFFFFF, v13;
	v14 =	vsub.f32 v17, v14;
	v17 =	vadd.f32 v18, v19  }
0xae: {  	v13 =	vadd.f32 v15, v13  }
0xaf: {  	v14 =	vand.u32 $0x7FFFFFFF, v14;
	v12 =	vsub.f32 v17, v12  }
0xb0: {  	v13 =	vadd.f32 v14, v13  }
0xb1: {  	s0 =	simm.s32 $0x0;
	v14 =	vand.u32 $0x7FFFFFFF, v12;
	v12 =	vshll.u32 v16, $0x6  }
0xb2: {  	v13 =	vadd.f32 v13, v14;
	v14 =	vmov s0;
	v15 =	vadd.s32 s0, v12  }
0xb3: {  	v17 =	vor.u32 s0, v4;
	v15 =	vand.u32 $0x58, v15;
	v14 =	vand.u32 $0x7, v14  }
0xb4: {  	v16 =	vor.u32 s0, v5;
	v14 =	vor.u32 v14, v15  }
0xb5: {  	v13 =	vsub.f32 $0.0e+00, v13;
	v18 =	vor.u32 v4, v14  }
0xb6: {  	v14 =	vor.u32 v5, v14  }
0xb7: {  	[tilespmem:$0xC810] =	vst v13  }
0xb8: {  	s0 =	simm.s32 $0x1;
	v23 =	vld.idx.msk [tilespmem:v17+s14+$0x0], $0xffff  }
0xb9: {  	v19 =	vadd.s32 s0, v12;
	v13 =	vmov s0;
	v25 =	vld.idx.msk [tilespmem:v16+s14+$0x0], $0xffff  }
0xba: {  	v15 =	vor.u32 s0, v4;
	v19 =	vand.u32 $0x58, v19;
	v20 =	vand.u32 $0x7, v13;
	v29 =	vld.idx.msk [tilespmem:v18+s17+$0x0], $0xffff  }
0xbb: {  	v13 =	vor.u32 s0, v5;
	v24 =	vld.idx.msk [tilespmem:v14+s17+$0x0], $0xffff;
	v14 =	vor.u32 v20, v19  }
0xbc: {  	v20 =	vor.u32 v4, v14  }
0xbd: {  	s31 =	simm.s32 $0x2;
	v16 =	vld.idx.msk [tilespmem:v16+s15+$0x0], $0xffff;
	v27 =	vor.u32 v5, v14  }
0xbe: {  	v22 =	vmov s31;
	v21 =	vld.idx.msk [tilespmem:v17+s15+$0x0], $0xffff  }
0xbf: {  	v28 =	vand.u32 $0x7, v22;
	v19 =	vld.idx.msk [tilespmem:v15+s14+$0x0], $0xffff  }
0xc0: {  	v26 =	vadd.s32 s31, v12;
	v18 =	vld.idx.msk [tilespmem:v13+s14+$0x0], $0xffff;
	v30 =	vmul.f32 v29, v23;
	v31 =	vmul.f32 v24, v25  }
0xc1: {  	v26 =	vand.u32 $0x58, v26;
	v14 =	vor.u32 s31, v4;
	v24 =	vmul.f32 v24, v23;
	v22 =	vld.idx.msk [tilespmem:v20+s17+$0x0], $0xffff  }
0xc2: {  	v17 =	vimm.f32 $0.0e+00;
	s0 =	simm.s32 $0x3;
	v25 =	vmul.f32 v29, v25;
	v23 =	vmovc v14;
	v20 =	vld.idx.msk [tilespmem:v27+s17+$0x0], $0xffff;
	v27 =	vsub.f32 v30, v31  }
.LBB2_6:
0xc3: {  	p0 =	sne.s32 s0, $0x1F;
	v29 =	vor.u32 s31, v5;
	v26 =	vor.u32 v28, v26;
	v28 =	vmov v16;
	s31 =	smov.u32 s0  }
0xc4: {  	v30 =	vor.u32 v4, v26;
	v27 =	vsub.f32 v27, v21;
	v24 =	vadd.f32 v24, v25  }
0xc5: {  	v25 =	vor.u32 v5, v26;
	v31 =	vmov v19;
	v16 =	vld.idx.msk [tilespmem:v13+s15+$0x0], $0xffff;
	v13 =	vmov v29  }
.Ltmp2:
0xc6: {  	v32 =	vmovc v18;
	v21 =	vld.idx.msk [tilespmem:v15+s15+$0x0], $0xffff;
	v26 =	vand.u32 $0x7FFFFFFF, v27;
	v24 =	vsub.f32 v24, v28;
	v15 =	vmovc v14;
	v14 =	vor.u32 s0, v4;
	(pc) =	sbr.rel @p0 .LBB2_6-.Ltmp2, $4  }
0xc7: {  	v27 =	vmov s0;
	v28 =	vadd.s32 s0, v12;
	v33 =	vmovc v22;
	v19 =	vld.idx.msk [tilespmem:v23+s14+$0x0], $0xffff;
	v17 =	vadd.f32 v26, v17;
	v23 =	vmovc v14  }
0xc8: {  	v34 =	vmul.f32 v20, v32;
	v18 =	vld.idx.msk [tilespmem:v29+s14+$0x0], $0xffff;
	v29 =	vmul.f32 v33, v31;
	v24 =	vand.u32 $0x7FFFFFFF, v24  }
0xc9: {  	v26 =	vand.u32 $0x58, v28;
	v28 =	vand.u32 $0x7, v27;
	v22 =	vld.idx.msk [tilespmem:v30+s17+$0x0], $0xffff;
	v17 =	vadd.f32 v17, v24  }
0xca: {  	s0 =	sadd.s32 $0x1, s0;
	v24 =	vmul.f32 v20, v31;
	v27 =	vsub.f32 v29, v34;
	v20 =	vld.idx.msk [tilespmem:v25+s17+$0x0], $0xffff;
	v25 =	vmul.f32 v33, v32  }
0xcb: {  	_ = 	snop  }
0xcc: {  	v12 =	vor.u32 s31, v5;
	v26 =	vor.u32 v28, v26  }
0xcd: {  	v28 =	vor.u32 v4, v26  }
0xce: {  	v26 =	vor.u32 v5, v26  }
0xcf: {  	v15 =	vld.idx.msk [tilespmem:v15+s15+$0x0], $0xffff  }
0xd0: {  	v23 =	vld.idx.msk [tilespmem:v23+s14+$0x0], $0xffff  }
0xd1: {  	v29 =	vld.idx.msk [tilespmem:v12+s14+$0x0], $0xffff  }
0xd2: {  	v21 =	vsub.f32 v27, v21;
	v27 =	vld.idx.msk [tilespmem:v28+s17+$0x0], $0xffff  }
0xd3: {  	v24 =	vadd.f32 v24, v25;
	v26 =	vld.idx.msk [tilespmem:v26+s17+$0x0], $0xffff  }
0xd4: {  	v13 =	vld.idx.msk [tilespmem:v13+s15+$0x0], $0xffff;
	v30 =	vmul.f32 v20, v18;
	v28 =	vmul.f32 v22, v19  }
0xd5: {  	v16 =	vsub.f32 v24, v16;
	v18 =	vmul.f32 v22, v18;
	v19 =	vmul.f32 v20, v19  }
0xd6: {  	v21 =	vand.u32 $0x7FFFFFFF, v21;
	v25 =	vsub.f32 v28, v30  }
0xd7: {  	v14 =	vld.idx.msk [tilespmem:v14+s15+$0x0], $0xffff;
	v17 =	vadd.f32 v21, v17;
	v16 =	vand.u32 $0x7FFFFFFF, v16;
	v18 =	vadd.f32 v19, v18  }
0xd8: {  	v15 =	vsub.f32 v25, v15;
	v19 =	vmul.f32 v27, v23;
	v20 =	vmul.f32 v26, v29  }
0xd9: {  	v12 =	vld.idx.msk [tilespmem:v12+s15+$0x0], $0xffff;
	v16 =	vadd.f32 v17, v16;
	v13 =	vsub.f32 v18, v13;
	v18 =	vmul.f32 v26, v23  }
0xda: {  	v15 =	vand.u32 $0x7FFFFFFF, v15;
	v17 =	vsub.f32 v19, v20;
	v19 =	vmul.f32 v27, v29  }
0xdb: {  	v15 =	vadd.f32 v15, v16;
	v16 =	vld [tilespmem:$0x430]  }
0xdc: {  	v13 =	vand.u32 $0x7FFFFFFF, v13;
	v14 =	vsub.f32 v17, v14;
	v17 =	vadd.f32 v18, v19  }
0xdd: {  	v13 =	vadd.f32 v15, v13  }
0xde: {  	v14 =	vand.u32 $0x7FFFFFFF, v14;
	v12 =	vsub.f32 v17, v12  }
0xdf: {  	v13 =	vadd.f32 v14, v13  }
0xe0: {  	s0 =	simm.s32 $0x0;
	v14 =	vand.u32 $0x7FFFFFFF, v12;
	v12 =	vshll.u32 v16, $0x6  }
0xe1: {  	v13 =	vadd.f32 v13, v14;
	v14 =	vmov s0;
	v15 =	vadd.s32 s0, v12  }
0xe2: {  	v17 =	vor.u32 s0, v6;
	v15 =	vand.u32 $0x58, v15;
	v14 =	vand.u32 $0x7, v14  }
0xe3: {  	v16 =	vor.u32 s0, v7;
	v14 =	vor.u32 v14, v15  }
0xe4: {  	v13 =	vsub.f32 $0.0e+00, v13;
	v18 =	vor.u32 v6, v14  }
0xe5: {  	v14 =	vor.u32 v7, v14  }
0xe6: {  	[tilespmem:$0xC820] =	vst v13  }
0xe7: {  	s0 =	simm.s32 $0x1;
	v23 =	vld.idx.msk [tilespmem:v17+s14+$0x0], $0xffff  }
0xe8: {  	v19 =	vadd.s32 s0, v12;
	v13 =	vmov s0;
	v25 =	vld.idx.msk [tilespmem:v16+s14+$0x0], $0xffff  }
0xe9: {  	v15 =	vor.u32 s0, v6;
	v19 =	vand.u32 $0x58, v19;
	v20 =	vand.u32 $0x7, v13;
	v29 =	vld.idx.msk [tilespmem:v18+s17+$0x0], $0xffff  }
0xea: {  	v13 =	vor.u32 s0, v7;
	v24 =	vld.idx.msk [tilespmem:v14+s17+$0x0], $0xffff;
	v14 =	vor.u32 v20, v19  }
0xeb: {  	v20 =	vor.u32 v6, v14  }
0xec: {  	s31 =	simm.s32 $0x2;
	v16 =	vld.idx.msk [tilespmem:v16+s15+$0x0], $0xffff;
	v27 =	vor.u32 v7, v14  }
0xed: {  	v22 =	vmov s31;
	v21 =	vld.idx.msk [tilespmem:v17+s15+$0x0], $0xffff  }
0xee: {  	v28 =	vand.u32 $0x7, v22;
	v19 =	vld.idx.msk [tilespmem:v15+s14+$0x0], $0xffff  }
0xef: {  	v26 =	vadd.s32 s31, v12;
	v18 =	vld.idx.msk [tilespmem:v13+s14+$0x0], $0xffff;
	v30 =	vmul.f32 v29, v23;
	v31 =	vmul.f32 v24, v25  }
0xf0: {  	v26 =	vand.u32 $0x58, v26;
	v14 =	vor.u32 s31, v6;
	v24 =	vmul.f32 v24, v23;
	v22 =	vld.idx.msk [tilespmem:v20+s17+$0x0], $0xffff  }
0xf1: {  	v17 =	vimm.f32 $0.0e+00;
	s0 =	simm.s32 $0x3;
	v25 =	vmul.f32 v29, v25;
	v23 =	vmovc v14;
	v20 =	vld.idx.msk [tilespmem:v27+s17+$0x0], $0xffff;
	v27 =	vsub.f32 v30, v31  }
.LBB2_8:
0xf2: {  	p0 =	sne.s32 s0, $0x1F;
	v29 =	vor.u32 s31, v7;
	v26 =	vor.u32 v28, v26;
	v28 =	vmov v16;
	s31 =	smov.u32 s0  }
0xf3: {  	v30 =	vor.u32 v6, v26;
	v27 =	vsub.f32 v27, v21;
	v24 =	vadd.f32 v24, v25  }
0xf4: {  	v25 =	vor.u32 v7, v26;
	v31 =	vmov v19;
	v16 =	vld.idx.msk [tilespmem:v13+s15+$0x0], $0xffff;
	v13 =	vmov v29  }
.Ltmp3:
0xf5: {  	v32 =	vmovc v18;
	v21 =	vld.idx.msk [tilespmem:v15+s15+$0x0], $0xffff;
	v26 =	vand.u32 $0x7FFFFFFF, v27;
	v24 =	vsub.f32 v24, v28;
	v15 =	vmovc v14;
	v14 =	vor.u32 s0, v6;
	(pc) =	sbr.rel @p0 .LBB2_8-.Ltmp3, $4  }
0xf6: {  	v27 =	vmov s0;
	v28 =	vadd.s32 s0, v12;
	v33 =	vmovc v22;
	v19 =	vld.idx.msk [tilespmem:v23+s14+$0x0], $0xffff;
	v17 =	vadd.f32 v26, v17;
	v23 =	vmovc v14  }
0xf7: {  	v34 =	vmul.f32 v20, v32;
	v18 =	vld.idx.msk [tilespmem:v29+s14+$0x0], $0xffff;
	v29 =	vmul.f32 v33, v31;
	v24 =	vand.u32 $0x7FFFFFFF, v24  }
0xf8: {  	v26 =	vand.u32 $0x58, v28;
	v28 =	vand.u32 $0x7, v27;
	v22 =	vld.idx.msk [tilespmem:v30+s17+$0x0], $0xffff;
	v17 =	vadd.f32 v17, v24  }
0xf9: {  	s0 =	sadd.s32 $0x1, s0;
	v24 =	vmul.f32 v20, v31;
	v27 =	vsub.f32 v29, v34;
	v20 =	vld.idx.msk [tilespmem:v25+s17+$0x0], $0xffff;
	v25 =	vmul.f32 v33, v32  }
0xfa: {  	_ = 	snop  }
0xfb: {  	v12 =	vor.u32 s31, v7;
	v26 =	vor.u32 v28, v26  }
0xfc: {  	v28 =	vor.u32 v6, v26  }
0xfd: {  	v26 =	vor.u32 v7, v26  }
0xfe: {  	v15 =	vld.idx.msk [tilespmem:v15+s15+$0x0], $0xffff  }
0xff: {  	v23 =	vld.idx.msk [tilespmem:v23+s14+$0x0], $0xffff  }
0x100: {  	v29 =	vld.idx.msk [tilespmem:v12+s14+$0x0], $0xffff  }
0x101: {  	v21 =	vsub.f32 v27, v21;
	v27 =	vld.idx.msk [tilespmem:v28+s17+$0x0], $0xffff  }
0x102: {  	v24 =	vadd.f32 v24, v25;
	v26 =	vld.idx.msk [tilespmem:v26+s17+$0x0], $0xffff  }
0x103: {  	v13 =	vld.idx.msk [tilespmem:v13+s15+$0x0], $0xffff;
	v30 =	vmul.f32 v20, v18;
	v28 =	vmul.f32 v22, v19  }
0x104: {  	v16 =	vsub.f32 v24, v16;
	v18 =	vmul.f32 v22, v18;
	v19 =	vmul.f32 v20, v19  }
0x105: {  	v21 =	vand.u32 $0x7FFFFFFF, v21;
	v25 =	vsub.f32 v28, v30  }
0x106: {  	v14 =	vld.idx.msk [tilespmem:v14+s15+$0x0], $0xffff;
	v17 =	vadd.f32 v21, v17;
	v16 =	vand.u32 $0x7FFFFFFF, v16;
	v18 =	vadd.f32 v19, v18  }
0x107: {  	v15 =	vsub.f32 v25, v15;
	v19 =	vmul.f32 v27, v23;
	v20 =	vmul.f32 v26, v29  }
0x108: {  	v12 =	vld.idx.msk [tilespmem:v12+s15+$0x0], $0xffff;
	v16 =	vadd.f32 v17, v16;
	v13 =	vsub.f32 v18, v13;
	v18 =	vmul.f32 v26, v23  }
0x109: {  	v15 =	vand.u32 $0x7FFFFFFF, v15;
	v17 =	vsub.f32 v19, v20;
	v19 =	vmul.f32 v27, v29  }
0x10a: {  	v15 =	vadd.f32 v15, v16;
	v16 =	vld [tilespmem:$0x440]  }
0x10b: {  	v13 =	vand.u32 $0x7FFFFFFF, v13;
	v14 =	vsub.f32 v17, v14;
	v17 =	vadd.f32 v18, v19  }
0x10c: {  	v13 =	vadd.f32 v15, v13  }
0x10d: {  	v14 =	vand.u32 $0x7FFFFFFF, v14;
	v12 =	vsub.f32 v17, v12  }
0x10e: {  	v13 =	vadd.f32 v14, v13  }
0x10f: {  	s0 =	simm.s32 $0x0;
	v14 =	vand.u32 $0x7FFFFFFF, v12;
	v12 =	vshll.u32 v16, $0x6  }
0x110: {  	v13 =	vadd.f32 v13, v14;
	v14 =	vmov s0;
	v15 =	vadd.s32 s0, v12  }
0x111: {  	v17 =	vor.u32 s0, v8;
	v15 =	vand.u32 $0x58, v15;
	v14 =	vand.u32 $0x7, v14  }
0x112: {  	v16 =	vor.u32 s0, v9;
	v14 =	vor.u32 v14, v15  }
0x113: {  	v13 =	vsub.f32 $0.0e+00, v13;
	v18 =	vor.u32 v8, v14  }
0x114: {  	v14 =	vor.u32 v9, v14  }
0x115: {  	[tilespmem:$0xC830] =	vst v13  }
0x116: {  	s0 =	simm.s32 $0x1;
	v23 =	vld.idx.msk [tilespmem:v17+s14+$0x0], $0xffff  }
0x117: {  	v19 =	vadd.s32 s0, v12;
	v13 =	vmov s0;
	v25 =	vld.idx.msk [tilespmem:v16+s14+$0x0], $0xffff  }
0x118: {  	v15 =	vor.u32 s0, v8;
	v19 =	vand.u32 $0x58, v19;
	v20 =	vand.u32 $0x7, v13;
	v29 =	vld.idx.msk [tilespmem:v18+s17+$0x0], $0xffff  }
0x119: {  	v13 =	vor.u32 s0, v9;
	v24 =	vld.idx.msk [tilespmem:v14+s17+$0x0], $0xffff;
	v14 =	vor.u32 v20, v19  }
0x11a: {  	v20 =	vor.u32 v8, v14  }
0x11b: {  	s31 =	simm.s32 $0x2;
	v16 =	vld.idx.msk [tilespmem:v16+s15+$0x0], $0xffff;
	v27 =	vor.u32 v9, v14  }
0x11c: {  	v22 =	vmov s31;
	v21 =	vld.idx.msk [tilespmem:v17+s15+$0x0], $0xffff  }
0x11d: {  	v28 =	vand.u32 $0x7, v22;
	v19 =	vld.idx.msk [tilespmem:v15+s14+$0x0], $0xffff  }
0x11e: {  	v26 =	vadd.s32 s31, v12;
	v18 =	vld.idx.msk [tilespmem:v13+s14+$0x0], $0xffff;
	v30 =	vmul.f32 v29, v23;
	v31 =	vmul.f32 v24, v25  }
0x11f: {  	v26 =	vand.u32 $0x58, v26;
	v14 =	vor.u32 s31, v8;
	v24 =	vmul.f32 v24, v23;
	v22 =	vld.idx.msk [tilespmem:v20+s17+$0x0], $0xffff  }
0x120: {  	v17 =	vimm.f32 $0.0e+00;
	s0 =	simm.s32 $0x3;
	v25 =	vmul.f32 v29, v25;
	v23 =	vmovc v14;
	v20 =	vld.idx.msk [tilespmem:v27+s17+$0x0], $0xffff;
	v27 =	vsub.f32 v30, v31  }
.LBB2_10:
0x121: {  	p0 =	sne.s32 s0, $0x1F;
	v29 =	vor.u32 s31, v9;
	v26 =	vor.u32 v28, v26;
	v28 =	vmov v16;
	s31 =	smov.u32 s0  }
0x122: {  	v30 =	vor.u32 v8, v26;
	v27 =	vsub.f32 v27, v21;
	v24 =	vadd.f32 v24, v25  }
0x123: {  	v25 =	vor.u32 v9, v26;
	v31 =	vmov v19;
	v16 =	vld.idx.msk [tilespmem:v13+s15+$0x0], $0xffff;
	v13 =	vmov v29  }
.Ltmp4:
0x124: {  	v32 =	vmovc v18;
	v21 =	vld.idx.msk [tilespmem:v15+s15+$0x0], $0xffff;
	v26 =	vand.u32 $0x7FFFFFFF, v27;
	v24 =	vsub.f32 v24, v28;
	v15 =	vmovc v14;
	v14 =	vor.u32 s0, v8;
	(pc) =	sbr.rel @p0 .LBB2_10-.Ltmp4, $4  }
0x125: {  	v27 =	vmov s0;
	v28 =	vadd.s32 s0, v12;
	v33 =	vmovc v22;
	v19 =	vld.idx.msk [tilespmem:v23+s14+$0x0], $0xffff;
	v17 =	vadd.f32 v26, v17;
	v23 =	vmovc v14  }
0x126: {  	v34 =	vmul.f32 v20, v32;
	v18 =	vld.idx.msk [tilespmem:v29+s14+$0x0], $0xffff;
	v29 =	vmul.f32 v33, v31;
	v24 =	vand.u32 $0x7FFFFFFF, v24  }
0x127: {  	v26 =	vand.u32 $0x58, v28;
	v28 =	vand.u32 $0x7, v27;
	v22 =	vld.idx.msk [tilespmem:v30+s17+$0x0], $0xffff;
	v17 =	vadd.f32 v17, v24  }
0x128: {  	s0 =	sadd.s32 $0x1, s0;
	v24 =	vmul.f32 v20, v31;
	v27 =	vsub.f32 v29, v34;
	v20 =	vld.idx.msk [tilespmem:v25+s17+$0x0], $0xffff;
	v25 =	vmul.f32 v33, v32  }
0x129: {  	_ = 	snop  }
0x12a: {  	v12 =	vor.u32 s31, v9;
	v26 =	vor.u32 v28, v26  }
0x12b: {  	v28 =	vor.u32 v8, v26  }
0x12c: {  	v26 =	vor.u32 v9, v26  }
0x12d: {  	v15 =	vld.idx.msk [tilespmem:v15+s15+$0x0], $0xffff  }
0x12e: {  	v23 =	vld.idx.msk [tilespmem:v23+s14+$0x0], $0xffff  }
0x12f: {  	v29 =	vld.idx.msk [tilespmem:v12+s14+$0x0], $0xffff  }
0x130: {  	v21 =	vsub.f32 v27, v21;
	v27 =	vld.idx.msk [tilespmem:v28+s17+$0x0], $0xffff  }
0x131: {  	v24 =	vadd.f32 v24, v25;
	v26 =	vld.idx.msk [tilespmem:v26+s17+$0x0], $0xffff  }
0x132: {  	v13 =	vld.idx.msk [tilespmem:v13+s15+$0x0], $0xffff;
	v30 =	vmul.f32 v20, v18;
	v28 =	vmul.f32 v22, v19  }
0x133: {  	v16 =	vsub.f32 v24, v16;
	v18 =	vmul.f32 v22, v18;
	v19 =	vmul.f32 v20, v19  }
0x134: {  	v21 =	vand.u32 $0x7FFFFFFF, v21;
	v25 =	vsub.f32 v28, v30  }
0x135: {  	v14 =	vld.idx.msk [tilespmem:v14+s15+$0x0], $0xffff;
	v17 =	vadd.f32 v21, v17;
	v16 =	vand.u32 $0x7FFFFFFF, v16;
	v18 =	vadd.f32 v19, v18  }
0x136: {  	v15 =	vsub.f32 v25, v15;
	v19 =	vmul.f32 v27, v23;
	v20 =	vmul.f32 v26, v29  }
0x137: {  	v12 =	vld.idx.msk [tilespmem:v12+s15+$0x0], $0xffff;
	v16 =	vadd.f32 v17, v16;
	v13 =	vsub.f32 v18, v13;
	v18 =	vmul.f32 v26, v23  }
0x138: {  	v15 =	vand.u32 $0x7FFFFFFF, v15;
	v17 =	vsub.f32 v19, v20;
	v19 =	vmul.f32 v27, v29  }
0x139: {  	v15 =	vadd.f32 v15, v16;
	v16 =	vld [tilespmem:$0x450]  }
0x13a: {  	v13 =	vand.u32 $0x7FFFFFFF, v13;
	v14 =	vsub.f32 v17, v14;
	v17 =	vadd.f32 v18, v19  }
0x13b: {  	v13 =	vadd.f32 v15, v13  }
0x13c: {  	v14 =	vand.u32 $0x7FFFFFFF, v14;
	v12 =	vsub.f32 v17, v12  }
0x13d: {  	v13 =	vadd.f32 v14, v13  }
0x13e: {  	s0 =	simm.s32 $0x0;
	v14 =	vand.u32 $0x7FFFFFFF, v12;
	v12 =	vshll.u32 v16, $0x6  }
0x13f: {  	v13 =	vadd.f32 v13, v14;
	v14 =	vmov s0;
	v15 =	vadd.s32 s0, v12  }
0x140: {  	v17 =	vor.u32 s0, v10;
	v15 =	vand.u32 $0x58, v15;
	v14 =	vand.u32 $0x7, v14  }
0x141: {  	v16 =	vor.u32 s0, v11;
	v14 =	vor.u32 v14, v15  }
0x142: {  	v13 =	vsub.f32 $0.0e+00, v13;
	v18 =	vor.u32 v10, v14  }
0x143: {  	v14 =	vor.u32 v11, v14  }
0x144: {  	[tilespmem:$0xC840] =	vst v13  }
0x145: {  	s0 =	simm.s32 $0x1;
	v23 =	vld.idx.msk [tilespmem:v17+s14+$0x0], $0xffff  }
0x146: {  	v19 =	vadd.s32 s0, v12;
	v13 =	vmov s0;
	v25 =	vld.idx.msk [tilespmem:v16+s14+$0x0], $0xffff  }
0x147: {  	v15 =	vor.u32 s0, v10;
	v19 =	vand.u32 $0x58, v19;
	v20 =	vand.u32 $0x7, v13;
	v29 =	vld.idx.msk [tilespmem:v18+s17+$0x0], $0xffff  }
0x148: {  	v13 =	vor.u32 s0, v11;
	v24 =	vld.idx.msk [tilespmem:v14+s17+$0x0], $0xffff;
	v14 =	vor.u32 v20, v19  }
0x149: {  	v20 =	vor.u32 v10, v14  }
0x14a: {  	s31 =	simm.s32 $0x2;
	v16 =	vld.idx.msk [tilespmem:v16+s15+$0x0], $0xffff;
	v27 =	vor.u32 v11, v14  }
0x14b: {  	v22 =	vmov s31;
	v21 =	vld.idx.msk [tilespmem:v17+s15+$0x0], $0xffff  }
0x14c: {  	v28 =	vand.u32 $0x7, v22;
	v19 =	vld.idx.msk [tilespmem:v15+s14+$0x0], $0xffff  }
0x14d: {  	v26 =	vadd.s32 s31, v12;
	v18 =	vld.idx.msk [tilespmem:v13+s14+$0x0], $0xffff;
	v30 =	vmul.f32 v29, v23;
	v31 =	vmul.f32 v24, v25  }
0x14e: {  	v26 =	vand.u32 $0x58, v26;
	v14 =	vor.u32 s31, v10;
	v24 =	vmul.f32 v24, v23;
	v22 =	vld.idx.msk [tilespmem:v20+s17+$0x0], $0xffff  }
0x14f: {  	v17 =	vimm.f32 $0.0e+00;
	s0 =	simm.s32 $0x3;
	v25 =	vmul.f32 v29, v25;
	v23 =	vmovc v14;
	v20 =	vld.idx.msk [tilespmem:v27+s17+$0x0], $0xffff;
	v27 =	vsub.f32 v30, v31  }
.LBB2_12:
0x150: {  	p0 =	sne.s32 s0, $0x1F;
	v29 =	vor.u32 s31, v11;
	v26 =	vor.u32 v28, v26;
	v28 =	vmov v16;
	s31 =	smov.u32 s0  }
0x151: {  	v30 =	vor.u32 v10, v26;
	v27 =	vsub.f32 v27, v21;
	v24 =	vadd.f32 v24, v25  }
0x152: {  	v25 =	vor.u32 v11, v26;
	v31 =	vmov v19;
	v16 =	vld.idx.msk [tilespmem:v13+s15+$0x0], $0xffff;
	v13 =	vmov v29  }
.Ltmp5:
0x153: {  	v32 =	vmovc v18;
	v21 =	vld.idx.msk [tilespmem:v15+s15+$0x0], $0xffff;
	v26 =	vand.u32 $0x7FFFFFFF, v27;
	v24 =	vsub.f32 v24, v28;
	v15 =	vmovc v14;
	v14 =	vor.u32 s0, v10;
	(pc) =	sbr.rel @p0 .LBB2_12-.Ltmp5, $4  }
0x154: {  	v27 =	vmov s0;
	v28 =	vadd.s32 s0, v12;
	v33 =	vmovc v22;
	v19 =	vld.idx.msk [tilespmem:v23+s14+$0x0], $0xffff;
	v17 =	vadd.f32 v26, v17;
	v23 =	vmovc v14  }
0x155: {  	v34 =	vmul.f32 v20, v32;
	v18 =	vld.idx.msk [tilespmem:v29+s14+$0x0], $0xffff;
	v29 =	vmul.f32 v33, v31;
	v24 =	vand.u32 $0x7FFFFFFF, v24  }
0x156: {  	v26 =	vand.u32 $0x58, v28;
	v28 =	vand.u32 $0x7, v27;
	v22 =	vld.idx.msk [tilespmem:v30+s17+$0x0], $0xffff;
	v17 =	vadd.f32 v17, v24  }
0x157: {  	s0 =	sadd.s32 $0x1, s0;
	v24 =	vmul.f32 v20, v31;
	v27 =	vsub.f32 v29, v34;
	v20 =	vld.idx.msk [tilespmem:v25+s17+$0x0], $0xffff;
	v25 =	vmul.f32 v33, v32  }
0x158: {  	v12 =	vor.u32 s31, v11;
	v26 =	vor.u32 v28, v26  }
0x159: {  	v28 =	vor.u32 v10, v26  }
0x15a: {  	v26 =	vor.u32 v11, v26;
	_ =	sdelay $0x1  }
0x15b: {  	v23 =	vld.idx.msk [tilespmem:v23+s14+$0x0], $0xffff  }
0x15c: {  	v29 =	vld.idx.msk [tilespmem:v12+s14+$0x0], $0xffff  }
0x15d: {  	v21 =	vsub.f32 v27, v21;
	v27 =	vld.idx.msk [tilespmem:v28+s17+$0x0], $0xffff  }
0x15e: {  	v24 =	vadd.f32 v24, v25;
	v26 =	vld.idx.msk [tilespmem:v26+s17+$0x0], $0xffff  }
0x15f: {  	v15 =	vld.idx.msk [tilespmem:v15+s15+$0x0], $0xffff  }
0x160: {  	v13 =	vld.idx.msk [tilespmem:v13+s15+$0x0], $0xffff;
	v16 =	vsub.f32 v24, v16;
	v30 =	vmul.f32 v20, v18;
	v28 =	vmul.f32 v22, v19  }
0x161: {  	v21 =	vand.u32 $0x7FFFFFFF, v21;
	v18 =	vmul.f32 v22, v18;
	v19 =	vmul.f32 v20, v19  }
0x162: {  	v14 =	vld.idx.msk [tilespmem:v14+s15+$0x0], $0xffff;
	v17 =	vadd.f32 v21, v17;
	v16 =	vand.u32 $0x7FFFFFFF, v16;
	v25 =	vsub.f32 v28, v30  }
0x163: {  	v18 =	vadd.f32 v19, v18;
	v19 =	vmul.f32 v27, v23;
	v20 =	vmul.f32 v26, v29  }
0x164: {  	v16 =	vadd.f32 v17, v16;
	v15 =	vsub.f32 v25, v15  }
0x165: {  	v12 =	vld.idx.msk [tilespmem:v12+s15+$0x0], $0xffff;
	v13 =	vsub.f32 v18, v13;
	v17 =	vsub.f32 v19, v20  }
0x166: {  	v18 =	vmul.f32 v26, v23;
	v15 =	vand.u32 $0x7FFFFFFF, v15;
	v19 =	vmul.f32 v27, v29  }
0x167: {  	v15 =	vadd.f32 v15, v16;
	v14 =	vsub.f32 v17, v14;
	v17 =	vld [tilespmem:$0x460]  }
0x168: {  	v13 =	vand.u32 $0x7FFFFFFF, v13;
	v16 =	vadd.f32 v18, v19  }
0x169: {  	v13 =	vadd.f32 v15, v13  }
0x16a: {  	s0 =	simm.s32 $0x0;
	v14 =	vand.u32 $0x7FFFFFFF, v14;
	v12 =	vsub.f32 v16, v12  }
0x16b: {  	v16 =	vmov s0;
	v13 =	vadd.f32 v14, v13  }
0x16c: {  	v16 =	vand.u32 $0x7, v16;
	v12 =	vand.u32 $0x7FFFFFFF, v12;
	v14 =	vshll.u32 v17, $0x6  }
0x16d: {  	v15 =	vadd.f32 v13, v12;
	v13 =	vor.u32 $0x3000, v0;
	v17 =	vadd.s32 s0, v14  }
0x16e: {  	v12 =	vor.u32 $0x3020, v0;
	v19 =	vor.u32 s0, v13;
	v17 =	vand.u32 $0x58, v17  }
0x16f: {  	v18 =	vor.u32 s0, v12;
	v16 =	vor.u32 v16, v17  }
0x170: {  	v15 =	vsub.f32 $0.0e+00, v15;
	v20 =	vor.u32 v13, v16  }
0x171: {  	v16 =	vor.u32 v12, v16  }
0x172: {  	[tilespmem:$0xC850] =	vst v15  }
0x173: {  	s0 =	simm.s32 $0x1;
	v25 =	vld.idx.msk [tilespmem:v19+s14+$0x0], $0xffff  }
0x174: {  	v21 =	vadd.s32 s0, v14;
	v15 =	vmov s0;
	v26 =	vld.idx.msk [tilespmem:v18+s14+$0x0], $0xffff  }
0x175: {  	v17 =	vor.u32 s0, v13;
	v21 =	vand.u32 $0x58, v21;
	v22 =	vand.u32 $0x7, v15;
	v30 =	vld.idx.msk [tilespmem:v20+s17+$0x0], $0xffff  }
0x176: {  	v15 =	vor.u32 s0, v12;
	v31 =	vld.idx.msk [tilespmem:v16+s17+$0x0], $0xffff;
	v16 =	vor.u32 v22, v21  }
0x177: {  	v22 =	vor.u32 v13, v16  }
0x178: {  	s31 =	simm.s32 $0x2;
	v18 =	vld.idx.msk [tilespmem:v18+s15+$0x0], $0xffff;
	v28 =	vor.u32 v12, v16  }
0x179: {  	v24 =	vmov s31;
	v23 =	vld.idx.msk [tilespmem:v19+s15+$0x0], $0xffff  }
0x17a: {  	v29 =	vand.u32 $0x7, v24;
	v21 =	vld.idx.msk [tilespmem:v17+s14+$0x0], $0xffff  }
0x17b: {  	v27 =	vadd.s32 s31, v14;
	v20 =	vld.idx.msk [tilespmem:v15+s14+$0x0], $0xffff;
	v32 =	vmul.f32 v30, v25;
	v33 =	vmul.f32 v31, v26  }
0x17c: {  	v27 =	vand.u32 $0x58, v27;
	v19 =	vimm.f32 $0.0e+00;
	v16 =	vor.u32 s31, v13;
	v24 =	vld.idx.msk [tilespmem:v22+s17+$0x0], $0xffff  }
0x17d: {  	s0 =	simm.s32 $0x3;
	v25 =	vmul.f32 v31, v25;
	v26 =	vmul.f32 v30, v26;
	v22 =	vld.idx.msk [tilespmem:v28+s17+$0x0], $0xffff;
	v28 =	vsub.f32 v32, v33  }
.LBB2_14:
0x17e: {  	p0 =	sne.s32 s0, $0x1F;
	v30 =	vor.u32 s31, v12;
	v27 =	vor.u32 v29, v27;
	v29 =	vmov v18;
	s31 =	smov.u32 s0  }
0x17f: {  	v31 =	vor.u32 v13, v27;
	v28 =	vsub.f32 v28, v23;
	v25 =	vadd.f32 v25, v26  }
0x180: {  	v26 =	vor.u32 v12, v27;
	v32 =	vmov v21;
	v18 =	vld.idx.msk [tilespmem:v15+s15+$0x0], $0xffff;
	v15 =	vmov v30  }
.Ltmp6:
0x181: {  	v33 =	vmov s0;
	v34 =	vmovc v20;
	v23 =	vld.idx.msk [tilespmem:v17+s15+$0x0], $0xffff;
	v27 =	vand.u32 $0x7FFFFFFF, v28;
	v25 =	vsub.f32 v25, v29;
	v17 =	vmovc v16;
	(pc) =	sbr.rel @p0 .LBB2_14-.Ltmp6, $4  }
0x182: {  	v28 =	vadd.s32 s0, v14;
	v35 =	vmovc v24;
	v21 =	vld.idx.msk [tilespmem:v16+s14+$0x0], $0xffff;
	v16 =	vor.u32 s0, v13;
	v19 =	vadd.f32 v27, v19  }
0x183: {  	v36 =	vmul.f32 v22, v34;
	v20 =	vld.idx.msk [tilespmem:v30+s14+$0x0], $0xffff;
	v30 =	vmul.f32 v35, v32;
	v25 =	vand.u32 $0x7FFFFFFF, v25  }
0x184: {  	v29 =	vand.u32 $0x7, v33;
	v27 =	vand.u32 $0x58, v28;
	v24 =	vld.idx.msk [tilespmem:v31+s17+$0x0], $0xffff;
	v19 =	vadd.f32 v19, v25  }
0x185: {  	s0 =	sadd.s32 $0x1, s0;
	v25 =	vmul.f32 v22, v32;
	v28 =	vsub.f32 v30, v36;
	v22 =	vld.idx.msk [tilespmem:v26+s17+$0x0], $0xffff;
	v26 =	vmul.f32 v35, v34  }
0x186: {  	v14 =	vor.u32 s31, v12;
	v27 =	vor.u32 v29, v27  }
0x187: {  	v29 =	vor.u32 v13, v27  }
0x188: {  	v27 =	vor.u32 v12, v27;
	_ =	sdelay $0x1  }
0x189: {  	v30 =	vld.idx.msk [tilespmem:v16+s14+$0x0], $0xffff  }
0x18a: {  	v31 =	vld.idx.msk [tilespmem:v14+s14+$0x0], $0xffff  }
0x18b: {  	v23 =	vsub.f32 v28, v23;
	v28 =	vld.idx.msk [tilespmem:v29+s17+$0x0], $0xffff  }
0x18c: {  	v25 =	vadd.f32 v25, v26;
	v27 =	vld.idx.msk [tilespmem:v27+s17+$0x0], $0xffff  }
0x18d: {  	v17 =	vld.idx.msk [tilespmem:v17+s15+$0x0], $0xffff  }
0x18e: {  	v15 =	vld.idx.msk [tilespmem:v15+s15+$0x0], $0xffff;
	v18 =	vsub.f32 v25, v18;
	v32 =	vmul.f32 v22, v20;
	v29 =	vmul.f32 v24, v21  }
0x18f: {  	v23 =	vand.u32 $0x7FFFFFFF, v23;
	v20 =	vmul.f32 v24, v20;
	v21 =	vmul.f32 v22, v21  }
0x190: {  	v16 =	vld.idx.msk [tilespmem:v16+s15+$0x0], $0xffff;
	v19 =	vadd.f32 v23, v19;
	v18 =	vand.u32 $0x7FFFFFFF, v18;
	v26 =	vsub.f32 v29, v32  }
0x191: {  	v20 =	vadd.f32 v21, v20;
	v21 =	vmul.f32 v28, v30;
	v22 =	vmul.f32 v27, v31  }
0x192: {  	v18 =	vadd.f32 v19, v18;
	v17 =	vsub.f32 v26, v17  }
0x193: {  	v14 =	vld.idx.msk [tilespmem:v14+s15+$0x0], $0xffff;
	v15 =	vsub.f32 v20, v15;
	v19 =	vsub.f32 v21, v22  }
0x194: {  	v20 =	vmul.f32 v27, v30;
	v17 =	vand.u32 $0x7FFFFFFF, v17;
	v21 =	vmul.f32 v28, v31  }
0x195: {  	v17 =	vadd.f32 v17, v18;
	v16 =	vsub.f32 v19, v16;
	v19 =	vld [tilespmem:$0x470]  }
0x196: {  	v15 =	vand.u32 $0x7FFFFFFF, v15;
	v18 =	vadd.f32 v20, v21  }
0x197: {  	v15 =	vadd.f32 v17, v15  }
0x198: {  	s0 =	simm.s32 $0x0;
	v16 =	vand.u32 $0x7FFFFFFF, v16;
	v14 =	vsub.f32 v18, v14  }
0x199: {  	v18 =	vmov s0;
	v15 =	vadd.f32 v16, v15  }
0x19a: {  	v18 =	vand.u32 $0x7, v18;
	v14 =	vand.u32 $0x7FFFFFFF, v14;
	v16 =	vshll.u32 v19, $0x6  }
0x19b: {  	v17 =	vadd.f32 v15, v14;
	v15 =	vor.u32 $0x3800, v0;
	v19 =	vadd.s32 s0, v16  }
0x19c: {  	v14 =	vor.u32 $0x3820, v0;
	v21 =	vor.u32 s0, v15;
	v19 =	vand.u32 $0x58, v19  }
0x19d: {  	v20 =	vor.u32 s0, v14;
	v18 =	vor.u32 v18, v19  }
0x19e: {  	v17 =	vsub.f32 $0.0e+00, v17;
	v22 =	vor.u32 v15, v18  }
0x19f: {  	v18 =	vor.u32 v14, v18  }
0x1a0: {  	[tilespmem:$0xC860] =	vst v17  }
0x1a1: {  	s0 =	simm.s32 $0x1;
	v27 =	vld.idx.msk [tilespmem:v21+s14+$0x0], $0xffff  }
0x1a2: {  	v23 =	vadd.s32 s0, v16;
	v17 =	vmov s0;
	v28 =	vld.idx.msk [tilespmem:v20+s14+$0x0], $0xffff  }
0x1a3: {  	v19 =	vor.u32 s0, v15;
	v23 =	vand.u32 $0x58, v23;
	v24 =	vand.u32 $0x7, v17;
	v63 =	vld.idx.msk [tilespmem:v22+s17+$0x0], $0xffff  }
0x1a4: {  	v17 =	vor.u32 s0, v14;
	v33 =	vld.idx.msk [tilespmem:v18+s17+$0x0], $0xffff;
	v18 =	vor.u32 v24, v23  }
0x1a5: {  	v24 =	vor.u32 v15, v18  }
0x1a6: {  	s31 =	simm.s32 $0x2;
	v20 =	vld.idx.msk [tilespmem:v20+s15+$0x0], $0xffff;
	v30 =	vor.u32 v14, v18  }
0x1a7: {  	v26 =	vmov s31;
	v25 =	vld.idx.msk [tilespmem:v21+s15+$0x0], $0xffff  }
0x1a8: {  	v31 =	vand.u32 $0x7, v26;
	v23 =	vld.idx.msk [tilespmem:v19+s14+$0x0], $0xffff  }
0x1a9: {  	v29 =	vadd.s32 s31, v16;
	v22 =	vld.idx.msk [tilespmem:v17+s14+$0x0], $0xffff;
	v34 =	vmul.f32 v63, v27;
	v35 =	vmul.f32 v33, v28  }
0x1aa: {  	v29 =	vand.u32 $0x58, v29;
	v21 =	vimm.f32 $0.0e+00;
	v18 =	vor.u32 s31, v15;
	v26 =	vld.idx.msk [tilespmem:v24+s17+$0x0], $0xffff  }
0x1ab: {  	s0 =	simm.s32 $0x3;
	v27 =	vmul.f32 v33, v27;
	v28 =	vmul.f32 v63, v28;
	v24 =	vld.idx.msk [tilespmem:v30+s17+$0x0], $0xffff;
	v30 =	vsub.f32 v34, v35  }
.LBB2_16:
0x1ac: {  	p0 =	sne.s32 s0, $0x1F;
	v32 =	vor.u32 s31, v14;
	v29 =	vor.u32 v31, v29;
	v31 =	vmov v20;
	s31 =	smov.u32 s0  }
0x1ad: {  	v33 =	vor.u32 v15, v29;
	v30 =	vsub.f32 v30, v25;
	v27 =	vadd.f32 v27, v28  }
0x1ae: {  	v28 =	vor.u32 v14, v29;
	v34 =	vmov v23;
	v20 =	vld.idx.msk [tilespmem:v17+s15+$0x0], $0xffff;
	v17 =	vmov v32  }
.Ltmp7:
0x1af: {  	v35 =	vmov s0;
	v36 =	vmovc v22;
	v25 =	vld.idx.msk [tilespmem:v19+s15+$0x0], $0xffff;
	v29 =	vand.u32 $0x7FFFFFFF, v30;
	v27 =	vsub.f32 v27, v31;
	v19 =	vmovc v18;
	(pc) =	sbr.rel @p0 .LBB2_16-.Ltmp7, $4  }
0x1b0: {  	v30 =	vadd.s32 s0, v16;
	v37 =	vmovc v26;
	v23 =	vld.idx.msk [tilespmem:v18+s14+$0x0], $0xffff;
	v18 =	vor.u32 s0, v15;
	v21 =	vadd.f32 v29, v21  }
0x1b1: {  	v38 =	vmul.f32 v24, v36;
	v22 =	vld.idx.msk [tilespmem:v32+s14+$0x0], $0xffff;
	v32 =	vmul.f32 v37, v34;
	v27 =	vand.u32 $0x7FFFFFFF, v27  }
0x1b2: {  	v31 =	vand.u32 $0x7, v35;
	v29 =	vand.u32 $0x58, v30;
	v26 =	vld.idx.msk [tilespmem:v33+s17+$0x0], $0xffff;
	v21 =	vadd.f32 v21, v27  }
0x1b3: {  	s0 =	sadd.s32 $0x1, s0;
	v27 =	vmul.f32 v24, v34;
	v30 =	vsub.f32 v32, v38;
	v24 =	vld.idx.msk [tilespmem:v28+s17+$0x0], $0xffff;
	v28 =	vmul.f32 v37, v36  }
0x1b4: {  	_ = 	snop  }
0x1b5: {  	v16 =	vor.u32 s31, v14;
	v29 =	vor.u32 v31, v29  }
0x1b6: {  	v31 =	vor.u32 v15, v29  }
0x1b7: {  	v29 =	vor.u32 v14, v29  }
0x1b8: {  	v19 =	vld.idx.msk [tilespmem:v19+s15+$0x0], $0xffff  }
0x1b9: {  	v32 =	vld.idx.msk [tilespmem:v18+s14+$0x0], $0xffff  }
0x1ba: {  	v33 =	vld.idx.msk [tilespmem:v16+s14+$0x0], $0xffff  }
0x1bb: {  	v25 =	vsub.f32 v30, v25;
	v30 =	vld.idx.msk [tilespmem:v31+s17+$0x0], $0xffff  }
0x1bc: {  	v27 =	vadd.f32 v27, v28;
	v29 =	vld.idx.msk [tilespmem:v29+s17+$0x0], $0xffff  }
0x1bd: {  	v17 =	vld.idx.msk [tilespmem:v17+s15+$0x0], $0xffff;
	v34 =	vmul.f32 v24, v22;
	v31 =	vmul.f32 v26, v23  }
0x1be: {  	v20 =	vsub.f32 v27, v20;
	v22 =	vmul.f32 v26, v22;
	v23 =	vmul.f32 v24, v23  }
0x1bf: {  	v25 =	vand.u32 $0x7FFFFFFF, v25;
	v28 =	vsub.f32 v31, v34  }
0x1c0: {  	v18 =	vld.idx.msk [tilespmem:v18+s15+$0x0], $0xffff;
	v21 =	vadd.f32 v25, v21;
	v20 =	vand.u32 $0x7FFFFFFF, v20;
	v22 =	vadd.f32 v23, v22  }
0x1c1: {  	v19 =	vsub.f32 v28, v19;
	v23 =	vmul.f32 v30, v32;
	v24 =	vmul.f32 v29, v33  }
0x1c2: {  	v16 =	vld.idx.msk [tilespmem:v16+s15+$0x0], $0xffff;
	v20 =	vadd.f32 v21, v20;
	v17 =	vsub.f32 v22, v17;
	v22 =	vmul.f32 v29, v32  }
0x1c3: {  	v19 =	vand.u32 $0x7FFFFFFF, v19;
	v21 =	vsub.f32 v23, v24;
	v23 =	vmul.f32 v30, v33  }
0x1c4: {  	v19 =	vadd.f32 v19, v20  }
0x1c5: {  	v17 =	vand.u32 $0x7FFFFFFF, v17;
	v18 =	vsub.f32 v21, v18;
	v20 =	vadd.f32 v22, v23  }
0x1c6: {  	v17 =	vadd.f32 v19, v17  }
0x1c7: {  	v18 =	vand.u32 $0x7FFFFFFF, v18;
	v16 =	vsub.f32 v20, v16  }
0x1c8: {  	v17 =	vadd.f32 v18, v17  }
0x1c9: {  	v16 =	vand.u32 $0x7FFFFFFF, v16  }
0x1ca: {  	v16 =	vadd.f32 v17, v16;
	_ =	sdelay $0x1  }
0x1cb: {  	v16 =	vsub.f32 $0.0e+00, v16;
	_ =	sdelay $0x1  }
0x1cc: {  	[tilespmem:$0xC870] =	vst v16  }
0x1cd: {  	[tilespmem:s14], [sflag:$0x1] =	stream.indirect.gather [hbm4b:s3+s13], $0x80, s13, s13, $0xb8;
	[tilespmem:$0xCA00] =	vst v63  }
0x1ce: {  	_ = 	snop  }
0x1cf: {  	[tilespmem:s15], [sflag:$0x1] =	stream.indirect.gather [hbm4b:s3+s13], $0x80, s20, s13, $0xb8;
	[tilespmem:$0xCA00] =	vst v63  }
0x1d0: {  	_ = 	snop  }
0x1d1: {  	[tilespmem:s17], [sflag:$0x2] =	stream.indirect.gather [hbm4b:s4+s13], $0x80, s21, s13, $0xb8;
	[tilespmem:$0xCA00] =	vst v63  }
0x1d2: {  	_ =	swait.ge [sflag:s18], $0x4000  }
0x1d3: {  	[sflag:s18] =	ssyncset.done $0x0  }
0x1d4: {  	[sflag:s18] =	ssyncadd.s32 $0xFFFFC000  }
0x1d5: {  	_ =	swait.ge [sflag:s18], $0x4000  }
0x1d6: {  	[sflag:s18] =	ssyncset.done $0x0  }
0x1d7: {  	[sflag:s18] =	ssyncadd.s32 $0xFFFFC000  }
0x1d8: {  	_ =	swait.ge [sflag:s19], $0x4000  }
0x1d9: {  	[sflag:s19] =	ssyncset.done $0x0  }
0x1da: {  	[sflag:s19] =	ssyncadd.s32 $0xFFFFC000  }
0x1db: {  	v16 =	vld [tilespmem:$0x480];
	_ =	sdelay $0x4  }
0x1dc: {  	s0 =	simm.s32 $0x0;
	v16 =	vshll.u32 v16, $0x6  }
0x1dd: {  	v17 =	vmov s0;
	v18 =	vadd.s32 s0, v16  }
0x1de: {  	v21 =	vor.u32 s0, v0;
	v17 =	vand.u32 $0x7, v17;
	v18 =	vand.u32 $0x58, v18  }
0x1df: {  	v20 =	vor.u32 s0, v1;
	v17 =	vor.u32 v17, v18  }
0x1e0: {  	v18 =	vor.u32 v0, v17  }
0x1e1: {  	v17 =	vor.u32 v1, v17;
	_ =	sdelay $0x1  }
0x1e2: {  	v27 =	vld.idx.msk [tilespmem:v21+s14+$0x0], $0xffff;
	s0 =	simm.s32 $0x1  }
0x1e3: {  	v29 =	vld.idx.msk [tilespmem:v20+s14+$0x0], $0xffff;
	v22 =	vmov s0;
	v23 =	vadd.s32 s0, v16  }
0x1e4: {  	v19 =	vor.u32 s0, v0;
	v23 =	vand.u32 $0x58, v23;
	v22 =	vand.u32 $0x7, v22;
	v62 =	vld.idx.msk [tilespmem:v18+s17+$0x0], $0xffff  }
0x1e5: {  	v28 =	vld.idx.msk [tilespmem:v17+s17+$0x0], $0xffff;
	v17 =	vor.u32 s0, v1;
	v18 =	vor.u32 v22, v23  }
0x1e6: {  	v24 =	vor.u32 v0, v18  }
0x1e7: {  	s31 =	simm.s32 $0x2;
	v20 =	vld.idx.msk [tilespmem:v20+s15+$0x0], $0xffff;
	v31 =	vor.u32 v1, v18  }
0x1e8: {  	v26 =	vmov s31;
	v25 =	vld.idx.msk [tilespmem:v21+s15+$0x0], $0xffff  }
0x1e9: {  	v32 =	vand.u32 $0x7, v26;
	v23 =	vld.idx.msk [tilespmem:v19+s14+$0x0], $0xffff  }
0x1ea: {  	v21 =	vimm.f32 $0.0e+00;
	v22 =	vld.idx.msk [tilespmem:v17+s14+$0x0], $0xffff;
	v63 =	vmul.f32 v62, v27;
	v35 =	vmul.f32 v28, v29  }
0x1eb: {  	v30 =	vadd.s32 s31, v16;
	v18 =	vor.u32 s31, v0;
	v28 =	vmul.f32 v28, v27;
	v26 =	vld.idx.msk [tilespmem:v24+s17+$0x0], $0xffff  }
0x1ec: {  	v30 =	vand.u32 $0x58, v30;
	s0 =	simm.s32 $0x3;
	v29 =	vmul.f32 v62, v29;
	v27 =	vmovc v18;
	v24 =	vld.idx.msk [tilespmem:v31+s17+$0x0], $0xffff;
	v31 =	vsub.f32 v63, v35  }
.LBB2_18:
0x1ed: {  	p0 =	sne.s32 s0, $0x1F;
	v33 =	vor.u32 s31, v1;
	v30 =	vor.u32 v32, v30;
	v32 =	vmov v20;
	s31 =	smov.u32 s0  }
0x1ee: {  	v34 =	vor.u32 v0, v30;
	v31 =	vsub.f32 v31, v25;
	v28 =	vadd.f32 v28, v29  }
0x1ef: {  	v29 =	vor.u32 v1, v30;
	v35 =	vmov v23;
	v20 =	vld.idx.msk [tilespmem:v17+s15+$0x0], $0xffff;
	v17 =	vmov v33  }
.Ltmp8:
0x1f0: {  	v36 =	vmovc v22;
	v25 =	vld.idx.msk [tilespmem:v19+s15+$0x0], $0xffff;
	v30 =	vand.u32 $0x7FFFFFFF, v31;
	v28 =	vsub.f32 v28, v32;
	v19 =	vmovc v18;
	v18 =	vor.u32 s0, v0;
	(pc) =	sbr.rel @p0 .LBB2_18-.Ltmp8, $4  }
0x1f1: {  	v31 =	vmov s0;
	v32 =	vadd.s32 s0, v16;
	v37 =	vmovc v26;
	v23 =	vld.idx.msk [tilespmem:v27+s14+$0x0], $0xffff;
	v21 =	vadd.f32 v30, v21;
	v27 =	vmovc v18  }
0x1f2: {  	v38 =	vmul.f32 v24, v36;
	v22 =	vld.idx.msk [tilespmem:v33+s14+$0x0], $0xffff;
	v33 =	vmul.f32 v37, v35;
	v28 =	vand.u32 $0x7FFFFFFF, v28  }
0x1f3: {  	v30 =	vand.u32 $0x58, v32;
	v32 =	vand.u32 $0x7, v31;
	v26 =	vld.idx.msk [tilespmem:v34+s17+$0x0], $0xffff;
	v21 =	vadd.f32 v21, v28  }
0x1f4: {  	s0 =	sadd.s32 $0x1, s0;
	v28 =	vmul.f32 v24, v35;
	v31 =	vsub.f32 v33, v38;
	v24 =	vld.idx.msk [tilespmem:v29+s17+$0x0], $0xffff;
	v29 =	vmul.f32 v37, v36  }
0x1f5: {  	_ = 	snop  }
0x1f6: {  	v16 =	vor.u32 s31, v1;
	v30 =	vor.u32 v32, v30  }
0x1f7: {  	v32 =	vor.u32 v0, v30  }
0x1f8: {  	v30 =	vor.u32 v1, v30  }
0x1f9: {  	v19 =	vld.idx.msk [tilespmem:v19+s15+$0x0], $0xffff  }
0x1fa: {  	v27 =	vld.idx.msk [tilespmem:v27+s14+$0x0], $0xffff  }
0x1fb: {  	v33 =	vld.idx.msk [tilespmem:v16+s14+$0x0], $0xffff  }
0x1fc: {  	v25 =	vsub.f32 v31, v25;
	v31 =	vld.idx.msk [tilespmem:v32+s17+$0x0], $0xffff  }
0x1fd: {  	v61 =	vmul.f32 v26, v23;
	v34 =	vmul.f32 v24, v22;
	v30 =	vld.idx.msk [tilespmem:v30+s17+$0x0], $0xffff  }
0x1fe: {  	v17 =	vld.idx.msk [tilespmem:v17+s15+$0x0], $0xffff;
	v28 =	vadd.f32 v28, v29;
	v25 =	vand.u32 $0x7FFFFFFF, v25  }
0x1ff: {  	v23 =	vmul.f32 v24, v23;
	v22 =	vmul.f32 v26, v22;
	v29 =	vsub.f32 v61, v34  }
0x200: {  	v20 =	vsub.f32 v28, v20;
	v21 =	vadd.f32 v25, v21  }
0x201: {  	v18 =	vld.idx.msk [tilespmem:v18+s15+$0x0], $0xffff;
	v22 =	vadd.f32 v23, v22;
	v19 =	vsub.f32 v29, v19  }
0x202: {  	v20 =	vand.u32 $0x7FFFFFFF, v20;
	v23 =	vmul.f32 v31, v27;
	v24 =	vmul.f32 v30, v33  }
0x203: {  	v16 =	vld.idx.msk [tilespmem:v16+s15+$0x0], $0xffff;
	v20 =	vadd.f32 v21, v20;
	v17 =	vsub.f32 v22, v17;
	v19 =	vand.u32 $0x7FFFFFFF, v19  }
0x204: {  	v22 =	vmul.f32 v30, v27;
	v21 =	vsub.f32 v23, v24;
	v23 =	vmul.f32 v31, v33  }
0x205: {  	v19 =	vadd.f32 v19, v20;
	v20 =	vld [tilespmem:$0x490]  }
0x206: {  	v17 =	vand.u32 $0x7FFFFFFF, v17;
	v18 =	vsub.f32 v21, v18;
	v21 =	vadd.f32 v22, v23  }
0x207: {  	v17 =	vadd.f32 v19, v17  }
0x208: {  	v18 =	vand.u32 $0x7FFFFFFF, v18;
	v16 =	vsub.f32 v21, v16  }
0x209: {  	v17 =	vadd.f32 v18, v17  }
0x20a: {  	s0 =	simm.s32 $0x0;
	v18 =	vand.u32 $0x7FFFFFFF, v16;
	v16 =	vshll.u32 v20, $0x6  }
0x20b: {  	v17 =	vadd.f32 v17, v18;
	v18 =	vmov s0;
	v19 =	vadd.s32 s0, v16  }
0x20c: {  	v21 =	vor.u32 s0, v2;
	v19 =	vand.u32 $0x58, v19;
	v18 =	vand.u32 $0x7, v18  }
0x20d: {  	v20 =	vor.u32 s0, v3;
	v18 =	vor.u32 v18, v19  }
0x20e: {  	v17 =	vsub.f32 $0.0e+00, v17;
	v22 =	vor.u32 v2, v18  }
0x20f: {  	v18 =	vor.u32 v3, v18  }
0x210: {  	[tilespmem:$0xC880] =	vst v17  }
0x211: {  	s0 =	simm.s32 $0x1;
	v27 =	vld.idx.msk [tilespmem:v21+s14+$0x0], $0xffff  }
0x212: {  	v23 =	vadd.s32 s0, v16;
	v17 =	vmov s0;
	v29 =	vld.idx.msk [tilespmem:v20+s14+$0x0], $0xffff  }
0x213: {  	v19 =	vor.u32 s0, v2;
	v23 =	vand.u32 $0x58, v23;
	v24 =	vand.u32 $0x7, v17;
	v62 =	vld.idx.msk [tilespmem:v22+s17+$0x0], $0xffff  }
0x214: {  	v17 =	vor.u32 s0, v3;
	v28 =	vld.idx.msk [tilespmem:v18+s17+$0x0], $0xffff;
	v18 =	vor.u32 v24, v23  }
0x215: {  	v24 =	vor.u32 v2, v18  }
0x216: {  	s31 =	simm.s32 $0x2;
	v20 =	vld.idx.msk [tilespmem:v20+s15+$0x0], $0xffff;
	v31 =	vor.u32 v3, v18  }
0x217: {  	v26 =	vmov s31;
	v25 =	vld.idx.msk [tilespmem:v21+s15+$0x0], $0xffff  }
0x218: {  	v32 =	vand.u32 $0x7, v26;
	v23 =	vld.idx.msk [tilespmem:v19+s14+$0x0], $0xffff  }
0x219: {  	v30 =	vadd.s32 s31, v16;
	v22 =	vld.idx.msk [tilespmem:v17+s14+$0x0], $0xffff;
	v63 =	vmul.f32 v62, v27;
	v35 =	vmul.f32 v28, v29  }
0x21a: {  	v30 =	vand.u32 $0x58, v30;
	v18 =	vor.u32 s31, v2;
	v28 =	vmul.f32 v28, v27;
	v26 =	vld.idx.msk [tilespmem:v24+s17+$0x0], $0xffff  }
0x21b: {  	v21 =	vimm.f32 $0.0e+00;
	s0 =	simm.s32 $0x3;
	v29 =	vmul.f32 v62, v29;
	v27 =	vmovc v18;
	v24 =	vld.idx.msk [tilespmem:v31+s17+$0x0], $0xffff;
	v31 =	vsub.f32 v63, v35  }
.LBB2_20:
0x21c: {  	p0 =	sne.s32 s0, $0x1F;
	v33 =	vor.u32 s31, v3;
	v30 =	vor.u32 v32, v30;
	v32 =	vmov v20;
	s31 =	smov.u32 s0  }
0x21d: {  	v34 =	vor.u32 v2, v30;
	v31 =	vsub.f32 v31, v25;
	v28 =	vadd.f32 v28, v29  }
0x21e: {  	v29 =	vor.u32 v3, v30;
	v35 =	vmov v23;
	v20 =	vld.idx.msk [tilespmem:v17+s15+$0x0], $0xffff;
	v17 =	vmov v33  }
.Ltmp9:
0x21f: {  	v36 =	vmovc v22;
	v25 =	vld.idx.msk [tilespmem:v19+s15+$0x0], $0xffff;
	v30 =	vand.u32 $0x7FFFFFFF, v31;
	v28 =	vsub.f32 v28, v32;
	v19 =	vmovc v18;
	v18 =	vor.u32 s0, v2;
	(pc) =	sbr.rel @p0 .LBB2_20-.Ltmp9, $4  }
0x220: {  	v31 =	vmov s0;
	v32 =	vadd.s32 s0, v16;
	v37 =	vmovc v26;
	v23 =	vld.idx.msk [tilespmem:v27+s14+$0x0], $0xffff;
	v21 =	vadd.f32 v30, v21;
	v27 =	vmovc v18  }
0x221: {  	v38 =	vmul.f32 v24, v36;
	v22 =	vld.idx.msk [tilespmem:v33+s14+$0x0], $0xffff;
	v33 =	vmul.f32 v37, v35;
	v28 =	vand.u32 $0x7FFFFFFF, v28  }
0x222: {  	v30 =	vand.u32 $0x58, v32;
	v32 =	vand.u32 $0x7, v31;
	v26 =	vld.idx.msk [tilespmem:v34+s17+$0x0], $0xffff;
	v21 =	vadd.f32 v21, v28  }
0x223: {  	s0 =	sadd.s32 $0x1, s0;
	v28 =	vmul.f32 v24, v35;
	v31 =	vsub.f32 v33, v38;
	v24 =	vld.idx.msk [tilespmem:v29+s17+$0x0], $0xffff;
	v29 =	vmul.f32 v37, v36  }
0x224: {  	_ = 	snop  }
0x225: {  	v16 =	vor.u32 s31, v3;
	v30 =	vor.u32 v32, v30  }
0x226: {  	v32 =	vor.u32 v2, v30  }
0x227: {  	v30 =	vor.u32 v3, v30  }
0x228: {  	v19 =	vld.idx.msk [tilespmem:v19+s15+$0x0], $0xffff  }
0x229: {  	v27 =	vld.idx.msk [tilespmem:v27+s14+$0x0], $0xffff  }
0x22a: {  	v33 =	vld.idx.msk [tilespmem:v16+s14+$0x0], $0xffff  }
0x22b: {  	v25 =	vsub.f32 v31, v25;
	v31 =	vld.idx.msk [tilespmem:v32+s17+$0x0], $0xffff  }
0x22c: {  	v61 =	vmul.f32 v26, v23;
	v34 =	vmul.f32 v24, v22;
	v30 =	vld.idx.msk [tilespmem:v30+s17+$0x0], $0xffff  }
0x22d: {  	v17 =	vld.idx.msk [tilespmem:v17+s15+$0x0], $0xffff;
	v28 =	vadd.f32 v28, v29;
	v25 =	vand.u32 $0x7FFFFFFF, v25  }
0x22e: {  	v23 =	vmul.f32 v24, v23;
	v22 =	vmul.f32 v26, v22;
	v29 =	vsub.f32 v61, v34  }
0x22f: {  	v20 =	vsub.f32 v28, v20;
	v21 =	vadd.f32 v25, v21  }
0x230: {  	v18 =	vld.idx.msk [tilespmem:v18+s15+$0x0], $0xffff;
	v22 =	vadd.f32 v23, v22;
	v19 =	vsub.f32 v29, v19  }
0x231: {  	v20 =	vand.u32 $0x7FFFFFFF, v20;
	v23 =	vmul.f32 v31, v27;
	v24 =	vmul.f32 v30, v33  }
0x232: {  	v16 =	vld.idx.msk [tilespmem:v16+s15+$0x0], $0xffff;
	v20 =	vadd.f32 v21, v20;
	v17 =	vsub.f32 v22, v17;
	v19 =	vand.u32 $0x7FFFFFFF, v19  }
0x233: {  	v22 =	vmul.f32 v30, v27;
	v21 =	vsub.f32 v23, v24;
	v23 =	vmul.f32 v31, v33  }
0x234: {  	v19 =	vadd.f32 v19, v20;
	v20 =	vld [tilespmem:$0x4A0]  }
0x235: {  	v17 =	vand.u32 $0x7FFFFFFF, v17;
	v18 =	vsub.f32 v21, v18;
	v21 =	vadd.f32 v22, v23  }
0x236: {  	v17 =	vadd.f32 v19, v17  }
0x237: {  	v18 =	vand.u32 $0x7FFFFFFF, v18;
	v16 =	vsub.f32 v21, v16  }
0x238: {  	v17 =	vadd.f32 v18, v17  }
0x239: {  	s0 =	simm.s32 $0x0;
	v18 =	vand.u32 $0x7FFFFFFF, v16;
	v16 =	vshll.u32 v20, $0x6  }
0x23a: {  	v17 =	vadd.f32 v17, v18;
	v18 =	vmov s0;
	v19 =	vadd.s32 s0, v16  }
0x23b: {  	v21 =	vor.u32 s0, v4;
	v19 =	vand.u32 $0x58, v19;
	v18 =	vand.u32 $0x7, v18  }
0x23c: {  	v20 =	vor.u32 s0, v5;
	v18 =	vor.u32 v18, v19  }
0x23d: {  	v17 =	vsub.f32 $0.0e+00, v17;
	v22 =	vor.u32 v4, v18  }
0x23e: {  	v18 =	vor.u32 v5, v18  }
0x23f: {  	[tilespmem:$0xC890] =	vst v17  }
0x240: {  	s0 =	simm.s32 $0x1;
	v27 =	vld.idx.msk [tilespmem:v21+s14+$0x0], $0xffff  }
0x241: {  	v23 =	vadd.s32 s0, v16;
	v17 =	vmov s0;
	v29 =	vld.idx.msk [tilespmem:v20+s14+$0x0], $0xffff  }
0x242: {  	v19 =	vor.u32 s0, v4;
	v23 =	vand.u32 $0x58, v23;
	v24 =	vand.u32 $0x7, v17;
	v62 =	vld.idx.msk [tilespmem:v22+s17+$0x0], $0xffff  }
0x243: {  	v17 =	vor.u32 s0, v5;
	v28 =	vld.idx.msk [tilespmem:v18+s17+$0x0], $0xffff;
	v18 =	vor.u32 v24, v23  }
0x244: {  	v24 =	vor.u32 v4, v18  }
0x245: {  	s31 =	simm.s32 $0x2;
	v20 =	vld.idx.msk [tilespmem:v20+s15+$0x0], $0xffff;
	v31 =	vor.u32 v5, v18  }
0x246: {  	v26 =	vmov s31;
	v25 =	vld.idx.msk [tilespmem:v21+s15+$0x0], $0xffff  }
0x247: {  	v32 =	vand.u32 $0x7, v26;
	v23 =	vld.idx.msk [tilespmem:v19+s14+$0x0], $0xffff  }
0x248: {  	v30 =	vadd.s32 s31, v16;
	v22 =	vld.idx.msk [tilespmem:v17+s14+$0x0], $0xffff;
	v63 =	vmul.f32 v62, v27;
	v35 =	vmul.f32 v28, v29  }
0x249: {  	v30 =	vand.u32 $0x58, v30;
	v18 =	vor.u32 s31, v4;
	v28 =	vmul.f32 v28, v27;
	v26 =	vld.idx.msk [tilespmem:v24+s17+$0x0], $0xffff  }
0x24a: {  	v21 =	vimm.f32 $0.0e+00;
	s0 =	simm.s32 $0x3;
	v29 =	vmul.f32 v62, v29;
	v27 =	vmovc v18;
	v24 =	vld.idx.msk [tilespmem:v31+s17+$0x0], $0xffff;
	v31 =	vsub.f32 v63, v35  }
.LBB2_22:
0x24b: {  	p0 =	sne.s32 s0, $0x1F;
	v33 =	vor.u32 s31, v5;
	v30 =	vor.u32 v32, v30;
	v32 =	vmov v20;
	s31 =	smov.u32 s0  }
0x24c: {  	v34 =	vor.u32 v4, v30;
	v31 =	vsub.f32 v31, v25;
	v28 =	vadd.f32 v28, v29  }
0x24d: {  	v29 =	vor.u32 v5, v30;
	v35 =	vmov v23;
	v20 =	vld.idx.msk [tilespmem:v17+s15+$0x0], $0xffff;
	v17 =	vmov v33  }
.Ltmp10:
0x24e: {  	v36 =	vmovc v22;
	v25 =	vld.idx.msk [tilespmem:v19+s15+$0x0], $0xffff;
	v30 =	vand.u32 $0x7FFFFFFF, v31;
	v28 =	vsub.f32 v28, v32;
	v19 =	vmovc v18;
	v18 =	vor.u32 s0, v4;
	(pc) =	sbr.rel @p0 .LBB2_22-.Ltmp10, $4  }
0x24f: {  	v31 =	vmov s0;
	v32 =	vadd.s32 s0, v16;
	v37 =	vmovc v26;
	v23 =	vld.idx.msk [tilespmem:v27+s14+$0x0], $0xffff;
	v21 =	vadd.f32 v30, v21;
	v27 =	vmovc v18  }
0x250: {  	v38 =	vmul.f32 v24, v36;
	v22 =	vld.idx.msk [tilespmem:v33+s14+$0x0], $0xffff;
	v33 =	vmul.f32 v37, v35;
	v28 =	vand.u32 $0x7FFFFFFF, v28  }
0x251: {  	v30 =	vand.u32 $0x58, v32;
	v32 =	vand.u32 $0x7, v31;
	v26 =	vld.idx.msk [tilespmem:v34+s17+$0x0], $0xffff;
	v21 =	vadd.f32 v21, v28  }
0x252: {  	s0 =	sadd.s32 $0x1, s0;
	v28 =	vmul.f32 v24, v35;
	v31 =	vsub.f32 v33, v38;
	v24 =	vld.idx.msk [tilespmem:v29+s17+$0x0], $0xffff;
	v29 =	vmul.f32 v37, v36  }
0x253: {  	_ = 	snop  }
0x254: {  	v16 =	vor.u32 s31, v5;
	v30 =	vor.u32 v32, v30  }
0x255: {  	v32 =	vor.u32 v4, v30  }
0x256: {  	v30 =	vor.u32 v5, v30  }
0x257: {  	v19 =	vld.idx.msk [tilespmem:v19+s15+$0x0], $0xffff  }
0x258: {  	v27 =	vld.idx.msk [tilespmem:v27+s14+$0x0], $0xffff  }
0x259: {  	v33 =	vld.idx.msk [tilespmem:v16+s14+$0x0], $0xffff  }
0x25a: {  	v25 =	vsub.f32 v31, v25;
	v31 =	vld.idx.msk [tilespmem:v32+s17+$0x0], $0xffff  }
0x25b: {  	v61 =	vmul.f32 v26, v23;
	v34 =	vmul.f32 v24, v22;
	v30 =	vld.idx.msk [tilespmem:v30+s17+$0x0], $0xffff  }
0x25c: {  	v17 =	vld.idx.msk [tilespmem:v17+s15+$0x0], $0xffff;
	v28 =	vadd.f32 v28, v29;
	v25 =	vand.u32 $0x7FFFFFFF, v25  }
0x25d: {  	v23 =	vmul.f32 v24, v23;
	v22 =	vmul.f32 v26, v22;
	v29 =	vsub.f32 v61, v34  }
0x25e: {  	v20 =	vsub.f32 v28, v20;
	v21 =	vadd.f32 v25, v21  }
0x25f: {  	v18 =	vld.idx.msk [tilespmem:v18+s15+$0x0], $0xffff;
	v22 =	vadd.f32 v23, v22;
	v19 =	vsub.f32 v29, v19  }
0x260: {  	v20 =	vand.u32 $0x7FFFFFFF, v20;
	v23 =	vmul.f32 v31, v27;
	v24 =	vmul.f32 v30, v33  }
0x261: {  	v16 =	vld.idx.msk [tilespmem:v16+s15+$0x0], $0xffff;
	v20 =	vadd.f32 v21, v20;
	v17 =	vsub.f32 v22, v17;
	v19 =	vand.u32 $0x7FFFFFFF, v19  }
0x262: {  	v22 =	vmul.f32 v30, v27;
	v21 =	vsub.f32 v23, v24;
	v23 =	vmul.f32 v31, v33  }
0x263: {  	v19 =	vadd.f32 v19, v20;
	v20 =	vld [tilespmem:$0x4B0]  }
0x264: {  	v17 =	vand.u32 $0x7FFFFFFF, v17;
	v18 =	vsub.f32 v21, v18;
	v21 =	vadd.f32 v22, v23  }
0x265: {  	v17 =	vadd.f32 v19, v17  }
0x266: {  	v18 =	vand.u32 $0x7FFFFFFF, v18;
	v16 =	vsub.f32 v21, v16  }
0x267: {  	v17 =	vadd.f32 v18, v17  }
0x268: {  	s0 =	simm.s32 $0x0;
	v18 =	vand.u32 $0x7FFFFFFF, v16;
	v16 =	vshll.u32 v20, $0x6  }
0x269: {  	v17 =	vadd.f32 v17, v18;
	v18 =	vmov s0;
	v19 =	vadd.s32 s0, v16  }
0x26a: {  	v21 =	vor.u32 s0, v6;
	v19 =	vand.u32 $0x58, v19;
	v18 =	vand.u32 $0x7, v18  }
0x26b: {  	v20 =	vor.u32 s0, v7;
	v18 =	vor.u32 v18, v19  }
0x26c: {  	v17 =	vsub.f32 $0.0e+00, v17;
	v22 =	vor.u32 v6, v18  }
0x26d: {  	v18 =	vor.u32 v7, v18  }
0x26e: {  	[tilespmem:$0xC8A0] =	vst v17  }
0x26f: {  	s0 =	simm.s32 $0x1;
	v27 =	vld.idx.msk [tilespmem:v21+s14+$0x0], $0xffff  }
0x270: {  	v23 =	vadd.s32 s0, v16;
	v17 =	vmov s0;
	v29 =	vld.idx.msk [tilespmem:v20+s14+$0x0], $0xffff  }
0x271: {  	v19 =	vor.u32 s0, v6;
	v23 =	vand.u32 $0x58, v23;
	v24 =	vand.u32 $0x7, v17;
	v62 =	vld.idx.msk [tilespmem:v22+s17+$0x0], $0xffff  }
0x272: {  	v17 =	vor.u32 s0, v7;
	v28 =	vld.idx.msk [tilespmem:v18+s17+$0x0], $0xffff;
	v18 =	vor.u32 v24, v23  }
0x273: {  	v24 =	vor.u32 v6, v18  }
0x274: {  	s31 =	simm.s32 $0x2;
	v20 =	vld.idx.msk [tilespmem:v20+s15+$0x0], $0xffff;
	v31 =	vor.u32 v7, v18  }
0x275: {  	v26 =	vmov s31;
	v25 =	vld.idx.msk [tilespmem:v21+s15+$0x0], $0xffff  }
0x276: {  	v32 =	vand.u32 $0x7, v26;
	v23 =	vld.idx.msk [tilespmem:v19+s14+$0x0], $0xffff  }
0x277: {  	v30 =	vadd.s32 s31, v16;
	v22 =	vld.idx.msk [tilespmem:v17+s14+$0x0], $0xffff;
	v63 =	vmul.f32 v62, v27;
	v35 =	vmul.f32 v28, v29  }
0x278: {  	v30 =	vand.u32 $0x58, v30;
	v18 =	vor.u32 s31, v6;
	v28 =	vmul.f32 v28, v27;
	v26 =	vld.idx.msk [tilespmem:v24+s17+$0x0], $0xffff  }
0x279: {  	v21 =	vimm.f32 $0.0e+00;
	s0 =	simm.s32 $0x3;
	v29 =	vmul.f32 v62, v29;
	v27 =	vmovc v18;
	v24 =	vld.idx.msk [tilespmem:v31+s17+$0x0], $0xffff;
	v31 =	vsub.f32 v63, v35  }
.LBB2_24:
0x27a: {  	p0 =	sne.s32 s0, $0x1F;
	v33 =	vor.u32 s31, v7;
	v30 =	vor.u32 v32, v30;
	v32 =	vmov v20;
	s31 =	smov.u32 s0  }
0x27b: {  	v34 =	vor.u32 v6, v30;
	v31 =	vsub.f32 v31, v25;
	v28 =	vadd.f32 v28, v29  }
0x27c: {  	v29 =	vor.u32 v7, v30;
	v35 =	vmov v23;
	v20 =	vld.idx.msk [tilespmem:v17+s15+$0x0], $0xffff;
	v17 =	vmov v33  }
.Ltmp11:
0x27d: {  	v36 =	vmovc v22;
	v25 =	vld.idx.msk [tilespmem:v19+s15+$0x0], $0xffff;
	v30 =	vand.u32 $0x7FFFFFFF, v31;
	v28 =	vsub.f32 v28, v32;
	v19 =	vmovc v18;
	v18 =	vor.u32 s0, v6;
	(pc) =	sbr.rel @p0 .LBB2_24-.Ltmp11, $4  }
0x27e: {  	v31 =	vmov s0;
	v32 =	vadd.s32 s0, v16;
	v37 =	vmovc v26;
	v23 =	vld.idx.msk [tilespmem:v27+s14+$0x0], $0xffff;
	v21 =	vadd.f32 v30, v21;
	v27 =	vmovc v18  }
0x27f: {  	v38 =	vmul.f32 v24, v36;
	v22 =	vld.idx.msk [tilespmem:v33+s14+$0x0], $0xffff;
	v33 =	vmul.f32 v37, v35;
	v28 =	vand.u32 $0x7FFFFFFF, v28  }
0x280: {  	v30 =	vand.u32 $0x58, v32;
	v32 =	vand.u32 $0x7, v31;
	v26 =	vld.idx.msk [tilespmem:v34+s17+$0x0], $0xffff;
	v21 =	vadd.f32 v21, v28  }
0x281: {  	s0 =	sadd.s32 $0x1, s0;
	v28 =	vmul.f32 v24, v35;
	v31 =	vsub.f32 v33, v38;
	v24 =	vld.idx.msk [tilespmem:v29+s17+$0x0], $0xffff;
	v29 =	vmul.f32 v37, v36  }
0x282: {  	_ = 	snop  }
0x283: {  	v16 =	vor.u32 s31, v7;
	v30 =	vor.u32 v32, v30  }
0x284: {  	v32 =	vor.u32 v6, v30  }
0x285: {  	v30 =	vor.u32 v7, v30  }
0x286: {  	v19 =	vld.idx.msk [tilespmem:v19+s15+$0x0], $0xffff  }
0x287: {  	v27 =	vld.idx.msk [tilespmem:v27+s14+$0x0], $0xffff  }
0x288: {  	v33 =	vld.idx.msk [tilespmem:v16+s14+$0x0], $0xffff  }
0x289: {  	v25 =	vsub.f32 v31, v25;
	v31 =	vld.idx.msk [tilespmem:v32+s17+$0x0], $0xffff  }
0x28a: {  	v61 =	vmul.f32 v26, v23;
	v34 =	vmul.f32 v24, v22;
	v30 =	vld.idx.msk [tilespmem:v30+s17+$0x0], $0xffff  }
0x28b: {  	v17 =	vld.idx.msk [tilespmem:v17+s15+$0x0], $0xffff;
	v28 =	vadd.f32 v28, v29;
	v25 =	vand.u32 $0x7FFFFFFF, v25  }
0x28c: {  	v23 =	vmul.f32 v24, v23;
	v22 =	vmul.f32 v26, v22;
	v29 =	vsub.f32 v61, v34  }
0x28d: {  	v20 =	vsub.f32 v28, v20;
	v21 =	vadd.f32 v25, v21  }
0x28e: {  	v18 =	vld.idx.msk [tilespmem:v18+s15+$0x0], $0xffff;
	v22 =	vadd.f32 v23, v22;
	v19 =	vsub.f32 v29, v19  }
0x28f: {  	v20 =	vand.u32 $0x7FFFFFFF, v20;
	v23 =	vmul.f32 v31, v27;
	v24 =	vmul.f32 v30, v33  }
0x290: {  	v16 =	vld.idx.msk [tilespmem:v16+s15+$0x0], $0xffff;
	v20 =	vadd.f32 v21, v20;
	v17 =	vsub.f32 v22, v17;
	v19 =	vand.u32 $0x7FFFFFFF, v19  }
0x291: {  	v22 =	vmul.f32 v30, v27;
	v21 =	vsub.f32 v23, v24;
	v23 =	vmul.f32 v31, v33  }
0x292: {  	v19 =	vadd.f32 v19, v20;
	v20 =	vld [tilespmem:$0x4C0]  }
0x293: {  	v17 =	vand.u32 $0x7FFFFFFF, v17;
	v18 =	vsub.f32 v21, v18;
	v21 =	vadd.f32 v22, v23  }
0x294: {  	v17 =	vadd.f32 v19, v17  }
0x295: {  	v18 =	vand.u32 $0x7FFFFFFF, v18;
	v16 =	vsub.f32 v21, v16  }
0x296: {  	v17 =	vadd.f32 v18, v17  }
0x297: {  	s0 =	simm.s32 $0x0;
	v18 =	vand.u32 $0x7FFFFFFF, v16;
	v16 =	vshll.u32 v20, $0x6  }
0x298: {  	v17 =	vadd.f32 v17, v18;
	v18 =	vmov s0;
	v19 =	vadd.s32 s0, v16  }
0x299: {  	v21 =	vor.u32 s0, v8;
	v19 =	vand.u32 $0x58, v19;
	v18 =	vand.u32 $0x7, v18  }
0x29a: {  	v20 =	vor.u32 s0, v9;
	v18 =	vor.u32 v18, v19  }
0x29b: {  	v17 =	vsub.f32 $0.0e+00, v17;
	v22 =	vor.u32 v8, v18  }
0x29c: {  	v18 =	vor.u32 v9, v18  }
0x29d: {  	[tilespmem:$0xC8B0] =	vst v17  }
0x29e: {  	s0 =	simm.s32 $0x1;
	v27 =	vld.idx.msk [tilespmem:v21+s14+$0x0], $0xffff  }
0x29f: {  	v23 =	vadd.s32 s0, v16;
	v17 =	vmov s0;
	v29 =	vld.idx.msk [tilespmem:v20+s14+$0x0], $0xffff  }
0x2a0: {  	v19 =	vor.u32 s0, v8;
	v23 =	vand.u32 $0x58, v23;
	v24 =	vand.u32 $0x7, v17;
	v62 =	vld.idx.msk [tilespmem:v22+s17+$0x0], $0xffff  }
0x2a1: {  	v17 =	vor.u32 s0, v9;
	v28 =	vld.idx.msk [tilespmem:v18+s17+$0x0], $0xffff;
	v18 =	vor.u32 v24, v23  }
0x2a2: {  	v24 =	vor.u32 v8, v18  }
0x2a3: {  	s31 =	simm.s32 $0x2;
	v20 =	vld.idx.msk [tilespmem:v20+s15+$0x0], $0xffff;
	v31 =	vor.u32 v9, v18  }
0x2a4: {  	v26 =	vmov s31;
	v25 =	vld.idx.msk [tilespmem:v21+s15+$0x0], $0xffff  }
0x2a5: {  	v32 =	vand.u32 $0x7, v26;
	v23 =	vld.idx.msk [tilespmem:v19+s14+$0x0], $0xffff  }
0x2a6: {  	v30 =	vadd.s32 s31, v16;
	v22 =	vld.idx.msk [tilespmem:v17+s14+$0x0], $0xffff;
	v63 =	vmul.f32 v62, v27;
	v35 =	vmul.f32 v28, v29  }
0x2a7: {  	v30 =	vand.u32 $0x58, v30;
	v18 =	vor.u32 s31, v8;
	v28 =	vmul.f32 v28, v27;
	v26 =	vld.idx.msk [tilespmem:v24+s17+$0x0], $0xffff  }
0x2a8: {  	v21 =	vimm.f32 $0.0e+00;
	s0 =	simm.s32 $0x3;
	v29 =	vmul.f32 v62, v29;
	v27 =	vmovc v18;
	v24 =	vld.idx.msk [tilespmem:v31+s17+$0x0], $0xffff;
	v31 =	vsub.f32 v63, v35  }
.LBB2_26:
0x2a9: {  	p0 =	sne.s32 s0, $0x1F;
	v33 =	vor.u32 s31, v9;
	v30 =	vor.u32 v32, v30;
	v32 =	vmov v20;
	s31 =	smov.u32 s0  }
0x2aa: {  	v34 =	vor.u32 v8, v30;
	v31 =	vsub.f32 v31, v25;
	v28 =	vadd.f32 v28, v29  }
0x2ab: {  	v29 =	vor.u32 v9, v30;
	v35 =	vmov v23;
	v20 =	vld.idx.msk [tilespmem:v17+s15+$0x0], $0xffff;
	v17 =	vmov v33  }
.Ltmp12:
0x2ac: {  	v36 =	vmovc v22;
	v25 =	vld.idx.msk [tilespmem:v19+s15+$0x0], $0xffff;
	v30 =	vand.u32 $0x7FFFFFFF, v31;
	v28 =	vsub.f32 v28, v32;
	v19 =	vmovc v18;
	v18 =	vor.u32 s0, v8;
	(pc) =	sbr.rel @p0 .LBB2_26-.Ltmp12, $4  }
0x2ad: {  	v31 =	vmov s0;
	v32 =	vadd.s32 s0, v16;
	v37 =	vmovc v26;
	v23 =	vld.idx.msk [tilespmem:v27+s14+$0x0], $0xffff;
	v21 =	vadd.f32 v30, v21;
	v27 =	vmovc v18  }
0x2ae: {  	v38 =	vmul.f32 v24, v36;
	v22 =	vld.idx.msk [tilespmem:v33+s14+$0x0], $0xffff;
	v33 =	vmul.f32 v37, v35;
	v28 =	vand.u32 $0x7FFFFFFF, v28  }
0x2af: {  	v30 =	vand.u32 $0x58, v32;
	v32 =	vand.u32 $0x7, v31;
	v26 =	vld.idx.msk [tilespmem:v34+s17+$0x0], $0xffff;
	v21 =	vadd.f32 v21, v28  }
0x2b0: {  	s0 =	sadd.s32 $0x1, s0;
	v28 =	vmul.f32 v24, v35;
	v31 =	vsub.f32 v33, v38;
	v24 =	vld.idx.msk [tilespmem:v29+s17+$0x0], $0xffff;
	v29 =	vmul.f32 v37, v36  }
0x2b1: {  	_ = 	snop  }
0x2b2: {  	v16 =	vor.u32 s31, v9;
	v30 =	vor.u32 v32, v30  }
0x2b3: {  	v32 =	vor.u32 v8, v30  }
0x2b4: {  	v30 =	vor.u32 v9, v30  }
0x2b5: {  	v19 =	vld.idx.msk [tilespmem:v19+s15+$0x0], $0xffff  }
0x2b6: {  	v27 =	vld.idx.msk [tilespmem:v27+s14+$0x0], $0xffff  }
0x2b7: {  	v33 =	vld.idx.msk [tilespmem:v16+s14+$0x0], $0xffff  }
0x2b8: {  	v25 =	vsub.f32 v31, v25;
	v31 =	vld.idx.msk [tilespmem:v32+s17+$0x0], $0xffff  }
0x2b9: {  	v61 =	vmul.f32 v26, v23;
	v34 =	vmul.f32 v24, v22;
	v30 =	vld.idx.msk [tilespmem:v30+s17+$0x0], $0xffff  }
0x2ba: {  	v17 =	vld.idx.msk [tilespmem:v17+s15+$0x0], $0xffff;
	v28 =	vadd.f32 v28, v29;
	v25 =	vand.u32 $0x7FFFFFFF, v25  }
0x2bb: {  	v23 =	vmul.f32 v24, v23;
	v22 =	vmul.f32 v26, v22;
	v29 =	vsub.f32 v61, v34  }
0x2bc: {  	v20 =	vsub.f32 v28, v20;
	v21 =	vadd.f32 v25, v21  }
0x2bd: {  	v18 =	vld.idx.msk [tilespmem:v18+s15+$0x0], $0xffff;
	v22 =	vadd.f32 v23, v22;
	v19 =	vsub.f32 v29, v19  }
0x2be: {  	v20 =	vand.u32 $0x7FFFFFFF, v20;
	v23 =	vmul.f32 v31, v27;
	v24 =	vmul.f32 v30, v33  }
0x2bf: {  	v16 =	vld.idx.msk [tilespmem:v16+s15+$0x0], $0xffff;
	v20 =	vadd.f32 v21, v20;
	v17 =	vsub.f32 v22, v17;
	v19 =	vand.u32 $0x7FFFFFFF, v19  }
0x2c0: {  	v22 =	vmul.f32 v30, v27;
	v21 =	vsub.f32 v23, v24;
	v23 =	vmul.f32 v31, v33  }
0x2c1: {  	v19 =	vadd.f32 v19, v20;
	v20 =	vld [tilespmem:$0x4D0]  }
0x2c2: {  	v17 =	vand.u32 $0x7FFFFFFF, v17;
	v18 =	vsub.f32 v21, v18;
	v21 =	vadd.f32 v22, v23  }
0x2c3: {  	v17 =	vadd.f32 v19, v17  }
0x2c4: {  	v18 =	vand.u32 $0x7FFFFFFF, v18;
	v16 =	vsub.f32 v21, v16  }
0x2c5: {  	v17 =	vadd.f32 v18, v17  }
0x2c6: {  	s0 =	simm.s32 $0x0;
	v18 =	vand.u32 $0x7FFFFFFF, v16;
	v16 =	vshll.u32 v20, $0x6  }
0x2c7: {  	v17 =	vadd.f32 v17, v18;
	v18 =	vmov s0;
	v19 =	vadd.s32 s0, v16  }
0x2c8: {  	v21 =	vor.u32 s0, v10;
	v19 =	vand.u32 $0x58, v19;
	v18 =	vand.u32 $0x7, v18  }
0x2c9: {  	v20 =	vor.u32 s0, v11;
	v18 =	vor.u32 v18, v19  }
0x2ca: {  	v17 =	vsub.f32 $0.0e+00, v17;
	v22 =	vor.u32 v10, v18  }
0x2cb: {  	v18 =	vor.u32 v11, v18  }
0x2cc: {  	[tilespmem:$0xC8C0] =	vst v17  }
0x2cd: {  	s0 =	simm.s32 $0x1;
	v27 =	vld.idx.msk [tilespmem:v21+s14+$0x0], $0xffff  }
0x2ce: {  	v23 =	vadd.s32 s0, v16;
	v17 =	vmov s0;
	v29 =	vld.idx.msk [tilespmem:v20+s14+$0x0], $0xffff  }
0x2cf: {  	v19 =	vor.u32 s0, v10;
	v23 =	vand.u32 $0x58, v23;
	v24 =	vand.u32 $0x7, v17;
	v62 =	vld.idx.msk [tilespmem:v22+s17+$0x0], $0xffff  }
0x2d0: {  	v17 =	vor.u32 s0, v11;
	v28 =	vld.idx.msk [tilespmem:v18+s17+$0x0], $0xffff;
	v18 =	vor.u32 v24, v23  }
0x2d1: {  	v24 =	vor.u32 v10, v18  }
0x2d2: {  	s31 =	simm.s32 $0x2;
	v20 =	vld.idx.msk [tilespmem:v20+s15+$0x0], $0xffff;
	v31 =	vor.u32 v11, v18  }
0x2d3: {  	v26 =	vmov s31;
	v25 =	vld.idx.msk [tilespmem:v21+s15+$0x0], $0xffff  }
0x2d4: {  	v32 =	vand.u32 $0x7, v26;
	v23 =	vld.idx.msk [tilespmem:v19+s14+$0x0], $0xffff  }
0x2d5: {  	v30 =	vadd.s32 s31, v16;
	v22 =	vld.idx.msk [tilespmem:v17+s14+$0x0], $0xffff;
	v63 =	vmul.f32 v62, v27;
	v35 =	vmul.f32 v28, v29  }
0x2d6: {  	v30 =	vand.u32 $0x58, v30;
	v18 =	vor.u32 s31, v10;
	v28 =	vmul.f32 v28, v27;
	v26 =	vld.idx.msk [tilespmem:v24+s17+$0x0], $0xffff  }
0x2d7: {  	v21 =	vimm.f32 $0.0e+00;
	s0 =	simm.s32 $0x3;
	v29 =	vmul.f32 v62, v29;
	v27 =	vmovc v18;
	v24 =	vld.idx.msk [tilespmem:v31+s17+$0x0], $0xffff;
	v31 =	vsub.f32 v63, v35  }
.LBB2_28:
0x2d8: {  	p0 =	sne.s32 s0, $0x1F;
	v33 =	vor.u32 s31, v11;
	v30 =	vor.u32 v32, v30;
	v32 =	vmov v20;
	s31 =	smov.u32 s0  }
0x2d9: {  	v34 =	vor.u32 v10, v30;
	v31 =	vsub.f32 v31, v25;
	v28 =	vadd.f32 v28, v29  }
0x2da: {  	v29 =	vor.u32 v11, v30;
	v35 =	vmov v23;
	v20 =	vld.idx.msk [tilespmem:v17+s15+$0x0], $0xffff;
	v17 =	vmov v33  }
.Ltmp13:
0x2db: {  	v36 =	vmovc v22;
	v25 =	vld.idx.msk [tilespmem:v19+s15+$0x0], $0xffff;
	v30 =	vand.u32 $0x7FFFFFFF, v31;
	v28 =	vsub.f32 v28, v32;
	v19 =	vmovc v18;
	v18 =	vor.u32 s0, v10;
	(pc) =	sbr.rel @p0 .LBB2_28-.Ltmp13, $4  }
0x2dc: {  	v31 =	vmov s0;
	v32 =	vadd.s32 s0, v16;
	v37 =	vmovc v26;
	v23 =	vld.idx.msk [tilespmem:v27+s14+$0x0], $0xffff;
	v21 =	vadd.f32 v30, v21;
	v27 =	vmovc v18  }
0x2dd: {  	v38 =	vmul.f32 v24, v36;
	v22 =	vld.idx.msk [tilespmem:v33+s14+$0x0], $0xffff;
	v33 =	vmul.f32 v37, v35;
	v28 =	vand.u32 $0x7FFFFFFF, v28  }
0x2de: {  	v30 =	vand.u32 $0x58, v32;
	v32 =	vand.u32 $0x7, v31;
	v26 =	vld.idx.msk [tilespmem:v34+s17+$0x0], $0xffff;
	v21 =	vadd.f32 v21, v28  }
0x2df: {  	s0 =	sadd.s32 $0x1, s0;
	v28 =	vmul.f32 v24, v35;
	v31 =	vsub.f32 v33, v38;
	v24 =	vld.idx.msk [tilespmem:v29+s17+$0x0], $0xffff;
	v29 =	vmul.f32 v37, v36  }
0x2e0: {  	_ = 	snop  }
0x2e1: {  	v16 =	vor.u32 s31, v11;
	v30 =	vor.u32 v32, v30  }
0x2e2: {  	v32 =	vor.u32 v10, v30  }
0x2e3: {  	v30 =	vor.u32 v11, v30  }
0x2e4: {  	v19 =	vld.idx.msk [tilespmem:v19+s15+$0x0], $0xffff  }
0x2e5: {  	v27 =	vld.idx.msk [tilespmem:v27+s14+$0x0], $0xffff  }
0x2e6: {  	v33 =	vld.idx.msk [tilespmem:v16+s14+$0x0], $0xffff  }
0x2e7: {  	v25 =	vsub.f32 v31, v25;
	v31 =	vld.idx.msk [tilespmem:v32+s17+$0x0], $0xffff  }
0x2e8: {  	v61 =	vmul.f32 v26, v23;
	v34 =	vmul.f32 v24, v22;
	v30 =	vld.idx.msk [tilespmem:v30+s17+$0x0], $0xffff  }
0x2e9: {  	v17 =	vld.idx.msk [tilespmem:v17+s15+$0x0], $0xffff;
	v28 =	vadd.f32 v28, v29;
	v25 =	vand.u32 $0x7FFFFFFF, v25  }
0x2ea: {  	v23 =	vmul.f32 v24, v23;
	v22 =	vmul.f32 v26, v22;
	v29 =	vsub.f32 v61, v34  }
0x2eb: {  	v20 =	vsub.f32 v28, v20;
	v21 =	vadd.f32 v25, v21  }
0x2ec: {  	v18 =	vld.idx.msk [tilespmem:v18+s15+$0x0], $0xffff;
	v22 =	vadd.f32 v23, v22;
	v19 =	vsub.f32 v29, v19  }
0x2ed: {  	v20 =	vand.u32 $0x7FFFFFFF, v20;
	v23 =	vmul.f32 v31, v27;
	v24 =	vmul.f32 v30, v33  }
0x2ee: {  	v16 =	vld.idx.msk [tilespmem:v16+s15+$0x0], $0xffff;
	v20 =	vadd.f32 v21, v20;
	v17 =	vsub.f32 v22, v17;
	v19 =	vand.u32 $0x7FFFFFFF, v19  }
0x2ef: {  	v22 =	vmul.f32 v30, v27;
	v21 =	vsub.f32 v23, v24;
	v23 =	vmul.f32 v31, v33  }
0x2f0: {  	v19 =	vadd.f32 v19, v20;
	v20 =	vld [tilespmem:$0x4E0]  }
0x2f1: {  	v17 =	vand.u32 $0x7FFFFFFF, v17;
	v18 =	vsub.f32 v21, v18;
	v21 =	vadd.f32 v22, v23  }
0x2f2: {  	v17 =	vadd.f32 v19, v17  }
0x2f3: {  	v18 =	vand.u32 $0x7FFFFFFF, v18;
	v16 =	vsub.f32 v21, v16  }
0x2f4: {  	v17 =	vadd.f32 v18, v17  }
0x2f5: {  	s0 =	simm.s32 $0x0;
	v18 =	vand.u32 $0x7FFFFFFF, v16;
	v16 =	vshll.u32 v20, $0x6  }
0x2f6: {  	v17 =	vadd.f32 v17, v18;
	v18 =	vmov s0;
	v19 =	vadd.s32 s0, v16  }
0x2f7: {  	v21 =	vor.u32 s0, v13;
	v19 =	vand.u32 $0x58, v19;
	v18 =	vand.u32 $0x7, v18  }
0x2f8: {  	v20 =	vor.u32 s0, v12;
	v18 =	vor.u32 v18, v19  }
0x2f9: {  	v17 =	vsub.f32 $0.0e+00, v17;
	v22 =	vor.u32 v13, v18  }
0x2fa: {  	v18 =	vor.u32 v12, v18  }
0x2fb: {  	[tilespmem:$0xC8D0] =	vst v17  }
0x2fc: {  	s0 =	simm.s32 $0x1;
	v27 =	vld.idx.msk [tilespmem:v21+s14+$0x0], $0xffff  }
0x2fd: {  	v23 =	vadd.s32 s0, v16;
	v17 =	vmov s0;
	v29 =	vld.idx.msk [tilespmem:v20+s14+$0x0], $0xffff  }
0x2fe: {  	v19 =	vor.u32 s0, v13;
	v23 =	vand.u32 $0x58, v23;
	v24 =	vand.u32 $0x7, v17;
	v62 =	vld.idx.msk [tilespmem:v22+s17+$0x0], $0xffff  }
0x2ff: {  	v17 =	vor.u32 s0, v12;
	v28 =	vld.idx.msk [tilespmem:v18+s17+$0x0], $0xffff;
	v18 =	vor.u32 v24, v23  }
0x300: {  	v24 =	vor.u32 v13, v18  }
0x301: {  	s31 =	simm.s32 $0x2;
	v20 =	vld.idx.msk [tilespmem:v20+s15+$0x0], $0xffff;
	v31 =	vor.u32 v12, v18  }
0x302: {  	v26 =	vmov s31;
	v25 =	vld.idx.msk [tilespmem:v21+s15+$0x0], $0xffff  }
0x303: {  	v32 =	vand.u32 $0x7, v26;
	v23 =	vld.idx.msk [tilespmem:v19+s14+$0x0], $0xffff  }
0x304: {  	v30 =	vadd.s32 s31, v16;
	v22 =	vld.idx.msk [tilespmem:v17+s14+$0x0], $0xffff;
	v63 =	vmul.f32 v62, v27;
	v35 =	vmul.f32 v28, v29  }
0x305: {  	v30 =	vand.u32 $0x58, v30;
	v18 =	vor.u32 s31, v13;
	v28 =	vmul.f32 v28, v27;
	v26 =	vld.idx.msk [tilespmem:v24+s17+$0x0], $0xffff  }
0x306: {  	v21 =	vimm.f32 $0.0e+00;
	s0 =	simm.s32 $0x3;
	v29 =	vmul.f32 v62, v29;
	v27 =	vmovc v18;
	v24 =	vld.idx.msk [tilespmem:v31+s17+$0x0], $0xffff;
	v31 =	vsub.f32 v63, v35  }
.LBB2_30:
0x307: {  	p0 =	sne.s32 s0, $0x1F;
	v33 =	vor.u32 s31, v12;
	v30 =	vor.u32 v32, v30;
	v32 =	vmov v20;
	s31 =	smov.u32 s0  }
0x308: {  	v34 =	vor.u32 v13, v30;
	v31 =	vsub.f32 v31, v25;
	v28 =	vadd.f32 v28, v29  }
0x309: {  	v29 =	vor.u32 v12, v30;
	v35 =	vmov v23;
	v20 =	vld.idx.msk [tilespmem:v17+s15+$0x0], $0xffff;
	v17 =	vmov v33  }
.Ltmp14:
0x30a: {  	v36 =	vmovc v22;
	v25 =	vld.idx.msk [tilespmem:v19+s15+$0x0], $0xffff;
	v30 =	vand.u32 $0x7FFFFFFF, v31;
	v28 =	vsub.f32 v28, v32;
	v19 =	vmovc v18;
	v18 =	vor.u32 s0, v13;
	(pc) =	sbr.rel @p0 .LBB2_30-.Ltmp14, $4  }
0x30b: {  	v31 =	vmov s0;
	v32 =	vadd.s32 s0, v16;
	v37 =	vmovc v26;
	v23 =	vld.idx.msk [tilespmem:v27+s14+$0x0], $0xffff;
	v21 =	vadd.f32 v30, v21;
	v27 =	vmovc v18  }
0x30c: {  	v38 =	vmul.f32 v24, v36;
	v22 =	vld.idx.msk [tilespmem:v33+s14+$0x0], $0xffff;
	v33 =	vmul.f32 v37, v35;
	v28 =	vand.u32 $0x7FFFFFFF, v28  }
0x30d: {  	v30 =	vand.u32 $0x58, v32;
	v32 =	vand.u32 $0x7, v31;
	v26 =	vld.idx.msk [tilespmem:v34+s17+$0x0], $0xffff;
	v21 =	vadd.f32 v21, v28  }
0x30e: {  	s0 =	sadd.s32 $0x1, s0;
	v28 =	vmul.f32 v24, v35;
	v31 =	vsub.f32 v33, v38;
	v24 =	vld.idx.msk [tilespmem:v29+s17+$0x0], $0xffff;
	v29 =	vmul.f32 v37, v36  }
0x30f: {  	_ = 	snop  }
0x310: {  	v16 =	vor.u32 s31, v12;
	v30 =	vor.u32 v32, v30  }
0x311: {  	v32 =	vor.u32 v13, v30  }
0x312: {  	v30 =	vor.u32 v12, v30  }
0x313: {  	v19 =	vld.idx.msk [tilespmem:v19+s15+$0x0], $0xffff  }
0x314: {  	v27 =	vld.idx.msk [tilespmem:v27+s14+$0x0], $0xffff  }
0x315: {  	v33 =	vld.idx.msk [tilespmem:v16+s14+$0x0], $0xffff  }
0x316: {  	v25 =	vsub.f32 v31, v25;
	v31 =	vld.idx.msk [tilespmem:v32+s17+$0x0], $0xffff  }
0x317: {  	v61 =	vmul.f32 v26, v23;
	v34 =	vmul.f32 v24, v22;
	v30 =	vld.idx.msk [tilespmem:v30+s17+$0x0], $0xffff  }
0x318: {  	v17 =	vld.idx.msk [tilespmem:v17+s15+$0x0], $0xffff;
	v28 =	vadd.f32 v28, v29;
	v25 =	vand.u32 $0x7FFFFFFF, v25  }
0x319: {  	v23 =	vmul.f32 v24, v23;
	v22 =	vmul.f32 v26, v22;
	v29 =	vsub.f32 v61, v34  }
0x31a: {  	v20 =	vsub.f32 v28, v20;
	v21 =	vadd.f32 v25, v21  }
0x31b: {  	v18 =	vld.idx.msk [tilespmem:v18+s15+$0x0], $0xffff;
	v22 =	vadd.f32 v23, v22;
	v19 =	vsub.f32 v29, v19  }
0x31c: {  	v20 =	vand.u32 $0x7FFFFFFF, v20;
	v23 =	vmul.f32 v31, v27;
	v24 =	vmul.f32 v30, v33  }
0x31d: {  	v16 =	vld.idx.msk [tilespmem:v16+s15+$0x0], $0xffff;
	v20 =	vadd.f32 v21, v20;
	v17 =	vsub.f32 v22, v17;
	v19 =	vand.u32 $0x7FFFFFFF, v19  }
0x31e: {  	v22 =	vmul.f32 v30, v27;
	v21 =	vsub.f32 v23, v24;
	v23 =	vmul.f32 v31, v33  }
0x31f: {  	v19 =	vadd.f32 v19, v20;
	v20 =	vld [tilespmem:$0x4F0]  }
0x320: {  	v17 =	vand.u32 $0x7FFFFFFF, v17;
	v18 =	vsub.f32 v21, v18;
	v21 =	vadd.f32 v22, v23  }
0x321: {  	v17 =	vadd.f32 v19, v17  }
0x322: {  	v18 =	vand.u32 $0x7FFFFFFF, v18;
	v16 =	vsub.f32 v21, v16  }
0x323: {  	v17 =	vadd.f32 v18, v17  }
0x324: {  	s0 =	simm.s32 $0x0;
	v18 =	vand.u32 $0x7FFFFFFF, v16;
	v16 =	vshll.u32 v20, $0x6  }
0x325: {  	v17 =	vadd.f32 v17, v18;
	v18 =	vmov s0;
	v19 =	vadd.s32 s0, v16  }
0x326: {  	v21 =	vor.u32 s0, v15;
	v19 =	vand.u32 $0x58, v19;
	v18 =	vand.u32 $0x7, v18  }
0x327: {  	v20 =	vor.u32 s0, v14;
	v18 =	vor.u32 v18, v19  }
0x328: {  	v17 =	vsub.f32 $0.0e+00, v17;
	v22 =	vor.u32 v15, v18  }
0x329: {  	v18 =	vor.u32 v14, v18  }
0x32a: {  	[tilespmem:$0xC8E0] =	vst v17  }
0x32b: {  	s0 =	simm.s32 $0x1;
	v27 =	vld.idx.msk [tilespmem:v21+s14+$0x0], $0xffff  }
0x32c: {  	v23 =	vadd.s32 s0, v16;
	v17 =	vmov s0;
	v29 =	vld.idx.msk [tilespmem:v20+s14+$0x0], $0xffff  }
0x32d: {  	v19 =	vor.u32 s0, v15;
	v23 =	vand.u32 $0x58, v23;
	v24 =	vand.u32 $0x7, v17;
	v62 =	vld.idx.msk [tilespmem:v22+s17+$0x0], $0xffff  }
0x32e: {  	v17 =	vor.u32 s0, v14;
	v28 =	vld.idx.msk [tilespmem:v18+s17+$0x0], $0xffff;
	v18 =	vor.u32 v24, v23  }
0x32f: {  	v24 =	vor.u32 v15, v18  }
0x330: {  	s31 =	simm.s32 $0x2;
	v20 =	vld.idx.msk [tilespmem:v20+s15+$0x0], $0xffff;
	v31 =	vor.u32 v14, v18  }
0x331: {  	v26 =	vmov s31;
	v25 =	vld.idx.msk [tilespmem:v21+s15+$0x0], $0xffff  }
0x332: {  	v32 =	vand.u32 $0x7, v26;
	v23 =	vld.idx.msk [tilespmem:v19+s14+$0x0], $0xffff  }
0x333: {  	v30 =	vadd.s32 s31, v16;
	v22 =	vld.idx.msk [tilespmem:v17+s14+$0x0], $0xffff;
	v63 =	vmul.f32 v62, v27;
	v35 =	vmul.f32 v28, v29  }
0x334: {  	v30 =	vand.u32 $0x58, v30;
	v18 =	vor.u32 s31, v15;
	v28 =	vmul.f32 v28, v27;
	v26 =	vld.idx.msk [tilespmem:v24+s17+$0x0], $0xffff  }
0x335: {  	v21 =	vimm.f32 $0.0e+00;
	s0 =	simm.s32 $0x3;
	v29 =	vmul.f32 v62, v29;
	v27 =	vmovc v18;
	v24 =	vld.idx.msk [tilespmem:v31+s17+$0x0], $0xffff;
	v31 =	vsub.f32 v63, v35  }
.LBB2_32:
0x336: {  	p0 =	sne.s32 s0, $0x1F;
	v33 =	vor.u32 s31, v14;
	v30 =	vor.u32 v32, v30;
	v32 =	vmov v20;
	s31 =	smov.u32 s0  }
0x337: {  	v34 =	vor.u32 v15, v30;
	v31 =	vsub.f32 v31, v25;
	v28 =	vadd.f32 v28, v29  }
0x338: {  	v29 =	vor.u32 v14, v30;
	v35 =	vmov v23;
	v20 =	vld.idx.msk [tilespmem:v17+s15+$0x0], $0xffff;
	v17 =	vmov v33  }
.Ltmp15:
0x339: {  	v36 =	vmovc v22;
	v25 =	vld.idx.msk [tilespmem:v19+s15+$0x0], $0xffff;
	v30 =	vand.u32 $0x7FFFFFFF, v31;
	v28 =	vsub.f32 v28, v32;
	v19 =	vmovc v18;
	v18 =	vor.u32 s0, v15;
	(pc) =	sbr.rel @p0 .LBB2_32-.Ltmp15, $4  }
0x33a: {  	v31 =	vmov s0;
	v32 =	vadd.s32 s0, v16;
	v37 =	vmovc v26;
	v23 =	vld.idx.msk [tilespmem:v27+s14+$0x0], $0xffff;
	v21 =	vadd.f32 v30, v21;
	v27 =	vmovc v18  }
0x33b: {  	v38 =	vmul.f32 v24, v36;
	v22 =	vld.idx.msk [tilespmem:v33+s14+$0x0], $0xffff;
	v33 =	vmul.f32 v37, v35;
	v28 =	vand.u32 $0x7FFFFFFF, v28  }
0x33c: {  	v30 =	vand.u32 $0x58, v32;
	v32 =	vand.u32 $0x7, v31;
	v26 =	vld.idx.msk [tilespmem:v34+s17+$0x0], $0xffff;
	v21 =	vadd.f32 v21, v28  }
0x33d: {  	s0 =	sadd.s32 $0x1, s0;
	v28 =	vmul.f32 v24, v35;
	v31 =	vsub.f32 v33, v38;
	v24 =	vld.idx.msk [tilespmem:v29+s17+$0x0], $0xffff;
	v29 =	vmul.f32 v37, v36  }
0x33e: {  	_ = 	snop  }
0x33f: {  	v16 =	vor.u32 s31, v14;
	v30 =	vor.u32 v32, v30  }
0x340: {  	v32 =	vor.u32 v15, v30  }
0x341: {  	v30 =	vor.u32 v14, v30  }
0x342: {  	v19 =	vld.idx.msk [tilespmem:v19+s15+$0x0], $0xffff  }
0x343: {  	v27 =	vld.idx.msk [tilespmem:v27+s14+$0x0], $0xffff  }
0x344: {  	v33 =	vld.idx.msk [tilespmem:v16+s14+$0x0], $0xffff  }
0x345: {  	v25 =	vsub.f32 v31, v25;
	v31 =	vld.idx.msk [tilespmem:v32+s17+$0x0], $0xffff  }
0x346: {  	v61 =	vmul.f32 v26, v23;
	v34 =	vmul.f32 v24, v22;
	v30 =	vld.idx.msk [tilespmem:v30+s17+$0x0], $0xffff  }
0x347: {  	v17 =	vld.idx.msk [tilespmem:v17+s15+$0x0], $0xffff;
	v28 =	vadd.f32 v28, v29;
	v25 =	vand.u32 $0x7FFFFFFF, v25  }
0x348: {  	v23 =	vmul.f32 v24, v23;
	v22 =	vmul.f32 v26, v22;
	v29 =	vsub.f32 v61, v34  }
0x349: {  	v20 =	vsub.f32 v28, v20;
	v21 =	vadd.f32 v25, v21  }
0x34a: {  	v18 =	vld.idx.msk [tilespmem:v18+s15+$0x0], $0xffff;
	v22 =	vadd.f32 v23, v22;
	v19 =	vsub.f32 v29, v19  }
0x34b: {  	v20 =	vand.u32 $0x7FFFFFFF, v20;
	v23 =	vmul.f32 v31, v27;
	v24 =	vmul.f32 v30, v33  }
0x34c: {  	v16 =	vld.idx.msk [tilespmem:v16+s15+$0x0], $0xffff;
	v20 =	vadd.f32 v21, v20;
	v17 =	vsub.f32 v22, v17;
	v19 =	vand.u32 $0x7FFFFFFF, v19  }
0x34d: {  	v22 =	vmul.f32 v30, v27;
	v21 =	vsub.f32 v23, v24;
	v23 =	vmul.f32 v31, v33  }
0x34e: {  	v19 =	vadd.f32 v19, v20  }
0x34f: {  	v17 =	vand.u32 $0x7FFFFFFF, v17;
	v18 =	vsub.f32 v21, v18;
	v20 =	vadd.f32 v22, v23  }
0x350: {  	v17 =	vadd.f32 v19, v17  }
0x351: {  	v18 =	vand.u32 $0x7FFFFFFF, v18;
	v16 =	vsub.f32 v20, v16  }
0x352: {  	v17 =	vadd.f32 v18, v17  }
0x353: {  	v16 =	vand.u32 $0x7FFFFFFF, v16  }
0x354: {  	v16 =	vadd.f32 v17, v16;
	_ =	sdelay $0x1  }
0x355: {  	v16 =	vsub.f32 $0.0e+00, v16;
	_ =	sdelay $0x1  }
0x356: {  	[tilespmem:$0xC8F0] =	vst v16  }
0x357: {  	[tilespmem:s14], [sflag:$0x1] =	stream.indirect.gather [hbm4b:s3+s13], $0x80, s22, s13, $0xb8;
	[tilespmem:$0xCA00] =	vst v63  }
0x358: {  	_ = 	snop  }
0x359: {  	[tilespmem:s15], [sflag:$0x1] =	stream.indirect.gather [hbm4b:s3+s13], $0x80, s23, s13, $0xb8;
	[tilespmem:$0xCA00] =	vst v63  }
0x35a: {  	_ = 	snop  }
0x35b: {  	[tilespmem:s17], [sflag:$0x2] =	stream.indirect.gather [hbm4b:s4+s13], $0x80, s24, s13, $0xb8;
	[tilespmem:$0xCA00] =	vst v63  }
0x35c: {  	_ =	swait.ge [sflag:s18], $0x4000  }
0x35d: {  	[sflag:s18] =	ssyncset.done $0x0  }
0x35e: {  	[sflag:s18] =	ssyncadd.s32 $0xFFFFC000  }
0x35f: {  	_ =	swait.ge [sflag:s18], $0x4000  }
0x360: {  	[sflag:s18] =	ssyncset.done $0x0  }
0x361: {  	[sflag:s18] =	ssyncadd.s32 $0xFFFFC000  }
0x362: {  	_ =	swait.ge [sflag:s19], $0x4000  }
0x363: {  	[sflag:s19] =	ssyncset.done $0x0  }
0x364: {  	[sflag:s19] =	ssyncadd.s32 $0xFFFFC000  }
0x365: {  	v16 =	vld [tilespmem:$0x500];
	_ =	sdelay $0x4  }
0x366: {  	s0 =	simm.s32 $0x0;
	v16 =	vshll.u32 v16, $0x6  }
0x367: {  	v17 =	vmov s0;
	v18 =	vadd.s32 s0, v16  }
0x368: {  	v21 =	vor.u32 s0, v0;
	v17 =	vand.u32 $0x7, v17;
	v18 =	vand.u32 $0x58, v18  }
0x369: {  	v20 =	vor.u32 s0, v1;
	v17 =	vor.u32 v17, v18  }
0x36a: {  	v18 =	vor.u32 v0, v17  }
0x36b: {  	v17 =	vor.u32 v1, v17;
	_ =	sdelay $0x1  }
0x36c: {  	v27 =	vld.idx.msk [tilespmem:v21+s14+$0x0], $0xffff;
	s0 =	simm.s32 $0x1  }
0x36d: {  	v29 =	vld.idx.msk [tilespmem:v20+s14+$0x0], $0xffff;
	v22 =	vmov s0;
	v23 =	vadd.s32 s0, v16  }
0x36e: {  	v19 =	vor.u32 s0, v0;
	v23 =	vand.u32 $0x58, v23;
	v22 =	vand.u32 $0x7, v22;
	v62 =	vld.idx.msk [tilespmem:v18+s17+$0x0], $0xffff  }
0x36f: {  	v28 =	vld.idx.msk [tilespmem:v17+s17+$0x0], $0xffff;
	v17 =	vor.u32 s0, v1;
	v18 =	vor.u32 v22, v23  }
0x370: {  	v24 =	vor.u32 v0, v18  }
0x371: {  	s31 =	simm.s32 $0x2;
	v20 =	vld.idx.msk [tilespmem:v20+s15+$0x0], $0xffff;
	v31 =	vor.u32 v1, v18  }
0x372: {  	v26 =	vmov s31;
	v25 =	vld.idx.msk [tilespmem:v21+s15+$0x0], $0xffff  }
0x373: {  	v32 =	vand.u32 $0x7, v26;
	v23 =	vld.idx.msk [tilespmem:v19+s14+$0x0], $0xffff  }
0x374: {  	v21 =	vimm.f32 $0.0e+00;
	v22 =	vld.idx.msk [tilespmem:v17+s14+$0x0], $0xffff;
	v63 =	vmul.f32 v62, v27;
	v35 =	vmul.f32 v28, v29  }
0x375: {  	v30 =	vadd.s32 s31, v16;
	v18 =	vor.u32 s31, v0;
	v28 =	vmul.f32 v28, v27;
	v26 =	vld.idx.msk [tilespmem:v24+s17+$0x0], $0xffff  }
0x376: {  	v30 =	vand.u32 $0x58, v30;
	s0 =	simm.s32 $0x3;
	v29 =	vmul.f32 v62, v29;
	v27 =	vmovc v18;
	v24 =	vld.idx.msk [tilespmem:v31+s17+$0x0], $0xffff;
	v31 =	vsub.f32 v63, v35  }
.LBB2_34:
0x377: {  	p0 =	sne.s32 s0, $0x1F;
	v33 =	vor.u32 s31, v1;
	v30 =	vor.u32 v32, v30;
	v32 =	vmov v20;
	s31 =	smov.u32 s0  }
0x378: {  	v34 =	vor.u32 v0, v30;
	v31 =	vsub.f32 v31, v25;
	v28 =	vadd.f32 v28, v29  }
0x379: {  	v29 =	vor.u32 v1, v30;
	v35 =	vmov v23;
	v20 =	vld.idx.msk [tilespmem:v17+s15+$0x0], $0xffff;
	v17 =	vmov v33  }
.Ltmp16:
0x37a: {  	v36 =	vmovc v22;
	v25 =	vld.idx.msk [tilespmem:v19+s15+$0x0], $0xffff;
	v30 =	vand.u32 $0x7FFFFFFF, v31;
	v28 =	vsub.f32 v28, v32;
	v19 =	vmovc v18;
	v18 =	vor.u32 s0, v0;
	(pc) =	sbr.rel @p0 .LBB2_34-.Ltmp16, $4  }
0x37b: {  	v31 =	vmov s0;
	v32 =	vadd.s32 s0, v16;
	v37 =	vmovc v26;
	v23 =	vld.idx.msk [tilespmem:v27+s14+$0x0], $0xffff;
	v21 =	vadd.f32 v30, v21;
	v27 =	vmovc v18  }
0x37c: {  	v38 =	vmul.f32 v24, v36;
	v22 =	vld.idx.msk [tilespmem:v33+s14+$0x0], $0xffff;
	v33 =	vmul.f32 v37, v35;
	v28 =	vand.u32 $0x7FFFFFFF, v28  }
0x37d: {  	v30 =	vand.u32 $0x58, v32;
	v32 =	vand.u32 $0x7, v31;
	v26 =	vld.idx.msk [tilespmem:v34+s17+$0x0], $0xffff;
	v21 =	vadd.f32 v21, v28  }
0x37e: {  	s0 =	sadd.s32 $0x1, s0;
	v28 =	vmul.f32 v24, v35;
	v31 =	vsub.f32 v33, v38;
	v24 =	vld.idx.msk [tilespmem:v29+s17+$0x0], $0xffff;
	v29 =	vmul.f32 v37, v36  }
0x37f: {  	_ = 	snop  }
0x380: {  	v16 =	vor.u32 s31, v1;
	v30 =	vor.u32 v32, v30  }
0x381: {  	v32 =	vor.u32 v0, v30  }
0x382: {  	v30 =	vor.u32 v1, v30  }
0x383: {  	v19 =	vld.idx.msk [tilespmem:v19+s15+$0x0], $0xffff  }
0x384: {  	v27 =	vld.idx.msk [tilespmem:v27+s14+$0x0], $0xffff  }
0x385: {  	v33 =	vld.idx.msk [tilespmem:v16+s14+$0x0], $0xffff  }
0x386: {  	v25 =	vsub.f32 v31, v25;
	v31 =	vld.idx.msk [tilespmem:v32+s17+$0x0], $0xffff  }
0x387: {  	v61 =	vmul.f32 v26, v23;
	v34 =	vmul.f32 v24, v22;
	v30 =	vld.idx.msk [tilespmem:v30+s17+$0x0], $0xffff  }
0x388: {  	v17 =	vld.idx.msk [tilespmem:v17+s15+$0x0], $0xffff;
	v28 =	vadd.f32 v28, v29;
	v25 =	vand.u32 $0x7FFFFFFF, v25  }
0x389: {  	v23 =	vmul.f32 v24, v23;
	v22 =	vmul.f32 v26, v22;
	v29 =	vsub.f32 v61, v34  }
0x38a: {  	v20 =	vsub.f32 v28, v20;
	v21 =	vadd.f32 v25, v21  }
0x38b: {  	v18 =	vld.idx.msk [tilespmem:v18+s15+$0x0], $0xffff;
	v22 =	vadd.f32 v23, v22;
	v19 =	vsub.f32 v29, v19  }
0x38c: {  	v20 =	vand.u32 $0x7FFFFFFF, v20;
	v23 =	vmul.f32 v31, v27;
	v24 =	vmul.f32 v30, v33  }
0x38d: {  	v16 =	vld.idx.msk [tilespmem:v16+s15+$0x0], $0xffff;
	v20 =	vadd.f32 v21, v20;
	v17 =	vsub.f32 v22, v17;
	v19 =	vand.u32 $0x7FFFFFFF, v19  }
0x38e: {  	v22 =	vmul.f32 v30, v27;
	v21 =	vsub.f32 v23, v24;
	v23 =	vmul.f32 v31, v33  }
0x38f: {  	v19 =	vadd.f32 v19, v20;
	v20 =	vld [tilespmem:$0x510]  }
0x390: {  	v17 =	vand.u32 $0x7FFFFFFF, v17;
	v18 =	vsub.f32 v21, v18;
	v21 =	vadd.f32 v22, v23  }
0x391: {  	v17 =	vadd.f32 v19, v17  }
0x392: {  	v18 =	vand.u32 $0x7FFFFFFF, v18;
	v16 =	vsub.f32 v21, v16  }
0x393: {  	v17 =	vadd.f32 v18, v17  }
0x394: {  	s0 =	simm.s32 $0x0;
	v18 =	vand.u32 $0x7FFFFFFF, v16;
	v16 =	vshll.u32 v20, $0x6  }
0x395: {  	v17 =	vadd.f32 v17, v18;
	v18 =	vmov s0;
	v19 =	vadd.s32 s0, v16  }
0x396: {  	v21 =	vor.u32 s0, v2;
	v19 =	vand.u32 $0x58, v19;
	v18 =	vand.u32 $0x7, v18  }
0x397: {  	v20 =	vor.u32 s0, v3;
	v18 =	vor.u32 v18, v19  }
0x398: {  	v17 =	vsub.f32 $0.0e+00, v17;
	v22 =	vor.u32 v2, v18  }
0x399: {  	v18 =	vor.u32 v3, v18  }
0x39a: {  	[tilespmem:$0xC900] =	vst v17  }
0x39b: {  	s0 =	simm.s32 $0x1;
	v27 =	vld.idx.msk [tilespmem:v21+s14+$0x0], $0xffff  }
0x39c: {  	v23 =	vadd.s32 s0, v16;
	v17 =	vmov s0;
	v29 =	vld.idx.msk [tilespmem:v20+s14+$0x0], $0xffff  }
0x39d: {  	v19 =	vor.u32 s0, v2;
	v23 =	vand.u32 $0x58, v23;
	v24 =	vand.u32 $0x7, v17;
	v62 =	vld.idx.msk [tilespmem:v22+s17+$0x0], $0xffff  }
0x39e: {  	v17 =	vor.u32 s0, v3;
	v28 =	vld.idx.msk [tilespmem:v18+s17+$0x0], $0xffff;
	v18 =	vor.u32 v24, v23  }
0x39f: {  	v24 =	vor.u32 v2, v18  }
0x3a0: {  	s31 =	simm.s32 $0x2;
	v20 =	vld.idx.msk [tilespmem:v20+s15+$0x0], $0xffff;
	v31 =	vor.u32 v3, v18  }
0x3a1: {  	v26 =	vmov s31;
	v25 =	vld.idx.msk [tilespmem:v21+s15+$0x0], $0xffff  }
0x3a2: {  	v32 =	vand.u32 $0x7, v26;
	v23 =	vld.idx.msk [tilespmem:v19+s14+$0x0], $0xffff  }
0x3a3: {  	v30 =	vadd.s32 s31, v16;
	v22 =	vld.idx.msk [tilespmem:v17+s14+$0x0], $0xffff;
	v63 =	vmul.f32 v62, v27;
	v35 =	vmul.f32 v28, v29  }
0x3a4: {  	v30 =	vand.u32 $0x58, v30;
	v18 =	vor.u32 s31, v2;
	v28 =	vmul.f32 v28, v27;
	v26 =	vld.idx.msk [tilespmem:v24+s17+$0x0], $0xffff  }
0x3a5: {  	v21 =	vimm.f32 $0.0e+00;
	s0 =	simm.s32 $0x3;
	v29 =	vmul.f32 v62, v29;
	v27 =	vmovc v18;
	v24 =	vld.idx.msk [tilespmem:v31+s17+$0x0], $0xffff;
	v31 =	vsub.f32 v63, v35  }
.LBB2_36:
0x3a6: {  	p0 =	sne.s32 s0, $0x1F;
	v33 =	vor.u32 s31, v3;
	v30 =	vor.u32 v32, v30;
	v32 =	vmov v20;
	s31 =	smov.u32 s0  }
0x3a7: {  	v34 =	vor.u32 v2, v30;
	v31 =	vsub.f32 v31, v25;
	v28 =	vadd.f32 v28, v29  }
0x3a8: {  	v29 =	vor.u32 v3, v30;
	v35 =	vmov v23;
	v20 =	vld.idx.msk [tilespmem:v17+s15+$0x0], $0xffff;
	v17 =	vmov v33  }
.Ltmp17:
0x3a9: {  	v36 =	vmovc v22;
	v25 =	vld.idx.msk [tilespmem:v19+s15+$0x0], $0xffff;
	v30 =	vand.u32 $0x7FFFFFFF, v31;
	v28 =	vsub.f32 v28, v32;
	v19 =	vmovc v18;
	v18 =	vor.u32 s0, v2;
	(pc) =	sbr.rel @p0 .LBB2_36-.Ltmp17, $4  }
0x3aa: {  	v31 =	vmov s0;
	v32 =	vadd.s32 s0, v16;
	v37 =	vmovc v26;
	v23 =	vld.idx.msk [tilespmem:v27+s14+$0x0], $0xffff;
	v21 =	vadd.f32 v30, v21;
	v27 =	vmovc v18  }
0x3ab: {  	v38 =	vmul.f32 v24, v36;
	v22 =	vld.idx.msk [tilespmem:v33+s14+$0x0], $0xffff;
	v33 =	vmul.f32 v37, v35;
	v28 =	vand.u32 $0x7FFFFFFF, v28  }
0x3ac: {  	v30 =	vand.u32 $0x58, v32;
	v32 =	vand.u32 $0x7, v31;
	v26 =	vld.idx.msk [tilespmem:v34+s17+$0x0], $0xffff;
	v21 =	vadd.f32 v21, v28  }
0x3ad: {  	s0 =	sadd.s32 $0x1, s0;
	v28 =	vmul.f32 v24, v35;
	v31 =	vsub.f32 v33, v38;
	v24 =	vld.idx.msk [tilespmem:v29+s17+$0x0], $0xffff;
	v29 =	vmul.f32 v37, v36  }
0x3ae: {  	_ = 	snop  }
0x3af: {  	v16 =	vor.u32 s31, v3;
	v30 =	vor.u32 v32, v30  }
0x3b0: {  	v32 =	vor.u32 v2, v30  }
0x3b1: {  	v30 =	vor.u32 v3, v30  }
0x3b2: {  	v19 =	vld.idx.msk [tilespmem:v19+s15+$0x0], $0xffff  }
0x3b3: {  	v27 =	vld.idx.msk [tilespmem:v27+s14+$0x0], $0xffff  }
0x3b4: {  	v33 =	vld.idx.msk [tilespmem:v16+s14+$0x0], $0xffff  }
0x3b5: {  	v25 =	vsub.f32 v31, v25;
	v31 =	vld.idx.msk [tilespmem:v32+s17+$0x0], $0xffff  }
0x3b6: {  	v61 =	vmul.f32 v26, v23;
	v34 =	vmul.f32 v24, v22;
	v30 =	vld.idx.msk [tilespmem:v30+s17+$0x0], $0xffff  }
0x3b7: {  	v17 =	vld.idx.msk [tilespmem:v17+s15+$0x0], $0xffff;
	v28 =	vadd.f32 v28, v29;
	v25 =	vand.u32 $0x7FFFFFFF, v25  }
0x3b8: {  	v23 =	vmul.f32 v24, v23;
	v22 =	vmul.f32 v26, v22;
	v29 =	vsub.f32 v61, v34  }
0x3b9: {  	v20 =	vsub.f32 v28, v20;
	v21 =	vadd.f32 v25, v21  }
0x3ba: {  	v18 =	vld.idx.msk [tilespmem:v18+s15+$0x0], $0xffff;
	v22 =	vadd.f32 v23, v22;
	v19 =	vsub.f32 v29, v19  }
0x3bb: {  	v20 =	vand.u32 $0x7FFFFFFF, v20;
	v23 =	vmul.f32 v31, v27;
	v24 =	vmul.f32 v30, v33  }
0x3bc: {  	v16 =	vld.idx.msk [tilespmem:v16+s15+$0x0], $0xffff;
	v20 =	vadd.f32 v21, v20;
	v17 =	vsub.f32 v22, v17;
	v19 =	vand.u32 $0x7FFFFFFF, v19  }
0x3bd: {  	v22 =	vmul.f32 v30, v27;
	v21 =	vsub.f32 v23, v24;
	v23 =	vmul.f32 v31, v33  }
0x3be: {  	v19 =	vadd.f32 v19, v20;
	v20 =	vld [tilespmem:$0x520]  }
0x3bf: {  	v17 =	vand.u32 $0x7FFFFFFF, v17;
	v18 =	vsub.f32 v21, v18;
	v21 =	vadd.f32 v22, v23  }
0x3c0: {  	v17 =	vadd.f32 v19, v17  }
0x3c1: {  	v18 =	vand.u32 $0x7FFFFFFF, v18;
	v16 =	vsub.f32 v21, v16  }
0x3c2: {  	v17 =	vadd.f32 v18, v17  }
0x3c3: {  	s0 =	simm.s32 $0x0;
	v18 =	vand.u32 $0x7FFFFFFF, v16;
	v16 =	vshll.u32 v20, $0x6  }
0x3c4: {  	v17 =	vadd.f32 v17, v18;
	v18 =	vmov s0;
	v19 =	vadd.s32 s0, v16  }
0x3c5: {  	v21 =	vor.u32 s0, v4;
	v19 =	vand.u32 $0x58, v19;
	v18 =	vand.u32 $0x7, v18  }
0x3c6: {  	v20 =	vor.u32 s0, v5;
	v18 =	vor.u32 v18, v19  }
0x3c7: {  	v17 =	vsub.f32 $0.0e+00, v17;
	v22 =	vor.u32 v4, v18  }
0x3c8: {  	v18 =	vor.u32 v5, v18  }
0x3c9: {  	[tilespmem:$0xC910] =	vst v17  }
0x3ca: {  	s0 =	simm.s32 $0x1;
	v27 =	vld.idx.msk [tilespmem:v21+s14+$0x0], $0xffff  }
0x3cb: {  	v23 =	vadd.s32 s0, v16;
	v17 =	vmov s0;
	v29 =	vld.idx.msk [tilespmem:v20+s14+$0x0], $0xffff  }
0x3cc: {  	v19 =	vor.u32 s0, v4;
	v23 =	vand.u32 $0x58, v23;
	v24 =	vand.u32 $0x7, v17;
	v62 =	vld.idx.msk [tilespmem:v22+s17+$0x0], $0xffff  }
0x3cd: {  	v17 =	vor.u32 s0, v5;
	v28 =	vld.idx.msk [tilespmem:v18+s17+$0x0], $0xffff;
	v18 =	vor.u32 v24, v23  }
0x3ce: {  	v24 =	vor.u32 v4, v18  }
0x3cf: {  	s31 =	simm.s32 $0x2;
	v20 =	vld.idx.msk [tilespmem:v20+s15+$0x0], $0xffff;
	v31 =	vor.u32 v5, v18  }
0x3d0: {  	v26 =	vmov s31;
	v25 =	vld.idx.msk [tilespmem:v21+s15+$0x0], $0xffff  }
0x3d1: {  	v32 =	vand.u32 $0x7, v26;
	v23 =	vld.idx.msk [tilespmem:v19+s14+$0x0], $0xffff  }
0x3d2: {  	v30 =	vadd.s32 s31, v16;
	v22 =	vld.idx.msk [tilespmem:v17+s14+$0x0], $0xffff;
	v63 =	vmul.f32 v62, v27;
	v35 =	vmul.f32 v28, v29  }
0x3d3: {  	v30 =	vand.u32 $0x58, v30;
	v18 =	vor.u32 s31, v4;
	v28 =	vmul.f32 v28, v27;
	v26 =	vld.idx.msk [tilespmem:v24+s17+$0x0], $0xffff  }
0x3d4: {  	v21 =	vimm.f32 $0.0e+00;
	s0 =	simm.s32 $0x3;
	v29 =	vmul.f32 v62, v29;
	v27 =	vmovc v18;
	v24 =	vld.idx.msk [tilespmem:v31+s17+$0x0], $0xffff;
	v31 =	vsub.f32 v63, v35  }
.LBB2_38:
0x3d5: {  	p0 =	sne.s32 s0, $0x1F;
	v33 =	vor.u32 s31, v5;
	v30 =	vor.u32 v32, v30;
	v32 =	vmov v20;
	s31 =	smov.u32 s0  }
0x3d6: {  	v34 =	vor.u32 v4, v30;
	v31 =	vsub.f32 v31, v25;
	v28 =	vadd.f32 v28, v29  }
0x3d7: {  	v29 =	vor.u32 v5, v30;
	v35 =	vmov v23;
	v20 =	vld.idx.msk [tilespmem:v17+s15+$0x0], $0xffff;
	v17 =	vmov v33  }
.Ltmp18:
0x3d8: {  	v36 =	vmovc v22;
	v25 =	vld.idx.msk [tilespmem:v19+s15+$0x0], $0xffff;
	v30 =	vand.u32 $0x7FFFFFFF, v31;
	v28 =	vsub.f32 v28, v32;
	v19 =	vmovc v18;
	v18 =	vor.u32 s0, v4;
	(pc) =	sbr.rel @p0 .LBB2_38-.Ltmp18, $4  }
0x3d9: {  	v31 =	vmov s0;
	v32 =	vadd.s32 s0, v16;
	v37 =	vmovc v26;
	v23 =	vld.idx.msk [tilespmem:v27+s14+$0x0], $0xffff;
	v21 =	vadd.f32 v30, v21;
	v27 =	vmovc v18  }
0x3da: {  	v38 =	vmul.f32 v24, v36;
	v22 =	vld.idx.msk [tilespmem:v33+s14+$0x0], $0xffff;
	v33 =	vmul.f32 v37, v35;
	v28 =	vand.u32 $0x7FFFFFFF, v28  }
0x3db: {  	v30 =	vand.u32 $0x58, v32;
	v32 =	vand.u32 $0x7, v31;
	v26 =	vld.idx.msk [tilespmem:v34+s17+$0x0], $0xffff;
	v21 =	vadd.f32 v21, v28  }
0x3dc: {  	s0 =	sadd.s32 $0x1, s0;
	v28 =	vmul.f32 v24, v35;
	v31 =	vsub.f32 v33, v38;
	v24 =	vld.idx.msk [tilespmem:v29+s17+$0x0], $0xffff;
	v29 =	vmul.f32 v37, v36  }
0x3dd: {  	_ = 	snop  }
0x3de: {  	v16 =	vor.u32 s31, v5;
	v30 =	vor.u32 v32, v30  }
0x3df: {  	v32 =	vor.u32 v4, v30  }
0x3e0: {  	v30 =	vor.u32 v5, v30  }
0x3e1: {  	v19 =	vld.idx.msk [tilespmem:v19+s15+$0x0], $0xffff  }
0x3e2: {  	v27 =	vld.idx.msk [tilespmem:v27+s14+$0x0], $0xffff  }
0x3e3: {  	v33 =	vld.idx.msk [tilespmem:v16+s14+$0x0], $0xffff  }
0x3e4: {  	v25 =	vsub.f32 v31, v25;
	v31 =	vld.idx.msk [tilespmem:v32+s17+$0x0], $0xffff  }
0x3e5: {  	v61 =	vmul.f32 v26, v23;
	v34 =	vmul.f32 v24, v22;
	v30 =	vld.idx.msk [tilespmem:v30+s17+$0x0], $0xffff  }
0x3e6: {  	v17 =	vld.idx.msk [tilespmem:v17+s15+$0x0], $0xffff;
	v28 =	vadd.f32 v28, v29;
	v25 =	vand.u32 $0x7FFFFFFF, v25  }
0x3e7: {  	v23 =	vmul.f32 v24, v23;
	v22 =	vmul.f32 v26, v22;
	v29 =	vsub.f32 v61, v34  }
0x3e8: {  	v20 =	vsub.f32 v28, v20;
	v21 =	vadd.f32 v25, v21  }
0x3e9: {  	v18 =	vld.idx.msk [tilespmem:v18+s15+$0x0], $0xffff;
	v22 =	vadd.f32 v23, v22;
	v19 =	vsub.f32 v29, v19  }
0x3ea: {  	v20 =	vand.u32 $0x7FFFFFFF, v20;
	v23 =	vmul.f32 v31, v27;
	v24 =	vmul.f32 v30, v33  }
0x3eb: {  	v16 =	vld.idx.msk [tilespmem:v16+s15+$0x0], $0xffff;
	v20 =	vadd.f32 v21, v20;
	v17 =	vsub.f32 v22, v17;
	v19 =	vand.u32 $0x7FFFFFFF, v19  }
0x3ec: {  	v22 =	vmul.f32 v30, v27;
	v21 =	vsub.f32 v23, v24;
	v23 =	vmul.f32 v31, v33  }
0x3ed: {  	v19 =	vadd.f32 v19, v20;
	v20 =	vld [tilespmem:$0x530]  }
0x3ee: {  	v17 =	vand.u32 $0x7FFFFFFF, v17;
	v18 =	vsub.f32 v21, v18;
	v21 =	vadd.f32 v22, v23  }
0x3ef: {  	v17 =	vadd.f32 v19, v17  }
0x3f0: {  	v18 =	vand.u32 $0x7FFFFFFF, v18;
	v16 =	vsub.f32 v21, v16  }
0x3f1: {  	v17 =	vadd.f32 v18, v17  }
0x3f2: {  	s0 =	simm.s32 $0x0;
	v18 =	vand.u32 $0x7FFFFFFF, v16;
	v16 =	vshll.u32 v20, $0x6  }
0x3f3: {  	v17 =	vadd.f32 v17, v18;
	v18 =	vmov s0;
	v19 =	vadd.s32 s0, v16  }
0x3f4: {  	v21 =	vor.u32 s0, v6;
	v19 =	vand.u32 $0x58, v19;
	v18 =	vand.u32 $0x7, v18  }
0x3f5: {  	v20 =	vor.u32 s0, v7;
	v18 =	vor.u32 v18, v19  }
0x3f6: {  	v17 =	vsub.f32 $0.0e+00, v17;
	v22 =	vor.u32 v6, v18  }
0x3f7: {  	v18 =	vor.u32 v7, v18  }
0x3f8: {  	[tilespmem:$0xC920] =	vst v17  }
0x3f9: {  	s0 =	simm.s32 $0x1;
	v27 =	vld.idx.msk [tilespmem:v21+s14+$0x0], $0xffff  }
0x3fa: {  	v23 =	vadd.s32 s0, v16;
	v17 =	vmov s0;
	v29 =	vld.idx.msk [tilespmem:v20+s14+$0x0], $0xffff  }
0x3fb: {  	v19 =	vor.u32 s0, v6;
	v23 =	vand.u32 $0x58, v23;
	v24 =	vand.u32 $0x7, v17;
	v62 =	vld.idx.msk [tilespmem:v22+s17+$0x0], $0xffff  }
0x3fc: {  	v17 =	vor.u32 s0, v7;
	v28 =	vld.idx.msk [tilespmem:v18+s17+$0x0], $0xffff;
	v18 =	vor.u32 v24, v23  }
0x3fd: {  	v24 =	vor.u32 v6, v18  }
0x3fe: {  	s31 =	simm.s32 $0x2;
	v20 =	vld.idx.msk [tilespmem:v20+s15+$0x0], $0xffff;
	v31 =	vor.u32 v7, v18  }
0x3ff: {  	v26 =	vmov s31;
	v25 =	vld.idx.msk [tilespmem:v21+s15+$0x0], $0xffff  }
0x400: {  	v32 =	vand.u32 $0x7, v26;
	v23 =	vld.idx.msk [tilespmem:v19+s14+$0x0], $0xffff  }
0x401: {  	v30 =	vadd.s32 s31, v16;
	v22 =	vld.idx.msk [tilespmem:v17+s14+$0x0], $0xffff;
	v63 =	vmul.f32 v62, v27;
	v35 =	vmul.f32 v28, v29  }
0x402: {  	v30 =	vand.u32 $0x58, v30;
	v18 =	vor.u32 s31, v6;
	v28 =	vmul.f32 v28, v27;
	v26 =	vld.idx.msk [tilespmem:v24+s17+$0x0], $0xffff  }
0x403: {  	v21 =	vimm.f32 $0.0e+00;
	s0 =	simm.s32 $0x3;
	v29 =	vmul.f32 v62, v29;
	v27 =	vmovc v18;
	v24 =	vld.idx.msk [tilespmem:v31+s17+$0x0], $0xffff;
	v31 =	vsub.f32 v63, v35  }
.LBB2_40:
0x404: {  	p0 =	sne.s32 s0, $0x1F;
	v33 =	vor.u32 s31, v7;
	v30 =	vor.u32 v32, v30;
	v32 =	vmov v20;
	s31 =	smov.u32 s0  }
0x405: {  	v34 =	vor.u32 v6, v30;
	v31 =	vsub.f32 v31, v25;
	v28 =	vadd.f32 v28, v29  }
0x406: {  	v29 =	vor.u32 v7, v30;
	v35 =	vmov v23;
	v20 =	vld.idx.msk [tilespmem:v17+s15+$0x0], $0xffff;
	v17 =	vmov v33  }
.Ltmp19:
0x407: {  	v36 =	vmovc v22;
	v25 =	vld.idx.msk [tilespmem:v19+s15+$0x0], $0xffff;
	v30 =	vand.u32 $0x7FFFFFFF, v31;
	v28 =	vsub.f32 v28, v32;
	v19 =	vmovc v18;
	v18 =	vor.u32 s0, v6;
	(pc) =	sbr.rel @p0 .LBB2_40-.Ltmp19, $4  }
0x408: {  	v31 =	vmov s0;
	v32 =	vadd.s32 s0, v16;
	v37 =	vmovc v26;
	v23 =	vld.idx.msk [tilespmem:v27+s14+$0x0], $0xffff;
	v21 =	vadd.f32 v30, v21;
	v27 =	vmovc v18  }
0x409: {  	v38 =	vmul.f32 v24, v36;
	v22 =	vld.idx.msk [tilespmem:v33+s14+$0x0], $0xffff;
	v33 =	vmul.f32 v37, v35;
	v28 =	vand.u32 $0x7FFFFFFF, v28  }
0x40a: {  	v30 =	vand.u32 $0x58, v32;
	v32 =	vand.u32 $0x7, v31;
	v26 =	vld.idx.msk [tilespmem:v34+s17+$0x0], $0xffff;
	v21 =	vadd.f32 v21, v28  }
0x40b: {  	s0 =	sadd.s32 $0x1, s0;
	v28 =	vmul.f32 v24, v35;
	v31 =	vsub.f32 v33, v38;
	v24 =	vld.idx.msk [tilespmem:v29+s17+$0x0], $0xffff;
	v29 =	vmul.f32 v37, v36  }
0x40c: {  	_ = 	snop  }
0x40d: {  	v16 =	vor.u32 s31, v7;
	v30 =	vor.u32 v32, v30  }
0x40e: {  	v32 =	vor.u32 v6, v30  }
0x40f: {  	v30 =	vor.u32 v7, v30  }
0x410: {  	v19 =	vld.idx.msk [tilespmem:v19+s15+$0x0], $0xffff  }
0x411: {  	v27 =	vld.idx.msk [tilespmem:v27+s14+$0x0], $0xffff  }
0x412: {  	v33 =	vld.idx.msk [tilespmem:v16+s14+$0x0], $0xffff  }
0x413: {  	v25 =	vsub.f32 v31, v25;
	v31 =	vld.idx.msk [tilespmem:v32+s17+$0x0], $0xffff  }
0x414: {  	v61 =	vmul.f32 v26, v23;
	v34 =	vmul.f32 v24, v22;
	v30 =	vld.idx.msk [tilespmem:v30+s17+$0x0], $0xffff  }
0x415: {  	v17 =	vld.idx.msk [tilespmem:v17+s15+$0x0], $0xffff;
	v28 =	vadd.f32 v28, v29;
	v25 =	vand.u32 $0x7FFFFFFF, v25  }
0x416: {  	v23 =	vmul.f32 v24, v23;
	v22 =	vmul.f32 v26, v22;
	v29 =	vsub.f32 v61, v34  }
0x417: {  	v20 =	vsub.f32 v28, v20;
	v21 =	vadd.f32 v25, v21  }
0x418: {  	v18 =	vld.idx.msk [tilespmem:v18+s15+$0x0], $0xffff;
	v22 =	vadd.f32 v23, v22;
	v19 =	vsub.f32 v29, v19  }
0x419: {  	v20 =	vand.u32 $0x7FFFFFFF, v20;
	v23 =	vmul.f32 v31, v27;
	v24 =	vmul.f32 v30, v33  }
0x41a: {  	v16 =	vld.idx.msk [tilespmem:v16+s15+$0x0], $0xffff;
	v20 =	vadd.f32 v21, v20;
	v17 =	vsub.f32 v22, v17;
	v19 =	vand.u32 $0x7FFFFFFF, v19  }
0x41b: {  	v22 =	vmul.f32 v30, v27;
	v21 =	vsub.f32 v23, v24;
	v23 =	vmul.f32 v31, v33  }
0x41c: {  	v19 =	vadd.f32 v19, v20;
	v20 =	vld [tilespmem:$0x540]  }
0x41d: {  	v17 =	vand.u32 $0x7FFFFFFF, v17;
	v18 =	vsub.f32 v21, v18;
	v21 =	vadd.f32 v22, v23  }
0x41e: {  	v17 =	vadd.f32 v19, v17  }
0x41f: {  	v18 =	vand.u32 $0x7FFFFFFF, v18;
	v16 =	vsub.f32 v21, v16  }
0x420: {  	v17 =	vadd.f32 v18, v17  }
0x421: {  	s0 =	simm.s32 $0x0;
	v18 =	vand.u32 $0x7FFFFFFF, v16;
	v16 =	vshll.u32 v20, $0x6  }
0x422: {  	v17 =	vadd.f32 v17, v18;
	v18 =	vmov s0;
	v19 =	vadd.s32 s0, v16  }
0x423: {  	v21 =	vor.u32 s0, v8;
	v19 =	vand.u32 $0x58, v19;
	v18 =	vand.u32 $0x7, v18  }
0x424: {  	v20 =	vor.u32 s0, v9;
	v18 =	vor.u32 v18, v19  }
0x425: {  	v17 =	vsub.f32 $0.0e+00, v17;
	v22 =	vor.u32 v8, v18  }
0x426: {  	v18 =	vor.u32 v9, v18  }
0x427: {  	[tilespmem:$0xC930] =	vst v17  }
0x428: {  	s0 =	simm.s32 $0x1;
	v27 =	vld.idx.msk [tilespmem:v21+s14+$0x0], $0xffff  }
0x429: {  	v23 =	vadd.s32 s0, v16;
	v17 =	vmov s0;
	v29 =	vld.idx.msk [tilespmem:v20+s14+$0x0], $0xffff  }
0x42a: {  	v19 =	vor.u32 s0, v8;
	v23 =	vand.u32 $0x58, v23;
	v24 =	vand.u32 $0x7, v17;
	v62 =	vld.idx.msk [tilespmem:v22+s17+$0x0], $0xffff  }
0x42b: {  	v17 =	vor.u32 s0, v9;
	v28 =	vld.idx.msk [tilespmem:v18+s17+$0x0], $0xffff;
	v18 =	vor.u32 v24, v23  }
0x42c: {  	v24 =	vor.u32 v8, v18  }
0x42d: {  	s31 =	simm.s32 $0x2;
	v20 =	vld.idx.msk [tilespmem:v20+s15+$0x0], $0xffff;
	v31 =	vor.u32 v9, v18  }
0x42e: {  	v26 =	vmov s31;
	v25 =	vld.idx.msk [tilespmem:v21+s15+$0x0], $0xffff  }
0x42f: {  	v32 =	vand.u32 $0x7, v26;
	v23 =	vld.idx.msk [tilespmem:v19+s14+$0x0], $0xffff  }
0x430: {  	v30 =	vadd.s32 s31, v16;
	v22 =	vld.idx.msk [tilespmem:v17+s14+$0x0], $0xffff;
	v63 =	vmul.f32 v62, v27;
	v35 =	vmul.f32 v28, v29  }
0x431: {  	v30 =	vand.u32 $0x58, v30;
	v18 =	vor.u32 s31, v8;
	v28 =	vmul.f32 v28, v27;
	v26 =	vld.idx.msk [tilespmem:v24+s17+$0x0], $0xffff  }
0x432: {  	v21 =	vimm.f32 $0.0e+00;
	s0 =	simm.s32 $0x3;
	v29 =	vmul.f32 v62, v29;
	v27 =	vmovc v18;
	v24 =	vld.idx.msk [tilespmem:v31+s17+$0x0], $0xffff;
	v31 =	vsub.f32 v63, v35  }
.LBB2_42:
0x433: {  	p0 =	sne.s32 s0, $0x1F;
	v33 =	vor.u32 s31, v9;
	v30 =	vor.u32 v32, v30;
	v32 =	vmov v20;
	s31 =	smov.u32 s0  }
0x434: {  	v34 =	vor.u32 v8, v30;
	v31 =	vsub.f32 v31, v25;
	v28 =	vadd.f32 v28, v29  }
0x435: {  	v29 =	vor.u32 v9, v30;
	v35 =	vmov v23;
	v20 =	vld.idx.msk [tilespmem:v17+s15+$0x0], $0xffff;
	v17 =	vmov v33  }
.Ltmp20:
0x436: {  	v36 =	vmovc v22;
	v25 =	vld.idx.msk [tilespmem:v19+s15+$0x0], $0xffff;
	v30 =	vand.u32 $0x7FFFFFFF, v31;
	v28 =	vsub.f32 v28, v32;
	v19 =	vmovc v18;
	v18 =	vor.u32 s0, v8;
	(pc) =	sbr.rel @p0 .LBB2_42-.Ltmp20, $4  }
0x437: {  	v31 =	vmov s0;
	v32 =	vadd.s32 s0, v16;
	v37 =	vmovc v26;
	v23 =	vld.idx.msk [tilespmem:v27+s14+$0x0], $0xffff;
	v21 =	vadd.f32 v30, v21;
	v27 =	vmovc v18  }
0x438: {  	v38 =	vmul.f32 v24, v36;
	v22 =	vld.idx.msk [tilespmem:v33+s14+$0x0], $0xffff;
	v33 =	vmul.f32 v37, v35;
	v28 =	vand.u32 $0x7FFFFFFF, v28  }
0x439: {  	v30 =	vand.u32 $0x58, v32;
	v32 =	vand.u32 $0x7, v31;
	v26 =	vld.idx.msk [tilespmem:v34+s17+$0x0], $0xffff;
	v21 =	vadd.f32 v21, v28  }
0x43a: {  	s0 =	sadd.s32 $0x1, s0;
	v28 =	vmul.f32 v24, v35;
	v31 =	vsub.f32 v33, v38;
	v24 =	vld.idx.msk [tilespmem:v29+s17+$0x0], $0xffff;
	v29 =	vmul.f32 v37, v36  }
0x43b: {  	_ = 	snop  }
0x43c: {  	v16 =	vor.u32 s31, v9;
	v30 =	vor.u32 v32, v30  }
0x43d: {  	v32 =	vor.u32 v8, v30  }
0x43e: {  	v30 =	vor.u32 v9, v30  }
0x43f: {  	v19 =	vld.idx.msk [tilespmem:v19+s15+$0x0], $0xffff  }
0x440: {  	v27 =	vld.idx.msk [tilespmem:v27+s14+$0x0], $0xffff  }
0x441: {  	v33 =	vld.idx.msk [tilespmem:v16+s14+$0x0], $0xffff  }
0x442: {  	v25 =	vsub.f32 v31, v25;
	v31 =	vld.idx.msk [tilespmem:v32+s17+$0x0], $0xffff  }
0x443: {  	v61 =	vmul.f32 v26, v23;
	v34 =	vmul.f32 v24, v22;
	v30 =	vld.idx.msk [tilespmem:v30+s17+$0x0], $0xffff  }
0x444: {  	v17 =	vld.idx.msk [tilespmem:v17+s15+$0x0], $0xffff;
	v28 =	vadd.f32 v28, v29;
	v25 =	vand.u32 $0x7FFFFFFF, v25  }
0x445: {  	v23 =	vmul.f32 v24, v23;
	v22 =	vmul.f32 v26, v22;
	v29 =	vsub.f32 v61, v34  }
0x446: {  	v20 =	vsub.f32 v28, v20;
	v21 =	vadd.f32 v25, v21  }
0x447: {  	v18 =	vld.idx.msk [tilespmem:v18+s15+$0x0], $0xffff;
	v22 =	vadd.f32 v23, v22;
	v19 =	vsub.f32 v29, v19  }
0x448: {  	v20 =	vand.u32 $0x7FFFFFFF, v20;
	v23 =	vmul.f32 v31, v27;
	v24 =	vmul.f32 v30, v33  }
0x449: {  	v16 =	vld.idx.msk [tilespmem:v16+s15+$0x0], $0xffff;
	v20 =	vadd.f32 v21, v20;
	v17 =	vsub.f32 v22, v17;
	v19 =	vand.u32 $0x7FFFFFFF, v19  }
0x44a: {  	v22 =	vmul.f32 v30, v27;
	v21 =	vsub.f32 v23, v24;
	v23 =	vmul.f32 v31, v33  }
0x44b: {  	v19 =	vadd.f32 v19, v20;
	v20 =	vld [tilespmem:$0x550]  }
0x44c: {  	v17 =	vand.u32 $0x7FFFFFFF, v17;
	v18 =	vsub.f32 v21, v18;
	v21 =	vadd.f32 v22, v23  }
0x44d: {  	v17 =	vadd.f32 v19, v17  }
0x44e: {  	v18 =	vand.u32 $0x7FFFFFFF, v18;
	v16 =	vsub.f32 v21, v16  }
0x44f: {  	v17 =	vadd.f32 v18, v17  }
0x450: {  	s0 =	simm.s32 $0x0;
	v18 =	vand.u32 $0x7FFFFFFF, v16;
	v16 =	vshll.u32 v20, $0x6  }
0x451: {  	v17 =	vadd.f32 v17, v18;
	v18 =	vmov s0;
	v19 =	vadd.s32 s0, v16  }
0x452: {  	v21 =	vor.u32 s0, v10;
	v19 =	vand.u32 $0x58, v19;
	v18 =	vand.u32 $0x7, v18  }
0x453: {  	v20 =	vor.u32 s0, v11;
	v18 =	vor.u32 v18, v19  }
0x454: {  	v17 =	vsub.f32 $0.0e+00, v17;
	v22 =	vor.u32 v10, v18  }
0x455: {  	v18 =	vor.u32 v11, v18  }
0x456: {  	[tilespmem:$0xC940] =	vst v17  }
0x457: {  	s0 =	simm.s32 $0x1;
	v27 =	vld.idx.msk [tilespmem:v21+s14+$0x0], $0xffff  }
0x458: {  	v23 =	vadd.s32 s0, v16;
	v17 =	vmov s0;
	v29 =	vld.idx.msk [tilespmem:v20+s14+$0x0], $0xffff  }
0x459: {  	v19 =	vor.u32 s0, v10;
	v23 =	vand.u32 $0x58, v23;
	v24 =	vand.u32 $0x7, v17;
	v62 =	vld.idx.msk [tilespmem:v22+s17+$0x0], $0xffff  }
0x45a: {  	v17 =	vor.u32 s0, v11;
	v28 =	vld.idx.msk [tilespmem:v18+s17+$0x0], $0xffff;
	v18 =	vor.u32 v24, v23  }
0x45b: {  	v24 =	vor.u32 v10, v18  }
0x45c: {  	s31 =	simm.s32 $0x2;
	v20 =	vld.idx.msk [tilespmem:v20+s15+$0x0], $0xffff;
	v31 =	vor.u32 v11, v18  }
0x45d: {  	v26 =	vmov s31;
	v25 =	vld.idx.msk [tilespmem:v21+s15+$0x0], $0xffff  }
0x45e: {  	v32 =	vand.u32 $0x7, v26;
	v23 =	vld.idx.msk [tilespmem:v19+s14+$0x0], $0xffff  }
0x45f: {  	v30 =	vadd.s32 s31, v16;
	v22 =	vld.idx.msk [tilespmem:v17+s14+$0x0], $0xffff;
	v63 =	vmul.f32 v62, v27;
	v35 =	vmul.f32 v28, v29  }
0x460: {  	v30 =	vand.u32 $0x58, v30;
	v18 =	vor.u32 s31, v10;
	v28 =	vmul.f32 v28, v27;
	v26 =	vld.idx.msk [tilespmem:v24+s17+$0x0], $0xffff  }
0x461: {  	v21 =	vimm.f32 $0.0e+00;
	s0 =	simm.s32 $0x3;
	v29 =	vmul.f32 v62, v29;
	v27 =	vmovc v18;
	v24 =	vld.idx.msk [tilespmem:v31+s17+$0x0], $0xffff;
	v31 =	vsub.f32 v63, v35  }
.LBB2_44:
0x462: {  	p0 =	sne.s32 s0, $0x1F;
	v33 =	vor.u32 s31, v11;
	v30 =	vor.u32 v32, v30;
	v32 =	vmov v20;
	s31 =	smov.u32 s0  }
0x463: {  	v34 =	vor.u32 v10, v30;
	v31 =	vsub.f32 v31, v25;
	v28 =	vadd.f32 v28, v29  }
0x464: {  	v29 =	vor.u32 v11, v30;
	v35 =	vmov v23;
	v20 =	vld.idx.msk [tilespmem:v17+s15+$0x0], $0xffff;
	v17 =	vmov v33  }
.Ltmp21:
0x465: {  	v36 =	vmovc v22;
	v25 =	vld.idx.msk [tilespmem:v19+s15+$0x0], $0xffff;
	v30 =	vand.u32 $0x7FFFFFFF, v31;
	v28 =	vsub.f32 v28, v32;
	v19 =	vmovc v18;
	v18 =	vor.u32 s0, v10;
	(pc) =	sbr.rel @p0 .LBB2_44-.Ltmp21, $4  }
0x466: {  	v31 =	vmov s0;
	v32 =	vadd.s32 s0, v16;
	v37 =	vmovc v26;
	v23 =	vld.idx.msk [tilespmem:v27+s14+$0x0], $0xffff;
	v21 =	vadd.f32 v30, v21;
	v27 =	vmovc v18  }
0x467: {  	v38 =	vmul.f32 v24, v36;
	v22 =	vld.idx.msk [tilespmem:v33+s14+$0x0], $0xffff;
	v33 =	vmul.f32 v37, v35;
	v28 =	vand.u32 $0x7FFFFFFF, v28  }
0x468: {  	v30 =	vand.u32 $0x58, v32;
	v32 =	vand.u32 $0x7, v31;
	v26 =	vld.idx.msk [tilespmem:v34+s17+$0x0], $0xffff;
	v21 =	vadd.f32 v21, v28  }
0x469: {  	s0 =	sadd.s32 $0x1, s0;
	v28 =	vmul.f32 v24, v35;
	v31 =	vsub.f32 v33, v38;
	v24 =	vld.idx.msk [tilespmem:v29+s17+$0x0], $0xffff;
	v29 =	vmul.f32 v37, v36  }
0x46a: {  	_ = 	snop  }
0x46b: {  	v16 =	vor.u32 s31, v11;
	v30 =	vor.u32 v32, v30  }
0x46c: {  	v32 =	vor.u32 v10, v30  }
0x46d: {  	v30 =	vor.u32 v11, v30  }
0x46e: {  	v19 =	vld.idx.msk [tilespmem:v19+s15+$0x0], $0xffff  }
0x46f: {  	v27 =	vld.idx.msk [tilespmem:v27+s14+$0x0], $0xffff  }
0x470: {  	v33 =	vld.idx.msk [tilespmem:v16+s14+$0x0], $0xffff  }
0x471: {  	v25 =	vsub.f32 v31, v25;
	v31 =	vld.idx.msk [tilespmem:v32+s17+$0x0], $0xffff  }
0x472: {  	v61 =	vmul.f32 v26, v23;
	v34 =	vmul.f32 v24, v22;
	v30 =	vld.idx.msk [tilespmem:v30+s17+$0x0], $0xffff  }
0x473: {  	v17 =	vld.idx.msk [tilespmem:v17+s15+$0x0], $0xffff;
	v28 =	vadd.f32 v28, v29;
	v25 =	vand.u32 $0x7FFFFFFF, v25  }
0x474: {  	v23 =	vmul.f32 v24, v23;
	v22 =	vmul.f32 v26, v22;
	v29 =	vsub.f32 v61, v34  }
0x475: {  	v20 =	vsub.f32 v28, v20;
	v21 =	vadd.f32 v25, v21  }
0x476: {  	v18 =	vld.idx.msk [tilespmem:v18+s15+$0x0], $0xffff;
	v22 =	vadd.f32 v23, v22;
	v19 =	vsub.f32 v29, v19  }
0x477: {  	v20 =	vand.u32 $0x7FFFFFFF, v20;
	v23 =	vmul.f32 v31, v27;
	v24 =	vmul.f32 v30, v33  }
0x478: {  	v16 =	vld.idx.msk [tilespmem:v16+s15+$0x0], $0xffff;
	v20 =	vadd.f32 v21, v20;
	v17 =	vsub.f32 v22, v17;
	v19 =	vand.u32 $0x7FFFFFFF, v19  }
0x479: {  	v22 =	vmul.f32 v30, v27;
	v21 =	vsub.f32 v23, v24;
	v23 =	vmul.f32 v31, v33  }
0x47a: {  	v19 =	vadd.f32 v19, v20;
	v20 =	vld [tilespmem:$0x560]  }
0x47b: {  	v17 =	vand.u32 $0x7FFFFFFF, v17;
	v18 =	vsub.f32 v21, v18;
	v21 =	vadd.f32 v22, v23  }
0x47c: {  	v17 =	vadd.f32 v19, v17  }
0x47d: {  	v18 =	vand.u32 $0x7FFFFFFF, v18;
	v16 =	vsub.f32 v21, v16  }
0x47e: {  	v17 =	vadd.f32 v18, v17  }
0x47f: {  	s0 =	simm.s32 $0x0;
	v18 =	vand.u32 $0x7FFFFFFF, v16;
	v16 =	vshll.u32 v20, $0x6  }
0x480: {  	v17 =	vadd.f32 v17, v18;
	v18 =	vmov s0;
	v19 =	vadd.s32 s0, v16  }
0x481: {  	v21 =	vor.u32 s0, v13;
	v19 =	vand.u32 $0x58, v19;
	v18 =	vand.u32 $0x7, v18  }
0x482: {  	v20 =	vor.u32 s0, v12;
	v18 =	vor.u32 v18, v19  }
0x483: {  	v17 =	vsub.f32 $0.0e+00, v17;
	v22 =	vor.u32 v13, v18  }
0x484: {  	v18 =	vor.u32 v12, v18  }
0x485: {  	[tilespmem:$0xC950] =	vst v17  }
0x486: {  	s0 =	simm.s32 $0x1;
	v27 =	vld.idx.msk [tilespmem:v21+s14+$0x0], $0xffff  }
0x487: {  	v23 =	vadd.s32 s0, v16;
	v17 =	vmov s0;
	v29 =	vld.idx.msk [tilespmem:v20+s14+$0x0], $0xffff  }
0x488: {  	v19 =	vor.u32 s0, v13;
	v23 =	vand.u32 $0x58, v23;
	v24 =	vand.u32 $0x7, v17;
	v62 =	vld.idx.msk [tilespmem:v22+s17+$0x0], $0xffff  }
0x489: {  	v17 =	vor.u32 s0, v12;
	v28 =	vld.idx.msk [tilespmem:v18+s17+$0x0], $0xffff;
	v18 =	vor.u32 v24, v23  }
0x48a: {  	v24 =	vor.u32 v13, v18  }
0x48b: {  	s31 =	simm.s32 $0x2;
	v20 =	vld.idx.msk [tilespmem:v20+s15+$0x0], $0xffff;
	v31 =	vor.u32 v12, v18  }
0x48c: {  	v26 =	vmov s31;
	v25 =	vld.idx.msk [tilespmem:v21+s15+$0x0], $0xffff  }
0x48d: {  	v32 =	vand.u32 $0x7, v26;
	v23 =	vld.idx.msk [tilespmem:v19+s14+$0x0], $0xffff  }
0x48e: {  	v30 =	vadd.s32 s31, v16;
	v22 =	vld.idx.msk [tilespmem:v17+s14+$0x0], $0xffff;
	v63 =	vmul.f32 v62, v27;
	v35 =	vmul.f32 v28, v29  }
0x48f: {  	v30 =	vand.u32 $0x58, v30;
	v18 =	vor.u32 s31, v13;
	v28 =	vmul.f32 v28, v27;
	v26 =	vld.idx.msk [tilespmem:v24+s17+$0x0], $0xffff  }
0x490: {  	v21 =	vimm.f32 $0.0e+00;
	s0 =	simm.s32 $0x3;
	v29 =	vmul.f32 v62, v29;
	v27 =	vmovc v18;
	v24 =	vld.idx.msk [tilespmem:v31+s17+$0x0], $0xffff;
	v31 =	vsub.f32 v63, v35  }
.LBB2_46:
0x491: {  	p0 =	sne.s32 s0, $0x1F;
	v33 =	vor.u32 s31, v12;
	v30 =	vor.u32 v32, v30;
	v32 =	vmov v20;
	s31 =	smov.u32 s0  }
0x492: {  	v34 =	vor.u32 v13, v30;
	v31 =	vsub.f32 v31, v25;
	v28 =	vadd.f32 v28, v29  }
0x493: {  	v29 =	vor.u32 v12, v30;
	v35 =	vmov v23;
	v20 =	vld.idx.msk [tilespmem:v17+s15+$0x0], $0xffff;
	v17 =	vmov v33  }
.Ltmp22:
0x494: {  	v36 =	vmovc v22;
	v25 =	vld.idx.msk [tilespmem:v19+s15+$0x0], $0xffff;
	v30 =	vand.u32 $0x7FFFFFFF, v31;
	v28 =	vsub.f32 v28, v32;
	v19 =	vmovc v18;
	v18 =	vor.u32 s0, v13;
	(pc) =	sbr.rel @p0 .LBB2_46-.Ltmp22, $4  }
0x495: {  	v31 =	vmov s0;
	v32 =	vadd.s32 s0, v16;
	v37 =	vmovc v26;
	v23 =	vld.idx.msk [tilespmem:v27+s14+$0x0], $0xffff;
	v21 =	vadd.f32 v30, v21;
	v27 =	vmovc v18  }
0x496: {  	v38 =	vmul.f32 v24, v36;
	v22 =	vld.idx.msk [tilespmem:v33+s14+$0x0], $0xffff;
	v33 =	vmul.f32 v37, v35;
	v28 =	vand.u32 $0x7FFFFFFF, v28  }
0x497: {  	v30 =	vand.u32 $0x58, v32;
	v32 =	vand.u32 $0x7, v31;
	v26 =	vld.idx.msk [tilespmem:v34+s17+$0x0], $0xffff;
	v21 =	vadd.f32 v21, v28  }
0x498: {  	s0 =	sadd.s32 $0x1, s0;
	v28 =	vmul.f32 v24, v35;
	v31 =	vsub.f32 v33, v38;
	v24 =	vld.idx.msk [tilespmem:v29+s17+$0x0], $0xffff;
	v29 =	vmul.f32 v37, v36  }
0x499: {  	_ = 	snop  }
0x49a: {  	v16 =	vor.u32 s31, v12;
	v30 =	vor.u32 v32, v30  }
0x49b: {  	v32 =	vor.u32 v13, v30  }
0x49c: {  	v30 =	vor.u32 v12, v30  }
0x49d: {  	v19 =	vld.idx.msk [tilespmem:v19+s15+$0x0], $0xffff  }
0x49e: {  	v27 =	vld.idx.msk [tilespmem:v27+s14+$0x0], $0xffff  }
0x49f: {  	v33 =	vld.idx.msk [tilespmem:v16+s14+$0x0], $0xffff  }
0x4a0: {  	v25 =	vsub.f32 v31, v25;
	v31 =	vld.idx.msk [tilespmem:v32+s17+$0x0], $0xffff  }
0x4a1: {  	v61 =	vmul.f32 v26, v23;
	v34 =	vmul.f32 v24, v22;
	v30 =	vld.idx.msk [tilespmem:v30+s17+$0x0], $0xffff  }
0x4a2: {  	v17 =	vld.idx.msk [tilespmem:v17+s15+$0x0], $0xffff;
	v28 =	vadd.f32 v28, v29;
	v25 =	vand.u32 $0x7FFFFFFF, v25  }
0x4a3: {  	v23 =	vmul.f32 v24, v23;
	v22 =	vmul.f32 v26, v22;
	v29 =	vsub.f32 v61, v34  }
0x4a4: {  	v20 =	vsub.f32 v28, v20;
	v21 =	vadd.f32 v25, v21  }
0x4a5: {  	v18 =	vld.idx.msk [tilespmem:v18+s15+$0x0], $0xffff;
	v22 =	vadd.f32 v23, v22;
	v19 =	vsub.f32 v29, v19  }
0x4a6: {  	v20 =	vand.u32 $0x7FFFFFFF, v20;
	v23 =	vmul.f32 v31, v27;
	v24 =	vmul.f32 v30, v33  }
0x4a7: {  	v16 =	vld.idx.msk [tilespmem:v16+s15+$0x0], $0xffff;
	v20 =	vadd.f32 v21, v20;
	v17 =	vsub.f32 v22, v17;
	v19 =	vand.u32 $0x7FFFFFFF, v19  }
0x4a8: {  	v22 =	vmul.f32 v30, v27;
	v21 =	vsub.f32 v23, v24;
	v23 =	vmul.f32 v31, v33  }
0x4a9: {  	v19 =	vadd.f32 v19, v20;
	v20 =	vld [tilespmem:$0x570]  }
0x4aa: {  	v17 =	vand.u32 $0x7FFFFFFF, v17;
	v18 =	vsub.f32 v21, v18;
	v21 =	vadd.f32 v22, v23  }
0x4ab: {  	v17 =	vadd.f32 v19, v17  }
0x4ac: {  	v18 =	vand.u32 $0x7FFFFFFF, v18;
	v16 =	vsub.f32 v21, v16  }
0x4ad: {  	v17 =	vadd.f32 v18, v17  }
0x4ae: {  	s0 =	simm.s32 $0x0;
	v18 =	vand.u32 $0x7FFFFFFF, v16;
	v16 =	vshll.u32 v20, $0x6  }
0x4af: {  	v17 =	vadd.f32 v17, v18;
	v18 =	vmov s0;
	v19 =	vadd.s32 s0, v16  }
0x4b0: {  	v21 =	vor.u32 s0, v15;
	v19 =	vand.u32 $0x58, v19;
	v18 =	vand.u32 $0x7, v18  }
0x4b1: {  	v20 =	vor.u32 s0, v14;
	v18 =	vor.u32 v18, v19  }
0x4b2: {  	v17 =	vsub.f32 $0.0e+00, v17;
	v22 =	vor.u32 v15, v18  }
0x4b3: {  	v18 =	vor.u32 v14, v18  }
0x4b4: {  	[tilespmem:$0xC960] =	vst v17  }
0x4b5: {  	s0 =	simm.s32 $0x1;
	v27 =	vld.idx.msk [tilespmem:v21+s14+$0x0], $0xffff  }
0x4b6: {  	v23 =	vadd.s32 s0, v16;
	v17 =	vmov s0;
	v29 =	vld.idx.msk [tilespmem:v20+s14+$0x0], $0xffff  }
0x4b7: {  	v19 =	vor.u32 s0, v15;
	v23 =	vand.u32 $0x58, v23;
	v24 =	vand.u32 $0x7, v17;
	v62 =	vld.idx.msk [tilespmem:v22+s17+$0x0], $0xffff  }
0x4b8: {  	v17 =	vor.u32 s0, v14;
	v28 =	vld.idx.msk [tilespmem:v18+s17+$0x0], $0xffff;
	v18 =	vor.u32 v24, v23  }
0x4b9: {  	v24 =	vor.u32 v15, v18  }
0x4ba: {  	s31 =	simm.s32 $0x2;
	v20 =	vld.idx.msk [tilespmem:v20+s15+$0x0], $0xffff;
	v31 =	vor.u32 v14, v18  }
0x4bb: {  	v26 =	vmov s31;
	v25 =	vld.idx.msk [tilespmem:v21+s15+$0x0], $0xffff  }
0x4bc: {  	v32 =	vand.u32 $0x7, v26;
	v23 =	vld.idx.msk [tilespmem:v19+s14+$0x0], $0xffff  }
0x4bd: {  	v30 =	vadd.s32 s31, v16;
	v22 =	vld.idx.msk [tilespmem:v17+s14+$0x0], $0xffff;
	v63 =	vmul.f32 v62, v27;
	v35 =	vmul.f32 v28, v29  }
0x4be: {  	v30 =	vand.u32 $0x58, v30;
	v18 =	vor.u32 s31, v15;
	v28 =	vmul.f32 v28, v27;
	v26 =	vld.idx.msk [tilespmem:v24+s17+$0x0], $0xffff  }
0x4bf: {  	v21 =	vimm.f32 $0.0e+00;
	s0 =	simm.s32 $0x3;
	v29 =	vmul.f32 v62, v29;
	v27 =	vmovc v18;
	v24 =	vld.idx.msk [tilespmem:v31+s17+$0x0], $0xffff;
	v31 =	vsub.f32 v63, v35  }
.LBB2_48:
0x4c0: {  	p0 =	sne.s32 s0, $0x1F;
	v33 =	vor.u32 s31, v14;
	v30 =	vor.u32 v32, v30;
	v32 =	vmov v20;
	s31 =	smov.u32 s0  }
0x4c1: {  	v34 =	vor.u32 v15, v30;
	v31 =	vsub.f32 v31, v25;
	v28 =	vadd.f32 v28, v29  }
0x4c2: {  	v29 =	vor.u32 v14, v30;
	v35 =	vmov v23;
	v20 =	vld.idx.msk [tilespmem:v17+s15+$0x0], $0xffff;
	v17 =	vmov v33  }
.Ltmp23:
0x4c3: {  	v36 =	vmovc v22;
	v25 =	vld.idx.msk [tilespmem:v19+s15+$0x0], $0xffff;
	v30 =	vand.u32 $0x7FFFFFFF, v31;
	v28 =	vsub.f32 v28, v32;
	v19 =	vmovc v18;
	v18 =	vor.u32 s0, v15;
	(pc) =	sbr.rel @p0 .LBB2_48-.Ltmp23, $4  }
0x4c4: {  	v31 =	vmov s0;
	v32 =	vadd.s32 s0, v16;
	v37 =	vmovc v26;
	v23 =	vld.idx.msk [tilespmem:v27+s14+$0x0], $0xffff;
	v21 =	vadd.f32 v30, v21;
	v27 =	vmovc v18  }
0x4c5: {  	v38 =	vmul.f32 v24, v36;
	v22 =	vld.idx.msk [tilespmem:v33+s14+$0x0], $0xffff;
	v33 =	vmul.f32 v37, v35;
	v28 =	vand.u32 $0x7FFFFFFF, v28  }
0x4c6: {  	v30 =	vand.u32 $0x58, v32;
	v32 =	vand.u32 $0x7, v31;
	v26 =	vld.idx.msk [tilespmem:v34+s17+$0x0], $0xffff;
	v21 =	vadd.f32 v21, v28  }
0x4c7: {  	s0 =	sadd.s32 $0x1, s0;
	v28 =	vmul.f32 v24, v35;
	v31 =	vsub.f32 v33, v38;
	v24 =	vld.idx.msk [tilespmem:v29+s17+$0x0], $0xffff;
	v29 =	vmul.f32 v37, v36  }
0x4c8: {  	_ = 	snop  }
0x4c9: {  	v16 =	vor.u32 s31, v14;
	v30 =	vor.u32 v32, v30  }
0x4ca: {  	v32 =	vor.u32 v15, v30  }
0x4cb: {  	v30 =	vor.u32 v14, v30  }
0x4cc: {  	v19 =	vld.idx.msk [tilespmem:v19+s15+$0x0], $0xffff  }
0x4cd: {  	v27 =	vld.idx.msk [tilespmem:v27+s14+$0x0], $0xffff  }
0x4ce: {  	v33 =	vld.idx.msk [tilespmem:v16+s14+$0x0], $0xffff  }
0x4cf: {  	v25 =	vsub.f32 v31, v25;
	v31 =	vld.idx.msk [tilespmem:v32+s17+$0x0], $0xffff  }
0x4d0: {  	v61 =	vmul.f32 v26, v23;
	v34 =	vmul.f32 v24, v22;
	v30 =	vld.idx.msk [tilespmem:v30+s17+$0x0], $0xffff  }
0x4d1: {  	v17 =	vld.idx.msk [tilespmem:v17+s15+$0x0], $0xffff;
	v28 =	vadd.f32 v28, v29;
	v25 =	vand.u32 $0x7FFFFFFF, v25  }
0x4d2: {  	v23 =	vmul.f32 v24, v23;
	v22 =	vmul.f32 v26, v22;
	v29 =	vsub.f32 v61, v34  }
0x4d3: {  	v20 =	vsub.f32 v28, v20;
	v21 =	vadd.f32 v25, v21  }
0x4d4: {  	v18 =	vld.idx.msk [tilespmem:v18+s15+$0x0], $0xffff;
	v22 =	vadd.f32 v23, v22;
	v19 =	vsub.f32 v29, v19  }
0x4d5: {  	v20 =	vand.u32 $0x7FFFFFFF, v20;
	v23 =	vmul.f32 v31, v27;
	v24 =	vmul.f32 v30, v33  }
0x4d6: {  	v16 =	vld.idx.msk [tilespmem:v16+s15+$0x0], $0xffff;
	v20 =	vadd.f32 v21, v20;
	v17 =	vsub.f32 v22, v17;
	v19 =	vand.u32 $0x7FFFFFFF, v19  }
0x4d7: {  	v22 =	vmul.f32 v30, v27;
	v21 =	vsub.f32 v23, v24;
	v23 =	vmul.f32 v31, v33  }
0x4d8: {  	v19 =	vadd.f32 v19, v20  }
0x4d9: {  	v17 =	vand.u32 $0x7FFFFFFF, v17;
	v18 =	vsub.f32 v21, v18;
	v20 =	vadd.f32 v22, v23  }
0x4da: {  	v17 =	vadd.f32 v19, v17  }
0x4db: {  	v18 =	vand.u32 $0x7FFFFFFF, v18;
	v16 =	vsub.f32 v20, v16  }
0x4dc: {  	v17 =	vadd.f32 v18, v17  }
0x4dd: {  	v16 =	vand.u32 $0x7FFFFFFF, v16  }
0x4de: {  	v16 =	vadd.f32 v17, v16;
	_ =	sdelay $0x1  }
0x4df: {  	v16 =	vsub.f32 $0.0e+00, v16;
	_ =	sdelay $0x1  }
0x4e0: {  	[tilespmem:$0xC970] =	vst v16  }
0x4e1: {  	[tilespmem:s14], [sflag:$0x1] =	stream.indirect.gather [hbm4b:s3+s13], $0x80, s25, s13, $0xb8;
	[tilespmem:$0xCA00] =	vst v63  }
0x4e2: {  	_ = 	snop  }
0x4e3: {  	[tilespmem:s15], [sflag:$0x1] =	stream.indirect.gather [hbm4b:s3+s13], $0x80, s26, s13, $0xb8;
	[tilespmem:$0xCA00] =	vst v63  }
0x4e4: {  	_ = 	snop  }
0x4e5: {  	[tilespmem:s17], [sflag:$0x2] =	stream.indirect.gather [hbm4b:s4+s13], $0x80, s28, s13, $0xb8;
	[tilespmem:$0xCA00] =	vst v63  }
0x4e6: {  	_ =	swait.ge [sflag:s18], $0x4000  }
0x4e7: {  	[sflag:s18] =	ssyncset.done $0x0  }
0x4e8: {  	[sflag:s18] =	ssyncadd.s32 $0xFFFFC000  }
0x4e9: {  	_ =	swait.ge [sflag:s18], $0x4000  }
0x4ea: {  	[sflag:s18] =	ssyncset.done $0x0  }
0x4eb: {  	[sflag:s18] =	ssyncadd.s32 $0xFFFFC000  }
0x4ec: {  	_ =	swait.ge [sflag:s19], $0x4000  }
0x4ed: {  	[sflag:s19] =	ssyncset.done $0x0  }
0x4ee: {  	[sflag:s19] =	ssyncadd.s32 $0xFFFFC000  }
0x4ef: {  	v16 =	vld [tilespmem:$0x580];
	_ =	sdelay $0x4  }
0x4f0: {  	s0 =	simm.s32 $0x0;
	v16 =	vshll.u32 v16, $0x6  }
0x4f1: {  	v17 =	vmov s0;
	v18 =	vadd.s32 s0, v16  }
0x4f2: {  	v21 =	vor.u32 s0, v0;
	v17 =	vand.u32 $0x7, v17;
	v18 =	vand.u32 $0x58, v18  }
0x4f3: {  	v20 =	vor.u32 s0, v1;
	v17 =	vor.u32 v17, v18  }
0x4f4: {  	v18 =	vor.u32 v0, v17  }
0x4f5: {  	v17 =	vor.u32 v1, v17;
	_ =	sdelay $0x1  }
0x4f6: {  	v27 =	vld.idx.msk [tilespmem:v21+s14+$0x0], $0xffff;
	s0 =	simm.s32 $0x1  }
0x4f7: {  	v29 =	vld.idx.msk [tilespmem:v20+s14+$0x0], $0xffff;
	v22 =	vmov s0;
	v23 =	vadd.s32 s0, v16  }
0x4f8: {  	v19 =	vor.u32 s0, v0;
	v23 =	vand.u32 $0x58, v23;
	v22 =	vand.u32 $0x7, v22;
	v62 =	vld.idx.msk [tilespmem:v18+s17+$0x0], $0xffff  }
0x4f9: {  	v28 =	vld.idx.msk [tilespmem:v17+s17+$0x0], $0xffff;
	v17 =	vor.u32 s0, v1;
	v18 =	vor.u32 v22, v23  }
0x4fa: {  	v24 =	vor.u32 v0, v18  }
0x4fb: {  	s31 =	simm.s32 $0x2;
	v20 =	vld.idx.msk [tilespmem:v20+s15+$0x0], $0xffff;
	v31 =	vor.u32 v1, v18  }
0x4fc: {  	v26 =	vmov s31;
	v25 =	vld.idx.msk [tilespmem:v21+s15+$0x0], $0xffff  }
0x4fd: {  	v32 =	vand.u32 $0x7, v26;
	v23 =	vld.idx.msk [tilespmem:v19+s14+$0x0], $0xffff  }
0x4fe: {  	v21 =	vimm.f32 $0.0e+00;
	v22 =	vld.idx.msk [tilespmem:v17+s14+$0x0], $0xffff;
	v63 =	vmul.f32 v62, v27;
	v35 =	vmul.f32 v28, v29  }
0x4ff: {  	v30 =	vadd.s32 s31, v16;
	v18 =	vor.u32 s31, v0;
	v28 =	vmul.f32 v28, v27;
	v26 =	vld.idx.msk [tilespmem:v24+s17+$0x0], $0xffff  }
0x500: {  	v30 =	vand.u32 $0x58, v30;
	s0 =	simm.s32 $0x3;
	v29 =	vmul.f32 v62, v29;
	v27 =	vmovc v18;
	v24 =	vld.idx.msk [tilespmem:v31+s17+$0x0], $0xffff;
	v31 =	vsub.f32 v63, v35  }
.LBB2_50:
0x501: {  	p0 =	sne.s32 s0, $0x1F;
	v33 =	vor.u32 s31, v1;
	v30 =	vor.u32 v32, v30;
	v32 =	vmov v20;
	s31 =	smov.u32 s0  }
0x502: {  	v34 =	vor.u32 v0, v30;
	v31 =	vsub.f32 v31, v25;
	v28 =	vadd.f32 v28, v29  }
0x503: {  	v29 =	vor.u32 v1, v30;
	v35 =	vmov v23;
	v20 =	vld.idx.msk [tilespmem:v17+s15+$0x0], $0xffff;
	v17 =	vmov v33  }
.Ltmp24:
0x504: {  	v36 =	vmovc v22;
	v25 =	vld.idx.msk [tilespmem:v19+s15+$0x0], $0xffff;
	v30 =	vand.u32 $0x7FFFFFFF, v31;
	v28 =	vsub.f32 v28, v32;
	v19 =	vmovc v18;
	v18 =	vor.u32 s0, v0;
	(pc) =	sbr.rel @p0 .LBB2_50-.Ltmp24, $4  }
0x505: {  	v31 =	vmov s0;
	v32 =	vadd.s32 s0, v16;
	v37 =	vmovc v26;
	v23 =	vld.idx.msk [tilespmem:v27+s14+$0x0], $0xffff;
	v21 =	vadd.f32 v30, v21;
	v27 =	vmovc v18  }
0x506: {  	v38 =	vmul.f32 v24, v36;
	v22 =	vld.idx.msk [tilespmem:v33+s14+$0x0], $0xffff;
	v33 =	vmul.f32 v37, v35;
	v28 =	vand.u32 $0x7FFFFFFF, v28  }
0x507: {  	v30 =	vand.u32 $0x58, v32;
	v32 =	vand.u32 $0x7, v31;
	v26 =	vld.idx.msk [tilespmem:v34+s17+$0x0], $0xffff;
	v21 =	vadd.f32 v21, v28  }
0x508: {  	s0 =	sadd.s32 $0x1, s0;
	v28 =	vmul.f32 v24, v35;
	v31 =	vsub.f32 v33, v38;
	v24 =	vld.idx.msk [tilespmem:v29+s17+$0x0], $0xffff;
	v29 =	vmul.f32 v37, v36  }
0x509: {  	_ = 	snop  }
0x50a: {  	v16 =	vor.u32 s31, v1;
	v30 =	vor.u32 v32, v30  }
0x50b: {  	v32 =	vor.u32 v0, v30  }
0x50c: {  	v30 =	vor.u32 v1, v30  }
0x50d: {  	v19 =	vld.idx.msk [tilespmem:v19+s15+$0x0], $0xffff  }
0x50e: {  	v27 =	vld.idx.msk [tilespmem:v27+s14+$0x0], $0xffff  }
0x50f: {  	v33 =	vld.idx.msk [tilespmem:v16+s14+$0x0], $0xffff  }
0x510: {  	v25 =	vsub.f32 v31, v25;
	v31 =	vld.idx.msk [tilespmem:v32+s17+$0x0], $0xffff  }
0x511: {  	v61 =	vmul.f32 v26, v23;
	v34 =	vmul.f32 v24, v22;
	v30 =	vld.idx.msk [tilespmem:v30+s17+$0x0], $0xffff  }
0x512: {  	v17 =	vld.idx.msk [tilespmem:v17+s15+$0x0], $0xffff;
	v28 =	vadd.f32 v28, v29;
	v25 =	vand.u32 $0x7FFFFFFF, v25  }
0x513: {  	v23 =	vmul.f32 v24, v23;
	v22 =	vmul.f32 v26, v22;
	v29 =	vsub.f32 v61, v34  }
0x514: {  	v20 =	vsub.f32 v28, v20;
	v21 =	vadd.f32 v25, v21  }
0x515: {  	v18 =	vld.idx.msk [tilespmem:v18+s15+$0x0], $0xffff;
	v22 =	vadd.f32 v23, v22;
	v19 =	vsub.f32 v29, v19  }
0x516: {  	v20 =	vand.u32 $0x7FFFFFFF, v20;
	v23 =	vmul.f32 v31, v27;
	v24 =	vmul.f32 v30, v33  }
0x517: {  	v16 =	vld.idx.msk [tilespmem:v16+s15+$0x0], $0xffff;
	v20 =	vadd.f32 v21, v20;
	v17 =	vsub.f32 v22, v17;
	v19 =	vand.u32 $0x7FFFFFFF, v19  }
0x518: {  	v22 =	vmul.f32 v30, v27;
	v21 =	vsub.f32 v23, v24;
	v23 =	vmul.f32 v31, v33  }
0x519: {  	v19 =	vadd.f32 v19, v20;
	v20 =	vld [tilespmem:$0x590]  }
0x51a: {  	v17 =	vand.u32 $0x7FFFFFFF, v17;
	v18 =	vsub.f32 v21, v18;
	v21 =	vadd.f32 v22, v23  }
0x51b: {  	v17 =	vadd.f32 v19, v17  }
0x51c: {  	v18 =	vand.u32 $0x7FFFFFFF, v18;
	v16 =	vsub.f32 v21, v16  }
0x51d: {  	v17 =	vadd.f32 v18, v17  }
0x51e: {  	s0 =	simm.s32 $0x0;
	v18 =	vand.u32 $0x7FFFFFFF, v16;
	v16 =	vshll.u32 v20, $0x6  }
0x51f: {  	v17 =	vadd.f32 v17, v18;
	v18 =	vmov s0;
	v19 =	vadd.s32 s0, v16  }
0x520: {  	v21 =	vor.u32 s0, v2;
	v19 =	vand.u32 $0x58, v19;
	v18 =	vand.u32 $0x7, v18  }
0x521: {  	v20 =	vor.u32 s0, v3;
	v18 =	vor.u32 v18, v19  }
0x522: {  	v17 =	vsub.f32 $0.0e+00, v17;
	v22 =	vor.u32 v2, v18  }
0x523: {  	v18 =	vor.u32 v3, v18  }
0x524: {  	[tilespmem:$0xC980] =	vst v17  }
0x525: {  	s0 =	simm.s32 $0x1;
	v27 =	vld.idx.msk [tilespmem:v21+s14+$0x0], $0xffff  }
0x526: {  	v23 =	vadd.s32 s0, v16;
	v17 =	vmov s0;
	v29 =	vld.idx.msk [tilespmem:v20+s14+$0x0], $0xffff  }
0x527: {  	v19 =	vor.u32 s0, v2;
	v23 =	vand.u32 $0x58, v23;
	v24 =	vand.u32 $0x7, v17;
	v62 =	vld.idx.msk [tilespmem:v22+s17+$0x0], $0xffff  }
0x528: {  	v17 =	vor.u32 s0, v3;
	v28 =	vld.idx.msk [tilespmem:v18+s17+$0x0], $0xffff;
	v18 =	vor.u32 v24, v23  }
0x529: {  	v24 =	vor.u32 v2, v18  }
0x52a: {  	s31 =	simm.s32 $0x2;
	v20 =	vld.idx.msk [tilespmem:v20+s15+$0x0], $0xffff;
	v31 =	vor.u32 v3, v18  }
0x52b: {  	v26 =	vmov s31;
	v25 =	vld.idx.msk [tilespmem:v21+s15+$0x0], $0xffff  }
0x52c: {  	v32 =	vand.u32 $0x7, v26;
	v23 =	vld.idx.msk [tilespmem:v19+s14+$0x0], $0xffff  }
0x52d: {  	v30 =	vadd.s32 s31, v16;
	v22 =	vld.idx.msk [tilespmem:v17+s14+$0x0], $0xffff;
	v63 =	vmul.f32 v62, v27;
	v35 =	vmul.f32 v28, v29  }
0x52e: {  	v30 =	vand.u32 $0x58, v30;
	v18 =	vor.u32 s31, v2;
	v28 =	vmul.f32 v28, v27;
	v26 =	vld.idx.msk [tilespmem:v24+s17+$0x0], $0xffff  }
0x52f: {  	v21 =	vimm.f32 $0.0e+00;
	s0 =	simm.s32 $0x3;
	v29 =	vmul.f32 v62, v29;
	v27 =	vmovc v18;
	v24 =	vld.idx.msk [tilespmem:v31+s17+$0x0], $0xffff;
	v31 =	vsub.f32 v63, v35  }
.LBB2_52:
0x530: {  	p0 =	sne.s32 s0, $0x1F;
	v33 =	vor.u32 s31, v3;
	v30 =	vor.u32 v32, v30;
	v32 =	vmov v20;
	s31 =	smov.u32 s0  }
0x531: {  	v34 =	vor.u32 v2, v30;
	v31 =	vsub.f32 v31, v25;
	v28 =	vadd.f32 v28, v29  }
0x532: {  	v29 =	vor.u32 v3, v30;
	v35 =	vmov v23;
	v20 =	vld.idx.msk [tilespmem:v17+s15+$0x0], $0xffff;
	v17 =	vmov v33  }
.Ltmp25:
0x533: {  	v36 =	vmovc v22;
	v25 =	vld.idx.msk [tilespmem:v19+s15+$0x0], $0xffff;
	v30 =	vand.u32 $0x7FFFFFFF, v31;
	v28 =	vsub.f32 v28, v32;
	v19 =	vmovc v18;
	v18 =	vor.u32 s0, v2;
	(pc) =	sbr.rel @p0 .LBB2_52-.Ltmp25, $4  }
0x534: {  	v31 =	vmov s0;
	v32 =	vadd.s32 s0, v16;
	v37 =	vmovc v26;
	v23 =	vld.idx.msk [tilespmem:v27+s14+$0x0], $0xffff;
	v21 =	vadd.f32 v30, v21;
	v27 =	vmovc v18  }
0x535: {  	v38 =	vmul.f32 v24, v36;
	v22 =	vld.idx.msk [tilespmem:v33+s14+$0x0], $0xffff;
	v33 =	vmul.f32 v37, v35;
	v28 =	vand.u32 $0x7FFFFFFF, v28  }
0x536: {  	v30 =	vand.u32 $0x58, v32;
	v32 =	vand.u32 $0x7, v31;
	v26 =	vld.idx.msk [tilespmem:v34+s17+$0x0], $0xffff;
	v21 =	vadd.f32 v21, v28  }
0x537: {  	s0 =	sadd.s32 $0x1, s0;
	v28 =	vmul.f32 v24, v35;
	v31 =	vsub.f32 v33, v38;
	v24 =	vld.idx.msk [tilespmem:v29+s17+$0x0], $0xffff;
	v29 =	vmul.f32 v37, v36  }
0x538: {  	_ = 	snop  }
0x539: {  	v16 =	vor.u32 s31, v3;
	v30 =	vor.u32 v32, v30  }
0x53a: {  	v32 =	vor.u32 v2, v30  }
0x53b: {  	v30 =	vor.u32 v3, v30  }
0x53c: {  	v19 =	vld.idx.msk [tilespmem:v19+s15+$0x0], $0xffff  }
0x53d: {  	v27 =	vld.idx.msk [tilespmem:v27+s14+$0x0], $0xffff  }
0x53e: {  	v33 =	vld.idx.msk [tilespmem:v16+s14+$0x0], $0xffff  }
0x53f: {  	v25 =	vsub.f32 v31, v25;
	v31 =	vld.idx.msk [tilespmem:v32+s17+$0x0], $0xffff  }
0x540: {  	v61 =	vmul.f32 v26, v23;
	v34 =	vmul.f32 v24, v22;
	v30 =	vld.idx.msk [tilespmem:v30+s17+$0x0], $0xffff  }
0x541: {  	v17 =	vld.idx.msk [tilespmem:v17+s15+$0x0], $0xffff;
	v28 =	vadd.f32 v28, v29;
	v25 =	vand.u32 $0x7FFFFFFF, v25  }
0x542: {  	v23 =	vmul.f32 v24, v23;
	v22 =	vmul.f32 v26, v22;
	v29 =	vsub.f32 v61, v34  }
0x543: {  	v20 =	vsub.f32 v28, v20;
	v21 =	vadd.f32 v25, v21  }
0x544: {  	v18 =	vld.idx.msk [tilespmem:v18+s15+$0x0], $0xffff;
	v22 =	vadd.f32 v23, v22;
	v19 =	vsub.f32 v29, v19  }
0x545: {  	v20 =	vand.u32 $0x7FFFFFFF, v20;
	v23 =	vmul.f32 v31, v27;
	v24 =	vmul.f32 v30, v33  }
0x546: {  	v16 =	vld.idx.msk [tilespmem:v16+s15+$0x0], $0xffff;
	v20 =	vadd.f32 v21, v20;
	v17 =	vsub.f32 v22, v17;
	v19 =	vand.u32 $0x7FFFFFFF, v19  }
0x547: {  	v22 =	vmul.f32 v30, v27;
	v21 =	vsub.f32 v23, v24;
	v23 =	vmul.f32 v31, v33  }
0x548: {  	v19 =	vadd.f32 v19, v20;
	v20 =	vld [tilespmem:$0x5A0]  }
0x549: {  	v17 =	vand.u32 $0x7FFFFFFF, v17;
	v18 =	vsub.f32 v21, v18;
	v21 =	vadd.f32 v22, v23  }
0x54a: {  	v17 =	vadd.f32 v19, v17  }
0x54b: {  	v18 =	vand.u32 $0x7FFFFFFF, v18;
	v16 =	vsub.f32 v21, v16  }
0x54c: {  	v17 =	vadd.f32 v18, v17  }
0x54d: {  	s0 =	simm.s32 $0x0;
	v18 =	vand.u32 $0x7FFFFFFF, v16;
	v16 =	vshll.u32 v20, $0x6  }
0x54e: {  	v17 =	vadd.f32 v17, v18;
	v18 =	vmov s0;
	v19 =	vadd.s32 s0, v16  }
0x54f: {  	v21 =	vor.u32 s0, v4;
	v19 =	vand.u32 $0x58, v19;
	v18 =	vand.u32 $0x7, v18  }
0x550: {  	v20 =	vor.u32 s0, v5;
	v18 =	vor.u32 v18, v19  }
0x551: {  	v17 =	vsub.f32 $0.0e+00, v17;
	v22 =	vor.u32 v4, v18  }
0x552: {  	v18 =	vor.u32 v5, v18  }
0x553: {  	[tilespmem:$0xC990] =	vst v17  }
0x554: {  	s0 =	simm.s32 $0x1;
	v27 =	vld.idx.msk [tilespmem:v21+s14+$0x0], $0xffff  }
0x555: {  	v23 =	vadd.s32 s0, v16;
	v17 =	vmov s0;
	v29 =	vld.idx.msk [tilespmem:v20+s14+$0x0], $0xffff  }
0x556: {  	v19 =	vor.u32 s0, v4;
	v23 =	vand.u32 $0x58, v23;
	v24 =	vand.u32 $0x7, v17;
	v62 =	vld.idx.msk [tilespmem:v22+s17+$0x0], $0xffff  }
0x557: {  	v17 =	vor.u32 s0, v5;
	v28 =	vld.idx.msk [tilespmem:v18+s17+$0x0], $0xffff;
	v18 =	vor.u32 v24, v23  }
0x558: {  	v24 =	vor.u32 v4, v18  }
0x559: {  	s31 =	simm.s32 $0x2;
	v20 =	vld.idx.msk [tilespmem:v20+s15+$0x0], $0xffff;
	v31 =	vor.u32 v5, v18  }
0x55a: {  	v26 =	vmov s31;
	v25 =	vld.idx.msk [tilespmem:v21+s15+$0x0], $0xffff  }
0x55b: {  	v32 =	vand.u32 $0x7, v26;
	v23 =	vld.idx.msk [tilespmem:v19+s14+$0x0], $0xffff  }
0x55c: {  	v30 =	vadd.s32 s31, v16;
	v22 =	vld.idx.msk [tilespmem:v17+s14+$0x0], $0xffff;
	v63 =	vmul.f32 v62, v27;
	v35 =	vmul.f32 v28, v29  }
0x55d: {  	v30 =	vand.u32 $0x58, v30;
	v18 =	vor.u32 s31, v4;
	v28 =	vmul.f32 v28, v27;
	v26 =	vld.idx.msk [tilespmem:v24+s17+$0x0], $0xffff  }
0x55e: {  	v21 =	vimm.f32 $0.0e+00;
	s0 =	simm.s32 $0x3;
	v29 =	vmul.f32 v62, v29;
	v27 =	vmovc v18;
	v24 =	vld.idx.msk [tilespmem:v31+s17+$0x0], $0xffff;
	v31 =	vsub.f32 v63, v35  }
.LBB2_54:
0x55f: {  	p0 =	sne.s32 s0, $0x1F;
	v33 =	vor.u32 s31, v5;
	v30 =	vor.u32 v32, v30;
	v32 =	vmov v20;
	s31 =	smov.u32 s0  }
0x560: {  	v34 =	vor.u32 v4, v30;
	v31 =	vsub.f32 v31, v25;
	v28 =	vadd.f32 v28, v29  }
0x561: {  	v29 =	vor.u32 v5, v30;
	v35 =	vmov v23;
	v20 =	vld.idx.msk [tilespmem:v17+s15+$0x0], $0xffff;
	v17 =	vmov v33  }
.Ltmp26:
0x562: {  	v36 =	vmovc v22;
	v25 =	vld.idx.msk [tilespmem:v19+s15+$0x0], $0xffff;
	v30 =	vand.u32 $0x7FFFFFFF, v31;
	v28 =	vsub.f32 v28, v32;
	v19 =	vmovc v18;
	v18 =	vor.u32 s0, v4;
	(pc) =	sbr.rel @p0 .LBB2_54-.Ltmp26, $4  }
0x563: {  	v31 =	vmov s0;
	v32 =	vadd.s32 s0, v16;
	v37 =	vmovc v26;
	v23 =	vld.idx.msk [tilespmem:v27+s14+$0x0], $0xffff;
	v21 =	vadd.f32 v30, v21;
	v27 =	vmovc v18  }
0x564: {  	v38 =	vmul.f32 v24, v36;
	v22 =	vld.idx.msk [tilespmem:v33+s14+$0x0], $0xffff;
	v33 =	vmul.f32 v37, v35;
	v28 =	vand.u32 $0x7FFFFFFF, v28  }
0x565: {  	v30 =	vand.u32 $0x58, v32;
	v32 =	vand.u32 $0x7, v31;
	v26 =	vld.idx.msk [tilespmem:v34+s17+$0x0], $0xffff;
	v21 =	vadd.f32 v21, v28  }
0x566: {  	s0 =	sadd.s32 $0x1, s0;
	v28 =	vmul.f32 v24, v35;
	v31 =	vsub.f32 v33, v38;
	v24 =	vld.idx.msk [tilespmem:v29+s17+$0x0], $0xffff;
	v29 =	vmul.f32 v37, v36  }
0x567: {  	_ = 	snop  }
0x568: {  	v16 =	vor.u32 s31, v5;
	v30 =	vor.u32 v32, v30  }
0x569: {  	v32 =	vor.u32 v4, v30  }
0x56a: {  	v30 =	vor.u32 v5, v30  }
0x56b: {  	v19 =	vld.idx.msk [tilespmem:v19+s15+$0x0], $0xffff  }
0x56c: {  	v27 =	vld.idx.msk [tilespmem:v27+s14+$0x0], $0xffff  }
0x56d: {  	v33 =	vld.idx.msk [tilespmem:v16+s14+$0x0], $0xffff  }
0x56e: {  	v25 =	vsub.f32 v31, v25;
	v31 =	vld.idx.msk [tilespmem:v32+s17+$0x0], $0xffff  }
0x56f: {  	v61 =	vmul.f32 v26, v23;
	v34 =	vmul.f32 v24, v22;
	v30 =	vld.idx.msk [tilespmem:v30+s17+$0x0], $0xffff  }
0x570: {  	v17 =	vld.idx.msk [tilespmem:v17+s15+$0x0], $0xffff;
	v28 =	vadd.f32 v28, v29;
	v25 =	vand.u32 $0x7FFFFFFF, v25  }
0x571: {  	v23 =	vmul.f32 v24, v23;
	v22 =	vmul.f32 v26, v22;
	v29 =	vsub.f32 v61, v34  }
0x572: {  	v20 =	vsub.f32 v28, v20;
	v21 =	vadd.f32 v25, v21  }
0x573: {  	v18 =	vld.idx.msk [tilespmem:v18+s15+$0x0], $0xffff;
	v22 =	vadd.f32 v23, v22;
	v19 =	vsub.f32 v29, v19  }
0x574: {  	v20 =	vand.u32 $0x7FFFFFFF, v20;
	v23 =	vmul.f32 v31, v27;
	v24 =	vmul.f32 v30, v33  }
0x575: {  	v16 =	vld.idx.msk [tilespmem:v16+s15+$0x0], $0xffff;
	v20 =	vadd.f32 v21, v20;
	v17 =	vsub.f32 v22, v17;
	v19 =	vand.u32 $0x7FFFFFFF, v19  }
0x576: {  	v22 =	vmul.f32 v30, v27;
	v21 =	vsub.f32 v23, v24;
	v23 =	vmul.f32 v31, v33  }
0x577: {  	v19 =	vadd.f32 v19, v20;
	v20 =	vld [tilespmem:$0x5B0]  }
0x578: {  	v17 =	vand.u32 $0x7FFFFFFF, v17;
	v18 =	vsub.f32 v21, v18;
	v21 =	vadd.f32 v22, v23  }
0x579: {  	v17 =	vadd.f32 v19, v17  }
0x57a: {  	v18 =	vand.u32 $0x7FFFFFFF, v18;
	v16 =	vsub.f32 v21, v16  }
0x57b: {  	v17 =	vadd.f32 v18, v17  }
0x57c: {  	s0 =	simm.s32 $0x0;
	v18 =	vand.u32 $0x7FFFFFFF, v16;
	v16 =	vshll.u32 v20, $0x6  }
0x57d: {  	v17 =	vadd.f32 v17, v18;
	v18 =	vmov s0;
	v19 =	vadd.s32 s0, v16  }
0x57e: {  	v21 =	vor.u32 s0, v6;
	v19 =	vand.u32 $0x58, v19;
	v18 =	vand.u32 $0x7, v18  }
0x57f: {  	v20 =	vor.u32 s0, v7;
	v18 =	vor.u32 v18, v19  }
0x580: {  	v17 =	vsub.f32 $0.0e+00, v17;
	v22 =	vor.u32 v6, v18  }
0x581: {  	v18 =	vor.u32 v7, v18  }
0x582: {  	[tilespmem:$0xC9A0] =	vst v17  }
0x583: {  	s0 =	simm.s32 $0x1;
	v27 =	vld.idx.msk [tilespmem:v21+s14+$0x0], $0xffff  }
0x584: {  	v23 =	vadd.s32 s0, v16;
	v17 =	vmov s0;
	v29 =	vld.idx.msk [tilespmem:v20+s14+$0x0], $0xffff  }
0x585: {  	v19 =	vor.u32 s0, v6;
	v23 =	vand.u32 $0x58, v23;
	v24 =	vand.u32 $0x7, v17;
	v62 =	vld.idx.msk [tilespmem:v22+s17+$0x0], $0xffff  }
0x586: {  	v17 =	vor.u32 s0, v7;
	v28 =	vld.idx.msk [tilespmem:v18+s17+$0x0], $0xffff;
	v18 =	vor.u32 v24, v23  }
0x587: {  	v24 =	vor.u32 v6, v18  }
0x588: {  	s31 =	simm.s32 $0x2;
	v20 =	vld.idx.msk [tilespmem:v20+s15+$0x0], $0xffff;
	v31 =	vor.u32 v7, v18  }
0x589: {  	v26 =	vmov s31;
	v25 =	vld.idx.msk [tilespmem:v21+s15+$0x0], $0xffff  }
0x58a: {  	v32 =	vand.u32 $0x7, v26;
	v23 =	vld.idx.msk [tilespmem:v19+s14+$0x0], $0xffff  }
0x58b: {  	v30 =	vadd.s32 s31, v16;
	v22 =	vld.idx.msk [tilespmem:v17+s14+$0x0], $0xffff;
	v63 =	vmul.f32 v62, v27;
	v35 =	vmul.f32 v28, v29  }
0x58c: {  	v30 =	vand.u32 $0x58, v30;
	v18 =	vor.u32 s31, v6;
	v28 =	vmul.f32 v28, v27;
	v26 =	vld.idx.msk [tilespmem:v24+s17+$0x0], $0xffff  }
0x58d: {  	v21 =	vimm.f32 $0.0e+00;
	s0 =	simm.s32 $0x3;
	v29 =	vmul.f32 v62, v29;
	v27 =	vmovc v18;
	v24 =	vld.idx.msk [tilespmem:v31+s17+$0x0], $0xffff;
	v31 =	vsub.f32 v63, v35  }
.LBB2_56:
0x58e: {  	p0 =	sne.s32 s0, $0x1F;
	v33 =	vor.u32 s31, v7;
	v30 =	vor.u32 v32, v30;
	v32 =	vmov v20;
	s31 =	smov.u32 s0  }
0x58f: {  	v34 =	vor.u32 v6, v30;
	v31 =	vsub.f32 v31, v25;
	v28 =	vadd.f32 v28, v29  }
0x590: {  	v29 =	vor.u32 v7, v30;
	v35 =	vmov v23;
	v20 =	vld.idx.msk [tilespmem:v17+s15+$0x0], $0xffff;
	v17 =	vmov v33  }
.Ltmp27:
0x591: {  	v36 =	vmovc v22;
	v25 =	vld.idx.msk [tilespmem:v19+s15+$0x0], $0xffff;
	v30 =	vand.u32 $0x7FFFFFFF, v31;
	v28 =	vsub.f32 v28, v32;
	v19 =	vmovc v18;
	v18 =	vor.u32 s0, v6;
	(pc) =	sbr.rel @p0 .LBB2_56-.Ltmp27, $4  }
0x592: {  	v31 =	vmov s0;
	v32 =	vadd.s32 s0, v16;
	v37 =	vmovc v26;
	v23 =	vld.idx.msk [tilespmem:v27+s14+$0x0], $0xffff;
	v21 =	vadd.f32 v30, v21;
	v27 =	vmovc v18  }
0x593: {  	v38 =	vmul.f32 v24, v36;
	v22 =	vld.idx.msk [tilespmem:v33+s14+$0x0], $0xffff;
	v33 =	vmul.f32 v37, v35;
	v28 =	vand.u32 $0x7FFFFFFF, v28  }
0x594: {  	v30 =	vand.u32 $0x58, v32;
	v32 =	vand.u32 $0x7, v31;
	v26 =	vld.idx.msk [tilespmem:v34+s17+$0x0], $0xffff;
	v21 =	vadd.f32 v21, v28  }
0x595: {  	s0 =	sadd.s32 $0x1, s0;
	v28 =	vmul.f32 v24, v35;
	v31 =	vsub.f32 v33, v38;
	v24 =	vld.idx.msk [tilespmem:v29+s17+$0x0], $0xffff;
	v29 =	vmul.f32 v37, v36  }
0x596: {  	_ = 	snop  }
0x597: {  	v16 =	vor.u32 s31, v7;
	v30 =	vor.u32 v32, v30  }
0x598: {  	v32 =	vor.u32 v6, v30  }
0x599: {  	v30 =	vor.u32 v7, v30  }
0x59a: {  	v19 =	vld.idx.msk [tilespmem:v19+s15+$0x0], $0xffff  }
0x59b: {  	v27 =	vld.idx.msk [tilespmem:v27+s14+$0x0], $0xffff  }
0x59c: {  	v33 =	vld.idx.msk [tilespmem:v16+s14+$0x0], $0xffff  }
0x59d: {  	v25 =	vsub.f32 v31, v25;
	v31 =	vld.idx.msk [tilespmem:v32+s17+$0x0], $0xffff  }
0x59e: {  	v61 =	vmul.f32 v26, v23;
	v34 =	vmul.f32 v24, v22;
	v30 =	vld.idx.msk [tilespmem:v30+s17+$0x0], $0xffff  }
0x59f: {  	v17 =	vld.idx.msk [tilespmem:v17+s15+$0x0], $0xffff;
	v28 =	vadd.f32 v28, v29;
	v25 =	vand.u32 $0x7FFFFFFF, v25  }
0x5a0: {  	v23 =	vmul.f32 v24, v23;
	v22 =	vmul.f32 v26, v22;
	v29 =	vsub.f32 v61, v34  }
0x5a1: {  	v20 =	vsub.f32 v28, v20;
	v21 =	vadd.f32 v25, v21  }
0x5a2: {  	v18 =	vld.idx.msk [tilespmem:v18+s15+$0x0], $0xffff;
	v22 =	vadd.f32 v23, v22;
	v19 =	vsub.f32 v29, v19  }
0x5a3: {  	v20 =	vand.u32 $0x7FFFFFFF, v20;
	v23 =	vmul.f32 v31, v27;
	v24 =	vmul.f32 v30, v33  }
0x5a4: {  	v16 =	vld.idx.msk [tilespmem:v16+s15+$0x0], $0xffff;
	v20 =	vadd.f32 v21, v20;
	v17 =	vsub.f32 v22, v17;
	v19 =	vand.u32 $0x7FFFFFFF, v19  }
0x5a5: {  	v22 =	vmul.f32 v30, v27;
	v21 =	vsub.f32 v23, v24;
	v23 =	vmul.f32 v31, v33  }
0x5a6: {  	v19 =	vadd.f32 v19, v20;
	v20 =	vld [tilespmem:$0x5C0]  }
0x5a7: {  	v17 =	vand.u32 $0x7FFFFFFF, v17;
	v18 =	vsub.f32 v21, v18;
	v21 =	vadd.f32 v22, v23  }
0x5a8: {  	v17 =	vadd.f32 v19, v17  }
0x5a9: {  	v18 =	vand.u32 $0x7FFFFFFF, v18;
	v16 =	vsub.f32 v21, v16  }
0x5aa: {  	v17 =	vadd.f32 v18, v17  }
0x5ab: {  	s0 =	simm.s32 $0x0;
	v18 =	vand.u32 $0x7FFFFFFF, v16;
	v16 =	vshll.u32 v20, $0x6  }
0x5ac: {  	v17 =	vadd.f32 v17, v18;
	v18 =	vmov s0;
	v19 =	vadd.s32 s0, v16  }
0x5ad: {  	v21 =	vor.u32 s0, v8;
	v19 =	vand.u32 $0x58, v19;
	v18 =	vand.u32 $0x7, v18  }
0x5ae: {  	v20 =	vor.u32 s0, v9;
	v18 =	vor.u32 v18, v19  }
0x5af: {  	v17 =	vsub.f32 $0.0e+00, v17;
	v22 =	vor.u32 v8, v18  }
0x5b0: {  	v18 =	vor.u32 v9, v18  }
0x5b1: {  	[tilespmem:$0xC9B0] =	vst v17  }
0x5b2: {  	s0 =	simm.s32 $0x1;
	v27 =	vld.idx.msk [tilespmem:v21+s14+$0x0], $0xffff  }
0x5b3: {  	v23 =	vadd.s32 s0, v16;
	v17 =	vmov s0;
	v29 =	vld.idx.msk [tilespmem:v20+s14+$0x0], $0xffff  }
0x5b4: {  	v19 =	vor.u32 s0, v8;
	v23 =	vand.u32 $0x58, v23;
	v24 =	vand.u32 $0x7, v17;
	v62 =	vld.idx.msk [tilespmem:v22+s17+$0x0], $0xffff  }
0x5b5: {  	v17 =	vor.u32 s0, v9;
	v28 =	vld.idx.msk [tilespmem:v18+s17+$0x0], $0xffff;
	v18 =	vor.u32 v24, v23  }
0x5b6: {  	v24 =	vor.u32 v8, v18  }
0x5b7: {  	s31 =	simm.s32 $0x2;
	v20 =	vld.idx.msk [tilespmem:v20+s15+$0x0], $0xffff;
	v31 =	vor.u32 v9, v18  }
0x5b8: {  	v26 =	vmov s31;
	v25 =	vld.idx.msk [tilespmem:v21+s15+$0x0], $0xffff  }
0x5b9: {  	v32 =	vand.u32 $0x7, v26;
	v23 =	vld.idx.msk [tilespmem:v19+s14+$0x0], $0xffff  }
0x5ba: {  	v30 =	vadd.s32 s31, v16;
	v22 =	vld.idx.msk [tilespmem:v17+s14+$0x0], $0xffff;
	v63 =	vmul.f32 v62, v27;
	v35 =	vmul.f32 v28, v29  }
0x5bb: {  	v30 =	vand.u32 $0x58, v30;
	v18 =	vor.u32 s31, v8;
	v28 =	vmul.f32 v28, v27;
	v26 =	vld.idx.msk [tilespmem:v24+s17+$0x0], $0xffff  }
0x5bc: {  	v21 =	vimm.f32 $0.0e+00;
	s0 =	simm.s32 $0x3;
	v29 =	vmul.f32 v62, v29;
	v27 =	vmovc v18;
	v24 =	vld.idx.msk [tilespmem:v31+s17+$0x0], $0xffff;
	v31 =	vsub.f32 v63, v35  }
.LBB2_58:
0x5bd: {  	p0 =	sne.s32 s0, $0x1F;
	v33 =	vor.u32 s31, v9;
	v30 =	vor.u32 v32, v30;
	v32 =	vmov v20;
	s31 =	smov.u32 s0  }
0x5be: {  	v34 =	vor.u32 v8, v30;
	v31 =	vsub.f32 v31, v25;
	v28 =	vadd.f32 v28, v29  }
0x5bf: {  	v29 =	vor.u32 v9, v30;
	v35 =	vmov v23;
	v20 =	vld.idx.msk [tilespmem:v17+s15+$0x0], $0xffff;
	v17 =	vmov v33  }
.Ltmp28:
0x5c0: {  	v36 =	vmovc v22;
	v25 =	vld.idx.msk [tilespmem:v19+s15+$0x0], $0xffff;
	v30 =	vand.u32 $0x7FFFFFFF, v31;
	v28 =	vsub.f32 v28, v32;
	v19 =	vmovc v18;
	v18 =	vor.u32 s0, v8;
	(pc) =	sbr.rel @p0 .LBB2_58-.Ltmp28, $4  }
0x5c1: {  	v31 =	vmov s0;
	v32 =	vadd.s32 s0, v16;
	v37 =	vmovc v26;
	v23 =	vld.idx.msk [tilespmem:v27+s14+$0x0], $0xffff;
	v21 =	vadd.f32 v30, v21;
	v27 =	vmovc v18  }
0x5c2: {  	v38 =	vmul.f32 v24, v36;
	v22 =	vld.idx.msk [tilespmem:v33+s14+$0x0], $0xffff;
	v33 =	vmul.f32 v37, v35;
	v28 =	vand.u32 $0x7FFFFFFF, v28  }
0x5c3: {  	v30 =	vand.u32 $0x58, v32;
	v32 =	vand.u32 $0x7, v31;
	v26 =	vld.idx.msk [tilespmem:v34+s17+$0x0], $0xffff;
	v21 =	vadd.f32 v21, v28  }
0x5c4: {  	s0 =	sadd.s32 $0x1, s0;
	v28 =	vmul.f32 v24, v35;
	v31 =	vsub.f32 v33, v38;
	v24 =	vld.idx.msk [tilespmem:v29+s17+$0x0], $0xffff;
	v29 =	vmul.f32 v37, v36  }
0x5c5: {  	_ = 	snop  }
0x5c6: {  	v16 =	vor.u32 s31, v9;
	v30 =	vor.u32 v32, v30  }
0x5c7: {  	v32 =	vor.u32 v8, v30  }
0x5c8: {  	v30 =	vor.u32 v9, v30  }
0x5c9: {  	v19 =	vld.idx.msk [tilespmem:v19+s15+$0x0], $0xffff  }
0x5ca: {  	v27 =	vld.idx.msk [tilespmem:v27+s14+$0x0], $0xffff  }
0x5cb: {  	v33 =	vld.idx.msk [tilespmem:v16+s14+$0x0], $0xffff  }
0x5cc: {  	v25 =	vsub.f32 v31, v25;
	v31 =	vld.idx.msk [tilespmem:v32+s17+$0x0], $0xffff  }
0x5cd: {  	v61 =	vmul.f32 v26, v23;
	v34 =	vmul.f32 v24, v22;
	v30 =	vld.idx.msk [tilespmem:v30+s17+$0x0], $0xffff  }
0x5ce: {  	v17 =	vld.idx.msk [tilespmem:v17+s15+$0x0], $0xffff;
	v28 =	vadd.f32 v28, v29;
	v25 =	vand.u32 $0x7FFFFFFF, v25  }
0x5cf: {  	v23 =	vmul.f32 v24, v23;
	v22 =	vmul.f32 v26, v22;
	v29 =	vsub.f32 v61, v34  }
0x5d0: {  	v20 =	vsub.f32 v28, v20;
	v21 =	vadd.f32 v25, v21  }
0x5d1: {  	v18 =	vld.idx.msk [tilespmem:v18+s15+$0x0], $0xffff;
	v22 =	vadd.f32 v23, v22;
	v19 =	vsub.f32 v29, v19  }
0x5d2: {  	v20 =	vand.u32 $0x7FFFFFFF, v20;
	v23 =	vmul.f32 v31, v27;
	v24 =	vmul.f32 v30, v33  }
0x5d3: {  	v16 =	vld.idx.msk [tilespmem:v16+s15+$0x0], $0xffff;
	v20 =	vadd.f32 v21, v20;
	v17 =	vsub.f32 v22, v17;
	v19 =	vand.u32 $0x7FFFFFFF, v19  }
0x5d4: {  	v22 =	vmul.f32 v30, v27;
	v21 =	vsub.f32 v23, v24;
	v23 =	vmul.f32 v31, v33  }
0x5d5: {  	v19 =	vadd.f32 v19, v20;
	v20 =	vld [tilespmem:$0x5D0]  }
0x5d6: {  	v17 =	vand.u32 $0x7FFFFFFF, v17;
	v18 =	vsub.f32 v21, v18;
	v21 =	vadd.f32 v22, v23  }
0x5d7: {  	v17 =	vadd.f32 v19, v17  }
0x5d8: {  	v18 =	vand.u32 $0x7FFFFFFF, v18;
	v16 =	vsub.f32 v21, v16  }
0x5d9: {  	v17 =	vadd.f32 v18, v17  }
0x5da: {  	s0 =	simm.s32 $0x0;
	v18 =	vand.u32 $0x7FFFFFFF, v16;
	v16 =	vshll.u32 v20, $0x6  }
0x5db: {  	v17 =	vadd.f32 v17, v18;
	v18 =	vmov s0;
	v19 =	vadd.s32 s0, v16  }
0x5dc: {  	v21 =	vor.u32 s0, v10;
	v19 =	vand.u32 $0x58, v19;
	v18 =	vand.u32 $0x7, v18  }
0x5dd: {  	v20 =	vor.u32 s0, v11;
	v18 =	vor.u32 v18, v19  }
0x5de: {  	v17 =	vsub.f32 $0.0e+00, v17;
	v22 =	vor.u32 v10, v18  }
0x5df: {  	v18 =	vor.u32 v11, v18  }
0x5e0: {  	[tilespmem:$0xC9C0] =	vst v17  }
0x5e1: {  	s0 =	simm.s32 $0x1;
	v27 =	vld.idx.msk [tilespmem:v21+s14+$0x0], $0xffff  }
0x5e2: {  	v23 =	vadd.s32 s0, v16;
	v17 =	vmov s0;
	v29 =	vld.idx.msk [tilespmem:v20+s14+$0x0], $0xffff  }
0x5e3: {  	v19 =	vor.u32 s0, v10;
	v23 =	vand.u32 $0x58, v23;
	v24 =	vand.u32 $0x7, v17;
	v62 =	vld.idx.msk [tilespmem:v22+s17+$0x0], $0xffff  }
0x5e4: {  	v17 =	vor.u32 s0, v11;
	v28 =	vld.idx.msk [tilespmem:v18+s17+$0x0], $0xffff;
	v18 =	vor.u32 v24, v23  }
0x5e5: {  	v24 =	vor.u32 v10, v18  }
0x5e6: {  	s31 =	simm.s32 $0x2;
	v20 =	vld.idx.msk [tilespmem:v20+s15+$0x0], $0xffff;
	v31 =	vor.u32 v11, v18  }
0x5e7: {  	v26 =	vmov s31;
	v25 =	vld.idx.msk [tilespmem:v21+s15+$0x0], $0xffff  }
0x5e8: {  	v32 =	vand.u32 $0x7, v26;
	v23 =	vld.idx.msk [tilespmem:v19+s14+$0x0], $0xffff  }
0x5e9: {  	v30 =	vadd.s32 s31, v16;
	v22 =	vld.idx.msk [tilespmem:v17+s14+$0x0], $0xffff;
	v63 =	vmul.f32 v62, v27;
	v35 =	vmul.f32 v28, v29  }
0x5ea: {  	v30 =	vand.u32 $0x58, v30;
	v18 =	vor.u32 s31, v10;
	v28 =	vmul.f32 v28, v27;
	v26 =	vld.idx.msk [tilespmem:v24+s17+$0x0], $0xffff  }
0x5eb: {  	v21 =	vimm.f32 $0.0e+00;
	s0 =	simm.s32 $0x3;
	v29 =	vmul.f32 v62, v29;
	v27 =	vmovc v18;
	v24 =	vld.idx.msk [tilespmem:v31+s17+$0x0], $0xffff;
	v31 =	vsub.f32 v63, v35  }
.LBB2_60:
0x5ec: {  	p0 =	sne.s32 s0, $0x1F;
	v33 =	vor.u32 s31, v11;
	v30 =	vor.u32 v32, v30;
	v32 =	vmov v20;
	s31 =	smov.u32 s0  }
0x5ed: {  	v34 =	vor.u32 v10, v30;
	v31 =	vsub.f32 v31, v25;
	v28 =	vadd.f32 v28, v29  }
0x5ee: {  	v29 =	vor.u32 v11, v30;
	v35 =	vmov v23;
	v20 =	vld.idx.msk [tilespmem:v17+s15+$0x0], $0xffff;
	v17 =	vmov v33  }
.Ltmp29:
0x5ef: {  	v36 =	vmovc v22;
	v25 =	vld.idx.msk [tilespmem:v19+s15+$0x0], $0xffff;
	v30 =	vand.u32 $0x7FFFFFFF, v31;
	v28 =	vsub.f32 v28, v32;
	v19 =	vmovc v18;
	v18 =	vor.u32 s0, v10;
	(pc) =	sbr.rel @p0 .LBB2_60-.Ltmp29, $4  }
0x5f0: {  	v31 =	vmov s0;
	v32 =	vadd.s32 s0, v16;
	v37 =	vmovc v26;
	v23 =	vld.idx.msk [tilespmem:v27+s14+$0x0], $0xffff;
	v21 =	vadd.f32 v30, v21;
	v27 =	vmovc v18  }
0x5f1: {  	v38 =	vmul.f32 v24, v36;
	v22 =	vld.idx.msk [tilespmem:v33+s14+$0x0], $0xffff;
	v33 =	vmul.f32 v37, v35;
	v28 =	vand.u32 $0x7FFFFFFF, v28  }
0x5f2: {  	v30 =	vand.u32 $0x58, v32;
	v32 =	vand.u32 $0x7, v31;
	v26 =	vld.idx.msk [tilespmem:v34+s17+$0x0], $0xffff;
	v21 =	vadd.f32 v21, v28  }
0x5f3: {  	s0 =	sadd.s32 $0x1, s0;
	v28 =	vmul.f32 v24, v35;
	v31 =	vsub.f32 v33, v38;
	v24 =	vld.idx.msk [tilespmem:v29+s17+$0x0], $0xffff;
	v29 =	vmul.f32 v37, v36  }
0x5f4: {  	_ = 	snop  }
0x5f5: {  	v16 =	vor.u32 s31, v11;
	v30 =	vor.u32 v32, v30  }
0x5f6: {  	v32 =	vor.u32 v10, v30  }
0x5f7: {  	v30 =	vor.u32 v11, v30  }
0x5f8: {  	v19 =	vld.idx.msk [tilespmem:v19+s15+$0x0], $0xffff  }
0x5f9: {  	v27 =	vld.idx.msk [tilespmem:v27+s14+$0x0], $0xffff  }
0x5fa: {  	v33 =	vld.idx.msk [tilespmem:v16+s14+$0x0], $0xffff  }
0x5fb: {  	v25 =	vsub.f32 v31, v25;
	v31 =	vld.idx.msk [tilespmem:v32+s17+$0x0], $0xffff  }
0x5fc: {  	v61 =	vmul.f32 v26, v23;
	v34 =	vmul.f32 v24, v22;
	v30 =	vld.idx.msk [tilespmem:v30+s17+$0x0], $0xffff  }
0x5fd: {  	v17 =	vld.idx.msk [tilespmem:v17+s15+$0x0], $0xffff;
	v28 =	vadd.f32 v28, v29;
	v25 =	vand.u32 $0x7FFFFFFF, v25  }
0x5fe: {  	v23 =	vmul.f32 v24, v23;
	v22 =	vmul.f32 v26, v22;
	v29 =	vsub.f32 v61, v34  }
0x5ff: {  	v20 =	vsub.f32 v28, v20;
	v21 =	vadd.f32 v25, v21  }
0x600: {  	v18 =	vld.idx.msk [tilespmem:v18+s15+$0x0], $0xffff;
	v22 =	vadd.f32 v23, v22;
	v19 =	vsub.f32 v29, v19  }
0x601: {  	v20 =	vand.u32 $0x7FFFFFFF, v20;
	v23 =	vmul.f32 v31, v27;
	v24 =	vmul.f32 v30, v33  }
0x602: {  	v16 =	vld.idx.msk [tilespmem:v16+s15+$0x0], $0xffff;
	v20 =	vadd.f32 v21, v20;
	v17 =	vsub.f32 v22, v17;
	v19 =	vand.u32 $0x7FFFFFFF, v19  }
0x603: {  	v22 =	vmul.f32 v30, v27;
	v21 =	vsub.f32 v23, v24;
	v23 =	vmul.f32 v31, v33  }
0x604: {  	v19 =	vadd.f32 v19, v20;
	v20 =	vld [tilespmem:$0x5E0]  }
0x605: {  	v17 =	vand.u32 $0x7FFFFFFF, v17;
	v18 =	vsub.f32 v21, v18;
	v21 =	vadd.f32 v22, v23  }
0x606: {  	v17 =	vadd.f32 v19, v17  }
0x607: {  	v18 =	vand.u32 $0x7FFFFFFF, v18;
	v16 =	vsub.f32 v21, v16  }
0x608: {  	v17 =	vadd.f32 v18, v17  }
0x609: {  	s0 =	simm.s32 $0x0;
	v18 =	vand.u32 $0x7FFFFFFF, v16;
	v16 =	vshll.u32 v20, $0x6  }
0x60a: {  	v17 =	vadd.f32 v17, v18;
	v18 =	vmov s0;
	v19 =	vadd.s32 s0, v16  }
0x60b: {  	v21 =	vor.u32 s0, v13;
	v19 =	vand.u32 $0x58, v19;
	v18 =	vand.u32 $0x7, v18  }
0x60c: {  	v20 =	vor.u32 s0, v12;
	v18 =	vor.u32 v18, v19  }
0x60d: {  	v17 =	vsub.f32 $0.0e+00, v17;
	v22 =	vor.u32 v13, v18  }
0x60e: {  	v18 =	vor.u32 v12, v18  }
0x60f: {  	[tilespmem:$0xC9D0] =	vst v17  }
0x610: {  	s0 =	simm.s32 $0x1;
	v27 =	vld.idx.msk [tilespmem:v21+s14+$0x0], $0xffff  }
0x611: {  	v23 =	vadd.s32 s0, v16;
	v17 =	vmov s0;
	v29 =	vld.idx.msk [tilespmem:v20+s14+$0x0], $0xffff  }
0x612: {  	v19 =	vor.u32 s0, v13;
	v23 =	vand.u32 $0x58, v23;
	v24 =	vand.u32 $0x7, v17;
	v62 =	vld.idx.msk [tilespmem:v22+s17+$0x0], $0xffff  }
0x613: {  	v17 =	vor.u32 s0, v12;
	v28 =	vld.idx.msk [tilespmem:v18+s17+$0x0], $0xffff;
	v18 =	vor.u32 v24, v23  }
0x614: {  	v24 =	vor.u32 v13, v18  }
0x615: {  	s31 =	simm.s32 $0x2;
	v20 =	vld.idx.msk [tilespmem:v20+s15+$0x0], $0xffff;
	v31 =	vor.u32 v12, v18  }
0x616: {  	v26 =	vmov s31;
	v25 =	vld.idx.msk [tilespmem:v21+s15+$0x0], $0xffff  }
0x617: {  	v32 =	vand.u32 $0x7, v26;
	v23 =	vld.idx.msk [tilespmem:v19+s14+$0x0], $0xffff  }
0x618: {  	v30 =	vadd.s32 s31, v16;
	v22 =	vld.idx.msk [tilespmem:v17+s14+$0x0], $0xffff;
	v63 =	vmul.f32 v62, v27;
	v35 =	vmul.f32 v28, v29  }
0x619: {  	v30 =	vand.u32 $0x58, v30;
	v18 =	vor.u32 s31, v13;
	v28 =	vmul.f32 v28, v27;
	v26 =	vld.idx.msk [tilespmem:v24+s17+$0x0], $0xffff  }
0x61a: {  	v21 =	vimm.f32 $0.0e+00;
	s0 =	simm.s32 $0x3;
	v29 =	vmul.f32 v62, v29;
	v27 =	vmovc v18;
	v24 =	vld.idx.msk [tilespmem:v31+s17+$0x0], $0xffff;
	v31 =	vsub.f32 v63, v35  }
.LBB2_62:
0x61b: {  	p0 =	sne.s32 s0, $0x1F;
	v33 =	vor.u32 s31, v12;
	v30 =	vor.u32 v32, v30;
	v32 =	vmov v20;
	s31 =	smov.u32 s0  }
0x61c: {  	v34 =	vor.u32 v13, v30;
	v31 =	vsub.f32 v31, v25;
	v28 =	vadd.f32 v28, v29  }
0x61d: {  	v29 =	vor.u32 v12, v30;
	v35 =	vmov v23;
	v20 =	vld.idx.msk [tilespmem:v17+s15+$0x0], $0xffff;
	v17 =	vmov v33  }
.Ltmp30:
0x61e: {  	v36 =	vmovc v22;
	v25 =	vld.idx.msk [tilespmem:v19+s15+$0x0], $0xffff;
	v30 =	vand.u32 $0x7FFFFFFF, v31;
	v28 =	vsub.f32 v28, v32;
	v19 =	vmovc v18;
	v18 =	vor.u32 s0, v13;
	(pc) =	sbr.rel @p0 .LBB2_62-.Ltmp30, $4  }
0x61f: {  	v31 =	vmov s0;
	v32 =	vadd.s32 s0, v16;
	v37 =	vmovc v26;
	v23 =	vld.idx.msk [tilespmem:v27+s14+$0x0], $0xffff;
	v21 =	vadd.f32 v30, v21;
	v27 =	vmovc v18  }
0x620: {  	v38 =	vmul.f32 v24, v36;
	v22 =	vld.idx.msk [tilespmem:v33+s14+$0x0], $0xffff;
	v33 =	vmul.f32 v37, v35;
	v28 =	vand.u32 $0x7FFFFFFF, v28  }
0x621: {  	v30 =	vand.u32 $0x58, v32;
	v32 =	vand.u32 $0x7, v31;
	v26 =	vld.idx.msk [tilespmem:v34+s17+$0x0], $0xffff;
	v21 =	vadd.f32 v21, v28  }
0x622: {  	s0 =	sadd.s32 $0x1, s0;
	v28 =	vmul.f32 v24, v35;
	v31 =	vsub.f32 v33, v38;
	v24 =	vld.idx.msk [tilespmem:v29+s17+$0x0], $0xffff;
	v29 =	vmul.f32 v37, v36  }
0x623: {  	_ = 	snop  }
0x624: {  	v16 =	vor.u32 s31, v12;
	v30 =	vor.u32 v32, v30  }
0x625: {  	v13 =	vor.u32 v13, v30  }
0x626: {  	v12 =	vor.u32 v12, v30  }
0x627: {  	v19 =	vld.idx.msk [tilespmem:v19+s15+$0x0], $0xffff  }
0x628: {  	v27 =	vld.idx.msk [tilespmem:v27+s14+$0x0], $0xffff  }
0x629: {  	v30 =	vld.idx.msk [tilespmem:v16+s14+$0x0], $0xffff  }
0x62a: {  	v25 =	vsub.f32 v31, v25;
	v13 =	vld.idx.msk [tilespmem:v13+s17+$0x0], $0xffff  }
0x62b: {  	v31 =	vmul.f32 v26, v23;
	v62 =	vmul.f32 v24, v22;
	v12 =	vld.idx.msk [tilespmem:v12+s17+$0x0], $0xffff  }
0x62c: {  	v17 =	vld.idx.msk [tilespmem:v17+s15+$0x0], $0xffff;
	v28 =	vadd.f32 v28, v29;
	v25 =	vand.u32 $0x7FFFFFFF, v25  }
0x62d: {  	v23 =	vmul.f32 v24, v23;
	v22 =	vmul.f32 v26, v22;
	v29 =	vsub.f32 v31, v62  }
0x62e: {  	v20 =	vsub.f32 v28, v20;
	v21 =	vadd.f32 v25, v21  }
0x62f: {  	v18 =	vld.idx.msk [tilespmem:v18+s15+$0x0], $0xffff;
	v22 =	vadd.f32 v23, v22;
	v19 =	vsub.f32 v29, v19  }
0x630: {  	v20 =	vand.u32 $0x7FFFFFFF, v20;
	v23 =	vmul.f32 v13, v27;
	v24 =	vmul.f32 v12, v30  }
0x631: {  	v16 =	vld.idx.msk [tilespmem:v16+s15+$0x0], $0xffff;
	v20 =	vadd.f32 v21, v20;
	v17 =	vsub.f32 v22, v17;
	v19 =	vand.u32 $0x7FFFFFFF, v19  }
0x632: {  	v12 =	vmul.f32 v12, v27;
	v13 =	vmul.f32 v13, v30;
	v21 =	vsub.f32 v23, v24  }
0x633: {  	v19 =	vadd.f32 v19, v20;
	v20 =	vld [tilespmem:$0x5F0]  }
0x634: {  	v17 =	vand.u32 $0x7FFFFFFF, v17;
	v12 =	vadd.f32 v12, v13;
	v18 =	vsub.f32 v21, v18  }
0x635: {  	v13 =	vadd.f32 v19, v17  }
0x636: {  	v12 =	vsub.f32 v12, v16;
	v17 =	vand.u32 $0x7FFFFFFF, v18  }
0x637: {  	v13 =	vadd.f32 v17, v13  }
0x638: {  	s0 =	simm.s32 $0x0;
	v16 =	vand.u32 $0x7FFFFFFF, v12;
	v12 =	vshll.u32 v20, $0x6  }
0x639: {  	v17 =	vadd.s32 s0, v12;
	v13 =	vadd.f32 v13, v16;
	v16 =	vmov s0  }
0x63a: {  	v19 =	vor.u32 s0, v15;
	v17 =	vand.u32 $0x58, v17;
	v16 =	vand.u32 $0x7, v16  }
0x63b: {  	v18 =	vor.u32 s0, v14;
	v16 =	vor.u32 v16, v17  }
0x63c: {  	v13 =	vsub.f32 $0.0e+00, v13;
	v20 =	vor.u32 v15, v16  }
0x63d: {  	v16 =	vor.u32 v14, v16  }
0x63e: {  	[tilespmem:$0xC9E0] =	vst v13  }
0x63f: {  	s0 =	simm.s32 $0x1;
	v25 =	vld.idx.msk [tilespmem:v19+s14+$0x0], $0xffff  }
0x640: {  	v21 =	vadd.s32 s0, v12;
	v13 =	vmov s0;
	v27 =	vld.idx.msk [tilespmem:v18+s14+$0x0], $0xffff  }
0x641: {  	v17 =	vor.u32 s0, v15;
	v21 =	vand.u32 $0x58, v21;
	v22 =	vand.u32 $0x7, v13;
	v31 =	vld.idx.msk [tilespmem:v20+s17+$0x0], $0xffff  }
0x642: {  	v13 =	vor.u32 s0, v14;
	v26 =	vld.idx.msk [tilespmem:v16+s17+$0x0], $0xffff;
	v16 =	vor.u32 v22, v21  }
0x643: {  	v22 =	vor.u32 v15, v16  }
0x644: {  	s31 =	simm.s32 $0x2;
	v18 =	vld.idx.msk [tilespmem:v18+s15+$0x0], $0xffff;
	v29 =	vor.u32 v14, v16  }
0x645: {  	v24 =	vmov s31;
	v23 =	vld.idx.msk [tilespmem:v19+s15+$0x0], $0xffff  }
0x646: {  	v30 =	vand.u32 $0x7, v24;
	v21 =	vld.idx.msk [tilespmem:v17+s14+$0x0], $0xffff  }
0x647: {  	v28 =	vadd.s32 s31, v12;
	v20 =	vld.idx.msk [tilespmem:v13+s14+$0x0], $0xffff;
	v63 =	vmul.f32 v31, v25;
	v33 =	vmul.f32 v26, v27  }
0x648: {  	v28 =	vand.u32 $0x58, v28;
	v16 =	vor.u32 s31, v15;
	v26 =	vmul.f32 v26, v25;
	v24 =	vld.idx.msk [tilespmem:v22+s17+$0x0], $0xffff  }
0x649: {  	v19 =	vimm.f32 $0.0e+00;
	s0 =	simm.s32 $0x3;
	v27 =	vmul.f32 v31, v27;
	v25 =	vmovc v16;
	v22 =	vld.idx.msk [tilespmem:v29+s17+$0x0], $0xffff;
	v29 =	vsub.f32 v63, v33  }
.LBB2_64:
0x64a: {  	p0 =	sne.s32 s0, $0x1F;
	v31 =	vor.u32 s31, v14;
	v28 =	vor.u32 v30, v28;
	v30 =	vmov v18;
	s31 =	smov.u32 s0  }
0x64b: {  	v32 =	vor.u32 v15, v28;
	v29 =	vsub.f32 v29, v23;
	v26 =	vadd.f32 v26, v27  }
0x64c: {  	v27 =	vor.u32 v14, v28;
	v33 =	vmov v21;
	v18 =	vld.idx.msk [tilespmem:v13+s15+$0x0], $0xffff;
	v13 =	vmov v31  }
.Ltmp31:
0x64d: {  	v34 =	vmovc v20;
	v23 =	vld.idx.msk [tilespmem:v17+s15+$0x0], $0xffff;
	v28 =	vand.u32 $0x7FFFFFFF, v29;
	v26 =	vsub.f32 v26, v30;
	v17 =	vmovc v16;
	v16 =	vor.u32 s0, v15;
	(pc) =	sbr.rel @p0 .LBB2_64-.Ltmp31, $4  }
0x64e: {  	v29 =	vmov s0;
	v30 =	vadd.s32 s0, v12;
	v35 =	vmovc v24;
	v21 =	vld.idx.msk [tilespmem:v25+s14+$0x0], $0xffff;
	v19 =	vadd.f32 v28, v19;
	v25 =	vmovc v16  }
0x64f: {  	v36 =	vmul.f32 v22, v34;
	v20 =	vld.idx.msk [tilespmem:v31+s14+$0x0], $0xffff;
	v31 =	vmul.f32 v35, v33;
	v26 =	vand.u32 $0x7FFFFFFF, v26  }
0x650: {  	v28 =	vand.u32 $0x58, v30;
	v30 =	vand.u32 $0x7, v29;
	v24 =	vld.idx.msk [tilespmem:v32+s17+$0x0], $0xffff;
	v19 =	vadd.f32 v19, v26  }
0x651: {  	s0 =	sadd.s32 $0x1, s0;
	v26 =	vmul.f32 v22, v33;
	v29 =	vsub.f32 v31, v36;
	v22 =	vld.idx.msk [tilespmem:v27+s17+$0x0], $0xffff;
	v27 =	vmul.f32 v35, v34  }
0x652: {  	_ = 	snop  }
0x653: {  	v12 =	vor.u32 s31, v14;
	v28 =	vor.u32 v30, v28  }
0x654: {  	v15 =	vor.u32 v15, v28  }
0x655: {  	v53 =	vor.u32 v14, v28  }
0x656: {  	v17 =	vld.idx.msk [tilespmem:v17+s15+$0x0], $0xffff  }
0x657: {  	v25 =	vld.idx.msk [tilespmem:v25+s14+$0x0], $0xffff  }
0x658: {  	v54 =	vld.idx.msk [tilespmem:v12+s14+$0x0], $0xffff  }
0x659: {  	v23 =	vsub.f32 v29, v23;
	v15 =	vld.idx.msk [tilespmem:v15+s17+$0x0], $0xffff  }
0x65a: {  	v55 =	vmul.f32 v24, v21;
	v56 =	vmul.f32 v22, v20;
	v14 =	vld.idx.msk [tilespmem:v53+s17+$0x0], $0xffff  }
0x65b: {  	v13 =	vld.idx.msk [tilespmem:v13+s15+$0x0], $0xffff;
	v26 =	vadd.f32 v26, v27;
	v23 =	vand.u32 $0x7FFFFFFF, v23  }
0x65c: {  	v59 =	vmul.f32 v24, v20;
	v58 =	vmul.f32 v22, v21;
	v57 =	vsub.f32 v55, v56  }
0x65d: {  	v18 =	vsub.f32 v26, v18;
	v19 =	vadd.f32 v23, v19  }
0x65e: {  	v16 =	vld.idx.msk [tilespmem:v16+s15+$0x0], $0xffff;
	v20 =	vadd.f32 v58, v59;
	v17 =	vsub.f32 v57, v17  }
0x65f: {  	v18 =	vand.u32 $0x7FFFFFFF, v18;
	v60 =	vmul.f32 v15, v25;
	v61 =	vmul.f32 v14, v54  }
0x660: {  	v12 =	vld.idx.msk [tilespmem:v12+s15+$0x0], $0xffff;
	v18 =	vadd.f32 v19, v18;
	v13 =	vsub.f32 v20, v13;
	v17 =	vand.u32 $0x7FFFFFFF, v17  }
0x661: {  	v14 =	vmul.f32 v14, v25;
	v15 =	vmul.f32 v15, v54;
	v62 =	vsub.f32 v60, v61  }
0x662: {  	v17 =	vadd.f32 v17, v18  }
0x663: {  	v13 =	vand.u32 $0x7FFFFFFF, v13;
	v14 =	vadd.f32 v14, v15;
	v16 =	vsub.f32 v62, v16  }
0x664: {  	v13 =	vadd.f32 v17, v13  }
0x665: {  	v12 =	vsub.f32 v14, v12;
	v63 =	vand.u32 $0x7FFFFFFF, v16  }
0x666: {  	v13 =	vadd.f32 v63, v13  }
0x667: {  	v12 =	vand.u32 $0x7FFFFFFF, v12  }
0x668: {  	v12 =	vadd.f32 v13, v12;
	_ =	sdelay $0x1  }
0x669: {  	s30 =	sadd.s32 $0x1, s30;
	v12 =	vsub.f32 $0.0e+00, v12  }
0x66a: {  	p0 =	sne.s32 s30, s9  }
.Ltmp32:
0x66b: {  	[tilespmem:$0xC9F0] =	vst v12;
	(pc) =	sbr.rel @p0 .LBB2_1-.Ltmp32, $4  }
0x66c: {  	[hbm4b:s8+s2] =	stream.linear.scatter [tilespmem:s29], [sflag:$0x3], $0x200, $0x38;
	[tilespmem:$0xCA00] =	vst v63  }
0x66d: {  	_ =	swait.ge [sflag:s10], $0x200  }
0x66e: {  	[sflag:s10] =	ssyncset.done $0x0  }
0x66f: {  	[sflag:s10] =	ssyncadd.s32 $0xFFFFFE00  }
0x670: {  	_ =	sfence.sel $0x180000  }
0x671: {  	[bflag:$0x0] =	sbarrier.arrive $0xFFFF  }
0x672: {  	_ =	strace $0x90000047  }
0x673: {  	[bflag:$0x2] =	sbarrier.arrive $0xFFFF  }
0x674: {  	p0 =	sne.s32 s1, $0x0;
	s0 =	rddreg [dreg:$0x5]  }
0x675: {  	s0 =	sadd.s32 @!p0 $0x100000, s0  }
0x676: {  	[sflag:s0] =	ssyncadd.tile.s32 @!p0 $0x1;
	_ =	shalt  }
.Lfunc_end2:
_tile_overlayer_lowered:
.L_overlay_start_2:
0x677: {  	(tag) =	ssettag $0x2  }
0x678: {  	s0 =	rddreg [dreg:$0x0];
	s2 =	stileid.u32  }
0x679: {  	s1 =	rddreg [dreg:$0x1];
	p0 =	sne.s32 s2, $0x0  }
0x67a: {  	s3 =	rddreg [dreg:$0x2];
	[bflag:$0x3] =	sbarrier.arrive $0xFFFF;
	s2 =	simm.s32 @!p0 $0x1C03  }
0x67b: {  	[timem:s3], [sflag:s2] =	dma.local @!p0 [hbm:s0], s1  }
0x67c: {  	s0 =	simm.s32 @!p0 $0x3  }
0x67d: {  	_ =	swait.ge @!p0 [sflag:s0], s1  }
0x67e: {  	s1 =	ssub.s32 @!p0 $0x0, s1;
	[sflag:s0] =	ssyncset.done @!p0 $0x0  }
0x67f: {  	[sflag:s0] =	ssyncadd.s32 @!p0 s1  }
0x680: {  	[bflag:$0x3] =	sbarrier.arrive $0xFFFF  }
0x681: {  	_ =	shalt  }

</sc_bundles>
